<compile_context>
chip_gen: v7x
topology: tpu7x:2x2x1
jax: 0.10.2.dev20260603
libtpu: 0.0.44.dev20260713+nightly
codegen_flags: <defaults>
</compile_context>

<pallas_src>
import jax
import jax.numpy as jnp
from jax import lax
from jax.experimental import pallas as pl
from jax.experimental.pallas import tpu as pltpu
from jax.experimental.pallas import tpu_sc as plsc

N_SENS = 10000
N_HID = 100000
N_MOT = 1000
THR = 1.0

NC = 2
NT = 16
LANES = 16
ROW = 128

NSLOT = 4
CH = 2048
CHR = CH // ROW
NC1 = 15
T1M = NC1 * CH
NW = NC * NT
E1M = NW * T1M
TL1 = 528
TL1X = 64

T2M = 6144
E2M = NT * T2M
TL2 = 1696
T2 = T2M + TL2

HSL = 6272
HID_P = NT * HSL
MOT_P = 1024

UNROLL = 8


def _snn_body(x_hbm, w1v_hbm, w1p_hbm, w1post_hbm,
              w2v_hbm, w2p_hbm, w2post_hbm,
              out_hbm, ph_hbm,
              s1_tab, h_buf, hp_buf, vals_buf, pre_buf, post_buf,
              contrib_buf, v2_buf, p2_buf, post2_buf, sv_buf, c2_buf,
              m_buf, drain_buf,
              in_sem, st_sem, x_sem, l2_sem, gsem,
              spmem_h, spmem_m):
    cidx = lax.axis_index("c")
    s = lax.axis_index("s")
    zero = jnp.zeros((LANES,), jnp.float32)
    one = jnp.ones((LANES,), jnp.float32)

    is_a = cidx == 0
    w = cidx * NT + s
    base_e = w * T1M

    def start_loads(vh, ph, posth, src_e, buf_e, n):
        pltpu.async_copy(vh.at[pl.ds(src_e, n)],
                         vals_buf.at[pl.ds(buf_e, n)], in_sem)
        pltpu.async_copy(ph.at[pl.ds(src_e, n)],
                         pre_buf.at[pl.ds(buf_e, n)], in_sem)
        pltpu.async_copy(posth.at[pl.ds(src_e, n)],
                         post_buf.at[pl.ds(buf_e, n)], in_sem)

    def wait_loads(vh, ph, posth, buf_e, n):
        pltpu.make_async_copy(vh.at[pl.ds(0, n)],
                              vals_buf.at[pl.ds(buf_e, n)], in_sem).wait()
        pltpu.make_async_copy(ph.at[pl.ds(0, n)],
                              pre_buf.at[pl.ds(buf_e, n)], in_sem).wait()
        pltpu.make_async_copy(posth.at[pl.ds(0, n)],
                              post_buf.at[pl.ds(buf_e, n)], in_sem).wait()

    start_loads(w1v_hbm, w1p_hbm, w1post_hbm, base_e, 0, CH)
    start_loads(w1v_hbm, w1p_hbm, w1post_hbm, base_e + CH, CH, CH)
    start_loads(w1v_hbm, w1p_hbm, w1post_hbm, base_e + 2 * CH, 2 * CH, CH)
    pltpu.async_copy(x_hbm, s1_tab, x_sem)
    TOFF = NSLOT * CH
    pltpu.async_copy(w1v_hbm.at[pl.ds(E1M + w * TL1, TL1)],
                     vals_buf.at[pl.ds(TOFF, TL1)], x_sem)
    pltpu.async_copy(w1p_hbm.at[pl.ds(E1M + w * TL1, TL1)],
                     pre_buf.at[pl.ds(TOFF, TL1)], x_sem)
    pltpu.async_copy(w1post_hbm.at[pl.ds(E1M + w * TL1, TL1)],
                     post_buf.at[pl.ds(TOFF, TL1)], x_sem)

    @pl.when(w == NW - 1)
    def _():
        xb = E1M + NW * TL1
        pltpu.async_copy(w1v_hbm.at[pl.ds(xb, TL1X)],
                         vals_buf.at[pl.ds(TOFF + TL1, TL1X)], x_sem)
        pltpu.async_copy(w1p_hbm.at[pl.ds(xb, TL1X)],
                         pre_buf.at[pl.ds(TOFF + TL1, TL1X)], x_sem)
        pltpu.async_copy(w1post_hbm.at[pl.ds(xb, TL1X)],
                         post_buf.at[pl.ds(TOFF + TL1, TL1X)], x_sem)

    pltpu.async_copy(w2v_hbm.at[pl.ds(s * T2M, T2M)],
                     v2_buf.at[pl.ds(0, T2M)], l2_sem)
    pltpu.async_copy(w2p_hbm.at[pl.ds(s * T2M, T2M)],
                     p2_buf.at[pl.ds(0, T2M)], l2_sem)
    pltpu.async_copy(w2post_hbm.at[pl.ds(s * T2M, T2M)],
                     post2_buf.at[pl.ds(0, T2M)], l2_sem)

    @pl.when(s == 0)
    def _():
        pltpu.async_copy(w2v_hbm.at[pl.ds(E2M, TL2)],
                         v2_buf.at[pl.ds(T2M, TL2)], l2_sem)
        pltpu.async_copy(w2p_hbm.at[pl.ds(E2M, TL2)],
                         p2_buf.at[pl.ds(T2M, TL2)], l2_sem)
        pltpu.async_copy(w2post_hbm.at[pl.ds(E2M, TL2)],
                         post2_buf.at[pl.ds(T2M, TL2)], l2_sem)

    def z1(k, c):
        h_buf[pl.ds(k * LANES, LANES)] = zero
        return c
    lax.fori_loop(0, HSL // LANES, z1, 0, unroll=UNROLL)
    pltpu.sync_copy(h_buf, spmem_h.at[pl.ds(s * HSL, HSL)])

    @pl.when(s == 0)
    def _():
        pltpu.sync_copy(h_buf.at[pl.ds(0, MOT_P)], spmem_m)

    pltpu.make_async_copy(x_hbm, s1_tab, x_sem).wait()

    def s1b(k, c):
        v = s1_tab[pl.ds(k * LANES, LANES)]
        s1_tab[pl.ds(k * LANES, LANES)] = jnp.where(v > THR, one, zero)
        return c
    lax.fori_loop(0, N_SENS // LANES, s1b, 0, unroll=UNROLL)

    plsc.subcore_barrier()

    def compute_contribs(buf_e, n):
        def inner(k, cc):
            idx = pre_buf[pl.ds(buf_e + k * LANES, LANES)]
            v = vals_buf[pl.ds(buf_e + k * LANES, LANES)]
            sv = plsc.load_gather(s1_tab, [idx])
            contrib_buf[pl.ds(buf_e + k * LANES, LANES)] = v * sv
            return cc
        lax.fori_loop(0, n // LANES, inner, 0, unroll=UNROLL)

    def fire_edges(buf_e, n, dst):
        for j in range(n // ROW):
            pltpu.async_copy(
                contrib_buf.at[pl.ds(buf_e + j * ROW, ROW)],
                dst.at[post_buf.at[pl.ds(buf_e + j * ROW, ROW)]], st_sem,
                add=True)
        r = n % ROW
        if r:
            o = buf_e + (n // ROW) * ROW
            pltpu.async_copy(
                contrib_buf.at[pl.ds(o, r)],
                dst.at[post_buf.at[pl.ds(o, r)]], st_sem, add=True)

    def drain_bytes(n):
        pltpu.make_async_copy(x_hbm.at[pl.ds(0, n)],
                              drain_buf.at[pl.ds(0, n)], st_sem).wait()

    def drain_edges(n):
        def d(j, c):
            drain_bytes(ROW)
            return c
        lax.fori_loop(0, n // ROW, d, 0)
        if n % ROW:
            drain_bytes(n % ROW)

    def chunk_body(c, carry):
        boff = (c % NSLOT) * CH

        @pl.when(c >= NSLOT)
        def _():
            drain_edges(CH)

        wait_loads(w1v_hbm, w1p_hbm, w1post_hbm, boff, CH)

        @pl.when(c + 3 < NC1)
        def _():
            start_loads(w1v_hbm, w1p_hbm, w1post_hbm,
                        base_e + (c + 3) * CH, ((c + 3) % NSLOT) * CH, CH)

        compute_contribs(boff, CH)
        fire_edges(boff, CH, spmem_h)
        return carry
    lax.fori_loop(0, NC1, chunk_body, 0)
    drain_edges(NSLOT * CH)

    pltpu.make_async_copy(w1v_hbm.at[pl.ds(0, TL1)],
                          vals_buf.at[pl.ds(TOFF, TL1)], x_sem).wait()
    pltpu.make_async_copy(w1p_hbm.at[pl.ds(0, TL1)],
                          pre_buf.at[pl.ds(TOFF, TL1)], x_sem).wait()
    pltpu.make_async_copy(w1post_hbm.at[pl.ds(0, TL1)],
                          post_buf.at[pl.ds(TOFF, TL1)], x_sem).wait()
    compute_contribs(TOFF, TL1)
    fire_edges(TOFF, TL1, spmem_h)
    drain_edges(TL1)

    @pl.when(w == NW - 1)
    def _():
        pltpu.make_async_copy(w1v_hbm.at[pl.ds(0, TL1X)],
                              vals_buf.at[pl.ds(TOFF + TL1, TL1X)],
                              x_sem).wait()
        pltpu.make_async_copy(w1p_hbm.at[pl.ds(0, TL1X)],
                              pre_buf.at[pl.ds(TOFF + TL1, TL1X)],
                              x_sem).wait()
        pltpu.make_async_copy(w1post_hbm.at[pl.ds(0, TL1X)],
                              post_buf.at[pl.ds(TOFF + TL1, TL1X)],
                              x_sem).wait()
        compute_contribs(TOFF + TL1, TL1X)
        fire_edges(TOFF + TL1, TL1X, spmem_h)
        drain_edges(TL1X)

    plsc.subcore_barrier()

    pltpu.sync_copy(spmem_h.at[pl.ds(s * HSL, HSL)], h_buf)
    pltpu.sync_copy(h_buf, ph_hbm.at[pl.ds(cidx * HID_P + s * HSL, HSL)])
    plsc.subcore_barrier()

    @pl.when(s == 0)
    def _():
        pl.semaphore_signal(gsem, 1, core_index=1 - cidx)
        pl.semaphore_wait(gsem, 1)
    plsc.subcore_barrier()

    if True:

        pltpu.sync_copy(ph_hbm.at[pl.ds((1 - cidx) * HID_P + s * HSL, HSL)],
                        hp_buf)

        def s2b(k, c):
            v = (h_buf[pl.ds(k * LANES, LANES)]
                 + hp_buf[pl.ds(k * LANES, LANES)])
            h_buf[pl.ds(k * LANES, LANES)] = jnp.where(v > THR, one, zero)
            return c
        lax.fori_loop(0, HSL // LANES, s2b, 0, unroll=UNROLL)
        pltpu.sync_copy(h_buf, spmem_h.at[pl.ds(s * HSL, HSL)])

        plsc.subcore_barrier()

        pltpu.make_async_copy(w2v_hbm.at[pl.ds(0, T2M)],
                              v2_buf.at[pl.ds(0, T2M)], l2_sem).wait()
        pltpu.make_async_copy(w2p_hbm.at[pl.ds(0, T2M)],
                              p2_buf.at[pl.ds(0, T2M)], l2_sem).wait()
        pltpu.make_async_copy(w2post_hbm.at[pl.ds(0, T2M)],
                              post2_buf.at[pl.ds(0, T2M)], l2_sem).wait()

        @pl.when(s == 0)
        def _():
            pltpu.make_async_copy(w2v_hbm.at[pl.ds(0, TL2)],
                                  v2_buf.at[pl.ds(T2M, TL2)], l2_sem).wait()
            pltpu.make_async_copy(w2p_hbm.at[pl.ds(0, TL2)],
                                  p2_buf.at[pl.ds(T2M, TL2)], l2_sem).wait()
            pltpu.make_async_copy(
                w2post_hbm.at[pl.ds(0, TL2)],
                post2_buf.at[pl.ds(T2M, TL2)], l2_sem).wait()

        BLKR = 8
        NBLK = T2M // (BLKR * ROW)

        def fire_g_block(b):
            def g1(r, c):
                pltpu.async_copy(spmem_h.at[p2_buf.at[pl.ds(r * ROW, ROW)]],
                                 sv_buf.at[pl.ds(r * ROW, ROW)], x_sem)
                return c
            lax.fori_loop(b * BLKR, (b + 1) * BLKR, g1, 0)

        def drain_rows(sem, n):
            def d(j, c):
                pltpu.make_async_copy(x_hbm.at[pl.ds(0, ROW)],
                                      drain_buf.at[pl.ds(0, ROW)], sem).wait()
                return c
            lax.fori_loop(0, n, d, 0)

        fire_g_block(0)
        fire_g_block(1)

        def l2b(k, c):
            v = v2_buf[pl.ds(k * LANES, LANES)]
            sv = sv_buf[pl.ds(k * LANES, LANES)]
            c2_buf[pl.ds(k * LANES, LANES)] = v * sv
            return c

        def blk_body(b, carry):
            drain_rows(x_sem, BLKR)

            @pl.when(b + 2 < NBLK)
            def _():
                fire_g_block(b + 2)

            g0 = b * (BLKR * ROW // LANES)
            lax.fori_loop(0, BLKR * ROW // LANES,
                          lambda k, c: l2b(g0 + k, c), 0, unroll=UNROLL)

            @pl.when(b >= 2)
            def _():
                drain_rows(st_sem, BLKR)

            def s1f(r, c):
                pltpu.async_copy(
                    c2_buf.at[pl.ds(r * ROW, ROW)],
                    spmem_m.at[post2_buf.at[pl.ds(r * ROW, ROW)]],
                    st_sem, add=True)
                return c
            lax.fori_loop(b * BLKR, (b + 1) * BLKR, s1f, 0)
            return carry
        lax.fori_loop(0, NBLK, blk_body, 0)
        drain_rows(st_sem, 2 * BLKR)

        @pl.when(s == 0)
        def _():
            def g1(r, c):
                pltpu.async_copy(spmem_h.at[p2_buf.at[pl.ds(r * ROW, ROW)]],
                                 sv_buf.at[pl.ds(r * ROW, ROW)], x_sem)
                return c
            lax.fori_loop(T2M // ROW, T2 // ROW, g1, 0)
            r = TL2 % ROW
            o = T2M + (TL2 // ROW) * ROW
            pltpu.async_copy(spmem_h.at[p2_buf.at[pl.ds(o, r)]],
                             sv_buf.at[pl.ds(o, r)], x_sem)
            drain_rows(x_sem, TL2 // ROW)
            pltpu.make_async_copy(x_hbm.at[pl.ds(0, r)],
                                  drain_buf.at[pl.ds(0, r)], x_sem).wait()

            lax.fori_loop(T2M // LANES, T2 // LANES, l2b, 0, unroll=UNROLL)

            def s1f(r, c):
                pltpu.async_copy(
                    c2_buf.at[pl.ds(r * ROW, ROW)],
                    spmem_m.at[post2_buf.at[pl.ds(r * ROW, ROW)]],
                    st_sem, add=True)
                return c
            lax.fori_loop(T2M // ROW, T2 // ROW, s1f, 0)
            pltpu.async_copy(c2_buf.at[pl.ds(o, r)],
                             spmem_m.at[post2_buf.at[pl.ds(o, r)]],
                             st_sem, add=True)
            drain_rows(st_sem, TL2 // ROW)
            pltpu.make_async_copy(x_hbm.at[pl.ds(0, r)],
                                  drain_buf.at[pl.ds(0, r)], st_sem).wait()

        plsc.subcore_barrier()

        @pl.when(is_a & (s == 0))
        def _():
            pltpu.sync_copy(spmem_m, m_buf)

            def mb(k, c):
                v = m_buf[pl.ds(k * LANES, LANES)]
                m_buf[pl.ds(k * LANES, LANES)] = jnp.where(v > THR, one, zero)
                return c
            lax.fori_loop(0, MOT_P // LANES, mb, 0, unroll=UNROLL)
            pltpu.sync_copy(m_buf.at[pl.ds(0, N_MOT)], out_hbm)


def kernel(input_current, w1_vals, w2_vals, w1_pre, w1_post, w2_pre, w2_post):
    mesh = plsc.VectorSubcoreMesh(
        core_axis_name="c", subcore_axis_name="s", num_cores=NC)
    f = pl.kernel(
        _snn_body,
        out_type=(jax.ShapeDtypeStruct((N_MOT,), jnp.float32),
                  jax.ShapeDtypeStruct((NC * HID_P,), jnp.float32)),
        mesh=mesh,
        compiler_params=pltpu.CompilerParams(needs_layout_passes=False),
        scratch_types=[
            pltpu.VMEM((N_SENS,), jnp.float32),
            pltpu.VMEM((HSL,), jnp.float32),
            pltpu.VMEM((HSL,), jnp.float32),
            pltpu.VMEM((NSLOT * CH + 592,), jnp.float32),
            pltpu.VMEM((NSLOT * CH + 592,), jnp.int32),
            pltpu.VMEM((NSLOT * CH + 592,), jnp.int32),
            pltpu.VMEM((NSLOT * CH + 592,), jnp.float32),
            pltpu.VMEM((T2,), jnp.float32),
            pltpu.VMEM((T2,), jnp.int32),
            pltpu.VMEM((T2,), jnp.int32),
            pltpu.VMEM((T2,), jnp.float32),
            pltpu.VMEM((T2,), jnp.float32),
            pltpu.VMEM((MOT_P,), jnp.float32),
            pltpu.VMEM((ROW,), jnp.float32),
            pltpu.SemaphoreType.DMA,
            pltpu.SemaphoreType.DMA,
            pltpu.SemaphoreType.DMA,
            pltpu.SemaphoreType.DMA,
            pltpu.SemaphoreType.REGULAR,
            pltpu.VMEM_SHARED((HID_P,), jnp.float32),
            pltpu.VMEM_SHARED((MOT_P,), jnp.float32),
        ],
    )
    out, _ = f(input_current, w1_vals, w1_pre, w1_post,
               w2_vals, w2_pre, w2_post)
    return out

# --- scband reference (transcript-rebuilt; emitter-appended) ---
"""Pipeline reference for scband-scalable-snn-71751723647586 (READ-ONLY COPY).

The authoritative reference and input builder live on the scoring server;
editing this copy changes nothing except your own understanding.
"""

import jax, jax.numpy as jnp
import numpy as np

N_SENSORY = 10000
N_HIDDEN = 100000
N_MOTOR = 1000
SPARSITY = 0.001
BETA = 0.9
THRESHOLD = 1.0
EXC_RATIO = 0.8


def _spike(x):
    # heaviside spike (snnTorch Leaky forward with fast_sigmoid surrogate)
    return (x > 0).astype(x.dtype)


def _lif_step(mem, cur):
    # snn.Leaky: mem = beta*mem + input; spk = H(mem - thr); reset_mechanism='zero'
    mem = BETA * mem + cur
    spk = _spike(mem - THRESHOLD)
    mem = mem * (1.0 - spk)
    return spk, mem


def _make_synapse(key, n_pre, n_post):
    k1, k2, k3, k4 = jax.random.split(key, 4)
    n_conn = int(n_pre * n_post * SPARSITY)
    pre = jax.random.randint(k1, (n_conn,), 0, n_pre).astype(jnp.int32)
    post = jax.random.randint(k2, (n_conn,), 0, n_post).astype(jnp.int32)
    is_exc = jax.random.uniform(k3, (n_pre,)) < EXC_RATIO
    fan_in = n_pre * SPARSITY
    std = 1.0 / np.sqrt(fan_in)
    w = jax.random.normal(k4, (n_conn,), dtype=jnp.float32) * std
    signs = jnp.where(is_exc[pre], 1.0, -0.5)
    w = jnp.abs(w) * signs
    return pre, post, w


def setup_inputs(seed: int = 0) -> dict:
    key = jax.random.key(seed)
    k0, k1, k2 = jax.random.split(key, 3)
    input_current = jax.random.normal(k0, (N_SENSORY,), dtype=jnp.float32) * 1.5
    w1_pre, w1_post, w1_vals = _make_synapse(k1, N_SENSORY, N_HIDDEN)
    w2_pre, w2_post, w2_vals = _make_synapse(k2, N_HIDDEN, N_MOTOR)
    return {
        "input_current": input_current,
        "w1_vals": w1_vals,
        "w2_vals": w2_vals,
        "w1_pre": w1_pre,
        "w1_post": w1_post,
        "w2_pre": w2_pre,
        "w2_post": w2_post,
    }


def reference(input_current, w1_vals, w2_vals, w1_pre, w1_post, w2_pre, w2_post):
    # Sensory LIF layer (state starts at zero each call)
    s1, _ = _lif_step(jnp.zeros(N_SENSORY, jnp.float32), input_current)
    # Sparse sensory->hidden propagation: gather pre-spikes, weight, scatter-add by post index
    # (equivalent to torch.sparse.mm(W^T, spikes))
    cur_h = jax.ops.segment_sum(w1_vals * jnp.take(s1, w1_pre), w1_post, num_segments=N_HIDDEN)
    s2, _ = _lif_step(jnp.zeros(N_HIDDEN, jnp.float32), cur_h)
    # Sparse hidden->motor propagation
    cur_m = jax.ops.segment_sum(w2_vals * jnp.take(s2, w2_pre), w2_post, num_segments=N_MOTOR)
    s3, _ = _lif_step(jnp.zeros(N_MOTOR, jnp.float32), cur_m)
    return s3

if __name__ == "__main__":
    import jax
    _d = setup_inputs()
    print(jax.jit(kernel)(*tuple(_d.values())))

</pallas_src>

<mosaic_0001>
#map = affine_map<(d0, d1) -> (0)>
module attributes {stable_mosaic.version = 14 : i64} {
  func.func @_snn_body(%arg0: i32, %arg1: i32, %arg2: memref<10000xf32, #tpu.memory_space<hbm>>, %arg3: memref<1000000xf32, #tpu.memory_space<hbm>>, %arg4: memref<1000000xi32, #tpu.memory_space<hbm>>, %arg5: memref<1000000xi32, #tpu.memory_space<hbm>>, %arg6: memref<100000xf32, #tpu.memory_space<hbm>>, %arg7: memref<100000xi32, #tpu.memory_space<hbm>>, %arg8: memref<100000xi32, #tpu.memory_space<hbm>>, %arg9: memref<1000xf32, #tpu.memory_space<hbm>>, %arg10: memref<200704xf32, #tpu.memory_space<hbm>>, %arg11: memref<10000xf32, #tpu.memory_space<vmem>>, %arg12: memref<6272xf32, #tpu.memory_space<vmem>>, %arg13: memref<6272xf32, #tpu.memory_space<vmem>>, %arg14: memref<8784xf32, #tpu.memory_space<vmem>>, %arg15: memref<8784xi32, #tpu.memory_space<vmem>>, %arg16: memref<8784xi32, #tpu.memory_space<vmem>>, %arg17: memref<8784xf32, #tpu.memory_space<vmem>>, %arg18: memref<7840xf32, #tpu.memory_space<vmem>>, %arg19: memref<7840xi32, #tpu.memory_space<vmem>>, %arg20: memref<7840xi32, #tpu.memory_space<vmem>>, %arg21: memref<7840xf32, #tpu.memory_space<vmem>>, %arg22: memref<7840xf32, #tpu.memory_space<vmem>>, %arg23: memref<1024xf32, #tpu.memory_space<vmem>>, %arg24: memref<128xf32, #tpu.memory_space<vmem>>, %arg25: memref<!tpu.dma_semaphore, #tpu.memory_space<semaphore_mem>>, %arg26: memref<!tpu.dma_semaphore, #tpu.memory_space<semaphore_mem>>, %arg27: memref<!tpu.dma_semaphore, #tpu.memory_space<semaphore_mem>>, %arg28: memref<!tpu.dma_semaphore, #tpu.memory_space<semaphore_mem>>, %arg29: memref<!tpu.semaphore, #tpu.memory_space<semaphore_mem>>, %arg30: memref<100352xf32, #tpu.memory_space<vmem_shared>>, %arg31: memref<1024xf32, #tpu.memory_space<vmem_shared>>) attributes {dimension_semantics = [#tpu.dimension_semantics<core_parallel>, #tpu.dimension_semantics<subcore_parallel>], iteration_bounds = array<i64: 2, 16>, scalar_prefetch = 0 : i64, scratch_operands = 21 : i64, tpu.core_type = #tpu.core_type<sc_vector_subcore>, window_params = [{transform_indices = #map}, {transform_indices = #map}, {transform_indices = #map}, {transform_indices = #map}, {transform_indices = #map}, {transform_indices = #map}, {transform_indices = #map}, {transform_indices = #map}, {transform_indices = #map}]} {
    %broadcast_in_dim3A = arith.constant 0.000000e+00 : f32
    %broadcast_in_dim3A_0 = vector.broadcast %broadcast_in_dim3A : f32 to vector<16xf32>
    %broadcast_in_dim3A_1 = arith.constant 1.000000e+00 : f32
    %broadcast_in_dim3A_2 = vector.broadcast %broadcast_in_dim3A_1 : f32 to vector<16xf32>
    %eq3A = arith.constant 0 : i32
    %eq3A_3 = arith.cmpi eq, %arg0, %eq3A : i32
    %mul3A = arith.constant 16 : i32
    %mul3A_4 = arith.muli %arg0, %mul3A : i32
    %add3A = arith.addi %mul3A_4, %arg1 : i32
    %mul3A_5 = arith.constant 30720 : i32
    %mul3A_6 = arith.muli %add3A, %mul3A_5 : i32
    %dma_start3A = arith.constant 0 : i32
    %dma_start3A_7 = tpu.memref_slice %arg14[%dma_start3A] : memref<8784xf32, #tpu.memory_space<vmem>> -> memref<2048xf32, #tpu.memory_space<vmem>>
    %dma_start3A_8 = tpu.memref_slice %arg3[%mul3A_6] : memref<1000000xf32, #tpu.memory_space<hbm>> -> memref<2048xf32, #tpu.memory_space<hbm>>
    %dma_start3A_9 = arith.constant 0 : i32
    %dma_start3A_10 = tpu.memref_slice %arg14[%dma_start3A_9] : memref<8784xf32, #tpu.memory_space<vmem>> -> memref<2048xf32, #tpu.memory_space<vmem>>
    %dma_start3A_11 = tpu.memref_slice %arg3[%mul3A_6] : memref<1000000xf32, #tpu.memory_space<hbm>> -> memref<2048xf32, #tpu.memory_space<hbm>>
    tpu.enqueue_dma source(%dma_start3A_11 : memref<2048xf32, #tpu.memory_space<hbm>>) target(%dma_start3A_10 : memref<2048xf32, #tpu.memory_space<vmem>>) target_semaphore(%arg25 : memref<!tpu.dma_semaphore, #tpu.memory_space<semaphore_mem>>)
    %dma_start3A_12 = arith.constant 0 : i32
    %dma_start3A_13 = tpu.memref_slice %arg15[%dma_start3A_12] : memref<8784xi32, #tpu.memory_space<vmem>> -> memref<2048xi32, #tpu.memory_space<vmem>>
    %dma_start3A_14 = tpu.memref_slice %arg4[%mul3A_6] : memref<1000000xi32, #tpu.memory_space<hbm>> -> memref<2048xi32, #tpu.memory_space<hbm>>
    %dma_start3A_15 = arith.constant 0 : i32
    %dma_start3A_16 = tpu.memref_slice %arg15[%dma_start3A_15] : memref<8784xi32, #tpu.memory_space<vmem>> -> memref<2048xi32, #tpu.memory_space<vmem>>
    %dma_start3A_17 = tpu.memref_slice %arg4[%mul3A_6] : memref<1000000xi32, #tpu.memory_space<hbm>> -> memref<2048xi32, #tpu.memory_space<hbm>>
    tpu.enqueue_dma source(%dma_start3A_17 : memref<2048xi32, #tpu.memory_space<hbm>>) target(%dma_start3A_16 : memref<2048xi32, #tpu.memory_space<vmem>>) target_semaphore(%arg25 : memref<!tpu.dma_semaphore, #tpu.memory_space<semaphore_mem>>)
    %dma_start3A_18 = arith.constant 0 : i32
    %dma_start3A_19 = tpu.memref_slice %arg16[%dma_start3A_18] : memref<8784xi32, #tpu.memory_space<vmem>> -> memref<2048xi32, #tpu.memory_space<vmem>>
    %dma_start3A_20 = tpu.memref_slice %arg5[%mul3A_6] : memref<1000000xi32, #tpu.memory_space<hbm>> -> memref<2048xi32, #tpu.memory_space<hbm>>
    %dma_start3A_21 = arith.constant 0 : i32
    %dma_start3A_22 = tpu.memref_slice %arg16[%dma_start3A_21] : memref<8784xi32, #tpu.memory_space<vmem>> -> memref<2048xi32, #tpu.memory_space<vmem>>
    %dma_start3A_23 = tpu.memref_slice %arg5[%mul3A_6] : memref<1000000xi32, #tpu.memory_space<hbm>> -> memref<2048xi32, #tpu.memory_space<hbm>>
    tpu.enqueue_dma source(%dma_start3A_23 : memref<2048xi32, #tpu.memory_space<hbm>>) target(%dma_start3A_22 : memref<2048xi32, #tpu.memory_space<vmem>>) target_semaphore(%arg25 : memref<!tpu.dma_semaphore, #tpu.memory_space<semaphore_mem>>)
    %add3A_24 = arith.constant 2048 : i32
    %add3A_25 = arith.addi %mul3A_6, %add3A_24 : i32
    %dma_start3A_26 = arith.constant 2048 : i32
    %dma_start3A_27 = tpu.memref_slice %arg14[%dma_start3A_26] : memref<8784xf32, #tpu.memory_space<vmem>> -> memref<2048xf32, #tpu.memory_space<vmem>>
    %dma_start3A_28 = tpu.memref_slice %arg3[%add3A_25] : memref<1000000xf32, #tpu.memory_space<hbm>> -> memref<2048xf32, #tpu.memory_space<hbm>>
    %dma_start3A_29 = arith.constant 2048 : i32
    %dma_start3A_30 = tpu.memref_slice %arg14[%dma_start3A_29] : memref<8784xf32, #tpu.memory_space<vmem>> -> memref<2048xf32, #tpu.memory_space<vmem>>
    %dma_start3A_31 = tpu.memref_slice %arg3[%add3A_25] : memref<1000000xf32, #tpu.memory_space<hbm>> -> memref<2048xf32, #tpu.memory_space<hbm>>
    tpu.enqueue_dma source(%dma_start3A_31 : memref<2048xf32, #tpu.memory_space<hbm>>) target(%dma_start3A_30 : memref<2048xf32, #tpu.memory_space<vmem>>) target_semaphore(%arg25 : memref<!tpu.dma_semaphore, #tpu.memory_space<semaphore_mem>>)
    %dma_start3A_32 = arith.constant 2048 : i32
    %dma_start3A_33 = tpu.memref_slice %arg15[%dma_start3A_32] : memref<8784xi32, #tpu.memory_space<vmem>> -> memref<2048xi32, #tpu.memory_space<vmem>>
    %dma_start3A_34 = tpu.memref_slice %arg4[%add3A_25] : memref<1000000xi32, #tpu.memory_space<hbm>> -> memref<2048xi32, #tpu.memory_space<hbm>>
    %dma_start3A_35 = arith.constant 2048 : i32
    %dma_start3A_36 = tpu.memref_slice %arg15[%dma_start3A_35] : memref<8784xi32, #tpu.memory_space<vmem>> -> memref<2048xi32, #tpu.memory_space<vmem>>
    %dma_start3A_37 = tpu.memref_slice %arg4[%add3A_25] : memref<1000000xi32, #tpu.memory_space<hbm>> -> memref<2048xi32, #tpu.memory_space<hbm>>
    tpu.enqueue_dma source(%dma_start3A_37 : memref<2048xi32, #tpu.memory_space<hbm>>) target(%dma_start3A_36 : memref<2048xi32, #tpu.memory_space<vmem>>) target_semaphore(%arg25 : memref<!tpu.dma_semaphore, #tpu.memory_space<semaphore_mem>>)
    %dma_start3A_38 = arith.constant 2048 : i32
    %dma_start3A_39 = tpu.memref_slice %arg16[%dma_start3A_38] : memref<8784xi32, #tpu.memory_space<vmem>> -> memref<2048xi32, #tpu.memory_space<vmem>>
    %dma_start3A_40 = tpu.memref_slice %arg5[%add3A_25] : memref<1000000xi32, #tpu.memory_space<hbm>> -> memref<2048xi32, #tpu.memory_space<hbm>>
    %dma_start3A_41 = arith.constant 2048 : i32
    %dma_start3A_42 = tpu.memref_slice %arg16[%dma_start3A_41] : memref<8784xi32, #tpu.memory_space<vmem>> -> memref<2048xi32, #tpu.memory_space<vmem>>
    %dma_start3A_43 = tpu.memref_slice %arg5[%add3A_25] : memref<1000000xi32, #tpu.memory_space<hbm>> -> memref<2048xi32, #tpu.memory_space<hbm>>
    tpu.enqueue_dma source(%dma_start3A_43 : memref<2048xi32, #tpu.memory_space<hbm>>) target(%dma_start3A_42 : memref<2048xi32, #tpu.memory_space<vmem>>) target_semaphore(%arg25 : memref<!tpu.dma_semaphore, #tpu.memory_space<semaphore_mem>>)
    %add3A_44 = arith.constant 4096 : i32
    %add3A_45 = arith.addi %mul3A_6, %add3A_44 : i32
    %dma_start3A_46 = arith.constant 4096 : i32
    %dma_start3A_47 = tpu.memref_slice %arg14[%dma_start3A_46] : memref<8784xf32, #tpu.memory_space<vmem>> -> memref<2048xf32, #tpu.memory_space<vmem>>
    %dma_start3A_48 = tpu.memref_slice %arg3[%add3A_45] : memref<1000000xf32, #tpu.memory_space<hbm>> -> memref<2048xf32, #tpu.memory_space<hbm>>
    %dma_start3A_49 = arith.constant 4096 : i32
    %dma_start3A_50 = tpu.memref_slice %arg14[%dma_start3A_49] : memref<8784xf32, #tpu.memory_space<vmem>> -> memref<2048xf32, #tpu.memory_space<vmem>>
    %dma_start3A_51 = tpu.memref_slice %arg3[%add3A_45] : memref<1000000xf32, #tpu.memory_space<hbm>> -> memref<2048xf32, #tpu.memory_space<hbm>>
    tpu.enqueue_dma source(%dma_start3A_51 : memref<2048xf32, #tpu.memory_space<hbm>>) target(%dma_start3A_50 : memref<2048xf32, #tpu.memory_space<vmem>>) target_semaphore(%arg25 : memref<!tpu.dma_semaphore, #tpu.memory_space<semaphore_mem>>)
    %dma_start3A_52 = arith.constant 4096 : i32
    %dma_start3A_53 = tpu.memref_slice %arg15[%dma_start3A_52] : memref<8784xi32, #tpu.memory_space<vmem>> -> memref<2048xi32, #tpu.memory_space<vmem>>
    %dma_start3A_54 = tpu.memref_slice %arg4[%add3A_45] : memref<1000000xi32, #tpu.memory_space<hbm>> -> memref<2048xi32, #tpu.memory_space<hbm>>
    %dma_start3A_55 = arith.constant 4096 : i32
    %dma_start3A_56 = tpu.memref_slice %arg15[%dma_start3A_55] : memref<8784xi32, #tpu.memory_space<vmem>> -> memref<2048xi32, #tpu.memory_space<vmem>>
    %dma_start3A_57 = tpu.memref_slice %arg4[%add3A_45] : memref<1000000xi32, #tpu.memory_space<hbm>> -> memref<2048xi32, #tpu.memory_space<hbm>>
    tpu.enqueue_dma source(%dma_start3A_57 : memref<2048xi32, #tpu.memory_space<hbm>>) target(%dma_start3A_56 : memref<2048xi32, #tpu.memory_space<vmem>>) target_semaphore(%arg25 : memref<!tpu.dma_semaphore, #tpu.memory_space<semaphore_mem>>)
    %dma_start3A_58 = arith.constant 4096 : i32
    %dma_start3A_59 = tpu.memref_slice %arg16[%dma_start3A_58] : memref<8784xi32, #tpu.memory_space<vmem>> -> memref<2048xi32, #tpu.memory_space<vmem>>
    %dma_start3A_60 = tpu.memref_slice %arg5[%add3A_45] : memref<1000000xi32, #tpu.memory_space<hbm>> -> memref<2048xi32, #tpu.memory_space<hbm>>
    %dma_start3A_61 = arith.constant 4096 : i32
    %dma_start3A_62 = tpu.memref_slice %arg16[%dma_start3A_61] : memref<8784xi32, #tpu.memory_space<vmem>> -> memref<2048xi32, #tpu.memory_space<vmem>>
    %dma_start3A_63 = tpu.memref_slice %arg5[%add3A_45] : memref<1000000xi32, #tpu.memory_space<hbm>> -> memref<2048xi32, #tpu.memory_space<hbm>>
    tpu.enqueue_dma source(%dma_start3A_63 : memref<2048xi32, #tpu.memory_space<hbm>>) target(%dma_start3A_62 : memref<2048xi32, #tpu.memory_space<vmem>>) target_semaphore(%arg25 : memref<!tpu.dma_semaphore, #tpu.memory_space<semaphore_mem>>)
    tpu.enqueue_dma source(%arg2 : memref<10000xf32, #tpu.memory_space<hbm>>) target(%arg11 : memref<10000xf32, #tpu.memory_space<vmem>>) target_semaphore(%arg27 : memref<!tpu.dma_semaphore, #tpu.memory_space<semaphore_mem>>)
    %mul3A_64 = arith.constant 528 : i32
    %mul3A_65 = arith.muli %add3A, %mul3A_64 : i32
    %add3A_66 = arith.constant 983040 : i32
    %add3A_67 = arith.addi %add3A_66, %mul3A_65 : i32
    %dma_start3A_68 = arith.constant 8192 : i32
    %dma_start3A_69 = tpu.memref_slice %arg14[%dma_start3A_68] : memref<8784xf32, #tpu.memory_space<vmem>> -> memref<528xf32, #tpu.memory_space<vmem>>
    %dma_start3A_70 = tpu.memref_slice %arg3[%add3A_67] : memref<1000000xf32, #tpu.memory_space<hbm>> -> memref<528xf32, #tpu.memory_space<hbm>>
    %dma_start3A_71 = arith.constant 8192 : i32
    %dma_start3A_72 = tpu.memref_slice %arg14[%dma_start3A_71] : memref<8784xf32, #tpu.memory_space<vmem>> -> memref<528xf32, #tpu.memory_space<vmem>>
    %dma_start3A_73 = tpu.memref_slice %arg3[%add3A_67] : memref<1000000xf32, #tpu.memory_space<hbm>> -> memref<528xf32, #tpu.memory_space<hbm>>
    tpu.enqueue_dma source(%dma_start3A_73 : memref<528xf32, #tpu.memory_space<hbm>>) target(%dma_start3A_72 : memref<528xf32, #tpu.memory_space<vmem>>) target_semaphore(%arg27 : memref<!tpu.dma_semaphore, #tpu.memory_space<semaphore_mem>>)
    %mul3A_74 = arith.constant 528 : i32
    %mul3A_75 = arith.muli %add3A, %mul3A_74 : i32
    %add3A_76 = arith.constant 983040 : i32
    %add3A_77 = arith.addi %add3A_76, %mul3A_75 : i32
    %dma_start3A_78 = arith.constant 8192 : i32
    %dma_start3A_79 = tpu.memref_slice %arg15[%dma_start3A_78] : memref<8784xi32, #tpu.memory_space<vmem>> -> memref<528xi32, #tpu.memory_space<vmem>>
    %dma_start3A_80 = tpu.memref_slice %arg4[%add3A_77] : memref<1000000xi32, #tpu.memory_space<hbm>> -> memref<528xi32, #tpu.memory_space<hbm>>
    %dma_start3A_81 = arith.constant 8192 : i32
    %dma_start3A_82 = tpu.memref_slice %arg15[%dma_start3A_81] : memref<8784xi32, #tpu.memory_space<vmem>> -> memref<528xi32, #tpu.memory_space<vmem>>
    %dma_start3A_83 = tpu.memref_slice %arg4[%add3A_77] : memref<1000000xi32, #tpu.memory_space<hbm>> -> memref<528xi32, #tpu.memory_space<hbm>>
    tpu.enqueue_dma source(%dma_start3A_83 : memref<528xi32, #tpu.memory_space<hbm>>) target(%dma_start3A_82 : memref<528xi32, #tpu.memory_space<vmem>>) target_semaphore(%arg27 : memref<!tpu.dma_semaphore, #tpu.memory_space<semaphore_mem>>)
    %mul3A_84 = arith.constant 528 : i32
    %mul3A_85 = arith.muli %add3A, %mul3A_84 : i32
    %add3A_86 = arith.constant 983040 : i32
    %add3A_87 = arith.addi %add3A_86, %mul3A_85 : i32
    %dma_start3A_88 = arith.constant 8192 : i32
    %dma_start3A_89 = tpu.memref_slice %arg16[%dma_start3A_88] : memref<8784xi32, #tpu.memory_space<vmem>> -> memref<528xi32, #tpu.memory_space<vmem>>
    %dma_start3A_90 = tpu.memref_slice %arg5[%add3A_87] : memref<1000000xi32, #tpu.memory_space<hbm>> -> memref<528xi32, #tpu.memory_space<hbm>>
    %dma_start3A_91 = arith.constant 8192 : i32
    %dma_start3A_92 = tpu.memref_slice %arg16[%dma_start3A_91] : memref<8784xi32, #tpu.memory_space<vmem>> -> memref<528xi32, #tpu.memory_space<vmem>>
    %dma_start3A_93 = tpu.memref_slice %arg5[%add3A_87] : memref<1000000xi32, #tpu.memory_space<hbm>> -> memref<528xi32, #tpu.memory_space<hbm>>
    tpu.enqueue_dma source(%dma_start3A_93 : memref<528xi32, #tpu.memory_space<hbm>>) target(%dma_start3A_92 : memref<528xi32, #tpu.memory_space<vmem>>) target_semaphore(%arg27 : memref<!tpu.dma_semaphore, #tpu.memory_space<semaphore_mem>>)
    %eq3A_94 = arith.constant 31 : i32
    %eq3A_95 = arith.cmpi eq, %add3A, %eq3A_94 : i32
    %convert_element_type3A = arith.extui %eq3A_95 : i1 to i32
    %cond3A = arith.constant 0 : i32
    %cond3A_96 = arith.cmpi ne, %convert_element_type3A, %cond3A : i32
    scf.if %cond3A_96 {
      %dma_start3A_359 = arith.constant 8720 : i32
      %dma_start3A_360 = tpu.memref_slice %arg14[%dma_start3A_359] : memref<8784xf32, #tpu.memory_space<vmem>> -> memref<64xf32, #tpu.memory_space<vmem>>
      %dma_start3A_361 = arith.constant 999936 : i32
      %dma_start3A_362 = tpu.memref_slice %arg3[%dma_start3A_361] : memref<1000000xf32, #tpu.memory_space<hbm>> -> memref<64xf32, #tpu.memory_space<hbm>>
      %dma_start3A_363 = arith.constant 8720 : i32
      %dma_start3A_364 = tpu.memref_slice %arg14[%dma_start3A_363] : memref<8784xf32, #tpu.memory_space<vmem>> -> memref<64xf32, #tpu.memory_space<vmem>>
      %dma_start3A_365 = arith.constant 999936 : i32
      %dma_start3A_366 = tpu.memref_slice %arg3[%dma_start3A_365] : memref<1000000xf32, #tpu.memory_space<hbm>> -> memref<64xf32, #tpu.memory_space<hbm>>
      tpu.enqueue_dma source(%dma_start3A_366 : memref<64xf32, #tpu.memory_space<hbm>>) target(%dma_start3A_364 : memref<64xf32, #tpu.memory_space<vmem>>) target_semaphore(%arg27 : memref<!tpu.dma_semaphore, #tpu.memory_space<semaphore_mem>>)
      %dma_start3A_367 = arith.constant 8720 : i32
      %dma_start3A_368 = tpu.memref_slice %arg15[%dma_start3A_367] : memref<8784xi32, #tpu.memory_space<vmem>> -> memref<64xi32, #tpu.memory_space<vmem>>
      %dma_start3A_369 = arith.constant 999936 : i32
      %dma_start3A_370 = tpu.memref_slice %arg4[%dma_start3A_369] : memref<1000000xi32, #tpu.memory_space<hbm>> -> memref<64xi32, #tpu.memory_space<hbm>>
      %dma_start3A_371 = arith.constant 8720 : i32
      %dma_start3A_372 = tpu.memref_slice %arg15[%dma_start3A_371] : memref<8784xi32, #tpu.memory_space<vmem>> -> memref<64xi32, #tpu.memory_space<vmem>>
      %dma_start3A_373 = arith.constant 999936 : i32
      %dma_start3A_374 = tpu.memref_slice %arg4[%dma_start3A_373] : memref<1000000xi32, #tpu.memory_space<hbm>> -> memref<64xi32, #tpu.memory_space<hbm>>
      tpu.enqueue_dma source(%dma_start3A_374 : memref<64xi32, #tpu.memory_space<hbm>>) target(%dma_start3A_372 : memref<64xi32, #tpu.memory_space<vmem>>) target_semaphore(%arg27 : memref<!tpu.dma_semaphore, #tpu.memory_space<semaphore_mem>>)
      %dma_start3A_375 = arith.constant 8720 : i32
      %dma_start3A_376 = tpu.memref_slice %arg16[%dma_start3A_375] : memref<8784xi32, #tpu.memory_space<vmem>> -> memref<64xi32, #tpu.memory_space<vmem>>
      %dma_start3A_377 = arith.constant 999936 : i32
      %dma_start3A_378 = tpu.memref_slice %arg5[%dma_start3A_377] : memref<1000000xi32, #tpu.memory_space<hbm>> -> memref<64xi32, #tpu.memory_space<hbm>>
      %dma_start3A_379 = arith.constant 8720 : i32
      %dma_start3A_380 = tpu.memref_slice %arg16[%dma_start3A_379] : memref<8784xi32, #tpu.memory_space<vmem>> -> memref<64xi32, #tpu.memory_space<vmem>>
      %dma_start3A_381 = arith.constant 999936 : i32
      %dma_start3A_382 = tpu.memref_slice %arg5[%dma_start3A_381] : memref<1000000xi32, #tpu.memory_space<hbm>> -> memref<64xi32, #tpu.memory_space<hbm>>
      tpu.enqueue_dma source(%dma_start3A_382 : memref<64xi32, #tpu.memory_space<hbm>>) target(%dma_start3A_380 : memref<64xi32, #tpu.memory_space<vmem>>) target_semaphore(%arg27 : memref<!tpu.dma_semaphore, #tpu.memory_space<semaphore_mem>>)
    } else {
    }
    %mul3A_97 = arith.constant 6144 : i32
    %mul3A_98 = arith.muli %arg1, %mul3A_97 : i32
    %dma_start3A_99 = arith.constant 0 : i32
    %dma_start3A_100 = tpu.memref_slice %arg18[%dma_start3A_99] : memref<7840xf32, #tpu.memory_space<vmem>> -> memref<6144xf32, #tpu.memory_space<vmem>>
    %dma_start3A_101 = tpu.memref_slice %arg6[%mul3A_98] : memref<100000xf32, #tpu.memory_space<hbm>> -> memref<6144xf32, #tpu.memory_space<hbm>>
    %dma_start3A_102 = arith.constant 0 : i32
    %dma_start3A_103 = tpu.memref_slice %arg18[%dma_start3A_102] : memref<7840xf32, #tpu.memory_space<vmem>> -> memref<6144xf32, #tpu.memory_space<vmem>>
    %dma_start3A_104 = tpu.memref_slice %arg6[%mul3A_98] : memref<100000xf32, #tpu.memory_space<hbm>> -> memref<6144xf32, #tpu.memory_space<hbm>>
    tpu.enqueue_dma source(%dma_start3A_104 : memref<6144xf32, #tpu.memory_space<hbm>>) target(%dma_start3A_103 : memref<6144xf32, #tpu.memory_space<vmem>>) target_semaphore(%arg28 : memref<!tpu.dma_semaphore, #tpu.memory_space<semaphore_mem>>)
    %mul3A_105 = arith.constant 6144 : i32
    %mul3A_106 = arith.muli %arg1, %mul3A_105 : i32
    %dma_start3A_107 = arith.constant 0 : i32
    %dma_start3A_108 = tpu.memref_slice %arg19[%dma_start3A_107] : memref<7840xi32, #tpu.memory_space<vmem>> -> memref<6144xi32, #tpu.memory_space<vmem>>
    %dma_start3A_109 = tpu.memref_slice %arg7[%mul3A_106] : memref<100000xi32, #tpu.memory_space<hbm>> -> memref<6144xi32, #tpu.memory_space<hbm>>
    %dma_start3A_110 = arith.constant 0 : i32
    %dma_start3A_111 = tpu.memref_slice %arg19[%dma_start3A_110] : memref<7840xi32, #tpu.memory_space<vmem>> -> memref<6144xi32, #tpu.memory_space<vmem>>
    %dma_start3A_112 = tpu.memref_slice %arg7[%mul3A_106] : memref<100000xi32, #tpu.memory_space<hbm>> -> memref<6144xi32, #tpu.memory_space<hbm>>
    tpu.enqueue_dma source(%dma_start3A_112 : memref<6144xi32, #tpu.memory_space<hbm>>) target(%dma_start3A_111 : memref<6144xi32, #tpu.memory_space<vmem>>) target_semaphore(%arg28 : memref<!tpu.dma_semaphore, #tpu.memory_space<semaphore_mem>>)
    %mul3A_113 = arith.constant 6144 : i32
    %mul3A_114 = arith.muli %arg1, %mul3A_113 : i32
    %dma_start3A_115 = arith.constant 0 : i32
    %dma_start3A_116 = tpu.memref_slice %arg20[%dma_start3A_115] : memref<7840xi32, #tpu.memory_space<vmem>> -> memref<6144xi32, #tpu.memory_space<vmem>>
    %dma_start3A_117 = tpu.memref_slice %arg8[%mul3A_114] : memref<100000xi32, #tpu.memory_space<hbm>> -> memref<6144xi32, #tpu.memory_space<hbm>>
    %dma_start3A_118 = arith.constant 0 : i32
    %dma_start3A_119 = tpu.memref_slice %arg20[%dma_start3A_118] : memref<7840xi32, #tpu.memory_space<vmem>> -> memref<6144xi32, #tpu.memory_space<vmem>>
    %dma_start3A_120 = tpu.memref_slice %arg8[%mul3A_114] : memref<100000xi32, #tpu.memory_space<hbm>> -> memref<6144xi32, #tpu.memory_space<hbm>>
    tpu.enqueue_dma source(%dma_start3A_120 : memref<6144xi32, #tpu.memory_space<hbm>>) target(%dma_start3A_119 : memref<6144xi32, #tpu.memory_space<vmem>>) target_semaphore(%arg28 : memref<!tpu.dma_semaphore, #tpu.memory_space<semaphore_mem>>)
    %eq3A_121 = arith.constant 0 : i32
    %eq3A_122 = arith.cmpi eq, %arg1, %eq3A_121 : i32
    %convert_element_type3A_123 = arith.extui %eq3A_122 : i1 to i32
    %cond3A_124 = arith.constant 0 : i32
    %cond3A_125 = arith.cmpi ne, %convert_element_type3A_123, %cond3A_124 : i32
    scf.if %cond3A_125 {
      %dma_start3A_359 = arith.constant 6144 : i32
      %dma_start3A_360 = tpu.memref_slice %arg18[%dma_start3A_359] : memref<7840xf32, #tpu.memory_space<vmem>> -> memref<1696xf32, #tpu.memory_space<vmem>>
      %dma_start3A_361 = arith.constant 98304 : i32
      %dma_start3A_362 = tpu.memref_slice %arg6[%dma_start3A_361] : memref<100000xf32, #tpu.memory_space<hbm>> -> memref<1696xf32, #tpu.memory_space<hbm>>
      %dma_start3A_363 = arith.constant 6144 : i32
      %dma_start3A_364 = tpu.memref_slice %arg18[%dma_start3A_363] : memref<7840xf32, #tpu.memory_space<vmem>> -> memref<1696xf32, #tpu.memory_space<vmem>>
      %dma_start3A_365 = arith.constant 98304 : i32
      %dma_start3A_366 = tpu.memref_slice %arg6[%dma_start3A_365] : memref<100000xf32, #tpu.memory_space<hbm>> -> memref<1696xf32, #tpu.memory_space<hbm>>
      tpu.enqueue_dma source(%dma_start3A_366 : memref<1696xf32, #tpu.memory_space<hbm>>) target(%dma_start3A_364 : memref<1696xf32, #tpu.memory_space<vmem>>) target_semaphore(%arg28 : memref<!tpu.dma_semaphore, #tpu.memory_space<semaphore_mem>>)
      %dma_start3A_367 = arith.constant 6144 : i32
      %dma_start3A_368 = tpu.memref_slice %arg19[%dma_start3A_367] : memref<7840xi32, #tpu.memory_space<vmem>> -> memref<1696xi32, #tpu.memory_space<vmem>>
      %dma_start3A_369 = arith.constant 98304 : i32
      %dma_start3A_370 = tpu.memref_slice %arg7[%dma_start3A_369] : memref<100000xi32, #tpu.memory_space<hbm>> -> memref<1696xi32, #tpu.memory_space<hbm>>
      %dma_start3A_371 = arith.constant 6144 : i32
      %dma_start3A_372 = tpu.memref_slice %arg19[%dma_start3A_371] : memref<7840xi32, #tpu.memory_space<vmem>> -> memref<1696xi32, #tpu.memory_space<vmem>>
      %dma_start3A_373 = arith.constant 98304 : i32
      %dma_start3A_374 = tpu.memref_slice %arg7[%dma_start3A_373] : memref<100000xi32, #tpu.memory_space<hbm>> -> memref<1696xi32, #tpu.memory_space<hbm>>
      tpu.enqueue_dma source(%dma_start3A_374 : memref<1696xi32, #tpu.memory_space<hbm>>) target(%dma_start3A_372 : memref<1696xi32, #tpu.memory_space<vmem>>) target_semaphore(%arg28 : memref<!tpu.dma_semaphore, #tpu.memory_space<semaphore_mem>>)
      %dma_start3A_375 = arith.constant 6144 : i32
      %dma_start3A_376 = tpu.memref_slice %arg20[%dma_start3A_375] : memref<7840xi32, #tpu.memory_space<vmem>> -> memref<1696xi32, #tpu.memory_space<vmem>>
      %dma_start3A_377 = arith.constant 98304 : i32
      %dma_start3A_378 = tpu.memref_slice %arg8[%dma_start3A_377] : memref<100000xi32, #tpu.memory_space<hbm>> -> memref<1696xi32, #tpu.memory_space<hbm>>
      %dma_start3A_379 = arith.constant 6144 : i32
      %dma_start3A_380 = tpu.memref_slice %arg20[%dma_start3A_379] : memref<7840xi32, #tpu.memory_space<vmem>> -> memref<1696xi32, #tpu.memory_space<vmem>>
      %dma_start3A_381 = arith.constant 98304 : i32
      %dma_start3A_382 = tpu.memref_slice %arg8[%dma_start3A_381] : memref<100000xi32, #tpu.memory_space<hbm>> -> memref<1696xi32, #tpu.memory_space<hbm>>
      tpu.enqueue_dma source(%dma_start3A_382 : memref<1696xi32, #tpu.memory_space<hbm>>) target(%dma_start3A_380 : memref<1696xi32, #tpu.memory_space<vmem>>) target_semaphore(%arg28 : memref<!tpu.dma_semaphore, #tpu.memory_space<semaphore_mem>>)
    } else {
    }
    %scan3A = arith.constant 0 : i32
    %scan3A_126 = arith.constant 0 : i32
    %scan3A_127 = arith.constant 392 : i32
    %scan3A_128 = arith.addi %scan3A_126, %scan3A_127 : i32
    %scan3A_129 = arith.constant 8 : i32
    scf.for %scan3A_359 = %scan3A_126 to %scan3A_128 step %scan3A_129  : i32 {
      %mul3A_360 = arith.constant 16 : i32
      %mul3A_361 = arith.muli %scan3A_359, %mul3A_360 : i32
      %swap3A_362 = arith.index_cast %mul3A_361 : i32 to index
      %swap3A_363 = tpu.vector_load %arg12[%swap3A_362] {strides = array<i32>} : memref<6272xf32, #tpu.memory_space<vmem>>, vector<16xf32>,
      tpu.vector_store %arg12[%swap3A_362], %broadcast_in_dim3A_0 {strides = array<i32>} : memref<6272xf32, #tpu.memory_space<vmem>>, vector<16xf32>,
      %scan3A_364 = arith.constant 1 : i32
      %scan3A_365 = arith.addi %scan3A_359, %scan3A_364 : i32
      %mul3A_366 = arith.constant 16 : i32
      %mul3A_367 = arith.muli %scan3A_365, %mul3A_366 : i32
      %swap3A_368 = arith.index_cast %mul3A_367 : i32 to index
      %swap3A_369 = tpu.vector_load %arg12[%swap3A_368] {strides = array<i32>} : memref<6272xf32, #tpu.memory_space<vmem>>, vector<16xf32>,
      tpu.vector_store %arg12[%swap3A_368], %broadcast_in_dim3A_0 {strides = array<i32>} : memref<6272xf32, #tpu.memory_space<vmem>>, vector<16xf32>,
      %scan3A_370 = arith.constant 2 : i32
      %scan3A_371 = arith.addi %scan3A_359, %scan3A_370 : i32
      %mul3A_372 = arith.constant 16 : i32
      %mul3A_373 = arith.muli %scan3A_371, %mul3A_372 : i32
      %swap3A_374 = arith.index_cast %mul3A_373 : i32 to index
      %swap3A_375 = tpu.vector_load %arg12[%swap3A_374] {strides = array<i32>} : memref<6272xf32, #tpu.memory_space<vmem>>, vector<16xf32>,
      tpu.vector_store %arg12[%swap3A_374], %broadcast_in_dim3A_0 {strides = array<i32>} : memref<6272xf32, #tpu.memory_space<vmem>>, vector<16xf32>,
      %scan3A_376 = arith.constant 3 : i32
      %scan3A_377 = arith.addi %scan3A_359, %scan3A_376 : i32
      %mul3A_378 = arith.constant 16 : i32
      %mul3A_379 = arith.muli %scan3A_377, %mul3A_378 : i32
      %swap3A_380 = arith.index_cast %mul3A_379 : i32 to index
      %swap3A_381 = tpu.vector_load %arg12[%swap3A_380] {strides = array<i32>} : memref<6272xf32, #tpu.memory_space<vmem>>, vector<16xf32>,
      tpu.vector_store %arg12[%swap3A_380], %broadcast_in_dim3A_0 {strides = array<i32>} : memref<6272xf32, #tpu.memory_space<vmem>>, vector<16xf32>,
      %scan3A_382 = arith.constant 4 : i32
      %scan3A_383 = arith.addi %scan3A_359, %scan3A_382 : i32
      %mul3A_384 = arith.constant 16 : i32
      %mul3A_385 = arith.muli %scan3A_383, %mul3A_384 : i32
      %swap3A_386 = arith.index_cast %mul3A_385 : i32 to index
      %swap3A_387 = tpu.vector_load %arg12[%swap3A_386] {strides = array<i32>} : memref<6272xf32, #tpu.memory_space<vmem>>, vector<16xf32>,
      tpu.vector_store %arg12[%swap3A_386], %broadcast_in_dim3A_0 {strides = array<i32>} : memref<6272xf32, #tpu.memory_space<vmem>>, vector<16xf32>,
      %scan3A_388 = arith.constant 5 : i32
      %scan3A_389 = arith.addi %scan3A_359, %scan3A_388 : i32
      %mul3A_390 = arith.constant 16 : i32
      %mul3A_391 = arith.muli %scan3A_389, %mul3A_390 : i32
      %swap3A_392 = arith.index_cast %mul3A_391 : i32 to index
      %swap3A_393 = tpu.vector_load %arg12[%swap3A_392] {strides = array<i32>} : memref<6272xf32, #tpu.memory_space<vmem>>, vector<16xf32>,
      tpu.vector_store %arg12[%swap3A_392], %broadcast_in_dim3A_0 {strides = array<i32>} : memref<6272xf32, #tpu.memory_space<vmem>>, vector<16xf32>,
      %scan3A_394 = arith.constant 6 : i32
      %scan3A_395 = arith.addi %scan3A_359, %scan3A_394 : i32
      %mul3A_396 = arith.constant 16 : i32
      %mul3A_397 = arith.muli %scan3A_395, %mul3A_396 : i32
      %swap3A_398 = arith.index_cast %mul3A_397 : i32 to index
      %swap3A_399 = tpu.vector_load %arg12[%swap3A_398] {strides = array<i32>} : memref<6272xf32, #tpu.memory_space<vmem>>, vector<16xf32>,
      tpu.vector_store %arg12[%swap3A_398], %broadcast_in_dim3A_0 {strides = array<i32>} : memref<6272xf32, #tpu.memory_space<vmem>>, vector<16xf32>,
      %scan3A_400 = arith.constant 7 : i32
      %scan3A_401 = arith.addi %scan3A_359, %scan3A_400 : i32
      %mul3A_402 = arith.constant 16 : i32
      %mul3A_403 = arith.muli %scan3A_401, %mul3A_402 : i32
      %swap3A_404 = arith.index_cast %mul3A_403 : i32 to index
      %swap3A_405 = tpu.vector_load %arg12[%swap3A_404] {strides = array<i32>} : memref<6272xf32, #tpu.memory_space<vmem>>, vector<16xf32>,
      tpu.vector_store %arg12[%swap3A_404], %broadcast_in_dim3A_0 {strides = array<i32>} : memref<6272xf32, #tpu.memory_space<vmem>>, vector<16xf32>,
    }
    %scan3A_130 = arith.constant 392 : i32
    %mul3A_131 = arith.constant 6272 : i32
    %mul3A_132 = arith.muli %arg1, %mul3A_131 : i32
    "tpu.region"() ({
      %run_scoped3A = tpu.sem_alloc : memref<!tpu.dma_semaphore, #tpu.memory_space<semaphore_mem>>
      %dma_start3A_359 = tpu.memref_slice %arg30[%mul3A_132] : memref<100352xf32, #tpu.memory_space<vmem_shared>> -> memref<6272xf32, #tpu.memory_space<vmem_shared>>
      %dma_start3A_360 = tpu.memref_slice %arg30[%mul3A_132] : memref<100352xf32, #tpu.memory_space<vmem_shared>> -> memref<6272xf32, #tpu.memory_space<vmem_shared>>
      tpu.enqueue_dma source(%arg12 : memref<6272xf32, #tpu.memory_space<vmem>>) target(%dma_start3A_360 : memref<6272xf32, #tpu.memory_space<vmem_shared>>) target_semaphore(%run_scoped3A : memref<!tpu.dma_semaphore, #tpu.memory_space<semaphore_mem>>)
      %dma_wait3A_361 = tpu.memref_slice %arg30[%mul3A_132] : memref<100352xf32, #tpu.memory_space<vmem_shared>> -> memref<6272xf32, #tpu.memory_space<vmem_shared>>
      %dma_wait3A_362 = tpu.memref_slice %arg30[%mul3A_132] : memref<100352xf32, #tpu.memory_space<vmem_shared>> -> memref<6272xf32, #tpu.memory_space<vmem_shared>>
      tpu.wait_dma2 semaphore(%run_scoped3A : memref<!tpu.dma_semaphore, #tpu.memory_space<semaphore_mem>>) src(%arg12 : memref<6272xf32, #tpu.memory_space<vmem>>) dst(%dma_wait3A_362 : memref<6272xf32, #tpu.memory_space<vmem_shared>>)
      tpu.yield
    }) : () -> ()
    %eq3A_133 = arith.constant 0 : i32
    %eq3A_134 = arith.cmpi eq, %arg1, %eq3A_133 : i32
    %convert_element_type3A_135 = arith.extui %eq3A_134 : i1 to i32
    %cond3A_136 = arith.constant 0 : i32
    %cond3A_137 = arith.cmpi ne, %convert_element_type3A_135, %cond3A_136 : i32
    scf.if %cond3A_137 {
      "tpu.region"() ({
        %run_scoped3A = tpu.sem_alloc : memref<!tpu.dma_semaphore, #tpu.memory_space<semaphore_mem>>
        %dma_start3A_359 = arith.constant 0 : i32
        %dma_start3A_360 = tpu.memref_slice %arg12[%dma_start3A_359] : memref<6272xf32, #tpu.memory_space<vmem>> -> memref<1024xf32, #tpu.memory_space<vmem>>
        %dma_start3A_361 = arith.constant 0 : i32
        %dma_start3A_362 = tpu.memref_slice %arg12[%dma_start3A_361] : memref<6272xf32, #tpu.memory_space<vmem>> -> memref<1024xf32, #tpu.memory_space<vmem>>
        tpu.enqueue_dma source(%dma_start3A_362 : memref<1024xf32, #tpu.memory_space<vmem>>) target(%arg31 : memref<1024xf32, #tpu.memory_space<vmem_shared>>) target_semaphore(%run_scoped3A : memref<!tpu.dma_semaphore, #tpu.memory_space<semaphore_mem>>)
        %dma_wait3A_363 = arith.constant 0 : i32
        %dma_wait3A_364 = tpu.memref_slice %arg12[%dma_wait3A_363] : memref<6272xf32, #tpu.memory_space<vmem>> -> memref<1024xf32, #tpu.memory_space<vmem>>
        %dma_wait3A_365 = arith.constant 0 : i32
        %dma_wait3A_366 = tpu.memref_slice %arg12[%dma_wait3A_365] : memref<6272xf32, #tpu.memory_space<vmem>> -> memref<1024xf32, #tpu.memory_space<vmem>>
        tpu.wait_dma2 semaphore(%run_scoped3A : memref<!tpu.dma_semaphore, #tpu.memory_space<semaphore_mem>>) src(%dma_wait3A_366 : memref<1024xf32, #tpu.memory_space<vmem>>) dst(%arg31 : memref<1024xf32, #tpu.memory_space<vmem_shared>>)
        tpu.yield
      }) : () -> ()
    } else {
    }
    tpu.wait_dma2 semaphore(%arg27 : memref<!tpu.dma_semaphore, #tpu.memory_space<semaphore_mem>>) src(%arg2 : memref<10000xf32, #tpu.memory_space<hbm>>) dst(%arg11 : memref<10000xf32, #tpu.memory_space<vmem>>)
    %scan3A_138 = arith.constant 0 : i32
    %scan3A_139 = arith.constant 0 : i32
    %scan3A_140 = arith.constant 624 : i32
    %scan3A_141 = arith.addi %scan3A_139, %scan3A_140 : i32
    %scan3A_142 = arith.constant 8 : i32
    scf.for %scan3A_359 = %scan3A_139 to %scan3A_141 step %scan3A_142  : i32 {
      %mul3A_360 = arith.constant 16 : i32
      %mul3A_361 = arith.muli %scan3A_359, %mul3A_360 : i32
      %get3A_362 = arith.index_cast %mul3A_361 : i32 to index
      %get3A_363 = tpu.vector_load %arg11[%get3A_362] {strides = array<i32>} : memref<10000xf32, #tpu.memory_space<vmem>>, vector<16xf32>,
      %gt3A_364 = arith.constant 1.000000e+00 : f32
      %gt3A_365 = vector.broadcast %gt3A_364 : f32 to vector<16xf32>
      %gt3A_366 = arith.cmpf ogt, %get3A_363, %gt3A_365 : vector<16xf32>
      %select_n3A_367 = arith.select %gt3A_366, %broadcast_in_dim3A_2, %broadcast_in_dim3A_0 : vector<16xi1>, vector<16xf32>
      %mul3A_368 = arith.constant 16 : i32
      %mul3A_369 = arith.muli %scan3A_359, %mul3A_368 : i32
      %swap3A_370 = arith.index_cast %mul3A_369 : i32 to index
      %swap3A_371 = tpu.vector_load %arg11[%swap3A_370] {strides = array<i32>} : memref<10000xf32, #tpu.memory_space<vmem>>, vector<16xf32>,
      tpu.vector_store %arg11[%swap3A_370], %select_n3A_367 {strides = array<i32>} : memref<10000xf32, #tpu.memory_space<vmem>>, vector<16xf32>,
      %scan3A_372 = arith.constant 1 : i32
      %scan3A_373 = arith.addi %scan3A_359, %scan3A_372 : i32
      %mul3A_374 = arith.constant 16 : i32
      %mul3A_375 = arith.muli %scan3A_373, %mul3A_374 : i32
      %get3A_376 = arith.index_cast %mul3A_375 : i32 to index
      %get3A_377 = tpu.vector_load %arg11[%get3A_376] {strides = array<i32>} : memref<10000xf32, #tpu.memory_space<vmem>>, vector<16xf32>,
      %gt3A_378 = arith.constant 1.000000e+00 : f32
      %gt3A_379 = vector.broadcast %gt3A_378 : f32 to vector<16xf32>
      %gt3A_380 = arith.cmpf ogt, %get3A_377, %gt3A_379 : vector<16xf32>
      %select_n3A_381 = arith.select %gt3A_380, %broadcast_in_dim3A_2, %broadcast_in_dim3A_0 : vector<16xi1>, vector<16xf32>
      %mul3A_382 = arith.constant 16 : i32
      %mul3A_383 = arith.muli %scan3A_373, %mul3A_382 : i32
      %swap3A_384 = arith.index_cast %mul3A_383 : i32 to index
      %swap3A_385 = tpu.vector_load %arg11[%swap3A_384] {strides = array<i32>} : memref<10000xf32, #tpu.memory_space<vmem>>, vector<16xf32>,
      tpu.vector_store %arg11[%swap3A_384], %select_n3A_381 {strides = array<i32>} : memref<10000xf32, #tpu.memory_space<vmem>>, vector<16xf32>,
      %scan3A_386 = arith.constant 2 : i32
      %scan3A_387 = arith.addi %scan3A_359, %scan3A_386 : i32
      %mul3A_388 = arith.constant 16 : i32
      %mul3A_389 = arith.muli %scan3A_387, %mul3A_388 : i32
      %get3A_390 = arith.index_cast %mul3A_389 : i32 to index
      %get3A_391 = tpu.vector_load %arg11[%get3A_390] {strides = array<i32>} : memref<10000xf32, #tpu.memory_space<vmem>>, vector<16xf32>,
      %gt3A_392 = arith.constant 1.000000e+00 : f32
      %gt3A_393 = vector.broadcast %gt3A_392 : f32 to vector<16xf32>
      %gt3A_394 = arith.cmpf ogt, %get3A_391, %gt3A_393 : vector<16xf32>
      %select_n3A_395 = arith.select %gt3A_394, %broadcast_in_dim3A_2, %broadcast_in_dim3A_0 : vector<16xi1>, vector<16xf32>
      %mul3A_396 = arith.constant 16 : i32
      %mul3A_397 = arith.muli %scan3A_387, %mul3A_396 : i32
      %swap3A_398 = arith.index_cast %mul3A_397 : i32 to index
      %swap3A_399 = tpu.vector_load %arg11[%swap3A_398] {strides = array<i32>} : memref<10000xf32, #tpu.memory_space<vmem>>, vector<16xf32>,
      tpu.vector_store %arg11[%swap3A_398], %select_n3A_395 {strides = array<i32>} : memref<10000xf32, #tpu.memory_space<vmem>>, vector<16xf32>,
      %scan3A_400 = arith.constant 3 : i32
      %scan3A_401 = arith.addi %scan3A_359, %scan3A_400 : i32
      %mul3A_402 = arith.constant 16 : i32
      %mul3A_403 = arith.muli %scan3A_401, %mul3A_402 : i32
      %get3A_404 = arith.index_cast %mul3A_403 : i32 to index
      %get3A_405 = tpu.vector_load %arg11[%get3A_404] {strides = array<i32>} : memref<10000xf32, #tpu.memory_space<vmem>>, vector<16xf32>,
      %gt3A_406 = arith.constant 1.000000e+00 : f32
      %gt3A_407 = vector.broadcast %gt3A_406 : f32 to vector<16xf32>
      %gt3A_408 = arith.cmpf ogt, %get3A_405, %gt3A_407 : vector<16xf32>
      %select_n3A_409 = arith.select %gt3A_408, %broadcast_in_dim3A_2, %broadcast_in_dim3A_0 : vector<16xi1>, vector<16xf32>
      %mul3A_410 = arith.constant 16 : i32
      %mul3A_411 = arith.muli %scan3A_401, %mul3A_410 : i32
      %swap3A_412 = arith.index_cast %mul3A_411 : i32 to index
      %swap3A_413 = tpu.vector_load %arg11[%swap3A_412] {strides = array<i32>} : memref<10000xf32, #tpu.memory_space<vmem>>, vector<16xf32>,
      tpu.vector_store %arg11[%swap3A_412], %select_n3A_409 {strides = array<i32>} : memref<10000xf32, #tpu.memory_space<vmem>>, vector<16xf32>,
      %scan3A_414 = arith.constant 4 : i32
      %scan3A_415 = arith.addi %scan3A_359, %scan3A_414 : i32
      %mul3A_416 = arith.constant 16 : i32
      %mul3A_417 = arith.muli %scan3A_415, %mul3A_416 : i32
      %get3A_418 = arith.index_cast %mul3A_417 : i32 to index
      %get3A_419 = tpu.vector_load %arg11[%get3A_418] {strides = array<i32>} : memref<10000xf32, #tpu.memory_space<vmem>>, vector<16xf32>,
      %gt3A_420 = arith.constant 1.000000e+00 : f32
      %gt3A_421 = vector.broadcast %gt3A_420 : f32 to vector<16xf32>
      %gt3A_422 = arith.cmpf ogt, %get3A_419, %gt3A_421 : vector<16xf32>
      %select_n3A_423 = arith.select %gt3A_422, %broadcast_in_dim3A_2, %broadcast_in_dim3A_0 : vector<16xi1>, vector<16xf32>
      %mul3A_424 = arith.constant 16 : i32
      %mul3A_425 = arith.muli %scan3A_415, %mul3A_424 : i32
      %swap3A_426 = arith.index_cast %mul3A_425 : i32 to index
      %swap3A_427 = tpu.vector_load %arg11[%swap3A_426] {strides = array<i32>} : memref<10000xf32, #tpu.memory_space<vmem>>, vector<16xf32>,
      tpu.vector_store %arg11[%swap3A_426], %select_n3A_423 {strides = array<i32>} : memref<10000xf32, #tpu.memory_space<vmem>>, vector<16xf32>,
      %scan3A_428 = arith.constant 5 : i32
      %scan3A_429 = arith.addi %scan3A_359, %scan3A_428 : i32
      %mul3A_430 = arith.constant 16 : i32
      %mul3A_431 = arith.muli %scan3A_429, %mul3A_430 : i32
      %get3A_432 = arith.index_cast %mul3A_431 : i32 to index
      %get3A_433 = tpu.vector_load %arg11[%get3A_432] {strides = array<i32>} : memref<10000xf32, #tpu.memory_space<vmem>>, vector<16xf32>,
      %gt3A_434 = arith.constant 1.000000e+00 : f32
      %gt3A_435 = vector.broadcast %gt3A_434 : f32 to vector<16xf32>
      %gt3A_436 = arith.cmpf ogt, %get3A_433, %gt3A_435 : vector<16xf32>
      %select_n3A_437 = arith.select %gt3A_436, %broadcast_in_dim3A_2, %broadcast_in_dim3A_0 : vector<16xi1>, vector<16xf32>
      %mul3A_438 = arith.constant 16 : i32
      %mul3A_439 = arith.muli %scan3A_429, %mul3A_438 : i32
      %swap3A_440 = arith.index_cast %mul3A_439 : i32 to index
      %swap3A_441 = tpu.vector_load %arg11[%swap3A_440] {strides = array<i32>} : memref<10000xf32, #tpu.memory_space<vmem>>, vector<16xf32>,
      tpu.vector_store %arg11[%swap3A_440], %select_n3A_437 {strides = array<i32>} : memref<10000xf32, #tpu.memory_space<vmem>>, vector<16xf32>,
      %scan3A_442 = arith.constant 6 : i32
      %scan3A_443 = arith.addi %scan3A_359, %scan3A_442 : i32
      %mul3A_444 = arith.constant 16 : i32
      %mul3A_445 = arith.muli %scan3A_443, %mul3A_444 : i32
      %get3A_446 = arith.index_cast %mul3A_445 : i32 to index
      %get3A_447 = tpu.vector_load %arg11[%get3A_446] {strides = array<i32>} : memref<10000xf32, #tpu.memory_space<vmem>>, vector<16xf32>,
      %gt3A_448 = arith.constant 1.000000e+00 : f32
      %gt3A_449 = vector.broadcast %gt3A_448 : f32 to vector<16xf32>
      %gt3A_450 = arith.cmpf ogt, %get3A_447, %gt3A_449 : vector<16xf32>
      %select_n3A_451 = arith.select %gt3A_450, %broadcast_in_dim3A_2, %broadcast_in_dim3A_0 : vector<16xi1>, vector<16xf32>
      %mul3A_452 = arith.constant 16 : i32
      %mul3A_453 = arith.muli %scan3A_443, %mul3A_452 : i32
      %swap3A_454 = arith.index_cast %mul3A_453 : i32 to index
      %swap3A_455 = tpu.vector_load %arg11[%swap3A_454] {strides = array<i32>} : memref<10000xf32, #tpu.memory_space<vmem>>, vector<16xf32>,
      tpu.vector_store %arg11[%swap3A_454], %select_n3A_451 {strides = array<i32>} : memref<10000xf32, #tpu.memory_space<vmem>>, vector<16xf32>,
      %scan3A_456 = arith.constant 7 : i32
      %scan3A_457 = arith.addi %scan3A_359, %scan3A_456 : i32
      %mul3A_458 = arith.constant 16 : i32
      %mul3A_459 = arith.muli %scan3A_457, %mul3A_458 : i32
      %get3A_460 = arith.index_cast %mul3A_459 : i32 to index
      %get3A_461 = tpu.vector_load %arg11[%get3A_460] {strides = array<i32>} : memref<10000xf32, #tpu.memory_space<vmem>>, vector<16xf32>,
      %gt3A_462 = arith.constant 1.000000e+00 : f32
      %gt3A_463 = vector.broadcast %gt3A_462 : f32 to vector<16xf32>
      %gt3A_464 = arith.cmpf ogt, %get3A_461, %gt3A_463 : vector<16xf32>
      %select_n3A_465 = arith.select %gt3A_464, %broadcast_in_dim3A_2, %broadcast_in_dim3A_0 : vector<16xi1>, vector<16xf32>
      %mul3A_466 = arith.constant 16 : i32
      %mul3A_467 = arith.muli %scan3A_457, %mul3A_466 : i32
      %swap3A_468 = arith.index_cast %mul3A_467 : i32 to index
      %swap3A_469 = tpu.vector_load %arg11[%swap3A_468] {strides = array<i32>} : memref<10000xf32, #tpu.memory_space<vmem>>, vector<16xf32>,
      tpu.vector_store %arg11[%swap3A_468], %select_n3A_465 {strides = array<i32>} : memref<10000xf32, #tpu.memory_space<vmem>>, vector<16xf32>,
    }
    %scan3A_143 = arith.constant 624 : i32
    %scan3A_144 = arith.addi %scan3A_139, %scan3A_143 : i32
    %mul3A_145 = arith.constant 16 : i32
    %mul3A_146 = arith.muli %scan3A_144, %mul3A_145 : i32
    %get3A = arith.index_cast %mul3A_146 : i32 to index
    %get3A_147 = tpu.vector_load %arg11[%get3A] {strides = array<i32>} : memref<10000xf32, #tpu.memory_space<vmem>>, vector<16xf32>,
    %gt3A = arith.constant 1.000000e+00 : f32
    %gt3A_148 = vector.broadcast %gt3A : f32 to vector<16xf32>
    %gt3A_149 = arith.cmpf ogt, %get3A_147, %gt3A_148 : vector<16xf32>
    %select_n3A = arith.select %gt3A_149, %broadcast_in_dim3A_2, %broadcast_in_dim3A_0 : vector<16xi1>, vector<16xf32>
    %mul3A_150 = arith.constant 16 : i32
    %mul3A_151 = arith.muli %scan3A_144, %mul3A_150 : i32
    %swap3A = arith.index_cast %mul3A_151 : i32 to index
    %swap3A_152 = tpu.vector_load %arg11[%swap3A] {strides = array<i32>} : memref<10000xf32, #tpu.memory_space<vmem>>, vector<16xf32>,
    tpu.vector_store %arg11[%swap3A], %select_n3A {strides = array<i32>} : memref<10000xf32, #tpu.memory_space<vmem>>, vector<16xf32>,
    %scan3A_153 = arith.constant 625 : i32
    %barrier3A = arith.constant 0 : index
    tpu.barrier barrier_id(%barrier3A)
    %scan3A_154 = arith.constant 0 : i32
    %scan3A_155 = arith.constant 0 : i32
    %scan3A_156 = arith.constant 15 : i32
    %scan3A_157 = arith.addi %scan3A_155, %scan3A_156 : i32
    %scan3A_158 = arith.constant 1 : i32
    scf.for %scan3A_359 = %scan3A_155 to %scan3A_157 step %scan3A_158  : i32 {
      %jit3A = arith.constant 4 : i32
      %eq3A_360 = arith.constant 0 : i32
      %eq3A_361 = arith.cmpi eq, %jit3A, %eq3A_360 : i32
      %jit3A_362 = arith.constant 1 : i32
      %select_n3A_363 = arith.select %eq3A_361, %jit3A_362, %jit3A : i32
      %rem3A = arith.remsi %scan3A_359, %select_n3A_363 : i32
      %ne3A = arith.constant 0 : i32
      %ne3A_364 = arith.cmpi ne, %rem3A, %ne3A : i32
      %lt3A = arith.constant 0 : i32
      %lt3A_365 = arith.cmpi slt, %rem3A, %lt3A : i32
      %lt3A_366 = arith.constant 0 : i32
      %lt3A_367 = arith.cmpi slt, %select_n3A_363, %lt3A_366 : i32
      %ne3A_368 = arith.xori %lt3A_365, %lt3A_367 : i1
      %and3A_369 = arith.andi %ne3A_368, %ne3A_364 : i1
      %add3A_370 = arith.addi %rem3A, %select_n3A_363 : i32
      %select_n3A_371 = arith.select %and3A_369, %add3A_370, %rem3A : i32
      %mul3A_372 = arith.constant 2048 : i32
      %mul3A_373 = arith.muli %select_n3A_371, %mul3A_372 : i32
      %ge3A = arith.constant 4 : i32
      %ge3A_374 = arith.cmpi sge, %scan3A_359, %ge3A : i32
      %convert_element_type3A_375 = arith.extui %ge3A_374 : i1 to i32
      %cond3A_376 = arith.constant 0 : i32
      %cond3A_377 = arith.cmpi ne, %convert_element_type3A_375, %cond3A_376 : i32
      scf.if %cond3A_377 {
        %scan3A_537 = arith.constant 0 : i32
        %scan3A_538 = arith.constant 0 : i32
        %scan3A_539 = arith.constant 16 : i32
        %scan3A_540 = arith.addi %scan3A_538, %scan3A_539 : i32
        %scan3A_541 = arith.constant 1 : i32
        scf.for %scan3A_543 = %scan3A_538 to %scan3A_540 step %scan3A_541  : i32 {
          %dma_wait3A_544 = arith.constant 0 : i32
          %dma_wait3A_545 = tpu.memref_slice %arg24[%dma_wait3A_544] : memref<128xf32, #tpu.memory_space<vmem>> -> memref<128xf32, #tpu.memory_space<vmem>>
          %dma_wait3A_546 = arith.constant 0 : i32
          %dma_wait3A_547 = tpu.memref_slice %arg2[%dma_wait3A_546] : memref<10000xf32, #tpu.memory_space<hbm>> -> memref<128xf32, #tpu.memory_space<hbm>>
          %dma_wait3A_548 = arith.constant 0 : i32
          %dma_wait3A_549 = tpu.memref_slice %arg24[%dma_wait3A_548] : memref<128xf32, #tpu.memory_space<vmem>> -> memref<128xf32, #tpu.memory_space<vmem>>
          %dma_wait3A_550 = arith.constant 0 : i32
          %dma_wait3A_551 = tpu.memref_slice %arg2[%dma_wait3A_550] : memref<10000xf32, #tpu.memory_space<hbm>> -> memref<128xf32, #tpu.memory_space<hbm>>
          tpu.wait_dma2 semaphore(%arg26 : memref<!tpu.dma_semaphore, #tpu.memory_space<semaphore_mem>>) src(%dma_wait3A_551 : memref<128xf32, #tpu.memory_space<hbm>>) dst(%dma_wait3A_549 : memref<128xf32, #tpu.memory_space<vmem>>)
        }
        %scan3A_542 = arith.constant 16 : i32
      } else {
      }
      %dma_wait3A_378 = tpu.memref_slice %arg14[%mul3A_373] : memref<8784xf32, #tpu.memory_space<vmem>> -> memref<2048xf32, #tpu.memory_space<vmem>>
      %dma_wait3A_379 = arith.constant 0 : i32
      %dma_wait3A_380 = tpu.memref_slice %arg3[%dma_wait3A_379] : memref<1000000xf32, #tpu.memory_space<hbm>> -> memref<2048xf32, #tpu.memory_space<hbm>>
      %dma_wait3A_381 = tpu.memref_slice %arg14[%mul3A_373] : memref<8784xf32, #tpu.memory_space<vmem>> -> memref<2048xf32, #tpu.memory_space<vmem>>
      %dma_wait3A_382 = arith.constant 0 : i32
      %dma_wait3A_383 = tpu.memref_slice %arg3[%dma_wait3A_382] : memref<1000000xf32, #tpu.memory_space<hbm>> -> memref<2048xf32, #tpu.memory_space<hbm>>
      tpu.wait_dma2 semaphore(%arg25 : memref<!tpu.dma_semaphore, #tpu.memory_space<semaphore_mem>>) src(%dma_wait3A_383 : memref<2048xf32, #tpu.memory_space<hbm>>) dst(%dma_wait3A_381 : memref<2048xf32, #tpu.memory_space<vmem>>)
      %dma_wait3A_384 = tpu.memref_slice %arg15[%mul3A_373] : memref<8784xi32, #tpu.memory_space<vmem>> -> memref<2048xi32, #tpu.memory_space<vmem>>
      %dma_wait3A_385 = arith.constant 0 : i32
      %dma_wait3A_386 = tpu.memref_slice %arg4[%dma_wait3A_385] : memref<1000000xi32, #tpu.memory_space<hbm>> -> memref<2048xi32, #tpu.memory_space<hbm>>
      %dma_wait3A_387 = tpu.memref_slice %arg15[%mul3A_373] : memref<8784xi32, #tpu.memory_space<vmem>> -> memref<2048xi32, #tpu.memory_space<vmem>>
      %dma_wait3A_388 = arith.constant 0 : i32
      %dma_wait3A_389 = tpu.memref_slice %arg4[%dma_wait3A_388] : memref<1000000xi32, #tpu.memory_space<hbm>> -> memref<2048xi32, #tpu.memory_space<hbm>>
      tpu.wait_dma2 semaphore(%arg25 : memref<!tpu.dma_semaphore, #tpu.memory_space<semaphore_mem>>) src(%dma_wait3A_389 : memref<2048xi32, #tpu.memory_space<hbm>>) dst(%dma_wait3A_387 : memref<2048xi32, #tpu.memory_space<vmem>>)
      %dma_wait3A_390 = tpu.memref_slice %arg16[%mul3A_373] : memref<8784xi32, #tpu.memory_space<vmem>> -> memref<2048xi32, #tpu.memory_space<vmem>>
      %dma_wait3A_391 = arith.constant 0 : i32
      %dma_wait3A_392 = tpu.memref_slice %arg5[%dma_wait3A_391] : memref<1000000xi32, #tpu.memory_space<hbm>> -> memref<2048xi32, #tpu.memory_space<hbm>>
      %dma_wait3A_393 = tpu.memref_slice %arg16[%mul3A_373] : memref<8784xi32, #tpu.memory_space<vmem>> -> memref<2048xi32, #tpu.memory_space<vmem>>
      %dma_wait3A_394 = arith.constant 0 : i32
      %dma_wait3A_395 = tpu.memref_slice %arg5[%dma_wait3A_394] : memref<1000000xi32, #tpu.memory_space<hbm>> -> memref<2048xi32, #tpu.memory_space<hbm>>
      tpu.wait_dma2 semaphore(%arg25 : memref<!tpu.dma_semaphore, #tpu.memory_space<semaphore_mem>>) src(%dma_wait3A_395 : memref<2048xi32, #tpu.memory_space<hbm>>) dst(%dma_wait3A_393 : memref<2048xi32, #tpu.memory_space<vmem>>)
      %add3A_396 = arith.constant 3 : i32
      %add3A_397 = arith.addi %scan3A_359, %add3A_396 : i32
      %lt3A_398 = arith.constant 15 : i32
      %lt3A_399 = arith.cmpi slt, %add3A_397, %lt3A_398 : i32
      %convert_element_type3A_400 = arith.extui %lt3A_399 : i1 to i32
      %cond3A_401 = arith.constant 0 : i32
      %cond3A_402 = arith.cmpi ne, %convert_element_type3A_400, %cond3A_401 : i32
      scf.if %cond3A_402 {
        %add3A_537 = arith.constant 3 : i32
        %add3A_538 = arith.addi %scan3A_359, %add3A_537 : i32
        %mul3A_539 = arith.constant 2048 : i32
        %mul3A_540 = arith.muli %add3A_538, %mul3A_539 : i32
        %add3A_541 = arith.addi %mul3A_6, %mul3A_540 : i32
        %add3A_542 = arith.constant 3 : i32
        %add3A_543 = arith.addi %scan3A_359, %add3A_542 : i32
        %jit3A_544 = arith.constant 4 : i32
        %eq3A_545 = arith.constant 0 : i32
        %eq3A_546 = arith.cmpi eq, %jit3A_544, %eq3A_545 : i32
        %jit3A_547 = arith.constant 1 : i32
        %select_n3A_548 = arith.select %eq3A_546, %jit3A_547, %jit3A_544 : i32
        %rem3A_549 = arith.remsi %add3A_543, %select_n3A_548 : i32
        %ne3A_550 = arith.constant 0 : i32
        %ne3A_551 = arith.cmpi ne, %rem3A_549, %ne3A_550 : i32
        %lt3A_552 = arith.constant 0 : i32
        %lt3A_553 = arith.cmpi slt, %rem3A_549, %lt3A_552 : i32
        %lt3A_554 = arith.constant 0 : i32
        %lt3A_555 = arith.cmpi slt, %select_n3A_548, %lt3A_554 : i32
        %ne3A_556 = arith.xori %lt3A_553, %lt3A_555 : i1
        %and3A_557 = arith.andi %ne3A_556, %ne3A_551 : i1
        %add3A_558 = arith.addi %rem3A_549, %select_n3A_548 : i32
        %select_n3A_559 = arith.select %and3A_557, %add3A_558, %rem3A_549 : i32
        %mul3A_560 = arith.constant 2048 : i32
        %mul3A_561 = arith.muli %select_n3A_559, %mul3A_560 : i32
        %dma_start3A_562 = tpu.memref_slice %arg14[%mul3A_561] : memref<8784xf32, #tpu.memory_space<vmem>> -> memref<2048xf32, #tpu.memory_space<vmem>>
        %dma_start3A_563 = tpu.memref_slice %arg3[%add3A_541] : memref<1000000xf32, #tpu.memory_space<hbm>> -> memref<2048xf32, #tpu.memory_space<hbm>>
        %dma_start3A_564 = tpu.memref_slice %arg14[%mul3A_561] : memref<8784xf32, #tpu.memory_space<vmem>> -> memref<2048xf32, #tpu.memory_space<vmem>>
        %dma_start3A_565 = tpu.memref_slice %arg3[%add3A_541] : memref<1000000xf32, #tpu.memory_space<hbm>> -> memref<2048xf32, #tpu.memory_space<hbm>>
        tpu.enqueue_dma source(%dma_start3A_565 : memref<2048xf32, #tpu.memory_space<hbm>>) target(%dma_start3A_564 : memref<2048xf32, #tpu.memory_space<vmem>>) target_semaphore(%arg25 : memref<!tpu.dma_semaphore, #tpu.memory_space<semaphore_mem>>)
        %dma_start3A_566 = tpu.memref_slice %arg15[%mul3A_561] : memref<8784xi32, #tpu.memory_space<vmem>> -> memref<2048xi32, #tpu.memory_space<vmem>>
        %dma_start3A_567 = tpu.memref_slice %arg4[%add3A_541] : memref<1000000xi32, #tpu.memory_space<hbm>> -> memref<2048xi32, #tpu.memory_space<hbm>>
        %dma_start3A_568 = tpu.memref_slice %arg15[%mul3A_561] : memref<8784xi32, #tpu.memory_space<vmem>> -> memref<2048xi32, #tpu.memory_space<vmem>>
        %dma_start3A_569 = tpu.memref_slice %arg4[%add3A_541] : memref<1000000xi32, #tpu.memory_space<hbm>> -> memref<2048xi32, #tpu.memory_space<hbm>>
        tpu.enqueue_dma source(%dma_start3A_569 : memref<2048xi32, #tpu.memory_space<hbm>>) target(%dma_start3A_568 : memref<2048xi32, #tpu.memory_space<vmem>>) target_semaphore(%arg25 : memref<!tpu.dma_semaphore, #tpu.memory_space<semaphore_mem>>)
        %dma_start3A_570 = tpu.memref_slice %arg16[%mul3A_561] : memref<8784xi32, #tpu.memory_space<vmem>> -> memref<2048xi32, #tpu.memory_space<vmem>>
        %dma_start3A_571 = tpu.memref_slice %arg5[%add3A_541] : memref<1000000xi32, #tpu.memory_space<hbm>> -> memref<2048xi32, #tpu.memory_space<hbm>>
        %dma_start3A_572 = tpu.memref_slice %arg16[%mul3A_561] : memref<8784xi32, #tpu.memory_space<vmem>> -> memref<2048xi32, #tpu.memory_space<vmem>>
        %dma_start3A_573 = tpu.memref_slice %arg5[%add3A_541] : memref<1000000xi32, #tpu.memory_space<hbm>> -> memref<2048xi32, #tpu.memory_space<hbm>>
        tpu.enqueue_dma source(%dma_start3A_573 : memref<2048xi32, #tpu.memory_space<hbm>>) target(%dma_start3A_572 : memref<2048xi32, #tpu.memory_space<vmem>>) target_semaphore(%arg25 : memref<!tpu.dma_semaphore, #tpu.memory_space<semaphore_mem>>)
      } else {
      }
      %scan3A_403 = arith.constant 0 : i32
      %scan3A_404 = arith.constant 0 : i32
      %scan3A_405 = arith.constant 128 : i32
      %scan3A_406 = arith.addi %scan3A_404, %scan3A_405 : i32
      %scan3A_407 = arith.constant 8 : i32
      scf.for %scan3A_537 = %scan3A_404 to %scan3A_406 step %scan3A_407  : i32 {
        %mul3A_538 = arith.constant 16 : i32
        %mul3A_539 = arith.muli %scan3A_537, %mul3A_538 : i32
        %add3A_540 = arith.addi %mul3A_373, %mul3A_539 : i32
        %get3A_541 = arith.index_cast %add3A_540 : i32 to index
        %get3A_542 = tpu.vector_load %arg15[%get3A_541] {strides = array<i32>} : memref<8784xi32, #tpu.memory_space<vmem>>, vector<16xi32>,
        %mul3A_543 = arith.constant 16 : i32
        %mul3A_544 = arith.muli %scan3A_537, %mul3A_543 : i32
        %add3A_545 = arith.addi %mul3A_373, %mul3A_544 : i32
        %get3A_546 = arith.index_cast %add3A_545 : i32 to index
        %get3A_547 = tpu.vector_load %arg14[%get3A_546] {strides = array<i32>} : memref<8784xf32, #tpu.memory_space<vmem>>, vector<16xf32>,
        %gather3A_548 = tpu.vector_load_idx %arg11[%get3A_542] : memref<10000xf32, #tpu.memory_space<vmem>>[vector<16xi32>], vector<16xf32>,
        %mul3A_549 = arith.mulf %get3A_547, %gather3A_548 : vector<16xf32>
        %mul3A_550 = arith.constant 16 : i32
        %mul3A_551 = arith.muli %scan3A_537, %mul3A_550 : i32
        %add3A_552 = arith.addi %mul3A_373, %mul3A_551 : i32
        %swap3A_553 = arith.index_cast %add3A_552 : i32 to index
        %swap3A_554 = tpu.vector_load %arg17[%swap3A_553] {strides = array<i32>} : memref<8784xf32, #tpu.memory_space<vmem>>, vector<16xf32>,
        tpu.vector_store %arg17[%swap3A_553], %mul3A_549 {strides = array<i32>} : memref<8784xf32, #tpu.memory_space<vmem>>, vector<16xf32>,
        %scan3A_555 = arith.constant 1 : i32
        %scan3A_556 = arith.addi %scan3A_537, %scan3A_555 : i32
        %mul3A_557 = arith.constant 16 : i32
        %mul3A_558 = arith.muli %scan3A_556, %mul3A_557 : i32
        %add3A_559 = arith.addi %mul3A_373, %mul3A_558 : i32
        %get3A_560 = arith.index_cast %add3A_559 : i32 to index
        %get3A_561 = tpu.vector_load %arg15[%get3A_560] {strides = array<i32>} : memref<8784xi32, #tpu.memory_space<vmem>>, vector<16xi32>,
        %mul3A_562 = arith.constant 16 : i32
        %mul3A_563 = arith.muli %scan3A_556, %mul3A_562 : i32
        %add3A_564 = arith.addi %mul3A_373, %mul3A_563 : i32
        %get3A_565 = arith.index_cast %add3A_564 : i32 to index
        %get3A_566 = tpu.vector_load %arg14[%get3A_565] {strides = array<i32>} : memref<8784xf32, #tpu.memory_space<vmem>>, vector<16xf32>,
        %gather3A_567 = tpu.vector_load_idx %arg11[%get3A_561] : memref<10000xf32, #tpu.memory_space<vmem>>[vector<16xi32>], vector<16xf32>,
        %mul3A_568 = arith.mulf %get3A_566, %gather3A_567 : vector<16xf32>
        %mul3A_569 = arith.constant 16 : i32
        %mul3A_570 = arith.muli %scan3A_556, %mul3A_569 : i32
        %add3A_571 = arith.addi %mul3A_373, %mul3A_570 : i32
        %swap3A_572 = arith.index_cast %add3A_571 : i32 to index
        %swap3A_573 = tpu.vector_load %arg17[%swap3A_572] {strides = array<i32>} : memref<8784xf32, #tpu.memory_space<vmem>>, vector<16xf32>,
        tpu.vector_store %arg17[%swap3A_572], %mul3A_568 {strides = array<i32>} : memref<8784xf32, #tpu.memory_space<vmem>>, vector<16xf32>,
        %scan3A_574 = arith.constant 2 : i32
        %scan3A_575 = arith.addi %scan3A_537, %scan3A_574 : i32
        %mul3A_576 = arith.constant 16 : i32
        %mul3A_577 = arith.muli %scan3A_575, %mul3A_576 : i32
        %add3A_578 = arith.addi %mul3A_373, %mul3A_577 : i32
        %get3A_579 = arith.index_cast %add3A_578 : i32 to index
        %get3A_580 = tpu.vector_load %arg15[%get3A_579] {strides = array<i32>} : memref<8784xi32, #tpu.memory_space<vmem>>, vector<16xi32>,
        %mul3A_581 = arith.constant 16 : i32
        %mul3A_582 = arith.muli %scan3A_575, %mul3A_581 : i32
        %add3A_583 = arith.addi %mul3A_373, %mul3A_582 : i32
        %get3A_584 = arith.index_cast %add3A_583 : i32 to index
        %get3A_585 = tpu.vector_load %arg14[%get3A_584] {strides = array<i32>} : memref<8784xf32, #tpu.memory_space<vmem>>, vector<16xf32>,
        %gather3A_586 = tpu.vector_load_idx %arg11[%get3A_580] : memref<10000xf32, #tpu.memory_space<vmem>>[vector<16xi32>], vector<16xf32>,
        %mul3A_587 = arith.mulf %get3A_585, %gather3A_586 : vector<16xf32>
        %mul3A_588 = arith.constant 16 : i32
        %mul3A_589 = arith.muli %scan3A_575, %mul3A_588 : i32
        %add3A_590 = arith.addi %mul3A_373, %mul3A_589 : i32
        %swap3A_591 = arith.index_cast %add3A_590 : i32 to index
        %swap3A_592 = tpu.vector_load %arg17[%swap3A_591] {strides = array<i32>} : memref<8784xf32, #tpu.memory_space<vmem>>, vector<16xf32>,
        tpu.vector_store %arg17[%swap3A_591], %mul3A_587 {strides = array<i32>} : memref<8784xf32, #tpu.memory_space<vmem>>, vector<16xf32>,
        %scan3A_593 = arith.constant 3 : i32
        %scan3A_594 = arith.addi %scan3A_537, %scan3A_593 : i32
        %mul3A_595 = arith.constant 16 : i32
        %mul3A_596 = arith.muli %scan3A_594, %mul3A_595 : i32
        %add3A_597 = arith.addi %mul3A_373, %mul3A_596 : i32
        %get3A_598 = arith.index_cast %add3A_597 : i32 to index
        %get3A_599 = tpu.vector_load %arg15[%get3A_598] {strides = array<i32>} : memref<8784xi32, #tpu.memory_space<vmem>>, vector<16xi32>,
        %mul3A_600 = arith.constant 16 : i32
        %mul3A_601 = arith.muli %scan3A_594, %mul3A_600 : i32
        %add3A_602 = arith.addi %mul3A_373, %mul3A_601 : i32
        %get3A_603 = arith.index_cast %add3A_602 : i32 to index
        %get3A_604 = tpu.vector_load %arg14[%get3A_603] {strides = array<i32>} : memref<8784xf32, #tpu.memory_space<vmem>>, vector<16xf32>,
        %gather3A_605 = tpu.vector_load_idx %arg11[%get3A_599] : memref<10000xf32, #tpu.memory_space<vmem>>[vector<16xi32>], vector<16xf32>,
        %mul3A_606 = arith.mulf %get3A_604, %gather3A_605 : vector<16xf32>
        %mul3A_607 = arith.constant 16 : i32
        %mul3A_608 = arith.muli %scan3A_594, %mul3A_607 : i32
        %add3A_609 = arith.addi %mul3A_373, %mul3A_608 : i32
        %swap3A_610 = arith.index_cast %add3A_609 : i32 to index
        %swap3A_611 = tpu.vector_load %arg17[%swap3A_610] {strides = array<i32>} : memref<8784xf32, #tpu.memory_space<vmem>>, vector<16xf32>,
        tpu.vector_store %arg17[%swap3A_610], %mul3A_606 {strides = array<i32>} : memref<8784xf32, #tpu.memory_space<vmem>>, vector<16xf32>,
        %scan3A_612 = arith.constant 4 : i32
        %scan3A_613 = arith.addi %scan3A_537, %scan3A_612 : i32
        %mul3A_614 = arith.constant 16 : i32
        %mul3A_615 = arith.muli %scan3A_613, %mul3A_614 : i32
        %add3A_616 = arith.addi %mul3A_373, %mul3A_615 : i32
        %get3A_617 = arith.index_cast %add3A_616 : i32 to index
        %get3A_618 = tpu.vector_load %arg15[%get3A_617] {strides = array<i32>} : memref<8784xi32, #tpu.memory_space<vmem>>, vector<16xi32>,
        %mul3A_619 = arith.constant 16 : i32
        %mul3A_620 = arith.muli %scan3A_613, %mul3A_619 : i32
        %add3A_621 = arith.addi %mul3A_373, %mul3A_620 : i32
        %get3A_622 = arith.index_cast %add3A_621 : i32 to index
        %get3A_623 = tpu.vector_load %arg14[%get3A_622] {strides = array<i32>} : memref<8784xf32, #tpu.memory_space<vmem>>, vector<16xf32>,
        %gather3A_624 = tpu.vector_load_idx %arg11[%get3A_618] : memref<10000xf32, #tpu.memory_space<vmem>>[vector<16xi32>], vector<16xf32>,
        %mul3A_625 = arith.mulf %get3A_623, %gather3A_624 : vector<16xf32>
        %mul3A_626 = arith.constant 16 : i32
        %mul3A_627 = arith.muli %scan3A_613, %mul3A_626 : i32
        %add3A_628 = arith.addi %mul3A_373, %mul3A_627 : i32
        %swap3A_629 = arith.index_cast %add3A_628 : i32 to index
        %swap3A_630 = tpu.vector_load %arg17[%swap3A_629] {strides = array<i32>} : memref<8784xf32, #tpu.memory_space<vmem>>, vector<16xf32>,
        tpu.vector_store %arg17[%swap3A_629], %mul3A_625 {strides = array<i32>} : memref<8784xf32, #tpu.memory_space<vmem>>, vector<16xf32>,
        %scan3A_631 = arith.constant 5 : i32
        %scan3A_632 = arith.addi %scan3A_537, %scan3A_631 : i32
        %mul3A_633 = arith.constant 16 : i32
        %mul3A_634 = arith.muli %scan3A_632, %mul3A_633 : i32
        %add3A_635 = arith.addi %mul3A_373, %mul3A_634 : i32
        %get3A_636 = arith.index_cast %add3A_635 : i32 to index
        %get3A_637 = tpu.vector_load %arg15[%get3A_636] {strides = array<i32>} : memref<8784xi32, #tpu.memory_space<vmem>>, vector<16xi32>,
        %mul3A_638 = arith.constant 16 : i32
        %mul3A_639 = arith.muli %scan3A_632, %mul3A_638 : i32
        %add3A_640 = arith.addi %mul3A_373, %mul3A_639 : i32
        %get3A_641 = arith.index_cast %add3A_640 : i32 to index
        %get3A_642 = tpu.vector_load %arg14[%get3A_641] {strides = array<i32>} : memref<8784xf32, #tpu.memory_space<vmem>>, vector<16xf32>,
        %gather3A_643 = tpu.vector_load_idx %arg11[%get3A_637] : memref<10000xf32, #tpu.memory_space<vmem>>[vector<16xi32>], vector<16xf32>,
        %mul3A_644 = arith.mulf %get3A_642, %gather3A_643 : vector<16xf32>
        %mul3A_645 = arith.constant 16 : i32
        %mul3A_646 = arith.muli %scan3A_632, %mul3A_645 : i32
        %add3A_647 = arith.addi %mul3A_373, %mul3A_646 : i32
        %swap3A_648 = arith.index_cast %add3A_647 : i32 to index
        %swap3A_649 = tpu.vector_load %arg17[%swap3A_648] {strides = array<i32>} : memref<8784xf32, #tpu.memory_space<vmem>>, vector<16xf32>,
        tpu.vector_store %arg17[%swap3A_648], %mul3A_644 {strides = array<i32>} : memref<8784xf32, #tpu.memory_space<vmem>>, vector<16xf32>,
        %scan3A_650 = arith.constant 6 : i32
        %scan3A_651 = arith.addi %scan3A_537, %scan3A_650 : i32
        %mul3A_652 = arith.constant 16 : i32
        %mul3A_653 = arith.muli %scan3A_651, %mul3A_652 : i32
        %add3A_654 = arith.addi %mul3A_373, %mul3A_653 : i32
        %get3A_655 = arith.index_cast %add3A_654 : i32 to index
        %get3A_656 = tpu.vector_load %arg15[%get3A_655] {strides = array<i32>} : memref<8784xi32, #tpu.memory_space<vmem>>, vector<16xi32>,
        %mul3A_657 = arith.constant 16 : i32
        %mul3A_658 = arith.muli %scan3A_651, %mul3A_657 : i32
        %add3A_659 = arith.addi %mul3A_373, %mul3A_658 : i32
        %get3A_660 = arith.index_cast %add3A_659 : i32 to index
        %get3A_661 = tpu.vector_load %arg14[%get3A_660] {strides = array<i32>} : memref<8784xf32, #tpu.memory_space<vmem>>, vector<16xf32>,
        %gather3A_662 = tpu.vector_load_idx %arg11[%get3A_656] : memref<10000xf32, #tpu.memory_space<vmem>>[vector<16xi32>], vector<16xf32>,
        %mul3A_663 = arith.mulf %get3A_661, %gather3A_662 : vector<16xf32>
        %mul3A_664 = arith.constant 16 : i32
        %mul3A_665 = arith.muli %scan3A_651, %mul3A_664 : i32
        %add3A_666 = arith.addi %mul3A_373, %mul3A_665 : i32
        %swap3A_667 = arith.index_cast %add3A_666 : i32 to index
        %swap3A_668 = tpu.vector_load %arg17[%swap3A_667] {strides = array<i32>} : memref<8784xf32, #tpu.memory_space<vmem>>, vector<16xf32>,
        tpu.vector_store %arg17[%swap3A_667], %mul3A_663 {strides = array<i32>} : memref<8784xf32, #tpu.memory_space<vmem>>, vector<16xf32>,
        %scan3A_669 = arith.constant 7 : i32
        %scan3A_670 = arith.addi %scan3A_537, %scan3A_669 : i32
        %mul3A_671 = arith.constant 16 : i32
        %mul3A_672 = arith.muli %scan3A_670, %mul3A_671 : i32
        %add3A_673 = arith.addi %mul3A_373, %mul3A_672 : i32
        %get3A_674 = arith.index_cast %add3A_673 : i32 to index
        %get3A_675 = tpu.vector_load %arg15[%get3A_674] {strides = array<i32>} : memref<8784xi32, #tpu.memory_space<vmem>>, vector<16xi32>,
        %mul3A_676 = arith.constant 16 : i32
        %mul3A_677 = arith.muli %scan3A_670, %mul3A_676 : i32
        %add3A_678 = arith.addi %mul3A_373, %mul3A_677 : i32
        %get3A_679 = arith.index_cast %add3A_678 : i32 to index
        %get3A_680 = tpu.vector_load %arg14[%get3A_679] {strides = array<i32>} : memref<8784xf32, #tpu.memory_space<vmem>>, vector<16xf32>,
        %gather3A_681 = tpu.vector_load_idx %arg11[%get3A_675] : memref<10000xf32, #tpu.memory_space<vmem>>[vector<16xi32>], vector<16xf32>,
        %mul3A_682 = arith.mulf %get3A_680, %gather3A_681 : vector<16xf32>
        %mul3A_683 = arith.constant 16 : i32
        %mul3A_684 = arith.muli %scan3A_670, %mul3A_683 : i32
        %add3A_685 = arith.addi %mul3A_373, %mul3A_684 : i32
        %swap3A_686 = arith.index_cast %add3A_685 : i32 to index
        %swap3A_687 = tpu.vector_load %arg17[%swap3A_686] {strides = array<i32>} : memref<8784xf32, #tpu.memory_space<vmem>>, vector<16xf32>,
        tpu.vector_store %arg17[%swap3A_686], %mul3A_682 {strides = array<i32>} : memref<8784xf32, #tpu.memory_space<vmem>>, vector<16xf32>,
      }
      %scan3A_408 = arith.constant 128 : i32
      %add3A_409 = arith.constant 0 : i32
      %add3A_410 = arith.addi %mul3A_373, %add3A_409 : i32
      %add3A_411 = arith.constant 0 : i32
      %add3A_412 = arith.addi %mul3A_373, %add3A_411 : i32
      %dma_start3A_413 = tpu.memref_slice %arg17[%add3A_410] : memref<8784xf32, #tpu.memory_space<vmem>> -> memref<128xf32, #tpu.memory_space<vmem>>
      %dma_start3A_414 = tpu.memref_slice %arg16[%add3A_412] : memref<8784xi32, #tpu.memory_space<vmem>> -> memref<128xi32, #tpu.memory_space<vmem>>
      %dma_start3A_415 = arith.constant 0 : i32
      %dma_start3A_416 = tpu.memref_slice %arg30[%dma_start3A_415] : memref<100352xf32, #tpu.memory_space<vmem_shared>> -> memref<100352xf32, #tpu.memory_space<vmem_shared>>
      tpu.enqueue_indirect_dma source(%dma_start3A_413 : memref<128xf32, #tpu.memory_space<vmem>>) target(%dma_start3A_416 : memref<100352xf32, #tpu.memory_space<vmem_shared>>) offsets(%dma_start3A_414 : memref<128xi32, #tpu.memory_space<vmem>>) semaphore(%arg26 : memref<!tpu.dma_semaphore, #tpu.memory_space<semaphore_mem>>) {add = true}
      %add3A_417 = arith.constant 128 : i32
      %add3A_418 = arith.addi %mul3A_373, %add3A_417 : i32
      %add3A_419 = arith.constant 128 : i32
      %add3A_420 = arith.addi %mul3A_373, %add3A_419 : i32
      %dma_start3A_421 = tpu.memref_slice %arg17[%add3A_418] : memref<8784xf32, #tpu.memory_space<vmem>> -> memref<128xf32, #tpu.memory_space<vmem>>
      %dma_start3A_422 = tpu.memref_slice %arg16[%add3A_420] : memref<8784xi32, #tpu.memory_space<vmem>> -> memref<128xi32, #tpu.memory_space<vmem>>
      %dma_start3A_423 = arith.constant 0 : i32
      %dma_start3A_424 = tpu.memref_slice %arg30[%dma_start3A_423] : memref<100352xf32, #tpu.memory_space<vmem_shared>> -> memref<100352xf32, #tpu.memory_space<vmem_shared>>
      tpu.enqueue_indirect_dma source(%dma_start3A_421 : memref<128xf32, #tpu.memory_space<vmem>>) target(%dma_start3A_424 : memref<100352xf32, #tpu.memory_space<vmem_shared>>) offsets(%dma_start3A_422 : memref<128xi32, #tpu.memory_space<vmem>>) semaphore(%arg26 : memref<!tpu.dma_semaphore, #tpu.memory_space<semaphore_mem>>) {add = true}
      %add3A_425 = arith.constant 256 : i32
      %add3A_426 = arith.addi %mul3A_373, %add3A_425 : i32
      %add3A_427 = arith.constant 256 : i32
      %add3A_428 = arith.addi %mul3A_373, %add3A_427 : i32
      %dma_start3A_429 = tpu.memref_slice %arg17[%add3A_426] : memref<8784xf32, #tpu.memory_space<vmem>> -> memref<128xf32, #tpu.memory_space<vmem>>
      %dma_start3A_430 = tpu.memref_slice %arg16[%add3A_428] : memref<8784xi32, #tpu.memory_space<vmem>> -> memref<128xi32, #tpu.memory_space<vmem>>
      %dma_start3A_431 = arith.constant 0 : i32
      %dma_start3A_432 = tpu.memref_slice %arg30[%dma_start3A_431] : memref<100352xf32, #tpu.memory_space<vmem_shared>> -> memref<100352xf32, #tpu.memory_space<vmem_shared>>
      tpu.enqueue_indirect_dma source(%dma_start3A_429 : memref<128xf32, #tpu.memory_space<vmem>>) target(%dma_start3A_432 : memref<100352xf32, #tpu.memory_space<vmem_shared>>) offsets(%dma_start3A_430 : memref<128xi32, #tpu.memory_space<vmem>>) semaphore(%arg26 : memref<!tpu.dma_semaphore, #tpu.memory_space<semaphore_mem>>) {add = true}
      %add3A_433 = arith.constant 384 : i32
      %add3A_434 = arith.addi %mul3A_373, %add3A_433 : i32
      %add3A_435 = arith.constant 384 : i32
      %add3A_436 = arith.addi %mul3A_373, %add3A_435 : i32
      %dma_start3A_437 = tpu.memref_slice %arg17[%add3A_434] : memref<8784xf32, #tpu.memory_space<vmem>> -> memref<128xf32, #tpu.memory_space<vmem>>
      %dma_start3A_438 = tpu.memref_slice %arg16[%add3A_436] : memref<8784xi32, #tpu.memory_space<vmem>> -> memref<128xi32, #tpu.memory_space<vmem>>
      %dma_start3A_439 = arith.constant 0 : i32
      %dma_start3A_440 = tpu.memref_slice %arg30[%dma_start3A_439] : memref<100352xf32, #tpu.memory_space<vmem_shared>> -> memref<100352xf32, #tpu.memory_space<vmem_shared>>
      tpu.enqueue_indirect_dma source(%dma_start3A_437 : memref<128xf32, #tpu.memory_space<vmem>>) target(%dma_start3A_440 : memref<100352xf32, #tpu.memory_space<vmem_shared>>) offsets(%dma_start3A_438 : memref<128xi32, #tpu.memory_space<vmem>>) semaphore(%arg26 : memref<!tpu.dma_semaphore, #tpu.memory_space<semaphore_mem>>) {add = true}
      %add3A_441 = arith.constant 512 : i32
      %add3A_442 = arith.addi %mul3A_373, %add3A_441 : i32
      %add3A_443 = arith.constant 512 : i32
      %add3A_444 = arith.addi %mul3A_373, %add3A_443 : i32
      %dma_start3A_445 = tpu.memref_slice %arg17[%add3A_442] : memref<8784xf32, #tpu.memory_space<vmem>> -> memref<128xf32, #tpu.memory_space<vmem>>
      %dma_start3A_446 = tpu.memref_slice %arg16[%add3A_444] : memref<8784xi32, #tpu.memory_space<vmem>> -> memref<128xi32, #tpu.memory_space<vmem>>
      %dma_start3A_447 = arith.constant 0 : i32
      %dma_start3A_448 = tpu.memref_slice %arg30[%dma_start3A_447] : memref<100352xf32, #tpu.memory_space<vmem_shared>> -> memref<100352xf32, #tpu.memory_space<vmem_shared>>
      tpu.enqueue_indirect_dma source(%dma_start3A_445 : memref<128xf32, #tpu.memory_space<vmem>>) target(%dma_start3A_448 : memref<100352xf32, #tpu.memory_space<vmem_shared>>) offsets(%dma_start3A_446 : memref<128xi32, #tpu.memory_space<vmem>>) semaphore(%arg26 : memref<!tpu.dma_semaphore, #tpu.memory_space<semaphore_mem>>) {add = true}
      %add3A_449 = arith.constant 640 : i32
      %add3A_450 = arith.addi %mul3A_373, %add3A_449 : i32
      %add3A_451 = arith.constant 640 : i32
      %add3A_452 = arith.addi %mul3A_373, %add3A_451 : i32
      %dma_start3A_453 = tpu.memref_slice %arg17[%add3A_450] : memref<8784xf32, #tpu.memory_space<vmem>> -> memref<128xf32, #tpu.memory_space<vmem>>
      %dma_start3A_454 = tpu.memref_slice %arg16[%add3A_452] : memref<8784xi32, #tpu.memory_space<vmem>> -> memref<128xi32, #tpu.memory_space<vmem>>
      %dma_start3A_455 = arith.constant 0 : i32
      %dma_start3A_456 = tpu.memref_slice %arg30[%dma_start3A_455] : memref<100352xf32, #tpu.memory_space<vmem_shared>> -> memref<100352xf32, #tpu.memory_space<vmem_shared>>
      tpu.enqueue_indirect_dma source(%dma_start3A_453 : memref<128xf32, #tpu.memory_space<vmem>>) target(%dma_start3A_456 : memref<100352xf32, #tpu.memory_space<vmem_shared>>) offsets(%dma_start3A_454 : memref<128xi32, #tpu.memory_space<vmem>>) semaphore(%arg26 : memref<!tpu.dma_semaphore, #tpu.memory_space<semaphore_mem>>) {add = true}
      %add3A_457 = arith.constant 768 : i32
      %add3A_458 = arith.addi %mul3A_373, %add3A_457 : i32
      %add3A_459 = arith.constant 768 : i32
      %add3A_460 = arith.addi %mul3A_373, %add3A_459 : i32
      %dma_start3A_461 = tpu.memref_slice %arg17[%add3A_458] : memref<8784xf32, #tpu.memory_space<vmem>> -> memref<128xf32, #tpu.memory_space<vmem>>
      %dma_start3A_462 = tpu.memref_slice %arg16[%add3A_460] : memref<8784xi32, #tpu.memory_space<vmem>> -> memref<128xi32, #tpu.memory_space<vmem>>
      %dma_start3A_463 = arith.constant 0 : i32
      %dma_start3A_464 = tpu.memref_slice %arg30[%dma_start3A_463] : memref<100352xf32, #tpu.memory_space<vmem_shared>> -> memref<100352xf32, #tpu.memory_space<vmem_shared>>
      tpu.enqueue_indirect_dma source(%dma_start3A_461 : memref<128xf32, #tpu.memory_space<vmem>>) target(%dma_start3A_464 : memref<100352xf32, #tpu.memory_space<vmem_shared>>) offsets(%dma_start3A_462 : memref<128xi32, #tpu.memory_space<vmem>>) semaphore(%arg26 : memref<!tpu.dma_semaphore, #tpu.memory_space<semaphore_mem>>) {add = true}
      %add3A_465 = arith.constant 896 : i32
      %add3A_466 = arith.addi %mul3A_373, %add3A_465 : i32
      %add3A_467 = arith.constant 896 : i32
      %add3A_468 = arith.addi %mul3A_373, %add3A_467 : i32
      %dma_start3A_469 = tpu.memref_slice %arg17[%add3A_466] : memref<8784xf32, #tpu.memory_space<vmem>> -> memref<128xf32, #tpu.memory_space<vmem>>
      %dma_start3A_470 = tpu.memref_slice %arg16[%add3A_468] : memref<8784xi32, #tpu.memory_space<vmem>> -> memref<128xi32, #tpu.memory_space<vmem>>
      %dma_start3A_471 = arith.constant 0 : i32
      %dma_start3A_472 = tpu.memref_slice %arg30[%dma_start3A_471] : memref<100352xf32, #tpu.memory_space<vmem_shared>> -> memref<100352xf32, #tpu.memory_space<vmem_shared>>
      tpu.enqueue_indirect_dma source(%dma_start3A_469 : memref<128xf32, #tpu.memory_space<vmem>>) target(%dma_start3A_472 : memref<100352xf32, #tpu.memory_space<vmem_shared>>) offsets(%dma_start3A_470 : memref<128xi32, #tpu.memory_space<vmem>>) semaphore(%arg26 : memref<!tpu.dma_semaphore, #tpu.memory_space<semaphore_mem>>) {add = true}
      %add3A_473 = arith.constant 1024 : i32
      %add3A_474 = arith.addi %mul3A_373, %add3A_473 : i32
      %add3A_475 = arith.constant 1024 : i32
      %add3A_476 = arith.addi %mul3A_373, %add3A_475 : i32
      %dma_start3A_477 = tpu.memref_slice %arg17[%add3A_474] : memref<8784xf32, #tpu.memory_space<vmem>> -> memref<128xf32, #tpu.memory_space<vmem>>
      %dma_start3A_478 = tpu.memref_slice %arg16[%add3A_476] : memref<8784xi32, #tpu.memory_space<vmem>> -> memref<128xi32, #tpu.memory_space<vmem>>
      %dma_start3A_479 = arith.constant 0 : i32
      %dma_start3A_480 = tpu.memref_slice %arg30[%dma_start3A_479] : memref<100352xf32, #tpu.memory_space<vmem_shared>> -> memref<100352xf32, #tpu.memory_space<vmem_shared>>
      tpu.enqueue_indirect_dma source(%dma_start3A_477 : memref<128xf32, #tpu.memory_space<vmem>>) target(%dma_start3A_480 : memref<100352xf32, #tpu.memory_space<vmem_shared>>) offsets(%dma_start3A_478 : memref<128xi32, #tpu.memory_space<vmem>>) semaphore(%arg26 : memref<!tpu.dma_semaphore, #tpu.memory_space<semaphore_mem>>) {add = true}
      %add3A_481 = arith.constant 1152 : i32
      %add3A_482 = arith.addi %mul3A_373, %add3A_481 : i32
      %add3A_483 = arith.constant 1152 : i32
      %add3A_484 = arith.addi %mul3A_373, %add3A_483 : i32
      %dma_start3A_485 = tpu.memref_slice %arg17[%add3A_482] : memref<8784xf32, #tpu.memory_space<vmem>> -> memref<128xf32, #tpu.memory_space<vmem>>
      %dma_start3A_486 = tpu.memref_slice %arg16[%add3A_484] : memref<8784xi32, #tpu.memory_space<vmem>> -> memref<128xi32, #tpu.memory_space<vmem>>
      %dma_start3A_487 = arith.constant 0 : i32
      %dma_start3A_488 = tpu.memref_slice %arg30[%dma_start3A_487] : memref<100352xf32, #tpu.memory_space<vmem_shared>> -> memref<100352xf32, #tpu.memory_space<vmem_shared>>
      tpu.enqueue_indirect_dma source(%dma_start3A_485 : memref<128xf32, #tpu.memory_space<vmem>>) target(%dma_start3A_488 : memref<100352xf32, #tpu.memory_space<vmem_shared>>) offsets(%dma_start3A_486 : memref<128xi32, #tpu.memory_space<vmem>>) semaphore(%arg26 : memref<!tpu.dma_semaphore, #tpu.memory_space<semaphore_mem>>) {add = true}
      %add3A_489 = arith.constant 1280 : i32
      %add3A_490 = arith.addi %mul3A_373, %add3A_489 : i32
      %add3A_491 = arith.constant 1280 : i32
      %add3A_492 = arith.addi %mul3A_373, %add3A_491 : i32
      %dma_start3A_493 = tpu.memref_slice %arg17[%add3A_490] : memref<8784xf32, #tpu.memory_space<vmem>> -> memref<128xf32, #tpu.memory_space<vmem>>
      %dma_start3A_494 = tpu.memref_slice %arg16[%add3A_492] : memref<8784xi32, #tpu.memory_space<vmem>> -> memref<128xi32, #tpu.memory_space<vmem>>
      %dma_start3A_495 = arith.constant 0 : i32
      %dma_start3A_496 = tpu.memref_slice %arg30[%dma_start3A_495] : memref<100352xf32, #tpu.memory_space<vmem_shared>> -> memref<100352xf32, #tpu.memory_space<vmem_shared>>
      tpu.enqueue_indirect_dma source(%dma_start3A_493 : memref<128xf32, #tpu.memory_space<vmem>>) target(%dma_start3A_496 : memref<100352xf32, #tpu.memory_space<vmem_shared>>) offsets(%dma_start3A_494 : memref<128xi32, #tpu.memory_space<vmem>>) semaphore(%arg26 : memref<!tpu.dma_semaphore, #tpu.memory_space<semaphore_mem>>) {add = true}
      %add3A_497 = arith.constant 1408 : i32
      %add3A_498 = arith.addi %mul3A_373, %add3A_497 : i32
      %add3A_499 = arith.constant 1408 : i32
      %add3A_500 = arith.addi %mul3A_373, %add3A_499 : i32
      %dma_start3A_501 = tpu.memref_slice %arg17[%add3A_498] : memref<8784xf32, #tpu.memory_space<vmem>> -> memref<128xf32, #tpu.memory_space<vmem>>
      %dma_start3A_502 = tpu.memref_slice %arg16[%add3A_500] : memref<8784xi32, #tpu.memory_space<vmem>> -> memref<128xi32, #tpu.memory_space<vmem>>
      %dma_start3A_503 = arith.constant 0 : i32
      %dma_start3A_504 = tpu.memref_slice %arg30[%dma_start3A_503] : memref<100352xf32, #tpu.memory_space<vmem_shared>> -> memref<100352xf32, #tpu.memory_space<vmem_shared>>
      tpu.enqueue_indirect_dma source(%dma_start3A_501 : memref<128xf32, #tpu.memory_space<vmem>>) target(%dma_start3A_504 : memref<100352xf32, #tpu.memory_space<vmem_shared>>) offsets(%dma_start3A_502 : memref<128xi32, #tpu.memory_space<vmem>>) semaphore(%arg26 : memref<!tpu.dma_semaphore, #tpu.memory_space<semaphore_mem>>) {add = true}
      %add3A_505 = arith.constant 1536 : i32
      %add3A_506 = arith.addi %mul3A_373, %add3A_505 : i32
      %add3A_507 = arith.constant 1536 : i32
      %add3A_508 = arith.addi %mul3A_373, %add3A_507 : i32
      %dma_start3A_509 = tpu.memref_slice %arg17[%add3A_506] : memref<8784xf32, #tpu.memory_space<vmem>> -> memref<128xf32, #tpu.memory_space<vmem>>
      %dma_start3A_510 = tpu.memref_slice %arg16[%add3A_508] : memref<8784xi32, #tpu.memory_space<vmem>> -> memref<128xi32, #tpu.memory_space<vmem>>
      %dma_start3A_511 = arith.constant 0 : i32
      %dma_start3A_512 = tpu.memref_slice %arg30[%dma_start3A_511] : memref<100352xf32, #tpu.memory_space<vmem_shared>> -> memref<100352xf32, #tpu.memory_space<vmem_shared>>
      tpu.enqueue_indirect_dma source(%dma_start3A_509 : memref<128xf32, #tpu.memory_space<vmem>>) target(%dma_start3A_512 : memref<100352xf32, #tpu.memory_space<vmem_shared>>) offsets(%dma_start3A_510 : memref<128xi32, #tpu.memory_space<vmem>>) semaphore(%arg26 : memref<!tpu.dma_semaphore, #tpu.memory_space<semaphore_mem>>) {add = true}
      %add3A_513 = arith.constant 1664 : i32
      %add3A_514 = arith.addi %mul3A_373, %add3A_513 : i32
      %add3A_515 = arith.constant 1664 : i32
      %add3A_516 = arith.addi %mul3A_373, %add3A_515 : i32
      %dma_start3A_517 = tpu.memref_slice %arg17[%add3A_514] : memref<8784xf32, #tpu.memory_space<vmem>> -> memref<128xf32, #tpu.memory_space<vmem>>
      %dma_start3A_518 = tpu.memref_slice %arg16[%add3A_516] : memref<8784xi32, #tpu.memory_space<vmem>> -> memref<128xi32, #tpu.memory_space<vmem>>
      %dma_start3A_519 = arith.constant 0 : i32
      %dma_start3A_520 = tpu.memref_slice %arg30[%dma_start3A_519] : memref<100352xf32, #tpu.memory_space<vmem_shared>> -> memref<100352xf32, #tpu.memory_space<vmem_shared>>
      tpu.enqueue_indirect_dma source(%dma_start3A_517 : memref<128xf32, #tpu.memory_space<vmem>>) target(%dma_start3A_520 : memref<100352xf32, #tpu.memory_space<vmem_shared>>) offsets(%dma_start3A_518 : memref<128xi32, #tpu.memory_space<vmem>>) semaphore(%arg26 : memref<!tpu.dma_semaphore, #tpu.memory_space<semaphore_mem>>) {add = true}
      %add3A_521 = arith.constant 1792 : i32
      %add3A_522 = arith.addi %mul3A_373, %add3A_521 : i32
      %add3A_523 = arith.constant 1792 : i32
      %add3A_524 = arith.addi %mul3A_373, %add3A_523 : i32
      %dma_start3A_525 = tpu.memref_slice %arg17[%add3A_522] : memref<8784xf32, #tpu.memory_space<vmem>> -> memref<128xf32, #tpu.memory_space<vmem>>
      %dma_start3A_526 = tpu.memref_slice %arg16[%add3A_524] : memref<8784xi32, #tpu.memory_space<vmem>> -> memref<128xi32, #tpu.memory_space<vmem>>
      %dma_start3A_527 = arith.constant 0 : i32
      %dma_start3A_528 = tpu.memref_slice %arg30[%dma_start3A_527] : memref<100352xf32, #tpu.memory_space<vmem_shared>> -> memref<100352xf32, #tpu.memory_space<vmem_shared>>
      tpu.enqueue_indirect_dma source(%dma_start3A_525 : memref<128xf32, #tpu.memory_space<vmem>>) target(%dma_start3A_528 : memref<100352xf32, #tpu.memory_space<vmem_shared>>) offsets(%dma_start3A_526 : memref<128xi32, #tpu.memory_space<vmem>>) semaphore(%arg26 : memref<!tpu.dma_semaphore, #tpu.memory_space<semaphore_mem>>) {add = true}
      %add3A_529 = arith.constant 1920 : i32
      %add3A_530 = arith.addi %mul3A_373, %add3A_529 : i32
      %add3A_531 = arith.constant 1920 : i32
      %add3A_532 = arith.addi %mul3A_373, %add3A_531 : i32
      %dma_start3A_533 = tpu.memref_slice %arg17[%add3A_530] : memref<8784xf32, #tpu.memory_space<vmem>> -> memref<128xf32, #tpu.memory_space<vmem>>
      %dma_start3A_534 = tpu.memref_slice %arg16[%add3A_532] : memref<8784xi32, #tpu.memory_space<vmem>> -> memref<128xi32, #tpu.memory_space<vmem>>
      %dma_start3A_535 = arith.constant 0 : i32
      %dma_start3A_536 = tpu.memref_slice %arg30[%dma_start3A_535] : memref<100352xf32, #tpu.memory_space<vmem_shared>> -> memref<100352xf32, #tpu.memory_space<vmem_shared>>
      tpu.enqueue_indirect_dma source(%dma_start3A_533 : memref<128xf32, #tpu.memory_space<vmem>>) target(%dma_start3A_536 : memref<100352xf32, #tpu.memory_space<vmem_shared>>) offsets(%dma_start3A_534 : memref<128xi32, #tpu.memory_space<vmem>>) semaphore(%arg26 : memref<!tpu.dma_semaphore, #tpu.memory_space<semaphore_mem>>) {add = true}
    }
    %scan3A_159 = arith.constant 15 : i32
    %scan3A_160 = arith.constant 0 : i32
    %scan3A_161 = arith.constant 0 : i32
    %scan3A_162 = arith.constant 64 : i32
    %scan3A_163 = arith.addi %scan3A_161, %scan3A_162 : i32
    %scan3A_164 = arith.constant 1 : i32
    scf.for %scan3A_359 = %scan3A_161 to %scan3A_163 step %scan3A_164  : i32 {
      %dma_wait3A_360 = arith.constant 0 : i32
      %dma_wait3A_361 = tpu.memref_slice %arg24[%dma_wait3A_360] : memref<128xf32, #tpu.memory_space<vmem>> -> memref<128xf32, #tpu.memory_space<vmem>>
      %dma_wait3A_362 = arith.constant 0 : i32
      %dma_wait3A_363 = tpu.memref_slice %arg2[%dma_wait3A_362] : memref<10000xf32, #tpu.memory_space<hbm>> -> memref<128xf32, #tpu.memory_space<hbm>>
      %dma_wait3A_364 = arith.constant 0 : i32
      %dma_wait3A_365 = tpu.memref_slice %arg24[%dma_wait3A_364] : memref<128xf32, #tpu.memory_space<vmem>> -> memref<128xf32, #tpu.memory_space<vmem>>
      %dma_wait3A_366 = arith.constant 0 : i32
      %dma_wait3A_367 = tpu.memref_slice %arg2[%dma_wait3A_366] : memref<10000xf32, #tpu.memory_space<hbm>> -> memref<128xf32, #tpu.memory_space<hbm>>
      tpu.wait_dma2 semaphore(%arg26 : memref<!tpu.dma_semaphore, #tpu.memory_space<semaphore_mem>>) src(%dma_wait3A_367 : memref<128xf32, #tpu.memory_space<hbm>>) dst(%dma_wait3A_365 : memref<128xf32, #tpu.memory_space<vmem>>)
    }
    %scan3A_165 = arith.constant 64 : i32
    %dma_wait3A = arith.constant 8192 : i32
    %dma_wait3A_166 = tpu.memref_slice %arg14[%dma_wait3A] : memref<8784xf32, #tpu.memory_space<vmem>> -> memref<528xf32, #tpu.memory_space<vmem>>
    %dma_wait3A_167 = arith.constant 0 : i32
    %dma_wait3A_168 = tpu.memref_slice %arg3[%dma_wait3A_167] : memref<1000000xf32, #tpu.memory_space<hbm>> -> memref<528xf32, #tpu.memory_space<hbm>>
    %dma_wait3A_169 = arith.constant 8192 : i32
    %dma_wait3A_170 = tpu.memref_slice %arg14[%dma_wait3A_169] : memref<8784xf32, #tpu.memory_space<vmem>> -> memref<528xf32, #tpu.memory_space<vmem>>
    %dma_wait3A_171 = arith.constant 0 : i32
    %dma_wait3A_172 = tpu.memref_slice %arg3[%dma_wait3A_171] : memref<1000000xf32, #tpu.memory_space<hbm>> -> memref<528xf32, #tpu.memory_space<hbm>>
    tpu.wait_dma2 semaphore(%arg27 : memref<!tpu.dma_semaphore, #tpu.memory_space<semaphore_mem>>) src(%dma_wait3A_172 : memref<528xf32, #tpu.memory_space<hbm>>) dst(%dma_wait3A_170 : memref<528xf32, #tpu.memory_space<vmem>>)
    %dma_wait3A_173 = arith.constant 8192 : i32
    %dma_wait3A_174 = tpu.memref_slice %arg15[%dma_wait3A_173] : memref<8784xi32, #tpu.memory_space<vmem>> -> memref<528xi32, #tpu.memory_space<vmem>>
    %dma_wait3A_175 = arith.constant 0 : i32
    %dma_wait3A_176 = tpu.memref_slice %arg4[%dma_wait3A_175] : memref<1000000xi32, #tpu.memory_space<hbm>> -> memref<528xi32, #tpu.memory_space<hbm>>
    %dma_wait3A_177 = arith.constant 8192 : i32
    %dma_wait3A_178 = tpu.memref_slice %arg15[%dma_wait3A_177] : memref<8784xi32, #tpu.memory_space<vmem>> -> memref<528xi32, #tpu.memory_space<vmem>>
    %dma_wait3A_179 = arith.constant 0 : i32
    %dma_wait3A_180 = tpu.memref_slice %arg4[%dma_wait3A_179] : memref<1000000xi32, #tpu.memory_space<hbm>> -> memref<528xi32, #tpu.memory_space<hbm>>
    tpu.wait_dma2 semaphore(%arg27 : memref<!tpu.dma_semaphore, #tpu.memory_space<semaphore_mem>>) src(%dma_wait3A_180 : memref<528xi32, #tpu.memory_space<hbm>>) dst(%dma_wait3A_178 : memref<528xi32, #tpu.memory_space<vmem>>)
    %dma_wait3A_181 = arith.constant 8192 : i32
    %dma_wait3A_182 = tpu.memref_slice %arg16[%dma_wait3A_181] : memref<8784xi32, #tpu.memory_space<vmem>> -> memref<528xi32, #tpu.memory_space<vmem>>
    %dma_wait3A_183 = arith.constant 0 : i32
    %dma_wait3A_184 = tpu.memref_slice %arg5[%dma_wait3A_183] : memref<1000000xi32, #tpu.memory_space<hbm>> -> memref<528xi32, #tpu.memory_space<hbm>>
    %dma_wait3A_185 = arith.constant 8192 : i32
    %dma_wait3A_186 = tpu.memref_slice %arg16[%dma_wait3A_185] : memref<8784xi32, #tpu.memory_space<vmem>> -> memref<528xi32, #tpu.memory_space<vmem>>
    %dma_wait3A_187 = arith.constant 0 : i32
    %dma_wait3A_188 = tpu.memref_slice %arg5[%dma_wait3A_187] : memref<1000000xi32, #tpu.memory_space<hbm>> -> memref<528xi32, #tpu.memory_space<hbm>>
    tpu.wait_dma2 semaphore(%arg27 : memref<!tpu.dma_semaphore, #tpu.memory_space<semaphore_mem>>) src(%dma_wait3A_188 : memref<528xi32, #tpu.memory_space<hbm>>) dst(%dma_wait3A_186 : memref<528xi32, #tpu.memory_space<vmem>>)
    %scan3A_189 = arith.constant 0 : i32
    %scan3A_190 = arith.constant 0 : i32
    %scan3A_191 = arith.constant 32 : i32
    %scan3A_192 = arith.addi %scan3A_190, %scan3A_191 : i32
    %scan3A_193 = arith.constant 8 : i32
    scf.for %scan3A_359 = %scan3A_190 to %scan3A_192 step %scan3A_193  : i32 {
      %mul3A_360 = arith.constant 16 : i32
      %mul3A_361 = arith.muli %scan3A_359, %mul3A_360 : i32
      %add3A_362 = arith.constant 8192 : i32
      %add3A_363 = arith.addi %add3A_362, %mul3A_361 : i32
      %get3A_364 = arith.index_cast %add3A_363 : i32 to index
      %get3A_365 = tpu.vector_load %arg15[%get3A_364] {strides = array<i32>} : memref<8784xi32, #tpu.memory_space<vmem>>, vector<16xi32>,
      %mul3A_366 = arith.constant 16 : i32
      %mul3A_367 = arith.muli %scan3A_359, %mul3A_366 : i32
      %add3A_368 = arith.constant 8192 : i32
      %add3A_369 = arith.addi %add3A_368, %mul3A_367 : i32
      %get3A_370 = arith.index_cast %add3A_369 : i32 to index
      %get3A_371 = tpu.vector_load %arg14[%get3A_370] {strides = array<i32>} : memref<8784xf32, #tpu.memory_space<vmem>>, vector<16xf32>,
      %gather3A_372 = tpu.vector_load_idx %arg11[%get3A_365] : memref<10000xf32, #tpu.memory_space<vmem>>[vector<16xi32>], vector<16xf32>,
      %mul3A_373 = arith.mulf %get3A_371, %gather3A_372 : vector<16xf32>
      %mul3A_374 = arith.constant 16 : i32
      %mul3A_375 = arith.muli %scan3A_359, %mul3A_374 : i32
      %add3A_376 = arith.constant 8192 : i32
      %add3A_377 = arith.addi %add3A_376, %mul3A_375 : i32
      %swap3A_378 = arith.index_cast %add3A_377 : i32 to index
      %swap3A_379 = tpu.vector_load %arg17[%swap3A_378] {strides = array<i32>} : memref<8784xf32, #tpu.memory_space<vmem>>, vector<16xf32>,
      tpu.vector_store %arg17[%swap3A_378], %mul3A_373 {strides = array<i32>} : memref<8784xf32, #tpu.memory_space<vmem>>, vector<16xf32>,
      %scan3A_380 = arith.constant 1 : i32
      %scan3A_381 = arith.addi %scan3A_359, %scan3A_380 : i32
      %mul3A_382 = arith.constant 16 : i32
      %mul3A_383 = arith.muli %scan3A_381, %mul3A_382 : i32
      %add3A_384 = arith.constant 8192 : i32
      %add3A_385 = arith.addi %add3A_384, %mul3A_383 : i32
      %get3A_386 = arith.index_cast %add3A_385 : i32 to index
      %get3A_387 = tpu.vector_load %arg15[%get3A_386] {strides = array<i32>} : memref<8784xi32, #tpu.memory_space<vmem>>, vector<16xi32>,
      %mul3A_388 = arith.constant 16 : i32
      %mul3A_389 = arith.muli %scan3A_381, %mul3A_388 : i32
      %add3A_390 = arith.constant 8192 : i32
      %add3A_391 = arith.addi %add3A_390, %mul3A_389 : i32
      %get3A_392 = arith.index_cast %add3A_391 : i32 to index
      %get3A_393 = tpu.vector_load %arg14[%get3A_392] {strides = array<i32>} : memref<8784xf32, #tpu.memory_space<vmem>>, vector<16xf32>,
      %gather3A_394 = tpu.vector_load_idx %arg11[%get3A_387] : memref<10000xf32, #tpu.memory_space<vmem>>[vector<16xi32>], vector<16xf32>,
      %mul3A_395 = arith.mulf %get3A_393, %gather3A_394 : vector<16xf32>
      %mul3A_396 = arith.constant 16 : i32
      %mul3A_397 = arith.muli %scan3A_381, %mul3A_396 : i32
      %add3A_398 = arith.constant 8192 : i32
      %add3A_399 = arith.addi %add3A_398, %mul3A_397 : i32
      %swap3A_400 = arith.index_cast %add3A_399 : i32 to index
      %swap3A_401 = tpu.vector_load %arg17[%swap3A_400] {strides = array<i32>} : memref<8784xf32, #tpu.memory_space<vmem>>, vector<16xf32>,
      tpu.vector_store %arg17[%swap3A_400], %mul3A_395 {strides = array<i32>} : memref<8784xf32, #tpu.memory_space<vmem>>, vector<16xf32>,
      %scan3A_402 = arith.constant 2 : i32
      %scan3A_403 = arith.addi %scan3A_359, %scan3A_402 : i32
      %mul3A_404 = arith.constant 16 : i32
      %mul3A_405 = arith.muli %scan3A_403, %mul3A_404 : i32
      %add3A_406 = arith.constant 8192 : i32
      %add3A_407 = arith.addi %add3A_406, %mul3A_405 : i32
      %get3A_408 = arith.index_cast %add3A_407 : i32 to index
      %get3A_409 = tpu.vector_load %arg15[%get3A_408] {strides = array<i32>} : memref<8784xi32, #tpu.memory_space<vmem>>, vector<16xi32>,
      %mul3A_410 = arith.constant 16 : i32
      %mul3A_411 = arith.muli %scan3A_403, %mul3A_410 : i32
      %add3A_412 = arith.constant 8192 : i32
      %add3A_413 = arith.addi %add3A_412, %mul3A_411 : i32
      %get3A_414 = arith.index_cast %add3A_413 : i32 to index
      %get3A_415 = tpu.vector_load %arg14[%get3A_414] {strides = array<i32>} : memref<8784xf32, #tpu.memory_space<vmem>>, vector<16xf32>,
      %gather3A_416 = tpu.vector_load_idx %arg11[%get3A_409] : memref<10000xf32, #tpu.memory_space<vmem>>[vector<16xi32>], vector<16xf32>,
      %mul3A_417 = arith.mulf %get3A_415, %gather3A_416 : vector<16xf32>
      %mul3A_418 = arith.constant 16 : i32
      %mul3A_419 = arith.muli %scan3A_403, %mul3A_418 : i32
      %add3A_420 = arith.constant 8192 : i32
      %add3A_421 = arith.addi %add3A_420, %mul3A_419 : i32
      %swap3A_422 = arith.index_cast %add3A_421 : i32 to index
      %swap3A_423 = tpu.vector_load %arg17[%swap3A_422] {strides = array<i32>} : memref<8784xf32, #tpu.memory_space<vmem>>, vector<16xf32>,
      tpu.vector_store %arg17[%swap3A_422], %mul3A_417 {strides = array<i32>} : memref<8784xf32, #tpu.memory_space<vmem>>, vector<16xf32>,
      %scan3A_424 = arith.constant 3 : i32
      %scan3A_425 = arith.addi %scan3A_359, %scan3A_424 : i32
      %mul3A_426 = arith.constant 16 : i32
      %mul3A_427 = arith.muli %scan3A_425, %mul3A_426 : i32
      %add3A_428 = arith.constant 8192 : i32
      %add3A_429 = arith.addi %add3A_428, %mul3A_427 : i32
      %get3A_430 = arith.index_cast %add3A_429 : i32 to index
      %get3A_431 = tpu.vector_load %arg15[%get3A_430] {strides = array<i32>} : memref<8784xi32, #tpu.memory_space<vmem>>, vector<16xi32>,
      %mul3A_432 = arith.constant 16 : i32
      %mul3A_433 = arith.muli %scan3A_425, %mul3A_432 : i32
      %add3A_434 = arith.constant 8192 : i32
      %add3A_435 = arith.addi %add3A_434, %mul3A_433 : i32
      %get3A_436 = arith.index_cast %add3A_435 : i32 to index
      %get3A_437 = tpu.vector_load %arg14[%get3A_436] {strides = array<i32>} : memref<8784xf32, #tpu.memory_space<vmem>>, vector<16xf32>,
      %gather3A_438 = tpu.vector_load_idx %arg11[%get3A_431] : memref<10000xf32, #tpu.memory_space<vmem>>[vector<16xi32>], vector<16xf32>,
      %mul3A_439 = arith.mulf %get3A_437, %gather3A_438 : vector<16xf32>
      %mul3A_440 = arith.constant 16 : i32
      %mul3A_441 = arith.muli %scan3A_425, %mul3A_440 : i32
      %add3A_442 = arith.constant 8192 : i32
      %add3A_443 = arith.addi %add3A_442, %mul3A_441 : i32
      %swap3A_444 = arith.index_cast %add3A_443 : i32 to index
      %swap3A_445 = tpu.vector_load %arg17[%swap3A_444] {strides = array<i32>} : memref<8784xf32, #tpu.memory_space<vmem>>, vector<16xf32>,
      tpu.vector_store %arg17[%swap3A_444], %mul3A_439 {strides = array<i32>} : memref<8784xf32, #tpu.memory_space<vmem>>, vector<16xf32>,
      %scan3A_446 = arith.constant 4 : i32
      %scan3A_447 = arith.addi %scan3A_359, %scan3A_446 : i32
      %mul3A_448 = arith.constant 16 : i32
      %mul3A_449 = arith.muli %scan3A_447, %mul3A_448 : i32
      %add3A_450 = arith.constant 8192 : i32
      %add3A_451 = arith.addi %add3A_450, %mul3A_449 : i32
      %get3A_452 = arith.index_cast %add3A_451 : i32 to index
      %get3A_453 = tpu.vector_load %arg15[%get3A_452] {strides = array<i32>} : memref<8784xi32, #tpu.memory_space<vmem>>, vector<16xi32>,
      %mul3A_454 = arith.constant 16 : i32
      %mul3A_455 = arith.muli %scan3A_447, %mul3A_454 : i32
      %add3A_456 = arith.constant 8192 : i32
      %add3A_457 = arith.addi %add3A_456, %mul3A_455 : i32
      %get3A_458 = arith.index_cast %add3A_457 : i32 to index
      %get3A_459 = tpu.vector_load %arg14[%get3A_458] {strides = array<i32>} : memref<8784xf32, #tpu.memory_space<vmem>>, vector<16xf32>,
      %gather3A_460 = tpu.vector_load_idx %arg11[%get3A_453] : memref<10000xf32, #tpu.memory_space<vmem>>[vector<16xi32>], vector<16xf32>,
      %mul3A_461 = arith.mulf %get3A_459, %gather3A_460 : vector<16xf32>
      %mul3A_462 = arith.constant 16 : i32
      %mul3A_463 = arith.muli %scan3A_447, %mul3A_462 : i32
      %add3A_464 = arith.constant 8192 : i32
      %add3A_465 = arith.addi %add3A_464, %mul3A_463 : i32
      %swap3A_466 = arith.index_cast %add3A_465 : i32 to index
      %swap3A_467 = tpu.vector_load %arg17[%swap3A_466] {strides = array<i32>} : memref<8784xf32, #tpu.memory_space<vmem>>, vector<16xf32>,
      tpu.vector_store %arg17[%swap3A_466], %mul3A_461 {strides = array<i32>} : memref<8784xf32, #tpu.memory_space<vmem>>, vector<16xf32>,
      %scan3A_468 = arith.constant 5 : i32
      %scan3A_469 = arith.addi %scan3A_359, %scan3A_468 : i32
      %mul3A_470 = arith.constant 16 : i32
      %mul3A_471 = arith.muli %scan3A_469, %mul3A_470 : i32
      %add3A_472 = arith.constant 8192 : i32
      %add3A_473 = arith.addi %add3A_472, %mul3A_471 : i32
      %get3A_474 = arith.index_cast %add3A_473 : i32 to index
      %get3A_475 = tpu.vector_load %arg15[%get3A_474] {strides = array<i32>} : memref<8784xi32, #tpu.memory_space<vmem>>, vector<16xi32>,
      %mul3A_476 = arith.constant 16 : i32
      %mul3A_477 = arith.muli %scan3A_469, %mul3A_476 : i32
      %add3A_478 = arith.constant 8192 : i32
      %add3A_479 = arith.addi %add3A_478, %mul3A_477 : i32
      %get3A_480 = arith.index_cast %add3A_479 : i32 to index
      %get3A_481 = tpu.vector_load %arg14[%get3A_480] {strides = array<i32>} : memref<8784xf32, #tpu.memory_space<vmem>>, vector<16xf32>,
      %gather3A_482 = tpu.vector_load_idx %arg11[%get3A_475] : memref<10000xf32, #tpu.memory_space<vmem>>[vector<16xi32>], vector<16xf32>,
      %mul3A_483 = arith.mulf %get3A_481, %gather3A_482 : vector<16xf32>
      %mul3A_484 = arith.constant 16 : i32
      %mul3A_485 = arith.muli %scan3A_469, %mul3A_484 : i32
      %add3A_486 = arith.constant 8192 : i32
      %add3A_487 = arith.addi %add3A_486, %mul3A_485 : i32
      %swap3A_488 = arith.index_cast %add3A_487 : i32 to index
      %swap3A_489 = tpu.vector_load %arg17[%swap3A_488] {strides = array<i32>} : memref<8784xf32, #tpu.memory_space<vmem>>, vector<16xf32>,
      tpu.vector_store %arg17[%swap3A_488], %mul3A_483 {strides = array<i32>} : memref<8784xf32, #tpu.memory_space<vmem>>, vector<16xf32>,
      %scan3A_490 = arith.constant 6 : i32
      %scan3A_491 = arith.addi %scan3A_359, %scan3A_490 : i32
      %mul3A_492 = arith.constant 16 : i32
      %mul3A_493 = arith.muli %scan3A_491, %mul3A_492 : i32
      %add3A_494 = arith.constant 8192 : i32
      %add3A_495 = arith.addi %add3A_494, %mul3A_493 : i32
      %get3A_496 = arith.index_cast %add3A_495 : i32 to index
      %get3A_497 = tpu.vector_load %arg15[%get3A_496] {strides = array<i32>} : memref<8784xi32, #tpu.memory_space<vmem>>, vector<16xi32>,
      %mul3A_498 = arith.constant 16 : i32
      %mul3A_499 = arith.muli %scan3A_491, %mul3A_498 : i32
      %add3A_500 = arith.constant 8192 : i32
      %add3A_501 = arith.addi %add3A_500, %mul3A_499 : i32
      %get3A_502 = arith.index_cast %add3A_501 : i32 to index
      %get3A_503 = tpu.vector_load %arg14[%get3A_502] {strides = array<i32>} : memref<8784xf32, #tpu.memory_space<vmem>>, vector<16xf32>,
      %gather3A_504 = tpu.vector_load_idx %arg11[%get3A_497] : memref<10000xf32, #tpu.memory_space<vmem>>[vector<16xi32>], vector<16xf32>,
      %mul3A_505 = arith.mulf %get3A_503, %gather3A_504 : vector<16xf32>
      %mul3A_506 = arith.constant 16 : i32
      %mul3A_507 = arith.muli %scan3A_491, %mul3A_506 : i32
      %add3A_508 = arith.constant 8192 : i32
      %add3A_509 = arith.addi %add3A_508, %mul3A_507 : i32
      %swap3A_510 = arith.index_cast %add3A_509 : i32 to index
      %swap3A_511 = tpu.vector_load %arg17[%swap3A_510] {strides = array<i32>} : memref<8784xf32, #tpu.memory_space<vmem>>, vector<16xf32>,
      tpu.vector_store %arg17[%swap3A_510], %mul3A_505 {strides = array<i32>} : memref<8784xf32, #tpu.memory_space<vmem>>, vector<16xf32>,
      %scan3A_512 = arith.constant 7 : i32
      %scan3A_513 = arith.addi %scan3A_359, %scan3A_512 : i32
      %mul3A_514 = arith.constant 16 : i32
      %mul3A_515 = arith.muli %scan3A_513, %mul3A_514 : i32
      %add3A_516 = arith.constant 8192 : i32
      %add3A_517 = arith.addi %add3A_516, %mul3A_515 : i32
      %get3A_518 = arith.index_cast %add3A_517 : i32 to index
      %get3A_519 = tpu.vector_load %arg15[%get3A_518] {strides = array<i32>} : memref<8784xi32, #tpu.memory_space<vmem>>, vector<16xi32>,
      %mul3A_520 = arith.constant 16 : i32
      %mul3A_521 = arith.muli %scan3A_513, %mul3A_520 : i32
      %add3A_522 = arith.constant 8192 : i32
      %add3A_523 = arith.addi %add3A_522, %mul3A_521 : i32
      %get3A_524 = arith.index_cast %add3A_523 : i32 to index
      %get3A_525 = tpu.vector_load %arg14[%get3A_524] {strides = array<i32>} : memref<8784xf32, #tpu.memory_space<vmem>>, vector<16xf32>,
      %gather3A_526 = tpu.vector_load_idx %arg11[%get3A_519] : memref<10000xf32, #tpu.memory_space<vmem>>[vector<16xi32>], vector<16xf32>,
      %mul3A_527 = arith.mulf %get3A_525, %gather3A_526 : vector<16xf32>
      %mul3A_528 = arith.constant 16 : i32
      %mul3A_529 = arith.muli %scan3A_513, %mul3A_528 : i32
      %add3A_530 = arith.constant 8192 : i32
      %add3A_531 = arith.addi %add3A_530, %mul3A_529 : i32
      %swap3A_532 = arith.index_cast %add3A_531 : i32 to index
      %swap3A_533 = tpu.vector_load %arg17[%swap3A_532] {strides = array<i32>} : memref<8784xf32, #tpu.memory_space<vmem>>, vector<16xf32>,
      tpu.vector_store %arg17[%swap3A_532], %mul3A_527 {strides = array<i32>} : memref<8784xf32, #tpu.memory_space<vmem>>, vector<16xf32>,
    }
    %scan3A_194 = arith.constant 32 : i32
    %scan3A_195 = arith.addi %scan3A_190, %scan3A_194 : i32
    %mul3A_196 = arith.constant 16 : i32
    %mul3A_197 = arith.muli %scan3A_195, %mul3A_196 : i32
    %add3A_198 = arith.constant 8192 : i32
    %add3A_199 = arith.addi %add3A_198, %mul3A_197 : i32
    %get3A_200 = arith.index_cast %add3A_199 : i32 to index
    %get3A_201 = tpu.vector_load %arg15[%get3A_200] {strides = array<i32>} : memref<8784xi32, #tpu.memory_space<vmem>>, vector<16xi32>,
    %mul3A_202 = arith.constant 16 : i32
    %mul3A_203 = arith.muli %scan3A_195, %mul3A_202 : i32
    %add3A_204 = arith.constant 8192 : i32
    %add3A_205 = arith.addi %add3A_204, %mul3A_203 : i32
    %get3A_206 = arith.index_cast %add3A_205 : i32 to index
    %get3A_207 = tpu.vector_load %arg14[%get3A_206] {strides = array<i32>} : memref<8784xf32, #tpu.memory_space<vmem>>, vector<16xf32>,
    %gather3A = tpu.vector_load_idx %arg11[%get3A_201] : memref<10000xf32, #tpu.memory_space<vmem>>[vector<16xi32>], vector<16xf32>,
    %mul3A_208 = arith.mulf %get3A_207, %gather3A : vector<16xf32>
    %mul3A_209 = arith.constant 16 : i32
    %mul3A_210 = arith.muli %scan3A_195, %mul3A_209 : i32
    %add3A_211 = arith.constant 8192 : i32
    %add3A_212 = arith.addi %add3A_211, %mul3A_210 : i32
    %swap3A_213 = arith.index_cast %add3A_212 : i32 to index
    %swap3A_214 = tpu.vector_load %arg17[%swap3A_213] {strides = array<i32>} : memref<8784xf32, #tpu.memory_space<vmem>>, vector<16xf32>,
    tpu.vector_store %arg17[%swap3A_213], %mul3A_208 {strides = array<i32>} : memref<8784xf32, #tpu.memory_space<vmem>>, vector<16xf32>,
    %scan3A_215 = arith.constant 33 : i32
    %dma_start3A_216 = arith.constant 8192 : i32
    %dma_start3A_217 = tpu.memref_slice %arg17[%dma_start3A_216] : memref<8784xf32, #tpu.memory_space<vmem>> -> memref<128xf32, #tpu.memory_space<vmem>>
    %dma_start3A_218 = arith.constant 8192 : i32
    %dma_start3A_219 = tpu.memref_slice %arg16[%dma_start3A_218] : memref<8784xi32, #tpu.memory_space<vmem>> -> memref<128xi32, #tpu.memory_space<vmem>>
    %dma_start3A_220 = arith.constant 0 : i32
    %dma_start3A_221 = tpu.memref_slice %arg30[%dma_start3A_220] : memref<100352xf32, #tpu.memory_space<vmem_shared>> -> memref<100352xf32, #tpu.memory_space<vmem_shared>>
    tpu.enqueue_indirect_dma source(%dma_start3A_217 : memref<128xf32, #tpu.memory_space<vmem>>) target(%dma_start3A_221 : memref<100352xf32, #tpu.memory_space<vmem_shared>>) offsets(%dma_start3A_219 : memref<128xi32, #tpu.memory_space<vmem>>) semaphore(%arg26 : memref<!tpu.dma_semaphore, #tpu.memory_space<semaphore_mem>>) {add = true}
    %dma_start3A_222 = arith.constant 8320 : i32
    %dma_start3A_223 = tpu.memref_slice %arg17[%dma_start3A_222] : memref<8784xf32, #tpu.memory_space<vmem>> -> memref<128xf32, #tpu.memory_space<vmem>>
    %dma_start3A_224 = arith.constant 8320 : i32
    %dma_start3A_225 = tpu.memref_slice %arg16[%dma_start3A_224] : memref<8784xi32, #tpu.memory_space<vmem>> -> memref<128xi32, #tpu.memory_space<vmem>>
    %dma_start3A_226 = arith.constant 0 : i32
    %dma_start3A_227 = tpu.memref_slice %arg30[%dma_start3A_226] : memref<100352xf32, #tpu.memory_space<vmem_shared>> -> memref<100352xf32, #tpu.memory_space<vmem_shared>>
    tpu.enqueue_indirect_dma source(%dma_start3A_223 : memref<128xf32, #tpu.memory_space<vmem>>) target(%dma_start3A_227 : memref<100352xf32, #tpu.memory_space<vmem_shared>>) offsets(%dma_start3A_225 : memref<128xi32, #tpu.memory_space<vmem>>) semaphore(%arg26 : memref<!tpu.dma_semaphore, #tpu.memory_space<semaphore_mem>>) {add = true}
    %dma_start3A_228 = arith.constant 8448 : i32
    %dma_start3A_229 = tpu.memref_slice %arg17[%dma_start3A_228] : memref<8784xf32, #tpu.memory_space<vmem>> -> memref<128xf32, #tpu.memory_space<vmem>>
    %dma_start3A_230 = arith.constant 8448 : i32
    %dma_start3A_231 = tpu.memref_slice %arg16[%dma_start3A_230] : memref<8784xi32, #tpu.memory_space<vmem>> -> memref<128xi32, #tpu.memory_space<vmem>>
    %dma_start3A_232 = arith.constant 0 : i32
    %dma_start3A_233 = tpu.memref_slice %arg30[%dma_start3A_232] : memref<100352xf32, #tpu.memory_space<vmem_shared>> -> memref<100352xf32, #tpu.memory_space<vmem_shared>>
    tpu.enqueue_indirect_dma source(%dma_start3A_229 : memref<128xf32, #tpu.memory_space<vmem>>) target(%dma_start3A_233 : memref<100352xf32, #tpu.memory_space<vmem_shared>>) offsets(%dma_start3A_231 : memref<128xi32, #tpu.memory_space<vmem>>) semaphore(%arg26 : memref<!tpu.dma_semaphore, #tpu.memory_space<semaphore_mem>>) {add = true}
    %dma_start3A_234 = arith.constant 8576 : i32
    %dma_start3A_235 = tpu.memref_slice %arg17[%dma_start3A_234] : memref<8784xf32, #tpu.memory_space<vmem>> -> memref<128xf32, #tpu.memory_space<vmem>>
    %dma_start3A_236 = arith.constant 8576 : i32
    %dma_start3A_237 = tpu.memref_slice %arg16[%dma_start3A_236] : memref<8784xi32, #tpu.memory_space<vmem>> -> memref<128xi32, #tpu.memory_space<vmem>>
    %dma_start3A_238 = arith.constant 0 : i32
    %dma_start3A_239 = tpu.memref_slice %arg30[%dma_start3A_238] : memref<100352xf32, #tpu.memory_space<vmem_shared>> -> memref<100352xf32, #tpu.memory_space<vmem_shared>>
    tpu.enqueue_indirect_dma source(%dma_start3A_235 : memref<128xf32, #tpu.memory_space<vmem>>) target(%dma_start3A_239 : memref<100352xf32, #tpu.memory_space<vmem_shared>>) offsets(%dma_start3A_237 : memref<128xi32, #tpu.memory_space<vmem>>) semaphore(%arg26 : memref<!tpu.dma_semaphore, #tpu.memory_space<semaphore_mem>>) {add = true}
    %dma_start3A_240 = arith.constant 8704 : i32
    %dma_start3A_241 = tpu.memref_slice %arg17[%dma_start3A_240] : memref<8784xf32, #tpu.memory_space<vmem>> -> memref<16xf32, #tpu.memory_space<vmem>>
    %dma_start3A_242 = arith.constant 8704 : i32
    %dma_start3A_243 = tpu.memref_slice %arg16[%dma_start3A_242] : memref<8784xi32, #tpu.memory_space<vmem>> -> memref<16xi32, #tpu.memory_space<vmem>>
    %dma_start3A_244 = arith.constant 0 : i32
    %dma_start3A_245 = tpu.memref_slice %arg30[%dma_start3A_244] : memref<100352xf32, #tpu.memory_space<vmem_shared>> -> memref<100352xf32, #tpu.memory_space<vmem_shared>>
    tpu.enqueue_indirect_dma source(%dma_start3A_241 : memref<16xf32, #tpu.memory_space<vmem>>) target(%dma_start3A_245 : memref<100352xf32, #tpu.memory_space<vmem_shared>>) offsets(%dma_start3A_243 : memref<16xi32, #tpu.memory_space<vmem>>) semaphore(%arg26 : memref<!tpu.dma_semaphore, #tpu.memory_space<semaphore_mem>>) {add = true}
    %scan3A_246 = arith.constant 0 : i32
    %scan3A_247 = arith.constant 0 : i32
    %scan3A_248 = arith.constant 4 : i32
    %scan3A_249 = arith.addi %scan3A_247, %scan3A_248 : i32
    %scan3A_250 = arith.constant 1 : i32
    scf.for %scan3A_359 = %scan3A_247 to %scan3A_249 step %scan3A_250  : i32 {
      %dma_wait3A_360 = arith.constant 0 : i32
      %dma_wait3A_361 = tpu.memref_slice %arg24[%dma_wait3A_360] : memref<128xf32, #tpu.memory_space<vmem>> -> memref<128xf32, #tpu.memory_space<vmem>>
      %dma_wait3A_362 = arith.constant 0 : i32
      %dma_wait3A_363 = tpu.memref_slice %arg2[%dma_wait3A_362] : memref<10000xf32, #tpu.memory_space<hbm>> -> memref<128xf32, #tpu.memory_space<hbm>>
      %dma_wait3A_364 = arith.constant 0 : i32
      %dma_wait3A_365 = tpu.memref_slice %arg24[%dma_wait3A_364] : memref<128xf32, #tpu.memory_space<vmem>> -> memref<128xf32, #tpu.memory_space<vmem>>
      %dma_wait3A_366 = arith.constant 0 : i32
      %dma_wait3A_367 = tpu.memref_slice %arg2[%dma_wait3A_366] : memref<10000xf32, #tpu.memory_space<hbm>> -> memref<128xf32, #tpu.memory_space<hbm>>
      tpu.wait_dma2 semaphore(%arg26 : memref<!tpu.dma_semaphore, #tpu.memory_space<semaphore_mem>>) src(%dma_wait3A_367 : memref<128xf32, #tpu.memory_space<hbm>>) dst(%dma_wait3A_365 : memref<128xf32, #tpu.memory_space<vmem>>)
    }
    %scan3A_251 = arith.constant 4 : i32
    %dma_wait3A_252 = arith.constant 0 : i32
    %dma_wait3A_253 = tpu.memref_slice %arg24[%dma_wait3A_252] : memref<128xf32, #tpu.memory_space<vmem>> -> memref<16xf32, #tpu.memory_space<vmem>>
    %dma_wait3A_254 = arith.constant 0 : i32
    %dma_wait3A_255 = tpu.memref_slice %arg2[%dma_wait3A_254] : memref<10000xf32, #tpu.memory_space<hbm>> -> memref<16xf32, #tpu.memory_space<hbm>>
    %dma_wait3A_256 = arith.constant 0 : i32
    %dma_wait3A_257 = tpu.memref_slice %arg24[%dma_wait3A_256] : memref<128xf32, #tpu.memory_space<vmem>> -> memref<16xf32, #tpu.memory_space<vmem>>
    %dma_wait3A_258 = arith.constant 0 : i32
    %dma_wait3A_259 = tpu.memref_slice %arg2[%dma_wait3A_258] : memref<10000xf32, #tpu.memory_space<hbm>> -> memref<16xf32, #tpu.memory_space<hbm>>
    tpu.wait_dma2 semaphore(%arg26 : memref<!tpu.dma_semaphore, #tpu.memory_space<semaphore_mem>>) src(%dma_wait3A_259 : memref<16xf32, #tpu.memory_space<hbm>>) dst(%dma_wait3A_257 : memref<16xf32, #tpu.memory_space<vmem>>)
    %eq3A_260 = arith.constant 31 : i32
    %eq3A_261 = arith.cmpi eq, %add3A, %eq3A_260 : i32
    %convert_element_type3A_262 = arith.extui %eq3A_261 : i1 to i32
    %cond3A_263 = arith.constant 0 : i32
    %cond3A_264 = arith.cmpi ne, %convert_element_type3A_262, %cond3A_263 : i32
    scf.if %cond3A_264 {
      %dma_wait3A_359 = arith.constant 8720 : i32
      %dma_wait3A_360 = tpu.memref_slice %arg14[%dma_wait3A_359] : memref<8784xf32, #tpu.memory_space<vmem>> -> memref<64xf32, #tpu.memory_space<vmem>>
      %dma_wait3A_361 = arith.constant 0 : i32
      %dma_wait3A_362 = tpu.memref_slice %arg3[%dma_wait3A_361] : memref<1000000xf32, #tpu.memory_space<hbm>> -> memref<64xf32, #tpu.memory_space<hbm>>
      %dma_wait3A_363 = arith.constant 8720 : i32
      %dma_wait3A_364 = tpu.memref_slice %arg14[%dma_wait3A_363] : memref<8784xf32, #tpu.memory_space<vmem>> -> memref<64xf32, #tpu.memory_space<vmem>>
      %dma_wait3A_365 = arith.constant 0 : i32
      %dma_wait3A_366 = tpu.memref_slice %arg3[%dma_wait3A_365] : memref<1000000xf32, #tpu.memory_space<hbm>> -> memref<64xf32, #tpu.memory_space<hbm>>
      tpu.wait_dma2 semaphore(%arg27 : memref<!tpu.dma_semaphore, #tpu.memory_space<semaphore_mem>>) src(%dma_wait3A_366 : memref<64xf32, #tpu.memory_space<hbm>>) dst(%dma_wait3A_364 : memref<64xf32, #tpu.memory_space<vmem>>)
      %dma_wait3A_367 = arith.constant 8720 : i32
      %dma_wait3A_368 = tpu.memref_slice %arg15[%dma_wait3A_367] : memref<8784xi32, #tpu.memory_space<vmem>> -> memref<64xi32, #tpu.memory_space<vmem>>
      %dma_wait3A_369 = arith.constant 0 : i32
      %dma_wait3A_370 = tpu.memref_slice %arg4[%dma_wait3A_369] : memref<1000000xi32, #tpu.memory_space<hbm>> -> memref<64xi32, #tpu.memory_space<hbm>>
      %dma_wait3A_371 = arith.constant 8720 : i32
      %dma_wait3A_372 = tpu.memref_slice %arg15[%dma_wait3A_371] : memref<8784xi32, #tpu.memory_space<vmem>> -> memref<64xi32, #tpu.memory_space<vmem>>
      %dma_wait3A_373 = arith.constant 0 : i32
      %dma_wait3A_374 = tpu.memref_slice %arg4[%dma_wait3A_373] : memref<1000000xi32, #tpu.memory_space<hbm>> -> memref<64xi32, #tpu.memory_space<hbm>>
      tpu.wait_dma2 semaphore(%arg27 : memref<!tpu.dma_semaphore, #tpu.memory_space<semaphore_mem>>) src(%dma_wait3A_374 : memref<64xi32, #tpu.memory_space<hbm>>) dst(%dma_wait3A_372 : memref<64xi32, #tpu.memory_space<vmem>>)
      %dma_wait3A_375 = arith.constant 8720 : i32
      %dma_wait3A_376 = tpu.memref_slice %arg16[%dma_wait3A_375] : memref<8784xi32, #tpu.memory_space<vmem>> -> memref<64xi32, #tpu.memory_space<vmem>>
      %dma_wait3A_377 = arith.constant 0 : i32
      %dma_wait3A_378 = tpu.memref_slice %arg5[%dma_wait3A_377] : memref<1000000xi32, #tpu.memory_space<hbm>> -> memref<64xi32, #tpu.memory_space<hbm>>
      %dma_wait3A_379 = arith.constant 8720 : i32
      %dma_wait3A_380 = tpu.memref_slice %arg16[%dma_wait3A_379] : memref<8784xi32, #tpu.memory_space<vmem>> -> memref<64xi32, #tpu.memory_space<vmem>>
      %dma_wait3A_381 = arith.constant 0 : i32
      %dma_wait3A_382 = tpu.memref_slice %arg5[%dma_wait3A_381] : memref<1000000xi32, #tpu.memory_space<hbm>> -> memref<64xi32, #tpu.memory_space<hbm>>
      tpu.wait_dma2 semaphore(%arg27 : memref<!tpu.dma_semaphore, #tpu.memory_space<semaphore_mem>>) src(%dma_wait3A_382 : memref<64xi32, #tpu.memory_space<hbm>>) dst(%dma_wait3A_380 : memref<64xi32, #tpu.memory_space<vmem>>)
      %scan3A_383 = arith.constant 0 : i32
      %scan3A_384 = arith.constant 0 : i32
      %scan3A_385 = arith.constant 0 : i32
      %scan3A_386 = arith.addi %scan3A_384, %scan3A_385 : i32
      %scan3A_387 = arith.constant 0 : i32
      %scan3A_388 = arith.addi %scan3A_384, %scan3A_387 : i32
      %mul3A_389 = arith.constant 16 : i32
      %mul3A_390 = arith.muli %scan3A_388, %mul3A_389 : i32
      %add3A_391 = arith.constant 8720 : i32
      %add3A_392 = arith.addi %add3A_391, %mul3A_390 : i32
      %get3A_393 = arith.index_cast %add3A_392 : i32 to index
      %get3A_394 = tpu.vector_load %arg15[%get3A_393] {strides = array<i32>} : memref<8784xi32, #tpu.memory_space<vmem>>, vector<16xi32>,
      %mul3A_395 = arith.constant 16 : i32
      %mul3A_396 = arith.muli %scan3A_388, %mul3A_395 : i32
      %add3A_397 = arith.constant 8720 : i32
      %add3A_398 = arith.addi %add3A_397, %mul3A_396 : i32
      %get3A_399 = arith.index_cast %add3A_398 : i32 to index
      %get3A_400 = tpu.vector_load %arg14[%get3A_399] {strides = array<i32>} : memref<8784xf32, #tpu.memory_space<vmem>>, vector<16xf32>,
      %gather3A_401 = tpu.vector_load_idx %arg11[%get3A_394] : memref<10000xf32, #tpu.memory_space<vmem>>[vector<16xi32>], vector<16xf32>,
      %mul3A_402 = arith.mulf %get3A_400, %gather3A_401 : vector<16xf32>
      %mul3A_403 = arith.constant 16 : i32
      %mul3A_404 = arith.muli %scan3A_388, %mul3A_403 : i32
      %add3A_405 = arith.constant 8720 : i32
      %add3A_406 = arith.addi %add3A_405, %mul3A_404 : i32
      %swap3A_407 = arith.index_cast %add3A_406 : i32 to index
      %swap3A_408 = tpu.vector_load %arg17[%swap3A_407] {strides = array<i32>} : memref<8784xf32, #tpu.memory_space<vmem>>, vector<16xf32>,
      tpu.vector_store %arg17[%swap3A_407], %mul3A_402 {strides = array<i32>} : memref<8784xf32, #tpu.memory_space<vmem>>, vector<16xf32>,
      %scan3A_409 = arith.constant 1 : i32
      %scan3A_410 = arith.addi %scan3A_384, %scan3A_409 : i32
      %mul3A_411 = arith.constant 16 : i32
      %mul3A_412 = arith.muli %scan3A_410, %mul3A_411 : i32
      %add3A_413 = arith.constant 8720 : i32
      %add3A_414 = arith.addi %add3A_413, %mul3A_412 : i32
      %get3A_415 = arith.index_cast %add3A_414 : i32 to index
      %get3A_416 = tpu.vector_load %arg15[%get3A_415] {strides = array<i32>} : memref<8784xi32, #tpu.memory_space<vmem>>, vector<16xi32>,
      %mul3A_417 = arith.constant 16 : i32
      %mul3A_418 = arith.muli %scan3A_410, %mul3A_417 : i32
      %add3A_419 = arith.constant 8720 : i32
      %add3A_420 = arith.addi %add3A_419, %mul3A_418 : i32
      %get3A_421 = arith.index_cast %add3A_420 : i32 to index
      %get3A_422 = tpu.vector_load %arg14[%get3A_421] {strides = array<i32>} : memref<8784xf32, #tpu.memory_space<vmem>>, vector<16xf32>,
      %gather3A_423 = tpu.vector_load_idx %arg11[%get3A_416] : memref<10000xf32, #tpu.memory_space<vmem>>[vector<16xi32>], vector<16xf32>,
      %mul3A_424 = arith.mulf %get3A_422, %gather3A_423 : vector<16xf32>
      %mul3A_425 = arith.constant 16 : i32
      %mul3A_426 = arith.muli %scan3A_410, %mul3A_425 : i32
      %add3A_427 = arith.constant 8720 : i32
      %add3A_428 = arith.addi %add3A_427, %mul3A_426 : i32
      %swap3A_429 = arith.index_cast %add3A_428 : i32 to index
      %swap3A_430 = tpu.vector_load %arg17[%swap3A_429] {strides = array<i32>} : memref<8784xf32, #tpu.memory_space<vmem>>, vector<16xf32>,
      tpu.vector_store %arg17[%swap3A_429], %mul3A_424 {strides = array<i32>} : memref<8784xf32, #tpu.memory_space<vmem>>, vector<16xf32>,
      %scan3A_431 = arith.constant 2 : i32
      %scan3A_432 = arith.addi %scan3A_384, %scan3A_431 : i32
      %mul3A_433 = arith.constant 16 : i32
      %mul3A_434 = arith.muli %scan3A_432, %mul3A_433 : i32
      %add3A_435 = arith.constant 8720 : i32
      %add3A_436 = arith.addi %add3A_435, %mul3A_434 : i32
      %get3A_437 = arith.index_cast %add3A_436 : i32 to index
      %get3A_438 = tpu.vector_load %arg15[%get3A_437] {strides = array<i32>} : memref<8784xi32, #tpu.memory_space<vmem>>, vector<16xi32>,
      %mul3A_439 = arith.constant 16 : i32
      %mul3A_440 = arith.muli %scan3A_432, %mul3A_439 : i32
      %add3A_441 = arith.constant 8720 : i32
      %add3A_442 = arith.addi %add3A_441, %mul3A_440 : i32
      %get3A_443 = arith.index_cast %add3A_442 : i32 to index
      %get3A_444 = tpu.vector_load %arg14[%get3A_443] {strides = array<i32>} : memref<8784xf32, #tpu.memory_space<vmem>>, vector<16xf32>,
      %gather3A_445 = tpu.vector_load_idx %arg11[%get3A_438] : memref<10000xf32, #tpu.memory_space<vmem>>[vector<16xi32>], vector<16xf32>,
      %mul3A_446 = arith.mulf %get3A_444, %gather3A_445 : vector<16xf32>
      %mul3A_447 = arith.constant 16 : i32
      %mul3A_448 = arith.muli %scan3A_432, %mul3A_447 : i32
      %add3A_449 = arith.constant 8720 : i32
      %add3A_450 = arith.addi %add3A_449, %mul3A_448 : i32
      %swap3A_451 = arith.index_cast %add3A_450 : i32 to index
      %swap3A_452 = tpu.vector_load %arg17[%swap3A_451] {strides = array<i32>} : memref<8784xf32, #tpu.memory_space<vmem>>, vector<16xf32>,
      tpu.vector_store %arg17[%swap3A_451], %mul3A_446 {strides = array<i32>} : memref<8784xf32, #tpu.memory_space<vmem>>, vector<16xf32>,
      %scan3A_453 = arith.constant 3 : i32
      %scan3A_454 = arith.addi %scan3A_384, %scan3A_453 : i32
      %mul3A_455 = arith.constant 16 : i32
      %mul3A_456 = arith.muli %scan3A_454, %mul3A_455 : i32
      %add3A_457 = arith.constant 8720 : i32
      %add3A_458 = arith.addi %add3A_457, %mul3A_456 : i32
      %get3A_459 = arith.index_cast %add3A_458 : i32 to index
      %get3A_460 = tpu.vector_load %arg15[%get3A_459] {strides = array<i32>} : memref<8784xi32, #tpu.memory_space<vmem>>, vector<16xi32>,
      %mul3A_461 = arith.constant 16 : i32
      %mul3A_462 = arith.muli %scan3A_454, %mul3A_461 : i32
      %add3A_463 = arith.constant 8720 : i32
      %add3A_464 = arith.addi %add3A_463, %mul3A_462 : i32
      %get3A_465 = arith.index_cast %add3A_464 : i32 to index
      %get3A_466 = tpu.vector_load %arg14[%get3A_465] {strides = array<i32>} : memref<8784xf32, #tpu.memory_space<vmem>>, vector<16xf32>,
      %gather3A_467 = tpu.vector_load_idx %arg11[%get3A_460] : memref<10000xf32, #tpu.memory_space<vmem>>[vector<16xi32>], vector<16xf32>,
      %mul3A_468 = arith.mulf %get3A_466, %gather3A_467 : vector<16xf32>
      %mul3A_469 = arith.constant 16 : i32
      %mul3A_470 = arith.muli %scan3A_454, %mul3A_469 : i32
      %add3A_471 = arith.constant 8720 : i32
      %add3A_472 = arith.addi %add3A_471, %mul3A_470 : i32
      %swap3A_473 = arith.index_cast %add3A_472 : i32 to index
      %swap3A_474 = tpu.vector_load %arg17[%swap3A_473] {strides = array<i32>} : memref<8784xf32, #tpu.memory_space<vmem>>, vector<16xf32>,
      tpu.vector_store %arg17[%swap3A_473], %mul3A_468 {strides = array<i32>} : memref<8784xf32, #tpu.memory_space<vmem>>, vector<16xf32>,
      %scan3A_475 = arith.constant 4 : i32
      %dma_start3A_476 = arith.constant 8720 : i32
      %dma_start3A_477 = tpu.memref_slice %arg17[%dma_start3A_476] : memref<8784xf32, #tpu.memory_space<vmem>> -> memref<64xf32, #tpu.memory_space<vmem>>
      %dma_start3A_478 = arith.constant 8720 : i32
      %dma_start3A_479 = tpu.memref_slice %arg16[%dma_start3A_478] : memref<8784xi32, #tpu.memory_space<vmem>> -> memref<64xi32, #tpu.memory_space<vmem>>
      %dma_start3A_480 = arith.constant 0 : i32
      %dma_start3A_481 = tpu.memref_slice %arg30[%dma_start3A_480] : memref<100352xf32, #tpu.memory_space<vmem_shared>> -> memref<100352xf32, #tpu.memory_space<vmem_shared>>
      tpu.enqueue_indirect_dma source(%dma_start3A_477 : memref<64xf32, #tpu.memory_space<vmem>>) target(%dma_start3A_481 : memref<100352xf32, #tpu.memory_space<vmem_shared>>) offsets(%dma_start3A_479 : memref<64xi32, #tpu.memory_space<vmem>>) semaphore(%arg26 : memref<!tpu.dma_semaphore, #tpu.memory_space<semaphore_mem>>) {add = true}
      %scan3A_482 = arith.constant 0 : i32
      %scan3A_483 = arith.constant 0 : i32
      %scan3A_484 = arith.constant 0 : i32
      %scan3A_485 = arith.addi %scan3A_483, %scan3A_484 : i32
      %scan3A_486 = arith.constant 0 : i32
      %dma_wait3A_487 = arith.constant 0 : i32
      %dma_wait3A_488 = tpu.memref_slice %arg24[%dma_wait3A_487] : memref<128xf32, #tpu.memory_space<vmem>> -> memref<64xf32, #tpu.memory_space<vmem>>
      %dma_wait3A_489 = arith.constant 0 : i32
      %dma_wait3A_490 = tpu.memref_slice %arg2[%dma_wait3A_489] : memref<10000xf32, #tpu.memory_space<hbm>> -> memref<64xf32, #tpu.memory_space<hbm>>
      %dma_wait3A_491 = arith.constant 0 : i32
      %dma_wait3A_492 = tpu.memref_slice %arg24[%dma_wait3A_491] : memref<128xf32, #tpu.memory_space<vmem>> -> memref<64xf32, #tpu.memory_space<vmem>>
      %dma_wait3A_493 = arith.constant 0 : i32
      %dma_wait3A_494 = tpu.memref_slice %arg2[%dma_wait3A_493] : memref<10000xf32, #tpu.memory_space<hbm>> -> memref<64xf32, #tpu.memory_space<hbm>>
      tpu.wait_dma2 semaphore(%arg26 : memref<!tpu.dma_semaphore, #tpu.memory_space<semaphore_mem>>) src(%dma_wait3A_494 : memref<64xf32, #tpu.memory_space<hbm>>) dst(%dma_wait3A_492 : memref<64xf32, #tpu.memory_space<vmem>>)
    } else {
    }
    %barrier3A_265 = arith.constant 0 : index
    tpu.barrier barrier_id(%barrier3A_265)
    %mul3A_266 = arith.constant 6272 : i32
    %mul3A_267 = arith.muli %arg1, %mul3A_266 : i32
    "tpu.region"() ({
      %run_scoped3A = tpu.sem_alloc : memref<!tpu.dma_semaphore, #tpu.memory_space<semaphore_mem>>
      %dma_start3A_359 = tpu.memref_slice %arg30[%mul3A_267] : memref<100352xf32, #tpu.memory_space<vmem_shared>> -> memref<6272xf32, #tpu.memory_space<vmem_shared>>
      %dma_start3A_360 = tpu.memref_slice %arg30[%mul3A_267] : memref<100352xf32, #tpu.memory_space<vmem_shared>> -> memref<6272xf32, #tpu.memory_space<vmem_shared>>
      tpu.enqueue_dma source(%dma_start3A_360 : memref<6272xf32, #tpu.memory_space<vmem_shared>>) target(%arg12 : memref<6272xf32, #tpu.memory_space<vmem>>) target_semaphore(%run_scoped3A : memref<!tpu.dma_semaphore, #tpu.memory_space<semaphore_mem>>)
      %dma_wait3A_361 = tpu.memref_slice %arg30[%mul3A_267] : memref<100352xf32, #tpu.memory_space<vmem_shared>> -> memref<6272xf32, #tpu.memory_space<vmem_shared>>
      %dma_wait3A_362 = tpu.memref_slice %arg30[%mul3A_267] : memref<100352xf32, #tpu.memory_space<vmem_shared>> -> memref<6272xf32, #tpu.memory_space<vmem_shared>>
      tpu.wait_dma2 semaphore(%run_scoped3A : memref<!tpu.dma_semaphore, #tpu.memory_space<semaphore_mem>>) src(%dma_wait3A_362 : memref<6272xf32, #tpu.memory_space<vmem_shared>>) dst(%arg12 : memref<6272xf32, #tpu.memory_space<vmem>>)
      tpu.yield
    }) : () -> ()
    %mul3A_268 = arith.constant 100352 : i32
    %mul3A_269 = arith.muli %arg0, %mul3A_268 : i32
    %mul3A_270 = arith.constant 6272 : i32
    %mul3A_271 = arith.muli %arg1, %mul3A_270 : i32
    %add3A_272 = arith.addi %mul3A_269, %mul3A_271 : i32
    "tpu.region"() ({
      %run_scoped3A = tpu.sem_alloc : memref<!tpu.dma_semaphore, #tpu.memory_space<semaphore_mem>>
      %dma_start3A_359 = tpu.memref_slice %arg10[%add3A_272] : memref<200704xf32, #tpu.memory_space<hbm>> -> memref<6272xf32, #tpu.memory_space<hbm>>
      %dma_start3A_360 = tpu.memref_slice %arg10[%add3A_272] : memref<200704xf32, #tpu.memory_space<hbm>> -> memref<6272xf32, #tpu.memory_space<hbm>>
      tpu.enqueue_dma source(%arg12 : memref<6272xf32, #tpu.memory_space<vmem>>) target(%dma_start3A_360 : memref<6272xf32, #tpu.memory_space<hbm>>) target_semaphore(%run_scoped3A : memref<!tpu.dma_semaphore, #tpu.memory_space<semaphore_mem>>)
      %dma_wait3A_361 = tpu.memref_slice %arg10[%add3A_272] : memref<200704xf32, #tpu.memory_space<hbm>> -> memref<6272xf32, #tpu.memory_space<hbm>>
      %dma_wait3A_362 = tpu.memref_slice %arg10[%add3A_272] : memref<200704xf32, #tpu.memory_space<hbm>> -> memref<6272xf32, #tpu.memory_space<hbm>>
      tpu.wait_dma2 semaphore(%run_scoped3A : memref<!tpu.dma_semaphore, #tpu.memory_space<semaphore_mem>>) src(%arg12 : memref<6272xf32, #tpu.memory_space<vmem>>) dst(%dma_wait3A_362 : memref<6272xf32, #tpu.memory_space<hbm>>)
      tpu.yield
    }) : () -> ()
    %barrier3A_273 = arith.constant 0 : index
    tpu.barrier barrier_id(%barrier3A_273)
    %eq3A_274 = arith.constant 0 : i32
    %eq3A_275 = arith.cmpi eq, %arg1, %eq3A_274 : i32
    %convert_element_type3A_276 = arith.extui %eq3A_275 : i1 to i32
    %cond3A_277 = arith.constant 0 : i32
    %cond3A_278 = arith.cmpi ne, %convert_element_type3A_276, %cond3A_277 : i32
    scf.if %cond3A_278 {
      %sub3A_359 = arith.constant 1 : i32
      %sub3A_360 = arith.subi %sub3A_359, %arg0 : i32
      %semaphore_signal3A = arith.constant 1 : i32
      tpu.sem_signal %arg29, %semaphore_signal3A core_id %sub3A_360 : memref<!tpu.semaphore, #tpu.memory_space<semaphore_mem>>
      %semaphore_wait3A = arith.constant 1 : i32
      %semaphore_wait3A_361 = arith.constant true
      tpu.sem_wait %arg29, %semaphore_wait3A : memref<!tpu.semaphore, #tpu.memory_space<semaphore_mem>>
    } else {
    }
    %barrier3A_279 = arith.constant 0 : index
    tpu.barrier barrier_id(%barrier3A_279)
    %sub3A = arith.constant 1 : i32
    %sub3A_280 = arith.subi %sub3A, %arg0 : i32
    %mul3A_281 = arith.constant 100352 : i32
    %mul3A_282 = arith.muli %sub3A_280, %mul3A_281 : i32
    %mul3A_283 = arith.constant 6272 : i32
    %mul3A_284 = arith.muli %arg1, %mul3A_283 : i32
    %add3A_285 = arith.addi %mul3A_282, %mul3A_284 : i32
    "tpu.region"() ({
      %run_scoped3A = tpu.sem_alloc : memref<!tpu.dma_semaphore, #tpu.memory_space<semaphore_mem>>
      %dma_start3A_359 = tpu.memref_slice %arg10[%add3A_285] : memref<200704xf32, #tpu.memory_space<hbm>> -> memref<6272xf32, #tpu.memory_space<hbm>>
      %dma_start3A_360 = tpu.memref_slice %arg10[%add3A_285] : memref<200704xf32, #tpu.memory_space<hbm>> -> memref<6272xf32, #tpu.memory_space<hbm>>
      tpu.enqueue_dma source(%dma_start3A_360 : memref<6272xf32, #tpu.memory_space<hbm>>) target(%arg13 : memref<6272xf32, #tpu.memory_space<vmem>>) target_semaphore(%run_scoped3A : memref<!tpu.dma_semaphore, #tpu.memory_space<semaphore_mem>>)
      %dma_wait3A_361 = tpu.memref_slice %arg10[%add3A_285] : memref<200704xf32, #tpu.memory_space<hbm>> -> memref<6272xf32, #tpu.memory_space<hbm>>
      %dma_wait3A_362 = tpu.memref_slice %arg10[%add3A_285] : memref<200704xf32, #tpu.memory_space<hbm>> -> memref<6272xf32, #tpu.memory_space<hbm>>
      tpu.wait_dma2 semaphore(%run_scoped3A : memref<!tpu.dma_semaphore, #tpu.memory_space<semaphore_mem>>) src(%dma_wait3A_362 : memref<6272xf32, #tpu.memory_space<hbm>>) dst(%arg13 : memref<6272xf32, #tpu.memory_space<vmem>>)
      tpu.yield
    }) : () -> ()
    %scan3A_286 = arith.constant 0 : i32
    %scan3A_287 = arith.constant 0 : i32
    %scan3A_288 = arith.constant 392 : i32
    %scan3A_289 = arith.addi %scan3A_287, %scan3A_288 : i32
    %scan3A_290 = arith.constant 8 : i32
    scf.for %scan3A_359 = %scan3A_287 to %scan3A_289 step %scan3A_290  : i32 {
      %mul3A_360 = arith.constant 16 : i32
      %mul3A_361 = arith.muli %scan3A_359, %mul3A_360 : i32
      %get3A_362 = arith.index_cast %mul3A_361 : i32 to index
      %get3A_363 = tpu.vector_load %arg12[%get3A_362] {strides = array<i32>} : memref<6272xf32, #tpu.memory_space<vmem>>, vector<16xf32>,
      %mul3A_364 = arith.constant 16 : i32
      %mul3A_365 = arith.muli %scan3A_359, %mul3A_364 : i32
      %get3A_366 = arith.index_cast %mul3A_365 : i32 to index
      %get3A_367 = tpu.vector_load %arg13[%get3A_366] {strides = array<i32>} : memref<6272xf32, #tpu.memory_space<vmem>>, vector<16xf32>,
      %add3A_368 = arith.addf %get3A_363, %get3A_367 : vector<16xf32>
      %gt3A_369 = arith.constant 1.000000e+00 : f32
      %gt3A_370 = vector.broadcast %gt3A_369 : f32 to vector<16xf32>
      %gt3A_371 = arith.cmpf ogt, %add3A_368, %gt3A_370 : vector<16xf32>
      %select_n3A_372 = arith.select %gt3A_371, %broadcast_in_dim3A_2, %broadcast_in_dim3A_0 : vector<16xi1>, vector<16xf32>
      %mul3A_373 = arith.constant 16 : i32
      %mul3A_374 = arith.muli %scan3A_359, %mul3A_373 : i32
      %swap3A_375 = arith.index_cast %mul3A_374 : i32 to index
      %swap3A_376 = tpu.vector_load %arg12[%swap3A_375] {strides = array<i32>} : memref<6272xf32, #tpu.memory_space<vmem>>, vector<16xf32>,
      tpu.vector_store %arg12[%swap3A_375], %select_n3A_372 {strides = array<i32>} : memref<6272xf32, #tpu.memory_space<vmem>>, vector<16xf32>,
      %scan3A_377 = arith.constant 1 : i32
      %scan3A_378 = arith.addi %scan3A_359, %scan3A_377 : i32
      %mul3A_379 = arith.constant 16 : i32
      %mul3A_380 = arith.muli %scan3A_378, %mul3A_379 : i32
      %get3A_381 = arith.index_cast %mul3A_380 : i32 to index
      %get3A_382 = tpu.vector_load %arg12[%get3A_381] {strides = array<i32>} : memref<6272xf32, #tpu.memory_space<vmem>>, vector<16xf32>,
      %mul3A_383 = arith.constant 16 : i32
      %mul3A_384 = arith.muli %scan3A_378, %mul3A_383 : i32
      %get3A_385 = arith.index_cast %mul3A_384 : i32 to index
      %get3A_386 = tpu.vector_load %arg13[%get3A_385] {strides = array<i32>} : memref<6272xf32, #tpu.memory_space<vmem>>, vector<16xf32>,
      %add3A_387 = arith.addf %get3A_382, %get3A_386 : vector<16xf32>
      %gt3A_388 = arith.constant 1.000000e+00 : f32
      %gt3A_389 = vector.broadcast %gt3A_388 : f32 to vector<16xf32>
      %gt3A_390 = arith.cmpf ogt, %add3A_387, %gt3A_389 : vector<16xf32>
      %select_n3A_391 = arith.select %gt3A_390, %broadcast_in_dim3A_2, %broadcast_in_dim3A_0 : vector<16xi1>, vector<16xf32>
      %mul3A_392 = arith.constant 16 : i32
      %mul3A_393 = arith.muli %scan3A_378, %mul3A_392 : i32
      %swap3A_394 = arith.index_cast %mul3A_393 : i32 to index
      %swap3A_395 = tpu.vector_load %arg12[%swap3A_394] {strides = array<i32>} : memref<6272xf32, #tpu.memory_space<vmem>>, vector<16xf32>,
      tpu.vector_store %arg12[%swap3A_394], %select_n3A_391 {strides = array<i32>} : memref<6272xf32, #tpu.memory_space<vmem>>, vector<16xf32>,
      %scan3A_396 = arith.constant 2 : i32
      %scan3A_397 = arith.addi %scan3A_359, %scan3A_396 : i32
      %mul3A_398 = arith.constant 16 : i32
      %mul3A_399 = arith.muli %scan3A_397, %mul3A_398 : i32
      %get3A_400 = arith.index_cast %mul3A_399 : i32 to index
      %get3A_401 = tpu.vector_load %arg12[%get3A_400] {strides = array<i32>} : memref<6272xf32, #tpu.memory_space<vmem>>, vector<16xf32>,
      %mul3A_402 = arith.constant 16 : i32
      %mul3A_403 = arith.muli %scan3A_397, %mul3A_402 : i32
      %get3A_404 = arith.index_cast %mul3A_403 : i32 to index
      %get3A_405 = tpu.vector_load %arg13[%get3A_404] {strides = array<i32>} : memref<6272xf32, #tpu.memory_space<vmem>>, vector<16xf32>,
      %add3A_406 = arith.addf %get3A_401, %get3A_405 : vector<16xf32>
      %gt3A_407 = arith.constant 1.000000e+00 : f32
      %gt3A_408 = vector.broadcast %gt3A_407 : f32 to vector<16xf32>
      %gt3A_409 = arith.cmpf ogt, %add3A_406, %gt3A_408 : vector<16xf32>
      %select_n3A_410 = arith.select %gt3A_409, %broadcast_in_dim3A_2, %broadcast_in_dim3A_0 : vector<16xi1>, vector<16xf32>
      %mul3A_411 = arith.constant 16 : i32
      %mul3A_412 = arith.muli %scan3A_397, %mul3A_411 : i32
      %swap3A_413 = arith.index_cast %mul3A_412 : i32 to index
      %swap3A_414 = tpu.vector_load %arg12[%swap3A_413] {strides = array<i32>} : memref<6272xf32, #tpu.memory_space<vmem>>, vector<16xf32>,
      tpu.vector_store %arg12[%swap3A_413], %select_n3A_410 {strides = array<i32>} : memref<6272xf32, #tpu.memory_space<vmem>>, vector<16xf32>,
      %scan3A_415 = arith.constant 3 : i32
      %scan3A_416 = arith.addi %scan3A_359, %scan3A_415 : i32
      %mul3A_417 = arith.constant 16 : i32
      %mul3A_418 = arith.muli %scan3A_416, %mul3A_417 : i32
      %get3A_419 = arith.index_cast %mul3A_418 : i32 to index
      %get3A_420 = tpu.vector_load %arg12[%get3A_419] {strides = array<i32>} : memref<6272xf32, #tpu.memory_space<vmem>>, vector<16xf32>,
      %mul3A_421 = arith.constant 16 : i32
      %mul3A_422 = arith.muli %scan3A_416, %mul3A_421 : i32
      %get3A_423 = arith.index_cast %mul3A_422 : i32 to index
      %get3A_424 = tpu.vector_load %arg13[%get3A_423] {strides = array<i32>} : memref<6272xf32, #tpu.memory_space<vmem>>, vector<16xf32>,
      %add3A_425 = arith.addf %get3A_420, %get3A_424 : vector<16xf32>
      %gt3A_426 = arith.constant 1.000000e+00 : f32
      %gt3A_427 = vector.broadcast %gt3A_426 : f32 to vector<16xf32>
      %gt3A_428 = arith.cmpf ogt, %add3A_425, %gt3A_427 : vector<16xf32>
      %select_n3A_429 = arith.select %gt3A_428, %broadcast_in_dim3A_2, %broadcast_in_dim3A_0 : vector<16xi1>, vector<16xf32>
      %mul3A_430 = arith.constant 16 : i32
      %mul3A_431 = arith.muli %scan3A_416, %mul3A_430 : i32
      %swap3A_432 = arith.index_cast %mul3A_431 : i32 to index
      %swap3A_433 = tpu.vector_load %arg12[%swap3A_432] {strides = array<i32>} : memref<6272xf32, #tpu.memory_space<vmem>>, vector<16xf32>,
      tpu.vector_store %arg12[%swap3A_432], %select_n3A_429 {strides = array<i32>} : memref<6272xf32, #tpu.memory_space<vmem>>, vector<16xf32>,
      %scan3A_434 = arith.constant 4 : i32
      %scan3A_435 = arith.addi %scan3A_359, %scan3A_434 : i32
      %mul3A_436 = arith.constant 16 : i32
      %mul3A_437 = arith.muli %scan3A_435, %mul3A_436 : i32
      %get3A_438 = arith.index_cast %mul3A_437 : i32 to index
      %get3A_439 = tpu.vector_load %arg12[%get3A_438] {strides = array<i32>} : memref<6272xf32, #tpu.memory_space<vmem>>, vector<16xf32>,
      %mul3A_440 = arith.constant 16 : i32
      %mul3A_441 = arith.muli %scan3A_435, %mul3A_440 : i32
      %get3A_442 = arith.index_cast %mul3A_441 : i32 to index
      %get3A_443 = tpu.vector_load %arg13[%get3A_442] {strides = array<i32>} : memref<6272xf32, #tpu.memory_space<vmem>>, vector<16xf32>,
      %add3A_444 = arith.addf %get3A_439, %get3A_443 : vector<16xf32>
      %gt3A_445 = arith.constant 1.000000e+00 : f32
      %gt3A_446 = vector.broadcast %gt3A_445 : f32 to vector<16xf32>
      %gt3A_447 = arith.cmpf ogt, %add3A_444, %gt3A_446 : vector<16xf32>
      %select_n3A_448 = arith.select %gt3A_447, %broadcast_in_dim3A_2, %broadcast_in_dim3A_0 : vector<16xi1>, vector<16xf32>
      %mul3A_449 = arith.constant 16 : i32
      %mul3A_450 = arith.muli %scan3A_435, %mul3A_449 : i32
      %swap3A_451 = arith.index_cast %mul3A_450 : i32 to index
      %swap3A_452 = tpu.vector_load %arg12[%swap3A_451] {strides = array<i32>} : memref<6272xf32, #tpu.memory_space<vmem>>, vector<16xf32>,
      tpu.vector_store %arg12[%swap3A_451], %select_n3A_448 {strides = array<i32>} : memref<6272xf32, #tpu.memory_space<vmem>>, vector<16xf32>,
      %scan3A_453 = arith.constant 5 : i32
      %scan3A_454 = arith.addi %scan3A_359, %scan3A_453 : i32
      %mul3A_455 = arith.constant 16 : i32
      %mul3A_456 = arith.muli %scan3A_454, %mul3A_455 : i32
      %get3A_457 = arith.index_cast %mul3A_456 : i32 to index
      %get3A_458 = tpu.vector_load %arg12[%get3A_457] {strides = array<i32>} : memref<6272xf32, #tpu.memory_space<vmem>>, vector<16xf32>,
      %mul3A_459 = arith.constant 16 : i32
      %mul3A_460 = arith.muli %scan3A_454, %mul3A_459 : i32
      %get3A_461 = arith.index_cast %mul3A_460 : i32 to index
      %get3A_462 = tpu.vector_load %arg13[%get3A_461] {strides = array<i32>} : memref<6272xf32, #tpu.memory_space<vmem>>, vector<16xf32>,
      %add3A_463 = arith.addf %get3A_458, %get3A_462 : vector<16xf32>
      %gt3A_464 = arith.constant 1.000000e+00 : f32
      %gt3A_465 = vector.broadcast %gt3A_464 : f32 to vector<16xf32>
      %gt3A_466 = arith.cmpf ogt, %add3A_463, %gt3A_465 : vector<16xf32>
      %select_n3A_467 = arith.select %gt3A_466, %broadcast_in_dim3A_2, %broadcast_in_dim3A_0 : vector<16xi1>, vector<16xf32>
      %mul3A_468 = arith.constant 16 : i32
      %mul3A_469 = arith.muli %scan3A_454, %mul3A_468 : i32
      %swap3A_470 = arith.index_cast %mul3A_469 : i32 to index
      %swap3A_471 = tpu.vector_load %arg12[%swap3A_470] {strides = array<i32>} : memref<6272xf32, #tpu.memory_space<vmem>>, vector<16xf32>,
      tpu.vector_store %arg12[%swap3A_470], %select_n3A_467 {strides = array<i32>} : memref<6272xf32, #tpu.memory_space<vmem>>, vector<16xf32>,
      %scan3A_472 = arith.constant 6 : i32
      %scan3A_473 = arith.addi %scan3A_359, %scan3A_472 : i32
      %mul3A_474 = arith.constant 16 : i32
      %mul3A_475 = arith.muli %scan3A_473, %mul3A_474 : i32
      %get3A_476 = arith.index_cast %mul3A_475 : i32 to index
      %get3A_477 = tpu.vector_load %arg12[%get3A_476] {strides = array<i32>} : memref<6272xf32, #tpu.memory_space<vmem>>, vector<16xf32>,
      %mul3A_478 = arith.constant 16 : i32
      %mul3A_479 = arith.muli %scan3A_473, %mul3A_478 : i32
      %get3A_480 = arith.index_cast %mul3A_479 : i32 to index
      %get3A_481 = tpu.vector_load %arg13[%get3A_480] {strides = array<i32>} : memref<6272xf32, #tpu.memory_space<vmem>>, vector<16xf32>,
      %add3A_482 = arith.addf %get3A_477, %get3A_481 : vector<16xf32>
      %gt3A_483 = arith.constant 1.000000e+00 : f32
      %gt3A_484 = vector.broadcast %gt3A_483 : f32 to vector<16xf32>
      %gt3A_485 = arith.cmpf ogt, %add3A_482, %gt3A_484 : vector<16xf32>
      %select_n3A_486 = arith.select %gt3A_485, %broadcast_in_dim3A_2, %broadcast_in_dim3A_0 : vector<16xi1>, vector<16xf32>
      %mul3A_487 = arith.constant 16 : i32
      %mul3A_488 = arith.muli %scan3A_473, %mul3A_487 : i32
      %swap3A_489 = arith.index_cast %mul3A_488 : i32 to index
      %swap3A_490 = tpu.vector_load %arg12[%swap3A_489] {strides = array<i32>} : memref<6272xf32, #tpu.memory_space<vmem>>, vector<16xf32>,
      tpu.vector_store %arg12[%swap3A_489], %select_n3A_486 {strides = array<i32>} : memref<6272xf32, #tpu.memory_space<vmem>>, vector<16xf32>,
      %scan3A_491 = arith.constant 7 : i32
      %scan3A_492 = arith.addi %scan3A_359, %scan3A_491 : i32
      %mul3A_493 = arith.constant 16 : i32
      %mul3A_494 = arith.muli %scan3A_492, %mul3A_493 : i32
      %get3A_495 = arith.index_cast %mul3A_494 : i32 to index
      %get3A_496 = tpu.vector_load %arg12[%get3A_495] {strides = array<i32>} : memref<6272xf32, #tpu.memory_space<vmem>>, vector<16xf32>,
      %mul3A_497 = arith.constant 16 : i32
      %mul3A_498 = arith.muli %scan3A_492, %mul3A_497 : i32
      %get3A_499 = arith.index_cast %mul3A_498 : i32 to index
      %get3A_500 = tpu.vector_load %arg13[%get3A_499] {strides = array<i32>} : memref<6272xf32, #tpu.memory_space<vmem>>, vector<16xf32>,
      %add3A_501 = arith.addf %get3A_496, %get3A_500 : vector<16xf32>
      %gt3A_502 = arith.constant 1.000000e+00 : f32
      %gt3A_503 = vector.broadcast %gt3A_502 : f32 to vector<16xf32>
      %gt3A_504 = arith.cmpf ogt, %add3A_501, %gt3A_503 : vector<16xf32>
      %select_n3A_505 = arith.select %gt3A_504, %broadcast_in_dim3A_2, %broadcast_in_dim3A_0 : vector<16xi1>, vector<16xf32>
      %mul3A_506 = arith.constant 16 : i32
      %mul3A_507 = arith.muli %scan3A_492, %mul3A_506 : i32
      %swap3A_508 = arith.index_cast %mul3A_507 : i32 to index
      %swap3A_509 = tpu.vector_load %arg12[%swap3A_508] {strides = array<i32>} : memref<6272xf32, #tpu.memory_space<vmem>>, vector<16xf32>,
      tpu.vector_store %arg12[%swap3A_508], %select_n3A_505 {strides = array<i32>} : memref<6272xf32, #tpu.memory_space<vmem>>, vector<16xf32>,
    }
    %scan3A_291 = arith.constant 392 : i32
    %mul3A_292 = arith.constant 6272 : i32
    %mul3A_293 = arith.muli %arg1, %mul3A_292 : i32
    "tpu.region"() ({
      %run_scoped3A = tpu.sem_alloc : memref<!tpu.dma_semaphore, #tpu.memory_space<semaphore_mem>>
      %dma_start3A_359 = tpu.memref_slice %arg30[%mul3A_293] : memref<100352xf32, #tpu.memory_space<vmem_shared>> -> memref<6272xf32, #tpu.memory_space<vmem_shared>>
      %dma_start3A_360 = tpu.memref_slice %arg30[%mul3A_293] : memref<100352xf32, #tpu.memory_space<vmem_shared>> -> memref<6272xf32, #tpu.memory_space<vmem_shared>>
      tpu.enqueue_dma source(%arg12 : memref<6272xf32, #tpu.memory_space<vmem>>) target(%dma_start3A_360 : memref<6272xf32, #tpu.memory_space<vmem_shared>>) target_semaphore(%run_scoped3A : memref<!tpu.dma_semaphore, #tpu.memory_space<semaphore_mem>>)
      %dma_wait3A_361 = tpu.memref_slice %arg30[%mul3A_293] : memref<100352xf32, #tpu.memory_space<vmem_shared>> -> memref<6272xf32, #tpu.memory_space<vmem_shared>>
      %dma_wait3A_362 = tpu.memref_slice %arg30[%mul3A_293] : memref<100352xf32, #tpu.memory_space<vmem_shared>> -> memref<6272xf32, #tpu.memory_space<vmem_shared>>
      tpu.wait_dma2 semaphore(%run_scoped3A : memref<!tpu.dma_semaphore, #tpu.memory_space<semaphore_mem>>) src(%arg12 : memref<6272xf32, #tpu.memory_space<vmem>>) dst(%dma_wait3A_362 : memref<6272xf32, #tpu.memory_space<vmem_shared>>)
      tpu.yield
    }) : () -> ()
    %barrier3A_294 = arith.constant 0 : index
    tpu.barrier barrier_id(%barrier3A_294)
    %dma_wait3A_295 = arith.constant 0 : i32
    %dma_wait3A_296 = tpu.memref_slice %arg18[%dma_wait3A_295] : memref<7840xf32, #tpu.memory_space<vmem>> -> memref<6144xf32, #tpu.memory_space<vmem>>
    %dma_wait3A_297 = arith.constant 0 : i32
    %dma_wait3A_298 = tpu.memref_slice %arg6[%dma_wait3A_297] : memref<100000xf32, #tpu.memory_space<hbm>> -> memref<6144xf32, #tpu.memory_space<hbm>>
    %dma_wait3A_299 = arith.constant 0 : i32
    %dma_wait3A_300 = tpu.memref_slice %arg18[%dma_wait3A_299] : memref<7840xf32, #tpu.memory_space<vmem>> -> memref<6144xf32, #tpu.memory_space<vmem>>
    %dma_wait3A_301 = arith.constant 0 : i32
    %dma_wait3A_302 = tpu.memref_slice %arg6[%dma_wait3A_301] : memref<100000xf32, #tpu.memory_space<hbm>> -> memref<6144xf32, #tpu.memory_space<hbm>>
    tpu.wait_dma2 semaphore(%arg28 : memref<!tpu.dma_semaphore, #tpu.memory_space<semaphore_mem>>) src(%dma_wait3A_302 : memref<6144xf32, #tpu.memory_space<hbm>>) dst(%dma_wait3A_300 : memref<6144xf32, #tpu.memory_space<vmem>>)
    %dma_wait3A_303 = arith.constant 0 : i32
    %dma_wait3A_304 = tpu.memref_slice %arg19[%dma_wait3A_303] : memref<7840xi32, #tpu.memory_space<vmem>> -> memref<6144xi32, #tpu.memory_space<vmem>>
    %dma_wait3A_305 = arith.constant 0 : i32
    %dma_wait3A_306 = tpu.memref_slice %arg7[%dma_wait3A_305] : memref<100000xi32, #tpu.memory_space<hbm>> -> memref<6144xi32, #tpu.memory_space<hbm>>
    %dma_wait3A_307 = arith.constant 0 : i32
    %dma_wait3A_308 = tpu.memref_slice %arg19[%dma_wait3A_307] : memref<7840xi32, #tpu.memory_space<vmem>> -> memref<6144xi32, #tpu.memory_space<vmem>>
    %dma_wait3A_309 = arith.constant 0 : i32
    %dma_wait3A_310 = tpu.memref_slice %arg7[%dma_wait3A_309] : memref<100000xi32, #tpu.memory_space<hbm>> -> memref<6144xi32, #tpu.memory_space<hbm>>
    tpu.wait_dma2 semaphore(%arg28 : memref<!tpu.dma_semaphore, #tpu.memory_space<semaphore_mem>>) src(%dma_wait3A_310 : memref<6144xi32, #tpu.memory_space<hbm>>) dst(%dma_wait3A_308 : memref<6144xi32, #tpu.memory_space<vmem>>)
    %dma_wait3A_311 = arith.constant 0 : i32
    %dma_wait3A_312 = tpu.memref_slice %arg20[%dma_wait3A_311] : memref<7840xi32, #tpu.memory_space<vmem>> -> memref<6144xi32, #tpu.memory_space<vmem>>
    %dma_wait3A_313 = arith.constant 0 : i32
    %dma_wait3A_314 = tpu.memref_slice %arg8[%dma_wait3A_313] : memref<100000xi32, #tpu.memory_space<hbm>> -> memref<6144xi32, #tpu.memory_space<hbm>>
    %dma_wait3A_315 = arith.constant 0 : i32
    %dma_wait3A_316 = tpu.memref_slice %arg20[%dma_wait3A_315] : memref<7840xi32, #tpu.memory_space<vmem>> -> memref<6144xi32, #tpu.memory_space<vmem>>
    %dma_wait3A_317 = arith.constant 0 : i32
    %dma_wait3A_318 = tpu.memref_slice %arg8[%dma_wait3A_317] : memref<100000xi32, #tpu.memory_space<hbm>> -> memref<6144xi32, #tpu.memory_space<hbm>>
    tpu.wait_dma2 semaphore(%arg28 : memref<!tpu.dma_semaphore, #tpu.memory_space<semaphore_mem>>) src(%dma_wait3A_318 : memref<6144xi32, #tpu.memory_space<hbm>>) dst(%dma_wait3A_316 : memref<6144xi32, #tpu.memory_space<vmem>>)
    %eq3A_319 = arith.constant 0 : i32
    %eq3A_320 = arith.cmpi eq, %arg1, %eq3A_319 : i32
    %convert_element_type3A_321 = arith.extui %eq3A_320 : i1 to i32
    %cond3A_322 = arith.constant 0 : i32
    %cond3A_323 = arith.cmpi ne, %convert_element_type3A_321, %cond3A_322 : i32
    scf.if %cond3A_323 {
      %dma_wait3A_359 = arith.constant 6144 : i32
      %dma_wait3A_360 = tpu.memref_slice %arg18[%dma_wait3A_359] : memref<7840xf32, #tpu.memory_space<vmem>> -> memref<1696xf32, #tpu.memory_space<vmem>>
      %dma_wait3A_361 = arith.constant 0 : i32
      %dma_wait3A_362 = tpu.memref_slice %arg6[%dma_wait3A_361] : memref<100000xf32, #tpu.memory_space<hbm>> -> memref<1696xf32, #tpu.memory_space<hbm>>
      %dma_wait3A_363 = arith.constant 6144 : i32
      %dma_wait3A_364 = tpu.memref_slice %arg18[%dma_wait3A_363] : memref<7840xf32, #tpu.memory_space<vmem>> -> memref<1696xf32, #tpu.memory_space<vmem>>
      %dma_wait3A_365 = arith.constant 0 : i32
      %dma_wait3A_366 = tpu.memref_slice %arg6[%dma_wait3A_365] : memref<100000xf32, #tpu.memory_space<hbm>> -> memref<1696xf32, #tpu.memory_space<hbm>>
      tpu.wait_dma2 semaphore(%arg28 : memref<!tpu.dma_semaphore, #tpu.memory_space<semaphore_mem>>) src(%dma_wait3A_366 : memref<1696xf32, #tpu.memory_space<hbm>>) dst(%dma_wait3A_364 : memref<1696xf32, #tpu.memory_space<vmem>>)
      %dma_wait3A_367 = arith.constant 6144 : i32
      %dma_wait3A_368 = tpu.memref_slice %arg19[%dma_wait3A_367] : memref<7840xi32, #tpu.memory_space<vmem>> -> memref<1696xi32, #tpu.memory_space<vmem>>
      %dma_wait3A_369 = arith.constant 0 : i32
      %dma_wait3A_370 = tpu.memref_slice %arg7[%dma_wait3A_369] : memref<100000xi32, #tpu.memory_space<hbm>> -> memref<1696xi32, #tpu.memory_space<hbm>>
      %dma_wait3A_371 = arith.constant 6144 : i32
      %dma_wait3A_372 = tpu.memref_slice %arg19[%dma_wait3A_371] : memref<7840xi32, #tpu.memory_space<vmem>> -> memref<1696xi32, #tpu.memory_space<vmem>>
      %dma_wait3A_373 = arith.constant 0 : i32
      %dma_wait3A_374 = tpu.memref_slice %arg7[%dma_wait3A_373] : memref<100000xi32, #tpu.memory_space<hbm>> -> memref<1696xi32, #tpu.memory_space<hbm>>
      tpu.wait_dma2 semaphore(%arg28 : memref<!tpu.dma_semaphore, #tpu.memory_space<semaphore_mem>>) src(%dma_wait3A_374 : memref<1696xi32, #tpu.memory_space<hbm>>) dst(%dma_wait3A_372 : memref<1696xi32, #tpu.memory_space<vmem>>)
      %dma_wait3A_375 = arith.constant 6144 : i32
      %dma_wait3A_376 = tpu.memref_slice %arg20[%dma_wait3A_375] : memref<7840xi32, #tpu.memory_space<vmem>> -> memref<1696xi32, #tpu.memory_space<vmem>>
      %dma_wait3A_377 = arith.constant 0 : i32
      %dma_wait3A_378 = tpu.memref_slice %arg8[%dma_wait3A_377] : memref<100000xi32, #tpu.memory_space<hbm>> -> memref<1696xi32, #tpu.memory_space<hbm>>
      %dma_wait3A_379 = arith.constant 6144 : i32
      %dma_wait3A_380 = tpu.memref_slice %arg20[%dma_wait3A_379] : memref<7840xi32, #tpu.memory_space<vmem>> -> memref<1696xi32, #tpu.memory_space<vmem>>
      %dma_wait3A_381 = arith.constant 0 : i32
      %dma_wait3A_382 = tpu.memref_slice %arg8[%dma_wait3A_381] : memref<100000xi32, #tpu.memory_space<hbm>> -> memref<1696xi32, #tpu.memory_space<hbm>>
      tpu.wait_dma2 semaphore(%arg28 : memref<!tpu.dma_semaphore, #tpu.memory_space<semaphore_mem>>) src(%dma_wait3A_382 : memref<1696xi32, #tpu.memory_space<hbm>>) dst(%dma_wait3A_380 : memref<1696xi32, #tpu.memory_space<vmem>>)
    } else {
    }
    %scan3A_324 = arith.constant 0 : i32
    %scan3A_325 = arith.constant 0 : i32
    %scan3A_326 = arith.constant 8 : i32
    %scan3A_327 = arith.addi %scan3A_325, %scan3A_326 : i32
    %scan3A_328 = arith.constant 1 : i32
    scf.for %scan3A_359 = %scan3A_325 to %scan3A_327 step %scan3A_328  : i32 {
      %mul3A_360 = arith.constant 128 : i32
      %mul3A_361 = arith.muli %scan3A_359, %mul3A_360 : i32
      %mul3A_362 = arith.constant 128 : i32
      %mul3A_363 = arith.muli %scan3A_359, %mul3A_362 : i32
      %dma_start3A_364 = tpu.memref_slice %arg21[%mul3A_363] : memref<7840xf32, #tpu.memory_space<vmem>> -> memref<128xf32, #tpu.memory_space<vmem>>
      %dma_start3A_365 = tpu.memref_slice %arg19[%mul3A_361] : memref<7840xi32, #tpu.memory_space<vmem>> -> memref<128xi32, #tpu.memory_space<vmem>>
      %dma_start3A_366 = arith.constant 0 : i32
      %dma_start3A_367 = tpu.memref_slice %arg30[%dma_start3A_366] : memref<100352xf32, #tpu.memory_space<vmem_shared>> -> memref<100352xf32, #tpu.memory_space<vmem_shared>>
      tpu.enqueue_indirect_dma source(%dma_start3A_367 : memref<100352xf32, #tpu.memory_space<vmem_shared>>) target(%dma_start3A_364 : memref<128xf32, #tpu.memory_space<vmem>>) offsets(%dma_start3A_365 : memref<128xi32, #tpu.memory_space<vmem>>) semaphore(%arg27 : memref<!tpu.dma_semaphore, #tpu.memory_space<semaphore_mem>>)
    }
    %scan3A_329 = arith.constant 8 : i32
    %scan3A_330 = arith.constant 0 : i32
    %scan3A_331 = arith.constant 8 : i32
    %scan3A_332 = arith.constant 8 : i32
    %scan3A_333 = arith.addi %scan3A_331, %scan3A_332 : i32
    %scan3A_334 = arith.constant 1 : i32
    scf.for %scan3A_359 = %scan3A_331 to %scan3A_333 step %scan3A_334  : i32 {
      %mul3A_360 = arith.constant 128 : i32
      %mul3A_361 = arith.muli %scan3A_359, %mul3A_360 : i32
      %mul3A_362 = arith.constant 128 : i32
      %mul3A_363 = arith.muli %scan3A_359, %mul3A_362 : i32
      %dma_start3A_364 = tpu.memref_slice %arg21[%mul3A_363] : memref<7840xf32, #tpu.memory_space<vmem>> -> memref<128xf32, #tpu.memory_space<vmem>>
      %dma_start3A_365 = tpu.memref_slice %arg19[%mul3A_361] : memref<7840xi32, #tpu.memory_space<vmem>> -> memref<128xi32, #tpu.memory_space<vmem>>
      %dma_start3A_366 = arith.constant 0 : i32
      %dma_start3A_367 = tpu.memref_slice %arg30[%dma_start3A_366] : memref<100352xf32, #tpu.memory_space<vmem_shared>> -> memref<100352xf32, #tpu.memory_space<vmem_shared>>
      tpu.enqueue_indirect_dma source(%dma_start3A_367 : memref<100352xf32, #tpu.memory_space<vmem_shared>>) target(%dma_start3A_364 : memref<128xf32, #tpu.memory_space<vmem>>) offsets(%dma_start3A_365 : memref<128xi32, #tpu.memory_space<vmem>>) semaphore(%arg27 : memref<!tpu.dma_semaphore, #tpu.memory_space<semaphore_mem>>)
    }
    %scan3A_335 = arith.constant 8 : i32
    %scan3A_336 = arith.constant 0 : i32
    %scan3A_337 = arith.constant 0 : i32
    %scan3A_338 = arith.constant 6 : i32
    %scan3A_339 = arith.addi %scan3A_337, %scan3A_338 : i32
    %scan3A_340 = arith.constant 1 : i32
    scf.for %scan3A_359 = %scan3A_337 to %scan3A_339 step %scan3A_340  : i32 {
      %scan3A_360 = arith.constant 0 : i32
      %scan3A_361 = arith.constant 0 : i32
      %scan3A_362 = arith.constant 8 : i32
      %scan3A_363 = arith.addi %scan3A_361, %scan3A_362 : i32
      %scan3A_364 = arith.constant 1 : i32
      scf.for %scan3A_398 = %scan3A_361 to %scan3A_363 step %scan3A_364  : i32 {
        %dma_wait3A_399 = arith.constant 0 : i32
        %dma_wait3A_400 = tpu.memref_slice %arg24[%dma_wait3A_399] : memref<128xf32, #tpu.memory_space<vmem>> -> memref<128xf32, #tpu.memory_space<vmem>>
        %dma_wait3A_401 = arith.constant 0 : i32
        %dma_wait3A_402 = tpu.memref_slice %arg2[%dma_wait3A_401] : memref<10000xf32, #tpu.memory_space<hbm>> -> memref<128xf32, #tpu.memory_space<hbm>>
        %dma_wait3A_403 = arith.constant 0 : i32
        %dma_wait3A_404 = tpu.memref_slice %arg24[%dma_wait3A_403] : memref<128xf32, #tpu.memory_space<vmem>> -> memref<128xf32, #tpu.memory_space<vmem>>
        %dma_wait3A_405 = arith.constant 0 : i32
        %dma_wait3A_406 = tpu.memref_slice %arg2[%dma_wait3A_405] : memref<10000xf32, #tpu.memory_space<hbm>> -> memref<128xf32, #tpu.memory_space<hbm>>
        tpu.wait_dma2 semaphore(%arg27 : memref<!tpu.dma_semaphore, #tpu.memory_space<semaphore_mem>>) src(%dma_wait3A_406 : memref<128xf32, #tpu.memory_space<hbm>>) dst(%dma_wait3A_404 : memref<128xf32, #tpu.memory_space<vmem>>)
      }
      %scan3A_365 = arith.constant 8 : i32
      %add3A_366 = arith.constant 2 : i32
      %add3A_367 = arith.addi %scan3A_359, %add3A_366 : i32
      %lt3A = arith.constant 6 : i32
      %lt3A_368 = arith.cmpi slt, %add3A_367, %lt3A : i32
      %convert_element_type3A_369 = arith.extui %lt3A_368 : i1 to i32
      %cond3A_370 = arith.constant 0 : i32
      %cond3A_371 = arith.cmpi ne, %convert_element_type3A_369, %cond3A_370 : i32
      scf.if %cond3A_371 {
        %add3A_398 = arith.constant 2 : i32
        %add3A_399 = arith.addi %scan3A_359, %add3A_398 : i32
        %mul3A_400 = arith.constant 8 : i32
        %mul3A_401 = arith.muli %add3A_399, %mul3A_400 : i32
        %add3A_402 = arith.constant 1 : i32
        %add3A_403 = arith.addi %add3A_399, %add3A_402 : i32
        %mul3A_404 = arith.constant 8 : i32
        %mul3A_405 = arith.muli %add3A_403, %mul3A_404 : i32
        %while3A_406 = arith.constant 0 : i32
        %while3A_407 = arith.subi %mul3A_405, %mul3A_401 : i32
        %while3A_408 = arith.addi %mul3A_401, %while3A_407 : i32
        %while3A_409 = arith.constant 1 : i32
        %while3A_410 = arith.divsi %while3A_407, %while3A_409 : i32
        %while3A_411 = arith.muli %while3A_410, %while3A_409 : i32
        %while3A_412 = arith.addi %mul3A_401, %while3A_411 : i32
        %while3A_413 = arith.constant 1 : i32
        scf.for %while3A_415 = %mul3A_401 to %while3A_412 step %while3A_413  : i32 {
          %mul3A_416 = arith.constant 128 : i32
          %mul3A_417 = arith.muli %while3A_415, %mul3A_416 : i32
          %mul3A_418 = arith.constant 128 : i32
          %mul3A_419 = arith.muli %while3A_415, %mul3A_418 : i32
          %dma_start3A_420 = tpu.memref_slice %arg21[%mul3A_419] : memref<7840xf32, #tpu.memory_space<vmem>> -> memref<128xf32, #tpu.memory_space<vmem>>
          %dma_start3A_421 = tpu.memref_slice %arg19[%mul3A_417] : memref<7840xi32, #tpu.memory_space<vmem>> -> memref<128xi32, #tpu.memory_space<vmem>>
          %dma_start3A_422 = arith.constant 0 : i32
          %dma_start3A_423 = tpu.memref_slice %arg30[%dma_start3A_422] : memref<100352xf32, #tpu.memory_space<vmem_shared>> -> memref<100352xf32, #tpu.memory_space<vmem_shared>>
          tpu.enqueue_indirect_dma source(%dma_start3A_423 : memref<100352xf32, #tpu.memory_space<vmem_shared>>) target(%dma_start3A_420 : memref<128xf32, #tpu.memory_space<vmem>>) offsets(%dma_start3A_421 : memref<128xi32, #tpu.memory_space<vmem>>) semaphore(%arg27 : memref<!tpu.dma_semaphore, #tpu.memory_space<semaphore_mem>>)
        }
        %while3A_414 = arith.constant 1 : i32
        scf.for %while3A_415 = %while3A_412 to %while3A_408 step %while3A_414  : i32 {
          %mul3A_416 = arith.constant 128 : i32
          %mul3A_417 = arith.muli %while3A_415, %mul3A_416 : i32
          %mul3A_418 = arith.constant 128 : i32
          %mul3A_419 = arith.muli %while3A_415, %mul3A_418 : i32
          %dma_start3A_420 = tpu.memref_slice %arg21[%mul3A_419] : memref<7840xf32, #tpu.memory_space<vmem>> -> memref<128xf32, #tpu.memory_space<vmem>>
          %dma_start3A_421 = tpu.memref_slice %arg19[%mul3A_417] : memref<7840xi32, #tpu.memory_space<vmem>> -> memref<128xi32, #tpu.memory_space<vmem>>
          %dma_start3A_422 = arith.constant 0 : i32
          %dma_start3A_423 = tpu.memref_slice %arg30[%dma_start3A_422] : memref<100352xf32, #tpu.memory_space<vmem_shared>> -> memref<100352xf32, #tpu.memory_space<vmem_shared>>
          tpu.enqueue_indirect_dma source(%dma_start3A_423 : memref<100352xf32, #tpu.memory_space<vmem_shared>>) target(%dma_start3A_420 : memref<128xf32, #tpu.memory_space<vmem>>) offsets(%dma_start3A_421 : memref<128xi32, #tpu.memory_space<vmem>>) semaphore(%arg27 : memref<!tpu.dma_semaphore, #tpu.memory_space<semaphore_mem>>)
        }
      } else {
      }
      %mul3A_372 = arith.constant 64 : i32
      %mul3A_373 = arith.muli %scan3A_359, %mul3A_372 : i32
      %scan3A_374 = arith.constant 0 : i32
      %scan3A_375 = arith.constant 0 : i32
      %scan3A_376 = arith.constant 64 : i32
      %scan3A_377 = arith.addi %scan3A_375, %scan3A_376 : i32
      %scan3A_378 = arith.constant 8 : i32
      scf.for %scan3A_398 = %scan3A_375 to %scan3A_377 step %scan3A_378  : i32 {
        %add3A_399 = arith.addi %mul3A_373, %scan3A_398 : i32
        %mul3A_400 = arith.constant 16 : i32
        %mul3A_401 = arith.muli %add3A_399, %mul3A_400 : i32
        %get3A_402 = arith.index_cast %mul3A_401 : i32 to index
        %get3A_403 = tpu.vector_load %arg18[%get3A_402] {strides = array<i32>} : memref<7840xf32, #tpu.memory_space<vmem>>, vector<16xf32>,
        %mul3A_404 = arith.constant 16 : i32
        %mul3A_405 = arith.muli %add3A_399, %mul3A_404 : i32
        %get3A_406 = arith.index_cast %mul3A_405 : i32 to index
        %get3A_407 = tpu.vector_load %arg21[%get3A_406] {strides = array<i32>} : memref<7840xf32, #tpu.memory_space<vmem>>, vector<16xf32>,
        %mul3A_408 = arith.mulf %get3A_403, %get3A_407 : vector<16xf32>
        %mul3A_409 = arith.constant 16 : i32
        %mul3A_410 = arith.muli %add3A_399, %mul3A_409 : i32
        %swap3A_411 = arith.index_cast %mul3A_410 : i32 to index
        %swap3A_412 = tpu.vector_load %arg22[%swap3A_411] {strides = array<i32>} : memref<7840xf32, #tpu.memory_space<vmem>>, vector<16xf32>,
        tpu.vector_store %arg22[%swap3A_411], %mul3A_408 {strides = array<i32>} : memref<7840xf32, #tpu.memory_space<vmem>>, vector<16xf32>,
        %scan3A_413 = arith.constant 1 : i32
        %scan3A_414 = arith.addi %scan3A_398, %scan3A_413 : i32
        %add3A_415 = arith.addi %mul3A_373, %scan3A_414 : i32
        %mul3A_416 = arith.constant 16 : i32
        %mul3A_417 = arith.muli %add3A_415, %mul3A_416 : i32
        %get3A_418 = arith.index_cast %mul3A_417 : i32 to index
        %get3A_419 = tpu.vector_load %arg18[%get3A_418] {strides = array<i32>} : memref<7840xf32, #tpu.memory_space<vmem>>, vector<16xf32>,
        %mul3A_420 = arith.constant 16 : i32
        %mul3A_421 = arith.muli %add3A_415, %mul3A_420 : i32
        %get3A_422 = arith.index_cast %mul3A_421 : i32 to index
        %get3A_423 = tpu.vector_load %arg21[%get3A_422] {strides = array<i32>} : memref<7840xf32, #tpu.memory_space<vmem>>, vector<16xf32>,
        %mul3A_424 = arith.mulf %get3A_419, %get3A_423 : vector<16xf32>
        %mul3A_425 = arith.constant 16 : i32
        %mul3A_426 = arith.muli %add3A_415, %mul3A_425 : i32
        %swap3A_427 = arith.index_cast %mul3A_426 : i32 to index
        %swap3A_428 = tpu.vector_load %arg22[%swap3A_427] {strides = array<i32>} : memref<7840xf32, #tpu.memory_space<vmem>>, vector<16xf32>,
        tpu.vector_store %arg22[%swap3A_427], %mul3A_424 {strides = array<i32>} : memref<7840xf32, #tpu.memory_space<vmem>>, vector<16xf32>,
        %scan3A_429 = arith.constant 2 : i32
        %scan3A_430 = arith.addi %scan3A_398, %scan3A_429 : i32
        %add3A_431 = arith.addi %mul3A_373, %scan3A_430 : i32
        %mul3A_432 = arith.constant 16 : i32
        %mul3A_433 = arith.muli %add3A_431, %mul3A_432 : i32
        %get3A_434 = arith.index_cast %mul3A_433 : i32 to index
        %get3A_435 = tpu.vector_load %arg18[%get3A_434] {strides = array<i32>} : memref<7840xf32, #tpu.memory_space<vmem>>, vector<16xf32>,
        %mul3A_436 = arith.constant 16 : i32
        %mul3A_437 = arith.muli %add3A_431, %mul3A_436 : i32
        %get3A_438 = arith.index_cast %mul3A_437 : i32 to index
        %get3A_439 = tpu.vector_load %arg21[%get3A_438] {strides = array<i32>} : memref<7840xf32, #tpu.memory_space<vmem>>, vector<16xf32>,
        %mul3A_440 = arith.mulf %get3A_435, %get3A_439 : vector<16xf32>
        %mul3A_441 = arith.constant 16 : i32
        %mul3A_442 = arith.muli %add3A_431, %mul3A_441 : i32
        %swap3A_443 = arith.index_cast %mul3A_442 : i32 to index
        %swap3A_444 = tpu.vector_load %arg22[%swap3A_443] {strides = array<i32>} : memref<7840xf32, #tpu.memory_space<vmem>>, vector<16xf32>,
        tpu.vector_store %arg22[%swap3A_443], %mul3A_440 {strides = array<i32>} : memref<7840xf32, #tpu.memory_space<vmem>>, vector<16xf32>,
        %scan3A_445 = arith.constant 3 : i32
        %scan3A_446 = arith.addi %scan3A_398, %scan3A_445 : i32
        %add3A_447 = arith.addi %mul3A_373, %scan3A_446 : i32
        %mul3A_448 = arith.constant 16 : i32
        %mul3A_449 = arith.muli %add3A_447, %mul3A_448 : i32
        %get3A_450 = arith.index_cast %mul3A_449 : i32 to index
        %get3A_451 = tpu.vector_load %arg18[%get3A_450] {strides = array<i32>} : memref<7840xf32, #tpu.memory_space<vmem>>, vector<16xf32>,
        %mul3A_452 = arith.constant 16 : i32
        %mul3A_453 = arith.muli %add3A_447, %mul3A_452 : i32
        %get3A_454 = arith.index_cast %mul3A_453 : i32 to index
        %get3A_455 = tpu.vector_load %arg21[%get3A_454] {strides = array<i32>} : memref<7840xf32, #tpu.memory_space<vmem>>, vector<16xf32>,
        %mul3A_456 = arith.mulf %get3A_451, %get3A_455 : vector<16xf32>
        %mul3A_457 = arith.constant 16 : i32
        %mul3A_458 = arith.muli %add3A_447, %mul3A_457 : i32
        %swap3A_459 = arith.index_cast %mul3A_458 : i32 to index
        %swap3A_460 = tpu.vector_load %arg22[%swap3A_459] {strides = array<i32>} : memref<7840xf32, #tpu.memory_space<vmem>>, vector<16xf32>,
        tpu.vector_store %arg22[%swap3A_459], %mul3A_456 {strides = array<i32>} : memref<7840xf32, #tpu.memory_space<vmem>>, vector<16xf32>,
        %scan3A_461 = arith.constant 4 : i32
        %scan3A_462 = arith.addi %scan3A_398, %scan3A_461 : i32
        %add3A_463 = arith.addi %mul3A_373, %scan3A_462 : i32
        %mul3A_464 = arith.constant 16 : i32
        %mul3A_465 = arith.muli %add3A_463, %mul3A_464 : i32
        %get3A_466 = arith.index_cast %mul3A_465 : i32 to index
        %get3A_467 = tpu.vector_load %arg18[%get3A_466] {strides = array<i32>} : memref<7840xf32, #tpu.memory_space<vmem>>, vector<16xf32>,
        %mul3A_468 = arith.constant 16 : i32
        %mul3A_469 = arith.muli %add3A_463, %mul3A_468 : i32
        %get3A_470 = arith.index_cast %mul3A_469 : i32 to index
        %get3A_471 = tpu.vector_load %arg21[%get3A_470] {strides = array<i32>} : memref<7840xf32, #tpu.memory_space<vmem>>, vector<16xf32>,
        %mul3A_472 = arith.mulf %get3A_467, %get3A_471 : vector<16xf32>
        %mul3A_473 = arith.constant 16 : i32
        %mul3A_474 = arith.muli %add3A_463, %mul3A_473 : i32
        %swap3A_475 = arith.index_cast %mul3A_474 : i32 to index
        %swap3A_476 = tpu.vector_load %arg22[%swap3A_475] {strides = array<i32>} : memref<7840xf32, #tpu.memory_space<vmem>>, vector<16xf32>,
        tpu.vector_store %arg22[%swap3A_475], %mul3A_472 {strides = array<i32>} : memref<7840xf32, #tpu.memory_space<vmem>>, vector<16xf32>,
        %scan3A_477 = arith.constant 5 : i32
        %scan3A_478 = arith.addi %scan3A_398, %scan3A_477 : i32
        %add3A_479 = arith.addi %mul3A_373, %scan3A_478 : i32
        %mul3A_480 = arith.constant 16 : i32
        %mul3A_481 = arith.muli %add3A_479, %mul3A_480 : i32
        %get3A_482 = arith.index_cast %mul3A_481 : i32 to index
        %get3A_483 = tpu.vector_load %arg18[%get3A_482] {strides = array<i32>} : memref<7840xf32, #tpu.memory_space<vmem>>, vector<16xf32>,
        %mul3A_484 = arith.constant 16 : i32
        %mul3A_485 = arith.muli %add3A_479, %mul3A_484 : i32
        %get3A_486 = arith.index_cast %mul3A_485 : i32 to index
        %get3A_487 = tpu.vector_load %arg21[%get3A_486] {strides = array<i32>} : memref<7840xf32, #tpu.memory_space<vmem>>, vector<16xf32>,
        %mul3A_488 = arith.mulf %get3A_483, %get3A_487 : vector<16xf32>
        %mul3A_489 = arith.constant 16 : i32
        %mul3A_490 = arith.muli %add3A_479, %mul3A_489 : i32
        %swap3A_491 = arith.index_cast %mul3A_490 : i32 to index
        %swap3A_492 = tpu.vector_load %arg22[%swap3A_491] {strides = array<i32>} : memref<7840xf32, #tpu.memory_space<vmem>>, vector<16xf32>,
        tpu.vector_store %arg22[%swap3A_491], %mul3A_488 {strides = array<i32>} : memref<7840xf32, #tpu.memory_space<vmem>>, vector<16xf32>,
        %scan3A_493 = arith.constant 6 : i32
        %scan3A_494 = arith.addi %scan3A_398, %scan3A_493 : i32
        %add3A_495 = arith.addi %mul3A_373, %scan3A_494 : i32
        %mul3A_496 = arith.constant 16 : i32
        %mul3A_497 = arith.muli %add3A_495, %mul3A_496 : i32
        %get3A_498 = arith.index_cast %mul3A_497 : i32 to index
        %get3A_499 = tpu.vector_load %arg18[%get3A_498] {strides = array<i32>} : memref<7840xf32, #tpu.memory_space<vmem>>, vector<16xf32>,
        %mul3A_500 = arith.constant 16 : i32
        %mul3A_501 = arith.muli %add3A_495, %mul3A_500 : i32
        %get3A_502 = arith.index_cast %mul3A_501 : i32 to index
        %get3A_503 = tpu.vector_load %arg21[%get3A_502] {strides = array<i32>} : memref<7840xf32, #tpu.memory_space<vmem>>, vector<16xf32>,
        %mul3A_504 = arith.mulf %get3A_499, %get3A_503 : vector<16xf32>
        %mul3A_505 = arith.constant 16 : i32
        %mul3A_506 = arith.muli %add3A_495, %mul3A_505 : i32
        %swap3A_507 = arith.index_cast %mul3A_506 : i32 to index
        %swap3A_508 = tpu.vector_load %arg22[%swap3A_507] {strides = array<i32>} : memref<7840xf32, #tpu.memory_space<vmem>>, vector<16xf32>,
        tpu.vector_store %arg22[%swap3A_507], %mul3A_504 {strides = array<i32>} : memref<7840xf32, #tpu.memory_space<vmem>>, vector<16xf32>,
        %scan3A_509 = arith.constant 7 : i32
        %scan3A_510 = arith.addi %scan3A_398, %scan3A_509 : i32
        %add3A_511 = arith.addi %mul3A_373, %scan3A_510 : i32
        %mul3A_512 = arith.constant 16 : i32
        %mul3A_513 = arith.muli %add3A_511, %mul3A_512 : i32
        %get3A_514 = arith.index_cast %mul3A_513 : i32 to index
        %get3A_515 = tpu.vector_load %arg18[%get3A_514] {strides = array<i32>} : memref<7840xf32, #tpu.memory_space<vmem>>, vector<16xf32>,
        %mul3A_516 = arith.constant 16 : i32
        %mul3A_517 = arith.muli %add3A_511, %mul3A_516 : i32
        %get3A_518 = arith.index_cast %mul3A_517 : i32 to index
        %get3A_519 = tpu.vector_load %arg21[%get3A_518] {strides = array<i32>} : memref<7840xf32, #tpu.memory_space<vmem>>, vector<16xf32>,
        %mul3A_520 = arith.mulf %get3A_515, %get3A_519 : vector<16xf32>
        %mul3A_521 = arith.constant 16 : i32
        %mul3A_522 = arith.muli %add3A_511, %mul3A_521 : i32
        %swap3A_523 = arith.index_cast %mul3A_522 : i32 to index
        %swap3A_524 = tpu.vector_load %arg22[%swap3A_523] {strides = array<i32>} : memref<7840xf32, #tpu.memory_space<vmem>>, vector<16xf32>,
        tpu.vector_store %arg22[%swap3A_523], %mul3A_520 {strides = array<i32>} : memref<7840xf32, #tpu.memory_space<vmem>>, vector<16xf32>,
      }
      %scan3A_379 = arith.constant 64 : i32
      %ge3A = arith.constant 2 : i32
      %ge3A_380 = arith.cmpi sge, %scan3A_359, %ge3A : i32
      %convert_element_type3A_381 = arith.extui %ge3A_380 : i1 to i32
      %cond3A_382 = arith.constant 0 : i32
      %cond3A_383 = arith.cmpi ne, %convert_element_type3A_381, %cond3A_382 : i32
      scf.if %cond3A_383 {
        %scan3A_398 = arith.constant 0 : i32
        %scan3A_399 = arith.constant 0 : i32
        %scan3A_400 = arith.constant 8 : i32
        %scan3A_401 = arith.addi %scan3A_399, %scan3A_400 : i32
        %scan3A_402 = arith.constant 1 : i32
        scf.for %scan3A_404 = %scan3A_399 to %scan3A_401 step %scan3A_402  : i32 {
          %dma_wait3A_405 = arith.constant 0 : i32
          %dma_wait3A_406 = tpu.memref_slice %arg24[%dma_wait3A_405] : memref<128xf32, #tpu.memory_space<vmem>> -> memref<128xf32, #tpu.memory_space<vmem>>
          %dma_wait3A_407 = arith.constant 0 : i32
          %dma_wait3A_408 = tpu.memref_slice %arg2[%dma_wait3A_407] : memref<10000xf32, #tpu.memory_space<hbm>> -> memref<128xf32, #tpu.memory_space<hbm>>
          %dma_wait3A_409 = arith.constant 0 : i32
          %dma_wait3A_410 = tpu.memref_slice %arg24[%dma_wait3A_409] : memref<128xf32, #tpu.memory_space<vmem>> -> memref<128xf32, #tpu.memory_space<vmem>>
          %dma_wait3A_411 = arith.constant 0 : i32
          %dma_wait3A_412 = tpu.memref_slice %arg2[%dma_wait3A_411] : memref<10000xf32, #tpu.memory_space<hbm>> -> memref<128xf32, #tpu.memory_space<hbm>>
          tpu.wait_dma2 semaphore(%arg26 : memref<!tpu.dma_semaphore, #tpu.memory_space<semaphore_mem>>) src(%dma_wait3A_412 : memref<128xf32, #tpu.memory_space<hbm>>) dst(%dma_wait3A_410 : memref<128xf32, #tpu.memory_space<vmem>>)
        }
        %scan3A_403 = arith.constant 8 : i32
      } else {
      }
      %mul3A_384 = arith.constant 8 : i32
      %mul3A_385 = arith.muli %scan3A_359, %mul3A_384 : i32
      %add3A_386 = arith.constant 1 : i32
      %add3A_387 = arith.addi %scan3A_359, %add3A_386 : i32
      %mul3A_388 = arith.constant 8 : i32
      %mul3A_389 = arith.muli %add3A_387, %mul3A_388 : i32
      %while3A = arith.constant 0 : i32
      %while3A_390 = arith.subi %mul3A_389, %mul3A_385 : i32
      %while3A_391 = arith.addi %mul3A_385, %while3A_390 : i32
      %while3A_392 = arith.constant 1 : i32
      %while3A_393 = arith.divsi %while3A_390, %while3A_392 : i32
      %while3A_394 = arith.muli %while3A_393, %while3A_392 : i32
      %while3A_395 = arith.addi %mul3A_385, %while3A_394 : i32
      %while3A_396 = arith.constant 1 : i32
      scf.for %while3A_398 = %mul3A_385 to %while3A_395 step %while3A_396  : i32 {
        %mul3A_399 = arith.constant 128 : i32
        %mul3A_400 = arith.muli %while3A_398, %mul3A_399 : i32
        %mul3A_401 = arith.constant 128 : i32
        %mul3A_402 = arith.muli %while3A_398, %mul3A_401 : i32
        %dma_start3A_403 = tpu.memref_slice %arg22[%mul3A_400] : memref<7840xf32, #tpu.memory_space<vmem>> -> memref<128xf32, #tpu.memory_space<vmem>>
        %dma_start3A_404 = tpu.memref_slice %arg20[%mul3A_402] : memref<7840xi32, #tpu.memory_space<vmem>> -> memref<128xi32, #tpu.memory_space<vmem>>
        %dma_start3A_405 = arith.constant 0 : i32
        %dma_start3A_406 = tpu.memref_slice %arg31[%dma_start3A_405] : memref<1024xf32, #tpu.memory_space<vmem_shared>> -> memref<1024xf32, #tpu.memory_space<vmem_shared>>
        tpu.enqueue_indirect_dma source(%dma_start3A_403 : memref<128xf32, #tpu.memory_space<vmem>>) target(%dma_start3A_406 : memref<1024xf32, #tpu.memory_space<vmem_shared>>) offsets(%dma_start3A_404 : memref<128xi32, #tpu.memory_space<vmem>>) semaphore(%arg26 : memref<!tpu.dma_semaphore, #tpu.memory_space<semaphore_mem>>) {add = true}
      }
      %while3A_397 = arith.constant 1 : i32
      scf.for %while3A_398 = %while3A_395 to %while3A_391 step %while3A_397  : i32 {
        %mul3A_399 = arith.constant 128 : i32
        %mul3A_400 = arith.muli %while3A_398, %mul3A_399 : i32
        %mul3A_401 = arith.constant 128 : i32
        %mul3A_402 = arith.muli %while3A_398, %mul3A_401 : i32
        %dma_start3A_403 = tpu.memref_slice %arg22[%mul3A_400] : memref<7840xf32, #tpu.memory_space<vmem>> -> memref<128xf32, #tpu.memory_space<vmem>>
        %dma_start3A_404 = tpu.memref_slice %arg20[%mul3A_402] : memref<7840xi32, #tpu.memory_space<vmem>> -> memref<128xi32, #tpu.memory_space<vmem>>
        %dma_start3A_405 = arith.constant 0 : i32
        %dma_start3A_406 = tpu.memref_slice %arg31[%dma_start3A_405] : memref<1024xf32, #tpu.memory_space<vmem_shared>> -> memref<1024xf32, #tpu.memory_space<vmem_shared>>
        tpu.enqueue_indirect_dma source(%dma_start3A_403 : memref<128xf32, #tpu.memory_space<vmem>>) target(%dma_start3A_406 : memref<1024xf32, #tpu.memory_space<vmem_shared>>) offsets(%dma_start3A_404 : memref<128xi32, #tpu.memory_space<vmem>>) semaphore(%arg26 : memref<!tpu.dma_semaphore, #tpu.memory_space<semaphore_mem>>) {add = true}
      }
    }
    %scan3A_341 = arith.constant 6 : i32
    %scan3A_342 = arith.constant 0 : i32
    %scan3A_343 = arith.constant 0 : i32
    %scan3A_344 = arith.constant 16 : i32
    %scan3A_345 = arith.addi %scan3A_343, %scan3A_344 : i32
    %scan3A_346 = arith.constant 1 : i32
    scf.for %scan3A_359 = %scan3A_343 to %scan3A_345 step %scan3A_346  : i32 {
      %dma_wait3A_360 = arith.constant 0 : i32
      %dma_wait3A_361 = tpu.memref_slice %arg24[%dma_wait3A_360] : memref<128xf32, #tpu.memory_space<vmem>> -> memref<128xf32, #tpu.memory_space<vmem>>
      %dma_wait3A_362 = arith.constant 0 : i32
      %dma_wait3A_363 = tpu.memref_slice %arg2[%dma_wait3A_362] : memref<10000xf32, #tpu.memory_space<hbm>> -> memref<128xf32, #tpu.memory_space<hbm>>
      %dma_wait3A_364 = arith.constant 0 : i32
      %dma_wait3A_365 = tpu.memref_slice %arg24[%dma_wait3A_364] : memref<128xf32, #tpu.memory_space<vmem>> -> memref<128xf32, #tpu.memory_space<vmem>>
      %dma_wait3A_366 = arith.constant 0 : i32
      %dma_wait3A_367 = tpu.memref_slice %arg2[%dma_wait3A_366] : memref<10000xf32, #tpu.memory_space<hbm>> -> memref<128xf32, #tpu.memory_space<hbm>>
      tpu.wait_dma2 semaphore(%arg26 : memref<!tpu.dma_semaphore, #tpu.memory_space<semaphore_mem>>) src(%dma_wait3A_367 : memref<128xf32, #tpu.memory_space<hbm>>) dst(%dma_wait3A_365 : memref<128xf32, #tpu.memory_space<vmem>>)
    }
    %scan3A_347 = arith.constant 16 : i32
    %eq3A_348 = arith.constant 0 : i32
    %eq3A_349 = arith.cmpi eq, %arg1, %eq3A_348 : i32
    %convert_element_type3A_350 = arith.extui %eq3A_349 : i1 to i32
    %cond3A_351 = arith.constant 0 : i32
    %cond3A_352 = arith.cmpi ne, %convert_element_type3A_350, %cond3A_351 : i32
    scf.if %cond3A_352 {
      %scan3A_359 = arith.constant 0 : i32
      %scan3A_360 = arith.constant 48 : i32
      %scan3A_361 = arith.constant 13 : i32
      %scan3A_362 = arith.addi %scan3A_360, %scan3A_361 : i32
      %scan3A_363 = arith.constant 1 : i32
      scf.for %scan3A_447 = %scan3A_360 to %scan3A_362 step %scan3A_363  : i32 {
        %mul3A_448 = arith.constant 128 : i32
        %mul3A_449 = arith.muli %scan3A_447, %mul3A_448 : i32
        %mul3A_450 = arith.constant 128 : i32
        %mul3A_451 = arith.muli %scan3A_447, %mul3A_450 : i32
        %dma_start3A_452 = tpu.memref_slice %arg21[%mul3A_451] : memref<7840xf32, #tpu.memory_space<vmem>> -> memref<128xf32, #tpu.memory_space<vmem>>
        %dma_start3A_453 = tpu.memref_slice %arg19[%mul3A_449] : memref<7840xi32, #tpu.memory_space<vmem>> -> memref<128xi32, #tpu.memory_space<vmem>>
        %dma_start3A_454 = arith.constant 0 : i32
        %dma_start3A_455 = tpu.memref_slice %arg30[%dma_start3A_454] : memref<100352xf32, #tpu.memory_space<vmem_shared>> -> memref<100352xf32, #tpu.memory_space<vmem_shared>>
        tpu.enqueue_indirect_dma source(%dma_start3A_455 : memref<100352xf32, #tpu.memory_space<vmem_shared>>) target(%dma_start3A_452 : memref<128xf32, #tpu.memory_space<vmem>>) offsets(%dma_start3A_453 : memref<128xi32, #tpu.memory_space<vmem>>) semaphore(%arg27 : memref<!tpu.dma_semaphore, #tpu.memory_space<semaphore_mem>>)
      }
      %scan3A_364 = arith.constant 13 : i32
      %dma_start3A_365 = arith.constant 7808 : i32
      %dma_start3A_366 = tpu.memref_slice %arg21[%dma_start3A_365] : memref<7840xf32, #tpu.memory_space<vmem>> -> memref<32xf32, #tpu.memory_space<vmem>>
      %dma_start3A_367 = arith.constant 7808 : i32
      %dma_start3A_368 = tpu.memref_slice %arg19[%dma_start3A_367] : memref<7840xi32, #tpu.memory_space<vmem>> -> memref<32xi32, #tpu.memory_space<vmem>>
      %dma_start3A_369 = arith.constant 0 : i32
      %dma_start3A_370 = tpu.memref_slice %arg30[%dma_start3A_369] : memref<100352xf32, #tpu.memory_space<vmem_shared>> -> memref<100352xf32, #tpu.memory_space<vmem_shared>>
      tpu.enqueue_indirect_dma source(%dma_start3A_370 : memref<100352xf32, #tpu.memory_space<vmem_shared>>) target(%dma_start3A_366 : memref<32xf32, #tpu.memory_space<vmem>>) offsets(%dma_start3A_368 : memref<32xi32, #tpu.memory_space<vmem>>) semaphore(%arg27 : memref<!tpu.dma_semaphore, #tpu.memory_space<semaphore_mem>>)
      %scan3A_371 = arith.constant 0 : i32
      %scan3A_372 = arith.constant 0 : i32
      %scan3A_373 = arith.constant 13 : i32
      %scan3A_374 = arith.addi %scan3A_372, %scan3A_373 : i32
      %scan3A_375 = arith.constant 1 : i32
      scf.for %scan3A_447 = %scan3A_372 to %scan3A_374 step %scan3A_375  : i32 {
        %dma_wait3A_448 = arith.constant 0 : i32
        %dma_wait3A_449 = tpu.memref_slice %arg24[%dma_wait3A_448] : memref<128xf32, #tpu.memory_space<vmem>> -> memref<128xf32, #tpu.memory_space<vmem>>
        %dma_wait3A_450 = arith.constant 0 : i32
        %dma_wait3A_451 = tpu.memref_slice %arg2[%dma_wait3A_450] : memref<10000xf32, #tpu.memory_space<hbm>> -> memref<128xf32, #tpu.memory_space<hbm>>
        %dma_wait3A_452 = arith.constant 0 : i32
        %dma_wait3A_453 = tpu.memref_slice %arg24[%dma_wait3A_452] : memref<128xf32, #tpu.memory_space<vmem>> -> memref<128xf32, #tpu.memory_space<vmem>>
        %dma_wait3A_454 = arith.constant 0 : i32
        %dma_wait3A_455 = tpu.memref_slice %arg2[%dma_wait3A_454] : memref<10000xf32, #tpu.memory_space<hbm>> -> memref<128xf32, #tpu.memory_space<hbm>>
        tpu.wait_dma2 semaphore(%arg27 : memref<!tpu.dma_semaphore, #tpu.memory_space<semaphore_mem>>) src(%dma_wait3A_455 : memref<128xf32, #tpu.memory_space<hbm>>) dst(%dma_wait3A_453 : memref<128xf32, #tpu.memory_space<vmem>>)
      }
      %scan3A_376 = arith.constant 13 : i32
      %dma_wait3A_377 = arith.constant 0 : i32
      %dma_wait3A_378 = tpu.memref_slice %arg24[%dma_wait3A_377] : memref<128xf32, #tpu.memory_space<vmem>> -> memref<32xf32, #tpu.memory_space<vmem>>
      %dma_wait3A_379 = arith.constant 0 : i32
      %dma_wait3A_380 = tpu.memref_slice %arg2[%dma_wait3A_379] : memref<10000xf32, #tpu.memory_space<hbm>> -> memref<32xf32, #tpu.memory_space<hbm>>
      %dma_wait3A_381 = arith.constant 0 : i32
      %dma_wait3A_382 = tpu.memref_slice %arg24[%dma_wait3A_381] : memref<128xf32, #tpu.memory_space<vmem>> -> memref<32xf32, #tpu.memory_space<vmem>>
      %dma_wait3A_383 = arith.constant 0 : i32
      %dma_wait3A_384 = tpu.memref_slice %arg2[%dma_wait3A_383] : memref<10000xf32, #tpu.memory_space<hbm>> -> memref<32xf32, #tpu.memory_space<hbm>>
      tpu.wait_dma2 semaphore(%arg27 : memref<!tpu.dma_semaphore, #tpu.memory_space<semaphore_mem>>) src(%dma_wait3A_384 : memref<32xf32, #tpu.memory_space<hbm>>) dst(%dma_wait3A_382 : memref<32xf32, #tpu.memory_space<vmem>>)
      %scan3A_385 = arith.constant 0 : i32
      %scan3A_386 = arith.constant 384 : i32
      %scan3A_387 = arith.constant 104 : i32
      %scan3A_388 = arith.addi %scan3A_386, %scan3A_387 : i32
      %scan3A_389 = arith.constant 8 : i32
      scf.for %scan3A_447 = %scan3A_386 to %scan3A_388 step %scan3A_389  : i32 {
        %mul3A_448 = arith.constant 16 : i32
        %mul3A_449 = arith.muli %scan3A_447, %mul3A_448 : i32
        %get3A_450 = arith.index_cast %mul3A_449 : i32 to index
        %get3A_451 = tpu.vector_load %arg18[%get3A_450] {strides = array<i32>} : memref<7840xf32, #tpu.memory_space<vmem>>, vector<16xf32>,
        %mul3A_452 = arith.constant 16 : i32
        %mul3A_453 = arith.muli %scan3A_447, %mul3A_452 : i32
        %get3A_454 = arith.index_cast %mul3A_453 : i32 to index
        %get3A_455 = tpu.vector_load %arg21[%get3A_454] {strides = array<i32>} : memref<7840xf32, #tpu.memory_space<vmem>>, vector<16xf32>,
        %mul3A_456 = arith.mulf %get3A_451, %get3A_455 : vector<16xf32>
        %mul3A_457 = arith.constant 16 : i32
        %mul3A_458 = arith.muli %scan3A_447, %mul3A_457 : i32
        %swap3A_459 = arith.index_cast %mul3A_458 : i32 to index
        %swap3A_460 = tpu.vector_load %arg22[%swap3A_459] {strides = array<i32>} : memref<7840xf32, #tpu.memory_space<vmem>>, vector<16xf32>,
        tpu.vector_store %arg22[%swap3A_459], %mul3A_456 {strides = array<i32>} : memref<7840xf32, #tpu.memory_space<vmem>>, vector<16xf32>,
        %scan3A_461 = arith.constant 1 : i32
        %scan3A_462 = arith.addi %scan3A_447, %scan3A_461 : i32
        %mul3A_463 = arith.constant 16 : i32
        %mul3A_464 = arith.muli %scan3A_462, %mul3A_463 : i32
        %get3A_465 = arith.index_cast %mul3A_464 : i32 to index
        %get3A_466 = tpu.vector_load %arg18[%get3A_465] {strides = array<i32>} : memref<7840xf32, #tpu.memory_space<vmem>>, vector<16xf32>,
        %mul3A_467 = arith.constant 16 : i32
        %mul3A_468 = arith.muli %scan3A_462, %mul3A_467 : i32
        %get3A_469 = arith.index_cast %mul3A_468 : i32 to index
        %get3A_470 = tpu.vector_load %arg21[%get3A_469] {strides = array<i32>} : memref<7840xf32, #tpu.memory_space<vmem>>, vector<16xf32>,
        %mul3A_471 = arith.mulf %get3A_466, %get3A_470 : vector<16xf32>
        %mul3A_472 = arith.constant 16 : i32
        %mul3A_473 = arith.muli %scan3A_462, %mul3A_472 : i32
        %swap3A_474 = arith.index_cast %mul3A_473 : i32 to index
        %swap3A_475 = tpu.vector_load %arg22[%swap3A_474] {strides = array<i32>} : memref<7840xf32, #tpu.memory_space<vmem>>, vector<16xf32>,
        tpu.vector_store %arg22[%swap3A_474], %mul3A_471 {strides = array<i32>} : memref<7840xf32, #tpu.memory_space<vmem>>, vector<16xf32>,
        %scan3A_476 = arith.constant 2 : i32
        %scan3A_477 = arith.addi %scan3A_447, %scan3A_476 : i32
        %mul3A_478 = arith.constant 16 : i32
        %mul3A_479 = arith.muli %scan3A_477, %mul3A_478 : i32
        %get3A_480 = arith.index_cast %mul3A_479 : i32 to index
        %get3A_481 = tpu.vector_load %arg18[%get3A_480] {strides = array<i32>} : memref<7840xf32, #tpu.memory_space<vmem>>, vector<16xf32>,
        %mul3A_482 = arith.constant 16 : i32
        %mul3A_483 = arith.muli %scan3A_477, %mul3A_482 : i32
        %get3A_484 = arith.index_cast %mul3A_483 : i32 to index
        %get3A_485 = tpu.vector_load %arg21[%get3A_484] {strides = array<i32>} : memref<7840xf32, #tpu.memory_space<vmem>>, vector<16xf32>,
        %mul3A_486 = arith.mulf %get3A_481, %get3A_485 : vector<16xf32>
        %mul3A_487 = arith.constant 16 : i32
        %mul3A_488 = arith.muli %scan3A_477, %mul3A_487 : i32
        %swap3A_489 = arith.index_cast %mul3A_488 : i32 to index
        %swap3A_490 = tpu.vector_load %arg22[%swap3A_489] {strides = array<i32>} : memref<7840xf32, #tpu.memory_space<vmem>>, vector<16xf32>,
        tpu.vector_store %arg22[%swap3A_489], %mul3A_486 {strides = array<i32>} : memref<7840xf32, #tpu.memory_space<vmem>>, vector<16xf32>,
        %scan3A_491 = arith.constant 3 : i32
        %scan3A_492 = arith.addi %scan3A_447, %scan3A_491 : i32
        %mul3A_493 = arith.constant 16 : i32
        %mul3A_494 = arith.muli %scan3A_492, %mul3A_493 : i32
        %get3A_495 = arith.index_cast %mul3A_494 : i32 to index
        %get3A_496 = tpu.vector_load %arg18[%get3A_495] {strides = array<i32>} : memref<7840xf32, #tpu.memory_space<vmem>>, vector<16xf32>,
        %mul3A_497 = arith.constant 16 : i32
        %mul3A_498 = arith.muli %scan3A_492, %mul3A_497 : i32
        %get3A_499 = arith.index_cast %mul3A_498 : i32 to index
        %get3A_500 = tpu.vector_load %arg21[%get3A_499] {strides = array<i32>} : memref<7840xf32, #tpu.memory_space<vmem>>, vector<16xf32>,
        %mul3A_501 = arith.mulf %get3A_496, %get3A_500 : vector<16xf32>
        %mul3A_502 = arith.constant 16 : i32
        %mul3A_503 = arith.muli %scan3A_492, %mul3A_502 : i32
        %swap3A_504 = arith.index_cast %mul3A_503 : i32 to index
        %swap3A_505 = tpu.vector_load %arg22[%swap3A_504] {strides = array<i32>} : memref<7840xf32, #tpu.memory_space<vmem>>, vector<16xf32>,
        tpu.vector_store %arg22[%swap3A_504], %mul3A_501 {strides = array<i32>} : memref<7840xf32, #tpu.memory_space<vmem>>, vector<16xf32>,
        %scan3A_506 = arith.constant 4 : i32
        %scan3A_507 = arith.addi %scan3A_447, %scan3A_506 : i32
        %mul3A_508 = arith.constant 16 : i32
        %mul3A_509 = arith.muli %scan3A_507, %mul3A_508 : i32
        %get3A_510 = arith.index_cast %mul3A_509 : i32 to index
        %get3A_511 = tpu.vector_load %arg18[%get3A_510] {strides = array<i32>} : memref<7840xf32, #tpu.memory_space<vmem>>, vector<16xf32>,
        %mul3A_512 = arith.constant 16 : i32
        %mul3A_513 = arith.muli %scan3A_507, %mul3A_512 : i32
        %get3A_514 = arith.index_cast %mul3A_513 : i32 to index
        %get3A_515 = tpu.vector_load %arg21[%get3A_514] {strides = array<i32>} : memref<7840xf32, #tpu.memory_space<vmem>>, vector<16xf32>,
        %mul3A_516 = arith.mulf %get3A_511, %get3A_515 : vector<16xf32>
        %mul3A_517 = arith.constant 16 : i32
        %mul3A_518 = arith.muli %scan3A_507, %mul3A_517 : i32
        %swap3A_519 = arith.index_cast %mul3A_518 : i32 to index
        %swap3A_520 = tpu.vector_load %arg22[%swap3A_519] {strides = array<i32>} : memref<7840xf32, #tpu.memory_space<vmem>>, vector<16xf32>,
        tpu.vector_store %arg22[%swap3A_519], %mul3A_516 {strides = array<i32>} : memref<7840xf32, #tpu.memory_space<vmem>>, vector<16xf32>,
        %scan3A_521 = arith.constant 5 : i32
        %scan3A_522 = arith.addi %scan3A_447, %scan3A_521 : i32
        %mul3A_523 = arith.constant 16 : i32
        %mul3A_524 = arith.muli %scan3A_522, %mul3A_523 : i32
        %get3A_525 = arith.index_cast %mul3A_524 : i32 to index
        %get3A_526 = tpu.vector_load %arg18[%get3A_525] {strides = array<i32>} : memref<7840xf32, #tpu.memory_space<vmem>>, vector<16xf32>,
        %mul3A_527 = arith.constant 16 : i32
        %mul3A_528 = arith.muli %scan3A_522, %mul3A_527 : i32
        %get3A_529 = arith.index_cast %mul3A_528 : i32 to index
        %get3A_530 = tpu.vector_load %arg21[%get3A_529] {strides = array<i32>} : memref<7840xf32, #tpu.memory_space<vmem>>, vector<16xf32>,
        %mul3A_531 = arith.mulf %get3A_526, %get3A_530 : vector<16xf32>
        %mul3A_532 = arith.constant 16 : i32
        %mul3A_533 = arith.muli %scan3A_522, %mul3A_532 : i32
        %swap3A_534 = arith.index_cast %mul3A_533 : i32 to index
        %swap3A_535 = tpu.vector_load %arg22[%swap3A_534] {strides = array<i32>} : memref<7840xf32, #tpu.memory_space<vmem>>, vector<16xf32>,
        tpu.vector_store %arg22[%swap3A_534], %mul3A_531 {strides = array<i32>} : memref<7840xf32, #tpu.memory_space<vmem>>, vector<16xf32>,
        %scan3A_536 = arith.constant 6 : i32
        %scan3A_537 = arith.addi %scan3A_447, %scan3A_536 : i32
        %mul3A_538 = arith.constant 16 : i32
        %mul3A_539 = arith.muli %scan3A_537, %mul3A_538 : i32
        %get3A_540 = arith.index_cast %mul3A_539 : i32 to index
        %get3A_541 = tpu.vector_load %arg18[%get3A_540] {strides = array<i32>} : memref<7840xf32, #tpu.memory_space<vmem>>, vector<16xf32>,
        %mul3A_542 = arith.constant 16 : i32
        %mul3A_543 = arith.muli %scan3A_537, %mul3A_542 : i32
        %get3A_544 = arith.index_cast %mul3A_543 : i32 to index
        %get3A_545 = tpu.vector_load %arg21[%get3A_544] {strides = array<i32>} : memref<7840xf32, #tpu.memory_space<vmem>>, vector<16xf32>,
        %mul3A_546 = arith.mulf %get3A_541, %get3A_545 : vector<16xf32>
        %mul3A_547 = arith.constant 16 : i32
        %mul3A_548 = arith.muli %scan3A_537, %mul3A_547 : i32
        %swap3A_549 = arith.index_cast %mul3A_548 : i32 to index
        %swap3A_550 = tpu.vector_load %arg22[%swap3A_549] {strides = array<i32>} : memref<7840xf32, #tpu.memory_space<vmem>>, vector<16xf32>,
        tpu.vector_store %arg22[%swap3A_549], %mul3A_546 {strides = array<i32>} : memref<7840xf32, #tpu.memory_space<vmem>>, vector<16xf32>,
        %scan3A_551 = arith.constant 7 : i32
        %scan3A_552 = arith.addi %scan3A_447, %scan3A_551 : i32
        %mul3A_553 = arith.constant 16 : i32
        %mul3A_554 = arith.muli %scan3A_552, %mul3A_553 : i32
        %get3A_555 = arith.index_cast %mul3A_554 : i32 to index
        %get3A_556 = tpu.vector_load %arg18[%get3A_555] {strides = array<i32>} : memref<7840xf32, #tpu.memory_space<vmem>>, vector<16xf32>,
        %mul3A_557 = arith.constant 16 : i32
        %mul3A_558 = arith.muli %scan3A_552, %mul3A_557 : i32
        %get3A_559 = arith.index_cast %mul3A_558 : i32 to index
        %get3A_560 = tpu.vector_load %arg21[%get3A_559] {strides = array<i32>} : memref<7840xf32, #tpu.memory_space<vmem>>, vector<16xf32>,
        %mul3A_561 = arith.mulf %get3A_556, %get3A_560 : vector<16xf32>
        %mul3A_562 = arith.constant 16 : i32
        %mul3A_563 = arith.muli %scan3A_552, %mul3A_562 : i32
        %swap3A_564 = arith.index_cast %mul3A_563 : i32 to index
        %swap3A_565 = tpu.vector_load %arg22[%swap3A_564] {strides = array<i32>} : memref<7840xf32, #tpu.memory_space<vmem>>, vector<16xf32>,
        tpu.vector_store %arg22[%swap3A_564], %mul3A_561 {strides = array<i32>} : memref<7840xf32, #tpu.memory_space<vmem>>, vector<16xf32>,
      }
      %scan3A_390 = arith.constant 104 : i32
      %scan3A_391 = arith.addi %scan3A_386, %scan3A_390 : i32
      %mul3A_392 = arith.constant 16 : i32
      %mul3A_393 = arith.muli %scan3A_391, %mul3A_392 : i32
      %get3A_394 = arith.index_cast %mul3A_393 : i32 to index
      %get3A_395 = tpu.vector_load %arg18[%get3A_394] {strides = array<i32>} : memref<7840xf32, #tpu.memory_space<vmem>>, vector<16xf32>,
      %mul3A_396 = arith.constant 16 : i32
      %mul3A_397 = arith.muli %scan3A_391, %mul3A_396 : i32
      %get3A_398 = arith.index_cast %mul3A_397 : i32 to index
      %get3A_399 = tpu.vector_load %arg21[%get3A_398] {strides = array<i32>} : memref<7840xf32, #tpu.memory_space<vmem>>, vector<16xf32>,
      %mul3A_400 = arith.mulf %get3A_395, %get3A_399 : vector<16xf32>
      %mul3A_401 = arith.constant 16 : i32
      %mul3A_402 = arith.muli %scan3A_391, %mul3A_401 : i32
      %swap3A_403 = arith.index_cast %mul3A_402 : i32 to index
      %swap3A_404 = tpu.vector_load %arg22[%swap3A_403] {strides = array<i32>} : memref<7840xf32, #tpu.memory_space<vmem>>, vector<16xf32>,
      tpu.vector_store %arg22[%swap3A_403], %mul3A_400 {strides = array<i32>} : memref<7840xf32, #tpu.memory_space<vmem>>, vector<16xf32>,
      %scan3A_405 = arith.constant 105 : i32
      %scan3A_406 = arith.addi %scan3A_386, %scan3A_405 : i32
      %mul3A_407 = arith.constant 16 : i32
      %mul3A_408 = arith.muli %scan3A_406, %mul3A_407 : i32
      %get3A_409 = arith.index_cast %mul3A_408 : i32 to index
      %get3A_410 = tpu.vector_load %arg18[%get3A_409] {strides = array<i32>} : memref<7840xf32, #tpu.memory_space<vmem>>, vector<16xf32>,
      %mul3A_411 = arith.constant 16 : i32
      %mul3A_412 = arith.muli %scan3A_406, %mul3A_411 : i32
      %get3A_413 = arith.index_cast %mul3A_412 : i32 to index
      %get3A_414 = tpu.vector_load %arg21[%get3A_413] {strides = array<i32>} : memref<7840xf32, #tpu.memory_space<vmem>>, vector<16xf32>,
      %mul3A_415 = arith.mulf %get3A_410, %get3A_414 : vector<16xf32>
      %mul3A_416 = arith.constant 16 : i32
      %mul3A_417 = arith.muli %scan3A_406, %mul3A_416 : i32
      %swap3A_418 = arith.index_cast %mul3A_417 : i32 to index
      %swap3A_419 = tpu.vector_load %arg22[%swap3A_418] {strides = array<i32>} : memref<7840xf32, #tpu.memory_space<vmem>>, vector<16xf32>,
      tpu.vector_store %arg22[%swap3A_418], %mul3A_415 {strides = array<i32>} : memref<7840xf32, #tpu.memory_space<vmem>>, vector<16xf32>,
      %scan3A_420 = arith.constant 106 : i32
      %scan3A_421 = arith.constant 0 : i32
      %scan3A_422 = arith.constant 48 : i32
      %scan3A_423 = arith.constant 13 : i32
      %scan3A_424 = arith.addi %scan3A_422, %scan3A_423 : i32
      %scan3A_425 = arith.constant 1 : i32
      scf.for %scan3A_447 = %scan3A_422 to %scan3A_424 step %scan3A_425  : i32 {
        %mul3A_448 = arith.constant 128 : i32
        %mul3A_449 = arith.muli %scan3A_447, %mul3A_448 : i32
        %mul3A_450 = arith.constant 128 : i32
        %mul3A_451 = arith.muli %scan3A_447, %mul3A_450 : i32
        %dma_start3A_452 = tpu.memref_slice %arg22[%mul3A_449] : memref<7840xf32, #tpu.memory_space<vmem>> -> memref<128xf32, #tpu.memory_space<vmem>>
        %dma_start3A_453 = tpu.memref_slice %arg20[%mul3A_451] : memref<7840xi32, #tpu.memory_space<vmem>> -> memref<128xi32, #tpu.memory_space<vmem>>
        %dma_start3A_454 = arith.constant 0 : i32
        %dma_start3A_455 = tpu.memref_slice %arg31[%dma_start3A_454] : memref<1024xf32, #tpu.memory_space<vmem_shared>> -> memref<1024xf32, #tpu.memory_space<vmem_shared>>
        tpu.enqueue_indirect_dma source(%dma_start3A_452 : memref<128xf32, #tpu.memory_space<vmem>>) target(%dma_start3A_455 : memref<1024xf32, #tpu.memory_space<vmem_shared>>) offsets(%dma_start3A_453 : memref<128xi32, #tpu.memory_space<vmem>>) semaphore(%arg26 : memref<!tpu.dma_semaphore, #tpu.memory_space<semaphore_mem>>) {add = true}
      }
      %scan3A_426 = arith.constant 13 : i32
      %dma_start3A_427 = arith.constant 7808 : i32
      %dma_start3A_428 = tpu.memref_slice %arg22[%dma_start3A_427] : memref<7840xf32, #tpu.memory_space<vmem>> -> memref<32xf32, #tpu.memory_space<vmem>>
      %dma_start3A_429 = arith.constant 7808 : i32
      %dma_start3A_430 = tpu.memref_slice %arg20[%dma_start3A_429] : memref<7840xi32, #tpu.memory_space<vmem>> -> memref<32xi32, #tpu.memory_space<vmem>>
      %dma_start3A_431 = arith.constant 0 : i32
      %dma_start3A_432 = tpu.memref_slice %arg31[%dma_start3A_431] : memref<1024xf32, #tpu.memory_space<vmem_shared>> -> memref<1024xf32, #tpu.memory_space<vmem_shared>>
      tpu.enqueue_indirect_dma source(%dma_start3A_428 : memref<32xf32, #tpu.memory_space<vmem>>) target(%dma_start3A_432 : memref<1024xf32, #tpu.memory_space<vmem_shared>>) offsets(%dma_start3A_430 : memref<32xi32, #tpu.memory_space<vmem>>) semaphore(%arg26 : memref<!tpu.dma_semaphore, #tpu.memory_space<semaphore_mem>>) {add = true}
      %scan3A_433 = arith.constant 0 : i32
      %scan3A_434 = arith.constant 0 : i32
      %scan3A_435 = arith.constant 13 : i32
      %scan3A_436 = arith.addi %scan3A_434, %scan3A_435 : i32
      %scan3A_437 = arith.constant 1 : i32
      scf.for %scan3A_447 = %scan3A_434 to %scan3A_436 step %scan3A_437  : i32 {
        %dma_wait3A_448 = arith.constant 0 : i32
        %dma_wait3A_449 = tpu.memref_slice %arg24[%dma_wait3A_448] : memref<128xf32, #tpu.memory_space<vmem>> -> memref<128xf32, #tpu.memory_space<vmem>>
        %dma_wait3A_450 = arith.constant 0 : i32
        %dma_wait3A_451 = tpu.memref_slice %arg2[%dma_wait3A_450] : memref<10000xf32, #tpu.memory_space<hbm>> -> memref<128xf32, #tpu.memory_space<hbm>>
        %dma_wait3A_452 = arith.constant 0 : i32
        %dma_wait3A_453 = tpu.memref_slice %arg24[%dma_wait3A_452] : memref<128xf32, #tpu.memory_space<vmem>> -> memref<128xf32, #tpu.memory_space<vmem>>
        %dma_wait3A_454 = arith.constant 0 : i32
        %dma_wait3A_455 = tpu.memref_slice %arg2[%dma_wait3A_454] : memref<10000xf32, #tpu.memory_space<hbm>> -> memref<128xf32, #tpu.memory_space<hbm>>
        tpu.wait_dma2 semaphore(%arg26 : memref<!tpu.dma_semaphore, #tpu.memory_space<semaphore_mem>>) src(%dma_wait3A_455 : memref<128xf32, #tpu.memory_space<hbm>>) dst(%dma_wait3A_453 : memref<128xf32, #tpu.memory_space<vmem>>)
      }
      %scan3A_438 = arith.constant 13 : i32
      %dma_wait3A_439 = arith.constant 0 : i32
      %dma_wait3A_440 = tpu.memref_slice %arg24[%dma_wait3A_439] : memref<128xf32, #tpu.memory_space<vmem>> -> memref<32xf32, #tpu.memory_space<vmem>>
      %dma_wait3A_441 = arith.constant 0 : i32
      %dma_wait3A_442 = tpu.memref_slice %arg2[%dma_wait3A_441] : memref<10000xf32, #tpu.memory_space<hbm>> -> memref<32xf32, #tpu.memory_space<hbm>>
      %dma_wait3A_443 = arith.constant 0 : i32
      %dma_wait3A_444 = tpu.memref_slice %arg24[%dma_wait3A_443] : memref<128xf32, #tpu.memory_space<vmem>> -> memref<32xf32, #tpu.memory_space<vmem>>
      %dma_wait3A_445 = arith.constant 0 : i32
      %dma_wait3A_446 = tpu.memref_slice %arg2[%dma_wait3A_445] : memref<10000xf32, #tpu.memory_space<hbm>> -> memref<32xf32, #tpu.memory_space<hbm>>
      tpu.wait_dma2 semaphore(%arg26 : memref<!tpu.dma_semaphore, #tpu.memory_space<semaphore_mem>>) src(%dma_wait3A_446 : memref<32xf32, #tpu.memory_space<hbm>>) dst(%dma_wait3A_444 : memref<32xf32, #tpu.memory_space<vmem>>)
    } else {
    }
    %barrier3A_353 = arith.constant 0 : index
    tpu.barrier barrier_id(%barrier3A_353)
    %eq3A_354 = arith.constant 0 : i32
    %eq3A_355 = arith.cmpi eq, %arg1, %eq3A_354 : i32
    %and3A = arith.andi %eq3A_3, %eq3A_355 : i1
    %convert_element_type3A_356 = arith.extui %and3A : i1 to i32
    %cond3A_357 = arith.constant 0 : i32
    %cond3A_358 = arith.cmpi ne, %convert_element_type3A_356, %cond3A_357 : i32
    scf.if %cond3A_358 {
      "tpu.region"() ({
        %run_scoped3A = tpu.sem_alloc : memref<!tpu.dma_semaphore, #tpu.memory_space<semaphore_mem>>
        tpu.enqueue_dma source(%arg31 : memref<1024xf32, #tpu.memory_space<vmem_shared>>) target(%arg23 : memref<1024xf32, #tpu.memory_space<vmem>>) target_semaphore(%run_scoped3A : memref<!tpu.dma_semaphore, #tpu.memory_space<semaphore_mem>>)
        tpu.wait_dma2 semaphore(%run_scoped3A : memref<!tpu.dma_semaphore, #tpu.memory_space<semaphore_mem>>) src(%arg31 : memref<1024xf32, #tpu.memory_space<vmem_shared>>) dst(%arg23 : memref<1024xf32, #tpu.memory_space<vmem>>)
        tpu.yield
      }) : () -> ()
      %scan3A_359 = arith.constant 0 : i32
      %scan3A_360 = arith.constant 0 : i32
      %scan3A_361 = arith.constant 64 : i32
      %scan3A_362 = arith.addi %scan3A_360, %scan3A_361 : i32
      %scan3A_363 = arith.constant 8 : i32
      scf.for %scan3A_365 = %scan3A_360 to %scan3A_362 step %scan3A_363  : i32 {
        %mul3A_366 = arith.constant 16 : i32
        %mul3A_367 = arith.muli %scan3A_365, %mul3A_366 : i32
        %get3A_368 = arith.index_cast %mul3A_367 : i32 to index
        %get3A_369 = tpu.vector_load %arg23[%get3A_368] {strides = array<i32>} : memref<1024xf32, #tpu.memory_space<vmem>>, vector<16xf32>,
        %gt3A_370 = arith.constant 1.000000e+00 : f32
        %gt3A_371 = vector.broadcast %gt3A_370 : f32 to vector<16xf32>
        %gt3A_372 = arith.cmpf ogt, %get3A_369, %gt3A_371 : vector<16xf32>
        %select_n3A_373 = arith.select %gt3A_372, %broadcast_in_dim3A_2, %broadcast_in_dim3A_0 : vector<16xi1>, vector<16xf32>
        %mul3A_374 = arith.constant 16 : i32
        %mul3A_375 = arith.muli %scan3A_365, %mul3A_374 : i32
        %swap3A_376 = arith.index_cast %mul3A_375 : i32 to index
        %swap3A_377 = tpu.vector_load %arg23[%swap3A_376] {strides = array<i32>} : memref<1024xf32, #tpu.memory_space<vmem>>, vector<16xf32>,
        tpu.vector_store %arg23[%swap3A_376], %select_n3A_373 {strides = array<i32>} : memref<1024xf32, #tpu.memory_space<vmem>>, vector<16xf32>,
        %scan3A_378 = arith.constant 1 : i32
        %scan3A_379 = arith.addi %scan3A_365, %scan3A_378 : i32
        %mul3A_380 = arith.constant 16 : i32
        %mul3A_381 = arith.muli %scan3A_379, %mul3A_380 : i32
        %get3A_382 = arith.index_cast %mul3A_381 : i32 to index
        %get3A_383 = tpu.vector_load %arg23[%get3A_382] {strides = array<i32>} : memref<1024xf32, #tpu.memory_space<vmem>>, vector<16xf32>,
        %gt3A_384 = arith.constant 1.000000e+00 : f32
        %gt3A_385 = vector.broadcast %gt3A_384 : f32 to vector<16xf32>
        %gt3A_386 = arith.cmpf ogt, %get3A_383, %gt3A_385 : vector<16xf32>
        %select_n3A_387 = arith.select %gt3A_386, %broadcast_in_dim3A_2, %broadcast_in_dim3A_0 : vector<16xi1>, vector<16xf32>
        %mul3A_388 = arith.constant 16 : i32
        %mul3A_389 = arith.muli %scan3A_379, %mul3A_388 : i32
        %swap3A_390 = arith.index_cast %mul3A_389 : i32 to index
        %swap3A_391 = tpu.vector_load %arg23[%swap3A_390] {strides = array<i32>} : memref<1024xf32, #tpu.memory_space<vmem>>, vector<16xf32>,
        tpu.vector_store %arg23[%swap3A_390], %select_n3A_387 {strides = array<i32>} : memref<1024xf32, #tpu.memory_space<vmem>>, vector<16xf32>,
        %scan3A_392 = arith.constant 2 : i32
        %scan3A_393 = arith.addi %scan3A_365, %scan3A_392 : i32
        %mul3A_394 = arith.constant 16 : i32
        %mul3A_395 = arith.muli %scan3A_393, %mul3A_394 : i32
        %get3A_396 = arith.index_cast %mul3A_395 : i32 to index
        %get3A_397 = tpu.vector_load %arg23[%get3A_396] {strides = array<i32>} : memref<1024xf32, #tpu.memory_space<vmem>>, vector<16xf32>,
        %gt3A_398 = arith.constant 1.000000e+00 : f32
        %gt3A_399 = vector.broadcast %gt3A_398 : f32 to vector<16xf32>
        %gt3A_400 = arith.cmpf ogt, %get3A_397, %gt3A_399 : vector<16xf32>
        %select_n3A_401 = arith.select %gt3A_400, %broadcast_in_dim3A_2, %broadcast_in_dim3A_0 : vector<16xi1>, vector<16xf32>
        %mul3A_402 = arith.constant 16 : i32
        %mul3A_403 = arith.muli %scan3A_393, %mul3A_402 : i32
        %swap3A_404 = arith.index_cast %mul3A_403 : i32 to index
        %swap3A_405 = tpu.vector_load %arg23[%swap3A_404] {strides = array<i32>} : memref<1024xf32, #tpu.memory_space<vmem>>, vector<16xf32>,
        tpu.vector_store %arg23[%swap3A_404], %select_n3A_401 {strides = array<i32>} : memref<1024xf32, #tpu.memory_space<vmem>>, vector<16xf32>,
        %scan3A_406 = arith.constant 3 : i32
        %scan3A_407 = arith.addi %scan3A_365, %scan3A_406 : i32
        %mul3A_408 = arith.constant 16 : i32
        %mul3A_409 = arith.muli %scan3A_407, %mul3A_408 : i32
        %get3A_410 = arith.index_cast %mul3A_409 : i32 to index
        %get3A_411 = tpu.vector_load %arg23[%get3A_410] {strides = array<i32>} : memref<1024xf32, #tpu.memory_space<vmem>>, vector<16xf32>,
        %gt3A_412 = arith.constant 1.000000e+00 : f32
        %gt3A_413 = vector.broadcast %gt3A_412 : f32 to vector<16xf32>
        %gt3A_414 = arith.cmpf ogt, %get3A_411, %gt3A_413 : vector<16xf32>
        %select_n3A_415 = arith.select %gt3A_414, %broadcast_in_dim3A_2, %broadcast_in_dim3A_0 : vector<16xi1>, vector<16xf32>
        %mul3A_416 = arith.constant 16 : i32
        %mul3A_417 = arith.muli %scan3A_407, %mul3A_416 : i32
        %swap3A_418 = arith.index_cast %mul3A_417 : i32 to index
        %swap3A_419 = tpu.vector_load %arg23[%swap3A_418] {strides = array<i32>} : memref<1024xf32, #tpu.memory_space<vmem>>, vector<16xf32>,
        tpu.vector_store %arg23[%swap3A_418], %select_n3A_415 {strides = array<i32>} : memref<1024xf32, #tpu.memory_space<vmem>>, vector<16xf32>,
        %scan3A_420 = arith.constant 4 : i32
        %scan3A_421 = arith.addi %scan3A_365, %scan3A_420 : i32
        %mul3A_422 = arith.constant 16 : i32
        %mul3A_423 = arith.muli %scan3A_421, %mul3A_422 : i32
        %get3A_424 = arith.index_cast %mul3A_423 : i32 to index
        %get3A_425 = tpu.vector_load %arg23[%get3A_424] {strides = array<i32>} : memref<1024xf32, #tpu.memory_space<vmem>>, vector<16xf32>,
        %gt3A_426 = arith.constant 1.000000e+00 : f32
        %gt3A_427 = vector.broadcast %gt3A_426 : f32 to vector<16xf32>
        %gt3A_428 = arith.cmpf ogt, %get3A_425, %gt3A_427 : vector<16xf32>
        %select_n3A_429 = arith.select %gt3A_428, %broadcast_in_dim3A_2, %broadcast_in_dim3A_0 : vector<16xi1>, vector<16xf32>
        %mul3A_430 = arith.constant 16 : i32
        %mul3A_431 = arith.muli %scan3A_421, %mul3A_430 : i32
        %swap3A_432 = arith.index_cast %mul3A_431 : i32 to index
        %swap3A_433 = tpu.vector_load %arg23[%swap3A_432] {strides = array<i32>} : memref<1024xf32, #tpu.memory_space<vmem>>, vector<16xf32>,
        tpu.vector_store %arg23[%swap3A_432], %select_n3A_429 {strides = array<i32>} : memref<1024xf32, #tpu.memory_space<vmem>>, vector<16xf32>,
        %scan3A_434 = arith.constant 5 : i32
        %scan3A_435 = arith.addi %scan3A_365, %scan3A_434 : i32
        %mul3A_436 = arith.constant 16 : i32
        %mul3A_437 = arith.muli %scan3A_435, %mul3A_436 : i32
        %get3A_438 = arith.index_cast %mul3A_437 : i32 to index
        %get3A_439 = tpu.vector_load %arg23[%get3A_438] {strides = array<i32>} : memref<1024xf32, #tpu.memory_space<vmem>>, vector<16xf32>,
        %gt3A_440 = arith.constant 1.000000e+00 : f32
        %gt3A_441 = vector.broadcast %gt3A_440 : f32 to vector<16xf32>
        %gt3A_442 = arith.cmpf ogt, %get3A_439, %gt3A_441 : vector<16xf32>
        %select_n3A_443 = arith.select %gt3A_442, %broadcast_in_dim3A_2, %broadcast_in_dim3A_0 : vector<16xi1>, vector<16xf32>
        %mul3A_444 = arith.constant 16 : i32
        %mul3A_445 = arith.muli %scan3A_435, %mul3A_444 : i32
        %swap3A_446 = arith.index_cast %mul3A_445 : i32 to index
        %swap3A_447 = tpu.vector_load %arg23[%swap3A_446] {strides = array<i32>} : memref<1024xf32, #tpu.memory_space<vmem>>, vector<16xf32>,
        tpu.vector_store %arg23[%swap3A_446], %select_n3A_443 {strides = array<i32>} : memref<1024xf32, #tpu.memory_space<vmem>>, vector<16xf32>,
        %scan3A_448 = arith.constant 6 : i32
        %scan3A_449 = arith.addi %scan3A_365, %scan3A_448 : i32
        %mul3A_450 = arith.constant 16 : i32
        %mul3A_451 = arith.muli %scan3A_449, %mul3A_450 : i32
        %get3A_452 = arith.index_cast %mul3A_451 : i32 to index
        %get3A_453 = tpu.vector_load %arg23[%get3A_452] {strides = array<i32>} : memref<1024xf32, #tpu.memory_space<vmem>>, vector<16xf32>,
        %gt3A_454 = arith.constant 1.000000e+00 : f32
        %gt3A_455 = vector.broadcast %gt3A_454 : f32 to vector<16xf32>
        %gt3A_456 = arith.cmpf ogt, %get3A_453, %gt3A_455 : vector<16xf32>
        %select_n3A_457 = arith.select %gt3A_456, %broadcast_in_dim3A_2, %broadcast_in_dim3A_0 : vector<16xi1>, vector<16xf32>
        %mul3A_458 = arith.constant 16 : i32
        %mul3A_459 = arith.muli %scan3A_449, %mul3A_458 : i32
        %swap3A_460 = arith.index_cast %mul3A_459 : i32 to index
        %swap3A_461 = tpu.vector_load %arg23[%swap3A_460] {strides = array<i32>} : memref<1024xf32, #tpu.memory_space<vmem>>, vector<16xf32>,
        tpu.vector_store %arg23[%swap3A_460], %select_n3A_457 {strides = array<i32>} : memref<1024xf32, #tpu.memory_space<vmem>>, vector<16xf32>,
        %scan3A_462 = arith.constant 7 : i32
        %scan3A_463 = arith.addi %scan3A_365, %scan3A_462 : i32
        %mul3A_464 = arith.constant 16 : i32
        %mul3A_465 = arith.muli %scan3A_463, %mul3A_464 : i32
        %get3A_466 = arith.index_cast %mul3A_465 : i32 to index
        %get3A_467 = tpu.vector_load %arg23[%get3A_466] {strides = array<i32>} : memref<1024xf32, #tpu.memory_space<vmem>>, vector<16xf32>,
        %gt3A_468 = arith.constant 1.000000e+00 : f32
        %gt3A_469 = vector.broadcast %gt3A_468 : f32 to vector<16xf32>
        %gt3A_470 = arith.cmpf ogt, %get3A_467, %gt3A_469 : vector<16xf32>
        %select_n3A_471 = arith.select %gt3A_470, %broadcast_in_dim3A_2, %broadcast_in_dim3A_0 : vector<16xi1>, vector<16xf32>
        %mul3A_472 = arith.constant 16 : i32
        %mul3A_473 = arith.muli %scan3A_463, %mul3A_472 : i32
        %swap3A_474 = arith.index_cast %mul3A_473 : i32 to index
        %swap3A_475 = tpu.vector_load %arg23[%swap3A_474] {strides = array<i32>} : memref<1024xf32, #tpu.memory_space<vmem>>, vector<16xf32>,
        tpu.vector_store %arg23[%swap3A_474], %select_n3A_471 {strides = array<i32>} : memref<1024xf32, #tpu.memory_space<vmem>>, vector<16xf32>,
      }
      %scan3A_364 = arith.constant 64 : i32
      "tpu.region"() ({
        %run_scoped3A = tpu.sem_alloc : memref<!tpu.dma_semaphore, #tpu.memory_space<semaphore_mem>>
        %dma_start3A_365 = arith.constant 0 : i32
        %dma_start3A_366 = tpu.memref_slice %arg23[%dma_start3A_365] : memref<1024xf32, #tpu.memory_space<vmem>> -> memref<1000xf32, #tpu.memory_space<vmem>>
        %dma_start3A_367 = arith.constant 0 : i32
        %dma_start3A_368 = tpu.memref_slice %arg23[%dma_start3A_367] : memref<1024xf32, #tpu.memory_space<vmem>> -> memref<1000xf32, #tpu.memory_space<vmem>>
        tpu.enqueue_dma source(%dma_start3A_368 : memref<1000xf32, #tpu.memory_space<vmem>>) target(%arg9 : memref<1000xf32, #tpu.memory_space<hbm>>) target_semaphore(%run_scoped3A : memref<!tpu.dma_semaphore, #tpu.memory_space<semaphore_mem>>)
        %dma_wait3A_369 = arith.constant 0 : i32
        %dma_wait3A_370 = tpu.memref_slice %arg23[%dma_wait3A_369] : memref<1024xf32, #tpu.memory_space<vmem>> -> memref<1000xf32, #tpu.memory_space<vmem>>
        %dma_wait3A_371 = arith.constant 0 : i32
        %dma_wait3A_372 = tpu.memref_slice %arg23[%dma_wait3A_371] : memref<1024xf32, #tpu.memory_space<vmem>> -> memref<1000xf32, #tpu.memory_space<vmem>>
        tpu.wait_dma2 semaphore(%run_scoped3A : memref<!tpu.dma_semaphore, #tpu.memory_space<semaphore_mem>>) src(%dma_wait3A_372 : memref<1000xf32, #tpu.memory_space<vmem>>) dst(%arg9 : memref<1000xf32, #tpu.memory_space<hbm>>)
        tpu.yield
      }) : () -> ()
    } else {
    }
    return
  }
}

</mosaic_0001>

<sc_bundles>
// kernel: kernel.3.cloned.1.call-start
scs
__scs_entry_jumppad:
0x0: {  	(pc) =	sbr.rel $0x88, $3  }
0x1: {  	(tag) =	ssettag $0x0;
	lr =	simm.s32 $0x1  }
0x2: {  	[smem:$0x3F9A] =	sst lr;
	_ =	strace $0xD0000000  }
0x3: {  	_ = 	snop  }
0x4: {  	_ = 	snop  }
0x5: {  	_ = 	snop  }
0x6: {  	_ = 	snop  }
0x7: {  	_ = 	snop  }
__scs_overlays_trampoline_lowered:
0x8: {  	[smem:$0x3FA9] =	sst s0  }
0x9: {  	[smem:$0x3FAA] =	sst s1  }
0xa: {  	[smem:$0x3FAB] =	sst s2  }
0xb: {  	[smem:$0x3FAC] =	sst s3  }
0xc: {  	[smem:$0x3FAD] =	sst s4  }
0xd: {  	[smem:$0x3FAE] =	sst s5  }
0xe: {  	[smem:$0x3FAF] =	sst s6  }
0xf: {  	[smem:$0x3FB0] =	sst s7  }
0x10: {  	[smem:$0x3FB1] =	sst s8  }
0x11: {  	[smem:$0x3FB2] =	sst s9;
	s0 =	simm.s32 @!p0 $0x0  }
0x12: {  	s1 =	sld [smem:$0x3F98];
	s0 =	simm.s32 @p0 $0x1  }
0x13: {  	[smem:$0x3FB3] =	sst s0;
	s0 =	simm.s32 @!p1 $0x0  }
0x14: {  	s2 =	sld [smem:$0x3F97];
	s0 =	simm.s32 @p1 $0x1  }
0x15: {  	[smem:$0x3FB4] =	sst s0;
	s0 =	simm.s32 @!p2 $0x0  }
0x16: {  	s3 =	sld [smem:$0x3FDB];
	s0 =	simm.s32 @p2 $0x1  }
0x17: {  	s4 =	simm.s32 $0x1BF5;
	[smem:$0x3FB6] =	sst s0  }
0x18: {  	s0 =	sld [smem:$0x3F99];
	_ =	swait.ge [sflag:s4], $0x0  }
0x19: {  	s7 =	sld [smem:$0x3F9A]  }
0x1a: {  	s8 =	sadd.s32 $0xFFFFE003, lr  }
0x1b: {  	s9 =	sadd.s32 $0xFFFFFEF7, lr;
	s5 =	simm.s32 $0xFFFFFFFF;
	p2 =	slt.u32 s8, $0xFFFFF086  }
0x1c: {  	p1 =	slt.u32 s9, $0xF7A;
	s5 =	simm.s32 @!p2 $0x0  }
0x1d: {  	s5 =	simm.s32 @p1 $0x1;
	p0 =	seq.s32 s7, s2  }
0x1e: {  	s7 =	smul.u32 @!p0 $0xF7A, s2;
	p2 =	seq.s32 @!p0 s5, $0x0  }
0x1f: {  	s9 =	smul.u32 $0xF7A, s1;
	s8 =	simm.s32 @!p0 $0x1BF5;
	p2 =	por !p2, p0  }
0x20: {  	[sflag:s8] =	ssyncset.s32 @!p0 $0xFFFFF086;
	s6 =	sadd.s32 @!p0 s3, s7;
	s7 =	simm.s32 @!p0 $0x108  }
0x21: {  	s3 =	sadd.s32 s3, s9;
	s6 =	sadd.s32 @!p0 $0x88, s6;
	s7 =	simm.s32 @p2 $0x1082  }
0x22: {  	[simem:s7], [sflag:s8] =	dma.local @!p0 [hbm:s6], $0xF7A  }
0x23: {  	s9 =	sor.u32 $0xD0000000, s2;
	s6 =	simm.s32 $0x108;
	_ =	swait.ge @!p0 [sflag:s8], $0x0  }
0x24: {  	s3 =	sadd.s32 $0x88, s3;
	s6 =	simm.s32 @!p1 $0x1082;
	[sflag:s4] =	ssyncset.s32 $0xFFFFF086  }
0x25: {  	[simem:s6], [sflag:s4] =	dma.local [hbm:s3], $0xF7A  }
0x26: {  	[smem:$0x3F9A] =	sst s1;
	(tag) =	ssettag s2;
	_ =	strace s9  }
0x27: {  	s1 =	sld [smem:$0x3FAA]  }
0x28: {  	s2 =	sld [smem:$0x3FAB]  }
0x29: {  	s4 =	sld [smem:$0x3FAD]  }
0x2a: {  	p0 =	seq.s32 s5, $0x0;
	s5 =	sld [smem:$0x3FAE]  }
0x2b: {  	s6 =	sld [smem:$0x3FAF]  }
0x2c: {  	s7 =	sld [smem:$0x3FB0]  }
0x2d: {  	s3 =	simm.s32 $0x108;
	s8 =	sld [smem:$0x3FB1]  }
0x2e: {  	s3 =	simm.s32 @!p0 $0x1082;
	s9 =	sld [smem:$0x3FB2]  }
0x2f: {  	lr =	sadd.s32 s0, s3;
	s0 =	sld [smem:$0x3FA9]  }
0x30: {  	s3 =	sld [smem:$0x3FAC]  }
0x31: {  	[smem:$0x3FB5] =	sst s10  }
0x32: {  	s10 =	sld [smem:$0x3FB3];
	_ =	sdelay $0x3  }
0x33: {  	p0 =	seq.s32 s10, $0x1;
	s10 =	sld [smem:$0x3FB5];
	_ =	sdelay $0x3  }
0x34: {  	[smem:$0x3FB5] =	sst s10  }
0x35: {  	s10 =	sld [smem:$0x3FB4];
	_ =	sdelay $0x3  }
0x36: {  	p1 =	seq.s32 s10, $0x1;
	s10 =	sld [smem:$0x3FB5];
	_ =	sdelay $0x3  }
0x37: {  	[smem:$0x3FB5] =	sst s10  }
0x38: {  	s10 =	sld [smem:$0x3FB6]  }
0x39: {  	_ = 	snop;
	(pc) =	sbr.ind lr, $3  }
0x3a: {  	_ = 	snop  }
0x3b: {  	_ = 	snop  }
0x3c: {  	p2 =	seq.s32 s10, $0x1;
	s10 =	sld [smem:$0x3FB5]  }
0x3d: {  	_ =	shalt  }
0x3e: {  	_ =	shalt  }
0x3f: {  	_ =	shalt  }
0x40: {  	_ =	shalt  }
0x41: {  	_ =	shalt  }
0x42: {  	_ =	shalt  }
0x43: {  	_ =	shalt  }
0x44: {  	_ =	shalt  }
0x45: {  	_ =	shalt  }
0x46: {  	_ =	shalt  }
0x47: {  	_ =	shalt  }
0x48: {  	_ =	shalt  }
0x49: {  	_ =	shalt  }
0x4a: {  	_ =	shalt  }
0x4b: {  	_ =	shalt  }
0x4c: {  	_ =	shalt  }
0x4d: {  	_ =	shalt  }
0x4e: {  	_ =	shalt  }
0x4f: {  	_ =	shalt  }
0x50: {  	_ =	shalt  }
0x51: {  	_ =	shalt  }
0x52: {  	_ =	shalt  }
0x53: {  	_ =	shalt  }
0x54: {  	_ =	shalt  }
0x55: {  	_ =	shalt  }
0x56: {  	_ =	shalt  }
0x57: {  	_ =	shalt  }
0x58: {  	_ =	shalt  }
0x59: {  	_ =	shalt  }
0x5a: {  	_ =	shalt  }
0x5b: {  	_ =	shalt  }
0x5c: {  	_ =	shalt  }
0x5d: {  	_ =	shalt  }
0x5e: {  	_ =	shalt  }
0x5f: {  	_ =	shalt  }
0x60: {  	_ =	shalt  }
0x61: {  	_ =	shalt  }
0x62: {  	_ =	shalt  }
0x63: {  	_ =	shalt  }
0x64: {  	_ =	shalt  }
0x65: {  	_ =	shalt  }
0x66: {  	_ =	shalt  }
0x67: {  	_ =	shalt  }
0x68: {  	_ =	shalt  }
0x69: {  	_ =	shalt  }
0x6a: {  	_ =	shalt  }
0x6b: {  	_ =	shalt  }
0x6c: {  	_ =	shalt  }
0x6d: {  	_ =	shalt  }
0x6e: {  	_ =	shalt  }
0x6f: {  	_ =	shalt  }
0x70: {  	_ =	shalt  }
0x71: {  	_ =	shalt  }
0x72: {  	_ =	shalt  }
0x73: {  	_ =	shalt  }
0x74: {  	_ =	shalt  }
0x75: {  	_ =	shalt  }
0x76: {  	_ =	shalt  }
0x77: {  	_ =	shalt  }
0x78: {  	_ =	shalt  }
0x79: {  	_ =	shalt  }
0x7a: {  	_ =	shalt  }
0x7b: {  	_ =	shalt  }
0x7c: {  	_ =	shalt  }
0x7d: {  	_ =	shalt  }
0x7e: {  	_ =	shalt  }
0x7f: {  	_ =	shalt  }
0x80: {  	_ =	shalt  }
0x81: {  	_ =	shalt  }
0x82: {  	_ =	shalt  }
0x83: {  	_ =	shalt  }
0x84: {  	_ =	shalt  }
0x85: {  	_ =	shalt  }
0x86: {  	_ =	shalt  }
0x87: {  	_ =	shalt  }
.Lfunc_end0:
.L_simem_size_0:
called_computation_lowered:
.L_overlay_start_0:
0x88: {  	s2 =	sld [smem:$0x3FD9]  }
0x89: {  	s3 =	sld [smem:$0x3FFE];
	_ =	sdelay $0x1  }
0x8a: {  	s1 =	srdreg.scid  }
0x8b: {  	s0 =	sand.u32 $0x1, s1  }
0x8c: {  	s17 =	sshll.u32 s0, $0xA;
	s2 =	sadd.s32 s3, s2  }
0x8d: {  	s2 =	sadd.s32 s2, s17  }
0x8e: {  	[smem:$0x3FC1] =	sst s2  }
0x8f: {  	_ = 	snop  }
0x90: {  	s2 =	sld [smem:$0x3FC9]  }
0x91: {  	s18 =	sld [smem:$0x3FC8]  }
0x92: {  	s4 =	sld [smem:$0x3FC7]  }
0x93: {  	s5 =	sld [smem:$0x3FC6]  }
0x94: {  	s6 =	sld [smem:$0x3FC5]  }
0x95: {  	s7 =	sld [smem:$0x3FC4]  }
0x96: {  	s8 =	sld [smem:$0x3FC3]  }
0x97: {  	s9 =	sld [smem:$0x3FD0];
	(tm) =	ssettm $0x1  }
0x98: {  	s10 =	sld [smem:$0x3FFB];
	_ =	sdelay $0x3  }
0x99: {  	_ =	strace s10  }
0x9a: {  	s10 =	sld [smem:$0x3FFC];
	_ =	sdelay $0x3  }
0x9b: {  	_ =	strace s10  }
0x9c: {  	s10 =	sld [smem:$0x3FFD];
	_ =	sdelay $0x3  }
0x9d: {  	_ =	strace s10  }
0x9e: {  	_ =	strace $0x8FFFFFFF  }
0x9f: {  	s19 =	sld [smem:$0x3FDB];
	_ =	sdelay $0x1  }
0xa0: {  	s11 =	simm.s32 $_scs_section_size  }
0xa1: {  	s12 =	simm.s32 $_size__tile_overlayer_lowered;
	s13 =	simm.s32 $_tile_overlayer_lowered  }
0xa2: {  	s22 =	simm.s32 $0x1BFF;
	s21 =	sshll.u32 s13, $0x1;
	s10 =	sadd.s32 s11, s19  }
0xa3: {  	s14 =	simm.s32 $0x0;
	s20 =	sshll.u32 s12, $0x1;
	s12 =	sadd.s32 s21, s10  }
0xa4: {  	[timem:s14], [sflag:s22] =	dma.local [hbm:s12], s20  }
0xa5: {  	_ =	swait.ge [sflag:s22], s20  }
0xa6: {  	s11 =	ssub.s32 $0x0, s20;
	[sflag:s22] =	ssyncset.done $0x0  }
0xa7: {  	[sflag:s22] =	ssyncadd.s32 s11;
	_ =	sdelay $0x1  }
0xa8: {  	s23 =	simm.s32 $0x1B8B  }
0xa9: {  	_ =	swait.ge [sflag:s23], $0x1  }
0xaa: {  	[sflag:s23] =	ssyncset.done $0x0  }
0xab: {  	s25 =	simm.s32 $0x1B8E;
	s24 =	sld [smem:$0x3FFE];
	[sflag:s23] =	ssyncadd.s32 $0xFFFFFFFF  }
0xac: {  	s26 =	simm.s32 $execute0_lowered;
	[smem:$0x3FD2] =	sst s25  }
0xad: {  	s12 =	sshll.u32 s26, $0x1;
	_ =	strace $0x80000046;
	[dreg:$0x1] =	wrdreg $0xFFFFFFFF  }
0xae: {  	s28 =	simm.s32 $_size_execute0_lowered;
	s10 =	sadd.s32 s10, s12;
	[dreg:$0x0] =	wrdreg $0x0  }
0xaf: {  	s12 =	sshll.u32 s28, $0x1;
	[dreg:$0x2] =	wrdreg s10  }
0xb0: {  	[dreg:$0x3] =	wrdreg s12  }
0xb1: {  	[dreg:$0x4] =	wrdreg $0xC0  }
0xb2: {  	_ =	task [dreg:s14], $0x5FFFF  }
0xb3: {  	[dreg:$0x1] =	wrdreg $0xFFFFFFFF  }
0xb4: {  	[dreg:$0x0] =	wrdreg $0x60  }
0xb5: {  	[dreg:$0x2] =	wrdreg s2  }
0xb6: {  	[dreg:$0x3] =	wrdreg s18  }
0xb7: {  	[dreg:$0x4] =	wrdreg s5  }
0xb8: {  	[dreg:$0x5] =	wrdreg s6  }
0xb9: {  	[dreg:$0x6] =	wrdreg s4  }
0xba: {  	[dreg:$0x7] =	wrdreg s7  }
0xbb: {  	[dreg:$0x8] =	wrdreg s8  }
0xbc: {  	[dreg:$0x9] =	wrdreg s9  }
0xbd: {  	[dreg:$0xa] =	wrdreg s24  }
0xbe: {  	[dreg:$0xb] =	wrdreg $0x181800  }
0xbf: {  	[dreg:$0xc] =	wrdreg $0x19A000  }
0xc0: {  	[dreg:$0xd] =	wrdreg $0x9  }
0xc1: {  	_ =	task.clear_ibuf [dreg:s14], $0xEFFFF;
	_ =	strace $0x90000046  }
0xc2: {  	s29 =	simm.s32 $0x9;
	_ =	strace $0x80000048  }
0xc3: {  	_ =	swait.ge [sflag:s29], $0x1  }
0xc4: {  	[sflag:s29] =	ssyncadd.s32 $0xFFFFFFFF  }
0xc5: {  	_ =	strace $0x90000048  }
0xc6: {  	_ =	sfence  }
0xc7: {  	s30 =	sld [smem:$0x0];
	_ =	sdelay $0x2  }
0xc8: {  	s31 =	sshll.u32 s1, $0xD;
	s1 =	sshrl.u32 s1, $0x2  }
0xc9: {  	s3 =	sand.u32 $0x4000, s31;
	s1 =	sadd.s32 s1, s30  }
0xca: {  	s0 =	sor.u32 s3, s0;
	s1 =	sshll.u32 s1, $0x11  }
0xcb: {  	s0 =	sor.u32 s1, s0  }
0xcc: {  	s0 =	sadd.s32 $0x8F2B, s0  }
0xcd: {  	[sflag:s0] =	ssyncadd.remote.s32 $0x1  }
0xce: {  	_ =	sfence.sel $0xFFFF  }
0xcf: {  	[dreg:$0x0] =	wrdreg $0xFFFFFFFF;
	(pc) =	sbr.abs _section_cstart, $3  }
0xd0: {  	[dreg:$0x1] =	wrdreg $0xFFFFFFFF  }
0xd1: {  	_ =	task.clear_ibuf [dreg:s14], $0x2FFFF;
	_ =	strace $0x9FFFFFFF  }
0xd2: {  	(tm) =	ssettm $0x7FFFFFFF  }
0xd3: {  	_ =	shalt  }
tec
execute0_lowered:
.L_overlay_start_1:
0x0: {  	(tag) =	ssettag $0x1  }
0x1: {  	s1 =	rddreg [dreg:$0x1]  }
0x2: {  	s2 =	rddreg [dreg:$0x2]  }
0x3: {  	s3 =	rddreg [dreg:$0x3]  }
0x4: {  	s0 =	rddreg [dreg:$0x4]  }
0x5: {  	s4 =	rddreg [dreg:$0x5]  }
0x6: {  	s5 =	rddreg [dreg:$0x6]  }
0x7: {  	s10 =	rddreg [dreg:$0x8]  }
0x8: {  	s11 =	srdreg.scid;
	s6 =	rddreg [dreg:$0x9]  }
0x9: {  	s7 =	rddreg [dreg:$0xa];
	s13 =	stileid.u32;
	s8 =	simm.s32 $0x0  }
0xa: {  	s29 =	simm.s32 $0xBD80;
	s30 =	simm.s32 $0x10180;
	s12 =	sand.u32 $0x1, s11  }
0xb: {  	[smem:$0x7FF] =	sst s8;
	s10 =	sadd.s32 $0x800, s10;
	s15 =	smul.u32 $0x1880, s13  }
0xc: {  	s21 =	sand.u32 $0x2, s11;
	p1 =	sne.s32 s13, $0x0;
	p3 =	seq.s32 s13, $0x0  }
0xd: {  	s9 =	sshll.u32 s12, $0x4;
	s17 =	smul.u32 $0x18800, s12;
	s18 =	sxor.u32 $0x1, s12  }
0xe: {  	_ =	strace $0x80000047;
	s14 =	sor.u32 s13, s9;
	s18 =	smul.u32 $0x18800, s18  }
0xf: {  	s16 =	ssub.s32 $0x2, s12;
	s9 =	smul.u32 $0x7800, s14;
	s17 =	sadd.s32 s15, s17  }
0x10: {  	s22 =	sor.u32 s13, s12;
	s19 =	sshrl.u32 s16, $0x1;
	s17 =	sshrl.u32 s17, $0x3  }
0x11: {  	s18 =	sadd.s32 s15, s18;
	s20 =	sshrl.u32 s9, $0x3;
	s17 =	sadd.s32 s10, s17  }
0x12: {  	s18 =	sshrl.u32 s18, $0x3;
	s26 =	sadd.s32 s1, s20;
	[dreg:$0xd] =	wrdreg s17  }
0x13: {  	s28 =	sadd.s32 $0x100, s20;
	s10 =	sadd.s32 s10, s18;
	[dreg:$0xc] =	wrdreg s26  }
0x14: {  	p0 =	sne.s32 s22, $0x0;
	[dreg:$0xe] =	wrdreg s10;
	s23 =	sadd.s32 s1, s28  }
0x15: {  	s13 =	smul.u32 $0x300, s13;
	s24 =	sadd.s32 s2, s28;
	[dreg:$0xf] =	wrdreg s23  }
0x16: {  	p2 =	sne.s32 s14, $0x1F;
	s25 =	sadd.s32 s3, s28;
	[dreg:$0x10] =	wrdreg s24  }
0x17: {  	s18 =	sadd.s32 $0x200, s20;
	s28 =	sadd.s32 s2, s20;
	[dreg:$0x11] =	wrdreg s25  }
0x18: {  	s26 =	smul.u32 $0x42, s14;
	s14 =	sadd.s32 s3, s20;
	[dreg:$0x12] =	wrdreg s28  }
0x19: {  	s16 =	ssub.s32 s16, s19;
	s19 =	sadd.s32 s1, s18;
	[dreg:$0x13] =	wrdreg s14  }
0x1a: {  	s31 =	sadd.s32 s15, s6;
	s20 =	sadd.s32 s2, s18;
	[dreg:$0x14] =	wrdreg s19  }
0x1b: {  	s17 =	ssub.s32 s21, s12;
	s12 =	sadd.s32 s3, s18;
	[dreg:$0x15] =	wrdreg s20  }
0x1c: {  	s15 =	simm.s32 $0x2780;
	s18 =	simm.s32 $0x1;
	[dreg:$0x16] =	wrdreg s12  }
0x1d: {  	s23 =	sadd.s32 s0, s13;
	s24 =	sadd.s32 s4, s13;
	s25 =	sadd.s32 s5, s13  }
0x1e: {  	s0 =	sadd.s32 $0x3000, s0;
	s28 =	sadd.s32 $0x3000, s5;
	[dreg:$0x1a] =	wrdreg s23  }
0x1f: {  	s5 =	sshrl.u32 s11, $0x2;
	s11 =	sadd.s32 $0x1E840, s2;
	[dreg:$0x1b] =	wrdreg s24  }
0x20: {  	s12 =	sadd.s32 $0x1E840, s3;
	s19 =	simm.s32 $0x80;
	[dreg:$0x1c] =	wrdreg s25  }
0x21: {  	s20 =	simm.s32 $0x2;
	s10 =	sor.u32 $0x1E000, s26;
	[dreg:$0x1d] =	wrdreg s0  }
0x22: {  	s26 =	sadd.s32 $0x3000, s4;
	[dreg:$0x1f] =	wrdreg s28;
	s0 =	sadd.s32 $0x5, s17  }
.Ltmp0:
0x23: {  	s21 =	sadd.s32 s1, s10;
	[dreg:$0x1e] =	wrdreg s26;
	(pc) =	sbr.rel .LBB2_1-.Ltmp0, $4  }
0x24: {  	s4 =	smax.u32 s16, $0x1;
	s22 =	sadd.s32 s2, s10;
	[dreg:$0x17] =	wrdreg s21  }
0x25: {  	s16 =	simm.s32 $0x6;
	s10 =	sadd.s32 s3, s10;
	[dreg:$0x18] =	wrdreg s22  }
0x26: {  	s17 =	simm.s32 $0x3;
	s0 =	sshll.u32 @!p1 s0, $0xE;
	[dreg:$0x19] =	wrdreg s10  }
0x27: {  	v0 =	vimm.f32 $0.0e+00;
	s10 =	sadd.s32 $0x1E840, s1;
	s21 =	simm.s32 $0x4;
	s22 =	simm.s32 $0x0  }
.LBB2_25:
0x28: {  	s22 =	sadd.s32 $0x1, s22  }
0x29: {  	p4 =	sne.s32 s22, s4  }
.Ltmp1:
0x2a: {  	_ = 	snop;
	(pc) =	sbr.rel @!p4 .LBB2_26-.Ltmp1, $1  }
0x2b: {  	_ =	sdelay $0x3  }
.LBB2_1:
0x2c: {  	s13 =	rddreg [dreg:$0xc];
	s14 =	simm.s32 $0x5880  }
0x2d: {  	[tilespmem:s14], [sflag:$0x1] =	stream.linear.gather [hbm4b:s13+s8], $0x800, $0x38;
	[tilespmem:$0x19A40] =	vst v63  }
0x2e: {  	s26 =	rddreg [dreg:$0x12];
	s28 =	simm.s32 $0x7B00  }
0x2f: {  	[tilespmem:s28], [sflag:$0x1] =	stream.linear.gather [hbm4b:s26+s8], $0x800, $0x38;
	[tilespmem:$0x19A40] =	vst v63  }
0x30: {  	s23 =	simm.s32 $0x9D80;
	s14 =	rddreg [dreg:$0x13]  }
0x31: {  	[tilespmem:s23], [sflag:$0x1] =	stream.linear.gather [hbm4b:s14+s8], $0x800, $0x38;
	[tilespmem:$0x19A40] =	vst v63  }
0x32: {  	s24 =	rddreg [dreg:$0xf];
	s25 =	simm.s32 $0x6080  }
0x33: {  	[tilespmem:s25], [sflag:$0x1] =	stream.linear.gather [hbm4b:s24+s8], $0x800, $0x38;
	[tilespmem:$0x19A40] =	vst v63  }
0x34: {  	s26 =	rddreg [dreg:$0x10];
	s28 =	simm.s32 $0x8300  }
0x35: {  	[tilespmem:s28], [sflag:$0x1] =	stream.linear.gather [hbm4b:s26+s8], $0x800, $0x38;
	[tilespmem:$0x19A40] =	vst v63  }
0x36: {  	s14 =	rddreg [dreg:$0x11];
	s23 =	simm.s32 $0xA580  }
0x37: {  	[tilespmem:s23], [sflag:$0x1] =	stream.linear.gather [hbm4b:s14+s8], $0x800, $0x38;
	[tilespmem:$0x19A40] =	vst v63  }
0x38: {  	s24 =	rddreg [dreg:$0x14];
	s25 =	simm.s32 $0x6880  }
0x39: {  	[tilespmem:s25], [sflag:$0x1] =	stream.linear.gather [hbm4b:s24+s8], $0x800, $0x38;
	[tilespmem:$0x19A40] =	vst v63  }
0x3a: {  	s26 =	rddreg [dreg:$0x15];
	s28 =	simm.s32 $0x8B00  }
0x3b: {  	[tilespmem:s28], [sflag:$0x1] =	stream.linear.gather [hbm4b:s26+s8], $0x800, $0x38;
	[tilespmem:$0x19A40] =	vst v63  }
0x3c: {  	s23 =	rddreg [dreg:$0x16];
	s24 =	simm.s32 $0xAD80  }
0x3d: {  	[tilespmem:s24], [sflag:$0x1] =	stream.linear.gather [hbm4b:s23+s8], $0x800, $0x38;
	[tilespmem:$0x19A40] =	vst v63  }
0x3e: {  	s25 =	rddreg [dreg:$0x0]  }
0x3f: {  	[tilespmem:s8], [sflag:$0x3] =	stream.linear.gather [hbm4b:s25+s8], $0x2780, $0x38;
	[tilespmem:$0x19A40] =	vst v63  }
0x40: {  	s26 =	rddreg [dreg:$0x17];
	s28 =	simm.s32 $0x7880  }
0x41: {  	[tilespmem:s28], [sflag:$0x3] =	stream.linear.gather [hbm4b:s26+s8], $0x210, $0x38;
	[tilespmem:$0x19A40] =	vst v63  }
0x42: {  	s14 =	rddreg [dreg:$0x18];
	s23 =	simm.s32 $0x9B00  }
0x43: {  	[tilespmem:s23], [sflag:$0x3] =	stream.linear.gather [hbm4b:s14+s8], $0x210, $0x38;
	[tilespmem:$0x19A40] =	vst v63  }
0x44: {  	s24 =	rddreg [dreg:$0x19]  }
0x45: {  	[tilespmem:s29], [sflag:$0x3] =	stream.linear.gather [hbm4b:s24+s8], $0x210, $0x38;
	[tilespmem:$0x19A40] =	vst v63  }
0x46: {  	s13 =	simm.s32 @!p2 $0x0;
	s14 =	simm.s32 @!p2 $0x7A90  }
0x47: {  	[tilespmem:s14], [sflag:$0x3] =	stream.linear.gather @!p2 [hbm4b:s10+s13], $0x40, $0x38;
	[tilespmem:$0x19A40] =	vst v63  }
0x48: {  	s14 =	simm.s32 @!p2 $0x9D10  }
0x49: {  	[tilespmem:s14], [sflag:$0x3] =	stream.linear.gather @!p2 [hbm4b:s11+s13], $0x40, $0x38;
	[tilespmem:$0x19A40] =	vst v63  }
0x4a: {  	s14 =	simm.s32 @!p2 $0xBF90  }
0x4b: {  	[tilespmem:s14], [sflag:$0x3] =	stream.linear.gather @!p2 [hbm4b:s12+s13], $0x40, $0x38;
	[tilespmem:$0x19A40] =	vst v63  }
0x4c: {  	s25 =	rddreg [dreg:$0x1a];
	s26 =	simm.s32 $0xE280  }
0x4d: {  	[tilespmem:s26], [sflag:$0x4] =	stream.linear.gather [hbm4b:s25+s8], $0x1800, $0x38;
	[tilespmem:$0x19A40] =	vst v63  }
0x4e: {  	s28 =	rddreg [dreg:$0x1b]  }
0x4f: {  	[tilespmem:s30], [sflag:$0x4] =	stream.linear.gather [hbm4b:s28+s8], $0x1800, $0x38;
	[tilespmem:$0x19A40] =	vst v63  }
0x50: {  	s29 =	rddreg [dreg:$0x1c];
	s30 =	simm.s32 $0x12080  }
0x51: {  	[tilespmem:s30], [sflag:$0x4] =	stream.linear.gather [hbm4b:s29+s8], $0x1800, $0x38;
	[tilespmem:$0x19A40] =	vst v63  }
0x52: {  	s23 =	rddreg [dreg:$0x1d];
	s13 =	simm.s32 @!p1 $0x0;
	s14 =	simm.s32 @!p1 $0xFA80  }
0x53: {  	[tilespmem:s14], [sflag:$0x4] =	stream.linear.gather @!p1 [hbm4b:s23+s13], $0x6A0, $0x38;
	[tilespmem:$0x19A40] =	vst v63  }
0x54: {  	s14 =	simm.s32 @!p1 $0x11980;
	s23 =	rddreg [dreg:$0x1e]  }
0x55: {  	[tilespmem:s14], [sflag:$0x4] =	stream.linear.gather @!p1 [hbm4b:s23+s13], $0x6A0, $0x38;
	[tilespmem:$0x19A40] =	vst v63  }
0x56: {  	s14 =	simm.s32 @!p1 $0x13880;
	s23 =	rddreg [dreg:$0x1f]  }
0x57: {  	[tilespmem:s14], [sflag:$0x4] =	stream.linear.gather @!p1 [hbm4b:s23+s13], $0x6A0, $0x38;
	[tilespmem:$0x19A40] =	vst v63  }
0x58: {  	s13 =	simm.s32 $0x27C0  }
0x59: {  	[tilespmem:s13+$0xFFFFFFC0] =	vst v0  }
0x5a: {  	[tilespmem:s13+$0x30] =	vst v0  }
0x5b: {  	[tilespmem:s13+$0x20] =	vst v0  }
0x5c: {  	[tilespmem:s13+$0x10] =	vst v0  }
0x5d: {  	[tilespmem:s13+$0x0] =	vst v0  }
0x5e: {  	[tilespmem:s13+$0xFFFFFFF0] =	vst v0  }
0x5f: {  	s14 =	simm.s32 $0x0;
	[tilespmem:s13+$0xFFFFFFE0] =	vst v0  }
.LBB2_2:
0x60: {  	s14 =	sadd.s32 $0x8, s14;
	[tilespmem:s13+$0xFFFFFFD0] =	vst v0;
	s13 =	sadd.s32 $0x80, s13  }
0x61: {  	[tilespmem:s13+$0xFFFFFFC0] =	vst v0;
	p4 =	slt.u32 s14, $0x180  }
0x62: {  	[tilespmem:s13+$0x30] =	vst v0  }
.Ltmp2:
0x63: {  	[tilespmem:s13+$0x20] =	vst v0;
	(pc) =	sbr.rel @p4 .LBB2_2-.Ltmp2, $4  }
0x64: {  	[tilespmem:s13+$0x10] =	vst v0  }
0x65: {  	[tilespmem:s13+$0x0] =	vst v0  }
0x66: {  	[tilespmem:s13+$0xFFFFFFF0] =	vst v0  }
0x67: {  	[tilespmem:s13+$0xFFFFFFE0] =	vst v0  }
0x68: {  	[tilespmem:s13+$0xFFFFFFD0] =	vst v0  }
0x69: {  	[spmem:s31] =	stream.linear.scatter [tilespmem:s15], [sflag:$0x6], $0x1880, $0x38;
	[tilespmem:$0x19A40] =	vst v63  }
0x6a: {  	_ =	swait.ge [sflag:s16], $0x1880  }
0x6b: {  	[sflag:s16] =	ssyncset.done $0x0  }
0x6c: {  	s13 =	simm.s32 @!p1 $0x2780;
	[sflag:s16] =	ssyncadd.s32 $0xFFFFE780  }
0x6d: {  	[spmem:s7] =	stream.linear.scatter @!p1 [tilespmem:s13], [sflag:$0x6], $0x400, $0x38;
	[tilespmem:$0x19A40] =	vst v63  }
0x6e: {  	s13 =	simm.s32 @!p1 $0x6  }
0x6f: {  	_ =	swait.ge @!p1 [sflag:s13], $0x400  }
0x70: {  	[sflag:s13] =	ssyncset.done @!p1 $0x0  }
0x71: {  	[sflag:s13] =	ssyncadd.s32 @!p1 $0xFFFFFC00  }
0x72: {  	_ =	swait.ge [sflag:s17], $0x2780  }
0x73: {  	[sflag:s17] =	ssyncset.done $0x0  }
0x74: {  	s13 =	simm.s32 $0x40;
	[sflag:s17] =	ssyncadd.s32 $0xFFFFD880  }
0x75: {  	v2 =	vld [tilespmem:s13+$0xFFFFFFC0]  }
0x76: {  	v3 =	vld [tilespmem:s13+$0xFFFFFFD0]  }
0x77: {  	v5 =	vld [tilespmem:s13+$0xFFFFFFE0]  }
0x78: {  	v4 =	vld [tilespmem:s13+$0x0]  }
0x79: {  	v1 =	vld [tilespmem:s13+$0x10]  }
0x7a: {  	vm0 =	vgt.f32 v2, $1.000000000e+00;
	v2 =	vld [tilespmem:s13+$0x20]  }
0x7b: {  	v6 =	vsel vm0, $0x3F800000, v0;
	vm0 =	vgt.f32 v3, $1.000000000e+00;
	v3 =	vld [tilespmem:s13+$0x30]  }
0x7c: {  	s14 =	simm.s32 $0x0;
	s23 =	simm.s32 $0xC0;
	[tilespmem:s13+$0xFFFFFFC0] =	vst v6;
	v6 =	vsel vm0, $0x3F800000, v0;
	vm0 =	vgt.f32 v5, $1.000000000e+00;
	v5 =	vld [tilespmem:s13+$0xFFFFFFF0]  }
.LBB2_4:
0x7d: {  	v7 =	vld [tilespmem:s23+$0xFFFFFFC0];
	[tilespmem:s13+$0xFFFFFFD0] =	vst v6;
	v6 =	vsel vm0, $0x3F800000, v0;
	vm0 =	vgt.f32 v4, $1.000000000e+00  }
0x7e: {  	s14 =	sadd.s32 $0x8, s14;
	v8 =	vld [tilespmem:s23+$0xFFFFFFD0];
	[tilespmem:s13+$0xFFFFFFE0] =	vst v6;
	v4 =	vsel vm0, $0x3F800000, v0;
	vm0 =	vgt.f32 v1, $1.000000000e+00  }
0x7f: {  	p4 =	slt.u32 s14, $0x268;
	v9 =	vld [tilespmem:s23+$0xFFFFFFE0];
	[tilespmem:s13+$0x0] =	vst v4;
	v1 =	vsel vm0, $0x3F800000, v0;
	vm0 =	vgt.f32 v2, $1.000000000e+00  }
.Ltmp3:
0x80: {  	v4 =	vld [tilespmem:s23+$0x0];
	[tilespmem:s13+$0x10] =	vst v1;
	v2 =	vsel vm0, $0x3F800000, v0;
	vm0 =	vgt.f32 v3, $1.000000000e+00;
	(pc) =	sbr.rel @p4 .LBB2_4-.Ltmp3, $4  }
0x81: {  	v1 =	vld [tilespmem:s23+$0x10];
	vm1 =	vgt.f32 v5, $1.000000000e+00;
	[tilespmem:s13+$0x20] =	vst v2;
	v3 =	vsel vm0, $0x3F800000, v0  }
0x82: {  	vm0 =	vgt.f32 v7, $1.000000000e+00;
	v2 =	vld [tilespmem:s23+$0x20];
	v5 =	vsel vm1, $0x3F800000, v0;
	[tilespmem:s13+$0x30] =	vst v3  }
0x83: {  	v6 =	vsel vm0, $0x3F800000, v0;
	vm0 =	vgt.f32 v8, $1.000000000e+00;
	v3 =	vld [tilespmem:s23+$0x30];
	[tilespmem:s13+$0xFFFFFFF0] =	vst v5;
	s13 =	smov.u32 s23  }
0x84: {  	s23 =	sadd.s32 $0x80, s23;
	[tilespmem:s13+$0xFFFFFFC0] =	vst v6;
	v6 =	vsel vm0, $0x3F800000, v0;
	vm0 =	vgt.f32 v9, $1.000000000e+00;
	v5 =	vld [tilespmem:s13+$0xFFFFFFF0]  }
0x85: {  	[tilespmem:s13+$0xFFFFFFD0] =	vst v6;
	v63 =	vsel vm0, $0x3F800000, v0;
	vm11 =	vgt.f32 v4, $1.000000000e+00  }
0x86: {  	[tilespmem:s13+$0xFFFFFFE0] =	vst v63;
	v4 =	vsel vm11, $0x3F800000, v0;
	vm12 =	vgt.f32 v1, $1.000000000e+00  }
0x87: {  	[tilespmem:s13+$0x0] =	vst v4;
	v1 =	vsel vm12, $0x3F800000, v0;
	vm13 =	vgt.f32 v2, $1.000000000e+00  }
0x88: {  	[tilespmem:s13+$0x10] =	vst v1;
	v1 =	vsel vm13, $0x3F800000, v0;
	vm14 =	vgt.f32 v3, $1.000000000e+00  }
0x89: {  	vm1 =	vgt.f32 v5, $1.000000000e+00;
	[tilespmem:s13+$0x20] =	vst v1;
	v1 =	vsel vm14, $0x3F800000, v0  }
0x8a: {  	v2 =	vsel vm1, $0x3F800000, v0;
	[tilespmem:s13+$0x30] =	vst v1  }
0x8b: {  	[tilespmem:s13+$0xFFFFFFF0] =	vst v2  }
0x8c: {  	v1 =	vld [tilespmem:$0x2700];
	_ =	sdelay $0x4  }
0x8d: {  	vm15 =	vgt.f32 v1, $1.000000000e+00  }
0x8e: {  	v1 =	vsel vm15, $0x3F800000, v0  }
0x8f: {  	[tilespmem:$0x2700] =	vst v1  }
0x90: {  	s23 =	simm.s32 $0x0;
	s13 =	simm.s32 $0x0;
	[bflag:$0x0] =	sbarrier.arrive $0xFFFF  }
.LBB2_6:
0x91: {  	p4 =	slt.u32 s23, $0x4  }
0x92: {  	s14 =	simm.s32 @!p4 $0x2  }
0x93: {  	_ =	swait.ge @!p4 [sflag:s14], $0x80  }
0x94: {  	[sflag:s14] =	ssyncset.done @!p4 $0x0  }
0x95: {  	[sflag:s14] =	ssyncadd.s32 @!p4 $0xFFFFFF80  }
0x96: {  	_ =	swait.ge @!p4 [sflag:s14], $0x80  }
0x97: {  	[sflag:s14] =	ssyncset.done @!p4 $0x0  }
0x98: {  	[sflag:s14] =	ssyncadd.s32 @!p4 $0xFFFFFF80  }
0x99: {  	_ =	swait.ge @!p4 [sflag:s14], $0x80  }
0x9a: {  	[sflag:s14] =	ssyncset.done @!p4 $0x0  }
0x9b: {  	[sflag:s14] =	ssyncadd.s32 @!p4 $0xFFFFFF80  }
0x9c: {  	_ =	swait.ge @!p4 [sflag:s14], $0x80  }
0x9d: {  	[sflag:s14] =	ssyncset.done @!p4 $0x0  }
0x9e: {  	[sflag:s14] =	ssyncadd.s32 @!p4 $0xFFFFFF80  }
0x9f: {  	_ =	swait.ge @!p4 [sflag:s14], $0x80  }
0xa0: {  	[sflag:s14] =	ssyncset.done @!p4 $0x0  }
0xa1: {  	[sflag:s14] =	ssyncadd.s32 @!p4 $0xFFFFFF80  }
0xa2: {  	_ =	swait.ge @!p4 [sflag:s14], $0x80  }
0xa3: {  	[sflag:s14] =	ssyncset.done @!p4 $0x0  }
0xa4: {  	[sflag:s14] =	ssyncadd.s32 @!p4 $0xFFFFFF80  }
0xa5: {  	_ =	swait.ge @!p4 [sflag:s14], $0x80  }
0xa6: {  	[sflag:s14] =	ssyncset.done @!p4 $0x0  }
0xa7: {  	[sflag:s14] =	ssyncadd.s32 @!p4 $0xFFFFFF80  }
0xa8: {  	_ =	swait.ge @!p4 [sflag:s14], $0x80  }
0xa9: {  	[sflag:s14] =	ssyncset.done @!p4 $0x0  }
0xaa: {  	[sflag:s14] =	ssyncadd.s32 @!p4 $0xFFFFFF80  }
0xab: {  	_ =	swait.ge @!p4 [sflag:s14], $0x80  }
0xac: {  	[sflag:s14] =	ssyncset.done @!p4 $0x0  }
0xad: {  	[sflag:s14] =	ssyncadd.s32 @!p4 $0xFFFFFF80  }
0xae: {  	_ =	swait.ge @!p4 [sflag:s14], $0x80  }
0xaf: {  	[sflag:s14] =	ssyncset.done @!p4 $0x0  }
0xb0: {  	[sflag:s14] =	ssyncadd.s32 @!p4 $0xFFFFFF80  }
0xb1: {  	_ =	swait.ge @!p4 [sflag:s14], $0x80  }
0xb2: {  	[sflag:s14] =	ssyncset.done @!p4 $0x0  }
0xb3: {  	[sflag:s14] =	ssyncadd.s32 @!p4 $0xFFFFFF80  }
0xb4: {  	_ =	swait.ge @!p4 [sflag:s14], $0x80  }
0xb5: {  	[sflag:s14] =	ssyncset.done @!p4 $0x0  }
0xb6: {  	[sflag:s14] =	ssyncadd.s32 @!p4 $0xFFFFFF80  }
0xb7: {  	_ =	swait.ge @!p4 [sflag:s14], $0x80  }
0xb8: {  	[sflag:s14] =	ssyncset.done @!p4 $0x0  }
0xb9: {  	[sflag:s14] =	ssyncadd.s32 @!p4 $0xFFFFFF80  }
0xba: {  	_ =	swait.ge @!p4 [sflag:s14], $0x80  }
0xbb: {  	[sflag:s14] =	ssyncset.done @!p4 $0x0  }
0xbc: {  	[sflag:s14] =	ssyncadd.s32 @!p4 $0xFFFFFF80  }
0xbd: {  	_ =	swait.ge @!p4 [sflag:s14], $0x80  }
0xbe: {  	[sflag:s14] =	ssyncset.done @!p4 $0x0  }
0xbf: {  	[sflag:s14] =	ssyncadd.s32 @!p4 $0xFFFFFF80  }
0xc0: {  	_ =	swait.ge @!p4 [sflag:s14], $0x80  }
0xc1: {  	[sflag:s14] =	ssyncset.done @!p4 $0x0  }
0xc2: {  	[sflag:s14] =	ssyncadd.s32 @!p4 $0xFFFFFF80  }
0xc3: {  	_ =	swait.ge [sflag:s18], $0x800  }
0xc4: {  	[sflag:s18] =	ssyncset.done $0x0  }
0xc5: {  	[sflag:s18] =	ssyncadd.s32 $0xFFFFF800  }
0xc6: {  	s14 =	sshll.u32 s23, $0xB;
	p4 =	sgt.u32 s23, $0xB;
	_ =	swait.ge [sflag:s18], $0x800  }
0xc7: {  	s24 =	sadd.s32 @!p4 $0x1800, s14;
	[sflag:s18] =	ssyncset.done $0x0  }
0xc8: {  	s29 =	simm.s32 @!p4 $0x0;
	s14 =	sand.u32 $0x1800, s14;
	[sflag:s18] =	ssyncadd.s32 $0xFFFFF800  }
0xc9: {  	s25 =	sadd.s32 @!p4 s9, s24;
	s24 =	sand.u32 @!p4 $0x1800, s24;
	_ =	swait.ge [sflag:s18], $0x800  }
0xca: {  	s25 =	sshrl.u32 @!p4 s25, $0x3;
	s26 =	sadd.s32 @!p4 $0x5880, s24;
	[sflag:s18] =	ssyncset.done $0x0  }
0xcb: {  	s28 =	sadd.s32 @!p4 s1, s25;
	s30 =	sadd.s32 @!p4 s2, s25;
	[sflag:s18] =	ssyncadd.s32 $0xFFFFF800  }
0xcc: {  	[tilespmem:s26], [sflag:$0x1] =	stream.linear.gather @!p4 [hbm4b:s28+s29], $0x800, $0x38;
	[tilespmem:$0x19A40] =	vst v63  }
0xcd: {  	s25 =	sadd.s32 @!p4 s3, s25;
	s26 =	sshll.u32 s13, $0xB;
	s28 =	sadd.s32 @!p4 $0x7B00, s24  }
0xce: {  	[tilespmem:s28], [sflag:$0x1] =	stream.linear.gather @!p4 [hbm4b:s30+s29], $0x800, $0x38;
	[tilespmem:$0x19A40] =	vst v63  }
0xcf: {  	s24 =	sadd.s32 @!p4 $0x9D80, s24;
	s26 =	sand.u32 $0x1800, s26;
	s28 =	simm.s32 $0xFFFFFFF8  }
0xd0: {  	[tilespmem:s24], [sflag:$0x1] =	stream.linear.gather @!p4 [hbm4b:s25+s29], $0x800, $0x38;
	[tilespmem:$0x19A40] =	vst v63  }
0xd1: {  	s24 =	sor.u32 $0xC040, s26;
	s25 =	sadd.s32 $0x58C0, s26;
	s26 =	sadd.s32 $0x7B40, s26  }
.LBB2_7:
0xd2: {  	v1 =	vld [tilespmem:s26+$0xFFFFFFC0];
	_ =	sdelay $0x6  }
0xd3: {  	v2 =	vld [tilespmem:s25+$0xFFFFFFC0]  }
0xd4: {  	v1 =	vld.idx.msk [tilespmem:v1+s8+$0x0], $0xffff;
	_ =	sdelay $0x4  }
0xd5: {  	v1 =	vmul.f32 v1, v2;
	_ =	sdelay $0x1  }
0xd6: {  	[tilespmem:s24+$0xFFFFFFC0] =	vst v1  }
0xd7: {  	v1 =	vld [tilespmem:s26+$0xFFFFFFD0];
	_ =	sdelay $0x6  }
0xd8: {  	v2 =	vld [tilespmem:s25+$0xFFFFFFD0]  }
0xd9: {  	v1 =	vld.idx.msk [tilespmem:v1+s8+$0x0], $0xffff;
	_ =	sdelay $0x4  }
0xda: {  	v1 =	vmul.f32 v1, v2;
	_ =	sdelay $0x1  }
0xdb: {  	[tilespmem:s24+$0xFFFFFFD0] =	vst v1  }
0xdc: {  	v1 =	vld [tilespmem:s26+$0xFFFFFFE0];
	_ =	sdelay $0x6  }
0xdd: {  	v2 =	vld [tilespmem:s25+$0xFFFFFFE0]  }
0xde: {  	v1 =	vld.idx.msk [tilespmem:v1+s8+$0x0], $0xffff;
	_ =	sdelay $0x4  }
0xdf: {  	v1 =	vmul.f32 v1, v2;
	_ =	sdelay $0x1  }
0xe0: {  	[tilespmem:s24+$0xFFFFFFE0] =	vst v1  }
0xe1: {  	v1 =	vld [tilespmem:s26+$0xFFFFFFF0];
	_ =	sdelay $0x6  }
0xe2: {  	v2 =	vld [tilespmem:s25+$0xFFFFFFF0]  }
0xe3: {  	v1 =	vld.idx.msk [tilespmem:v1+s8+$0x0], $0xffff;
	_ =	sdelay $0x4  }
0xe4: {  	v1 =	vmul.f32 v1, v2;
	_ =	sdelay $0x1  }
0xe5: {  	[tilespmem:s24+$0xFFFFFFF0] =	vst v1  }
0xe6: {  	v1 =	vld [tilespmem:s26+$0x0];
	_ =	sdelay $0x6  }
0xe7: {  	v2 =	vld [tilespmem:s25+$0x0]  }
0xe8: {  	v1 =	vld.idx.msk [tilespmem:v1+s8+$0x0], $0xffff;
	_ =	sdelay $0x4  }
0xe9: {  	v1 =	vmul.f32 v1, v2;
	_ =	sdelay $0x1  }
0xea: {  	[tilespmem:s24+$0x0] =	vst v1  }
0xeb: {  	v1 =	vld [tilespmem:s26+$0x10];
	_ =	sdelay $0x6  }
0xec: {  	v2 =	vld [tilespmem:s25+$0x10]  }
0xed: {  	v1 =	vld.idx.msk [tilespmem:v1+s8+$0x0], $0xffff;
	_ =	sdelay $0x4  }
0xee: {  	v1 =	vmul.f32 v1, v2;
	_ =	sdelay $0x1  }
0xef: {  	[tilespmem:s24+$0x10] =	vst v1  }
0xf0: {  	v1 =	vld [tilespmem:s26+$0x20];
	_ =	sdelay $0x6  }
0xf1: {  	v2 =	vld [tilespmem:s25+$0x20]  }
0xf2: {  	v1 =	vld.idx.msk [tilespmem:v1+s8+$0x0], $0xffff;
	_ =	sdelay $0x4  }
0xf3: {  	v1 =	vmul.f32 v1, v2;
	_ =	sdelay $0x1  }
0xf4: {  	[tilespmem:s24+$0x20] =	vst v1  }
0xf5: {  	v1 =	vld [tilespmem:s26+$0x30];
	_ =	sdelay $0x6  }
0xf6: {  	v2 =	vld [tilespmem:s25+$0x30]  }
0xf7: {  	v1 =	vld.idx.msk [tilespmem:v1+s8+$0x0], $0xffff  }
0xf8: {  	s28 =	sadd.s32 $0x8, s28  }
0xf9: {  	p4 =	slt.u32 s28, $0x78  }
.Ltmp4:
0xfa: {  	_ = 	snop;
	(pc) =	sbr.rel @p4 .LBB2_7-.Ltmp4, $3  }
0xfb: {  	_ = 	snop  }
0xfc: {  	v1 =	vmul.f32 v1, v2;
	_ =	sdelay $0x1  }
0xfd: {  	s25 =	sadd.s32 $0x80, s25;
	s26 =	sadd.s32 $0x80, s26;
	[tilespmem:s24+$0x30] =	vst v1;
	s24 =	sadd.s32 $0x80, s24  }
0xfe: {  	s24 =	sor.u32 $0xC000, s14;
	s25 =	sadd.s32 $0x9D80, s14  }
0xff: {  	[spmem:s6] =	stream.indirect.scatter.add.f32 [tilespmem:s24], [sflag:$0x2], $0x1, s25, s19, $0xb8;
	[tilespmem:$0x19A40] =	vst v63  }
0x100: {  	s29 =	sor.u32 $0xC080, s14;
	s30 =	sadd.s32 $0x9E00, s14  }
0x101: {  	[spmem:s6] =	stream.indirect.scatter.add.f32 [tilespmem:s29], [sflag:$0x2], $0x1, s30, s19, $0xb8;
	[tilespmem:$0x19A40] =	vst v63  }
0x102: {  	s26 =	sor.u32 $0xC100, s14;
	s28 =	sadd.s32 $0x9E80, s14  }
0x103: {  	[spmem:s6] =	stream.indirect.scatter.add.f32 [tilespmem:s26], [sflag:$0x2], $0x1, s28, s19, $0xb8;
	[tilespmem:$0x19A40] =	vst v63  }
0x104: {  	s29 =	sor.u32 $0xC180, s14;
	s30 =	sadd.s32 $0x9F00, s14  }
0x105: {  	[spmem:s6] =	stream.indirect.scatter.add.f32 [tilespmem:s29], [sflag:$0x2], $0x1, s30, s19, $0xb8;
	[tilespmem:$0x19A40] =	vst v63  }
0x106: {  	s26 =	sor.u32 $0xC200, s14;
	s28 =	sadd.s32 $0x9F80, s14  }
0x107: {  	[spmem:s6] =	stream.indirect.scatter.add.f32 [tilespmem:s26], [sflag:$0x2], $0x1, s28, s19, $0xb8;
	[tilespmem:$0x19A40] =	vst v63  }
0x108: {  	s29 =	sor.u32 $0xC280, s14;
	s30 =	sor.u32 $0xA000, s14  }
0x109: {  	[spmem:s6] =	stream.indirect.scatter.add.f32 [tilespmem:s29], [sflag:$0x2], $0x1, s30, s19, $0xb8;
	[tilespmem:$0x19A40] =	vst v63  }
0x10a: {  	s26 =	sor.u32 $0xC300, s14;
	s28 =	sadd.s32 $0xA080, s14  }
0x10b: {  	[spmem:s6] =	stream.indirect.scatter.add.f32 [tilespmem:s26], [sflag:$0x2], $0x1, s28, s19, $0xb8;
	[tilespmem:$0x19A40] =	vst v63  }
0x10c: {  	s29 =	sor.u32 $0xC380, s14;
	s30 =	sadd.s32 $0xA100, s14  }
0x10d: {  	[spmem:s6] =	stream.indirect.scatter.add.f32 [tilespmem:s29], [sflag:$0x2], $0x1, s30, s19, $0xb8;
	[tilespmem:$0x19A40] =	vst v63  }
0x10e: {  	s26 =	sor.u32 $0xC400, s14;
	s28 =	sadd.s32 $0xA180, s14  }
0x10f: {  	[spmem:s6] =	stream.indirect.scatter.add.f32 [tilespmem:s26], [sflag:$0x2], $0x1, s28, s19, $0xb8;
	[tilespmem:$0x19A40] =	vst v63  }
0x110: {  	s29 =	sor.u32 $0xC480, s14;
	s30 =	sadd.s32 $0xA200, s14  }
0x111: {  	[spmem:s6] =	stream.indirect.scatter.add.f32 [tilespmem:s29], [sflag:$0x2], $0x1, s30, s19, $0xb8;
	[tilespmem:$0x19A40] =	vst v63  }
0x112: {  	s26 =	sor.u32 $0xC500, s14;
	s28 =	sadd.s32 $0xA280, s14  }
0x113: {  	[spmem:s6] =	stream.indirect.scatter.add.f32 [tilespmem:s26], [sflag:$0x2], $0x1, s28, s19, $0xb8;
	[tilespmem:$0x19A40] =	vst v63  }
0x114: {  	s29 =	sor.u32 $0xC580, s14;
	s30 =	sadd.s32 $0xA300, s14  }
0x115: {  	[spmem:s6] =	stream.indirect.scatter.add.f32 [tilespmem:s29], [sflag:$0x2], $0x1, s30, s19, $0xb8;
	[tilespmem:$0x19A40] =	vst v63  }
0x116: {  	s23 =	sadd.s32 $0x1, s23;
	s26 =	sor.u32 $0xC600, s14;
	s28 =	sadd.s32 $0xA380, s14  }
0x117: {  	[spmem:s6] =	stream.indirect.scatter.add.f32 [tilespmem:s26], [sflag:$0x2], $0x1, s28, s19, $0xb8;
	[tilespmem:$0x19A40] =	vst v63  }
0x118: {  	p4 =	sne.s32 s23, $0xF;
	s29 =	sor.u32 $0xC680, s14;
	s30 =	sadd.s32 $0xA400, s14  }
0x119: {  	[spmem:s6] =	stream.indirect.scatter.add.f32 [tilespmem:s29], [sflag:$0x2], $0x1, s30, s19, $0xb8;
	[tilespmem:$0x19A40] =	vst v63  }
.Ltmp5:
0x11a: {  	_ = 	snop;
	(pc) =	sbr.rel @p4 .LBB2_6-.Ltmp5, $4  }
0x11b: {  	s26 =	sor.u32 $0xC700, s14;
	s28 =	sadd.s32 $0xA480, s14  }
0x11c: {  	[spmem:s6] =	stream.indirect.scatter.add.f32 [tilespmem:s26], [sflag:$0x2], $0x1, s28, s19, $0xb8;
	[tilespmem:$0x19A40] =	vst v63  }
0x11d: {  	s13 =	sadd.s32 $0x1, s13;
	s29 =	sor.u32 $0xC780, s14;
	s30 =	sadd.s32 $0xA500, s14  }
0x11e: {  	[spmem:s6] =	stream.indirect.scatter.add.f32 [tilespmem:s29], [sflag:$0x2], $0x1, s30, s19, $0xb8;
	[tilespmem:$0x19A40] =	vst v63  }
0x11f: {  	_ =	swait.ge [sflag:s20], $0x80  }
0x120: {  	s13 =	simm.s32 $0x3F;
	[sflag:s20] =	ssyncset.done $0x0  }
.LBB2_10:
0x121: {  	p4 =	sne.s32 s13, $0x1;
	s13 =	sadd.s32 $0xFFFFFFFF, s13;
	[sflag:s20] =	ssyncadd.s32 $0xFFFFFF80  }
.Ltmp6:
0x122: {  	(pc) =	sbr.rel @p4 .LBB2_10-.Ltmp6, $3  }
0x123: {  	_ =	sdelay $0x1  }
0x124: {  	_ =	swait.ge [sflag:s20], $0x80  }
0x125: {  	[sflag:s20] =	ssyncset.done $0x0  }
0x126: {  	[sflag:s20] =	ssyncadd.s32 $0xFFFFFF80  }
0x127: {  	_ =	swait.ge [sflag:s17], $0x210  }
0x128: {  	[sflag:s17] =	ssyncset.done $0x0  }
0x129: {  	[sflag:s17] =	ssyncadd.s32 $0xFFFFFDF0  }
0x12a: {  	_ =	swait.ge [sflag:s17], $0x210  }
0x12b: {  	[sflag:s17] =	ssyncset.done $0x0  }
0x12c: {  	[sflag:s17] =	ssyncadd.s32 $0xFFFFFDF0  }
0x12d: {  	_ =	swait.ge [sflag:s17], $0x210  }
0x12e: {  	[sflag:s17] =	ssyncset.done $0x0  }
0x12f: {  	[sflag:s17] =	ssyncadd.s32 $0xFFFFFDF0  }
0x130: {  	v1 =	vld [tilespmem:$0x9B00];
	_ =	sdelay $0x5  }
0x131: {  	v2 =	vld [tilespmem:$0x7880]  }
0x132: {  	v3 =	vld [tilespmem:$0x9B10]  }
0x133: {  	v1 =	vld.idx.msk [tilespmem:v1+s8+$0x0], $0xffff;
	_ =	sdelay $0x4  }
0x134: {  	v1 =	vmul.f32 v1, v2;
	_ =	sdelay $0x1  }
0x135: {  	[tilespmem:$0xE000] =	vst v1;
	v1 =	vld [tilespmem:$0x7890]  }
0x136: {  	v2 =	vld.idx.msk [tilespmem:v3+s8+$0x0], $0xffff  }
0x137: {  	v3 =	vld [tilespmem:$0x9B20];
	_ =	sdelay $0x4  }
0x138: {  	v1 =	vmul.f32 v2, v1;
	_ =	sdelay $0x1  }
0x139: {  	[tilespmem:$0xE010] =	vst v1;
	v1 =	vld [tilespmem:$0x78A0]  }
0x13a: {  	v2 =	vld.idx.msk [tilespmem:v3+s8+$0x0], $0xffff  }
0x13b: {  	v3 =	vld [tilespmem:$0x9B30];
	_ =	sdelay $0x4  }
0x13c: {  	v1 =	vmul.f32 v2, v1;
	_ =	sdelay $0x1  }
0x13d: {  	[tilespmem:$0xE020] =	vst v1;
	v1 =	vld [tilespmem:$0x78B0]  }
0x13e: {  	v2 =	vld.idx.msk [tilespmem:v3+s8+$0x0], $0xffff  }
0x13f: {  	v3 =	vld [tilespmem:$0x9B40];
	_ =	sdelay $0x4  }
0x140: {  	v1 =	vmul.f32 v2, v1;
	_ =	sdelay $0x1  }
0x141: {  	[tilespmem:$0xE030] =	vst v1;
	v1 =	vld [tilespmem:$0x78C0]  }
0x142: {  	v2 =	vld.idx.msk [tilespmem:v3+s8+$0x0], $0xffff  }
0x143: {  	v3 =	vld [tilespmem:$0x9B50];
	_ =	sdelay $0x4  }
0x144: {  	v1 =	vmul.f32 v2, v1;
	_ =	sdelay $0x1  }
0x145: {  	[tilespmem:$0xE040] =	vst v1;
	v1 =	vld [tilespmem:$0x78D0]  }
0x146: {  	v2 =	vld.idx.msk [tilespmem:v3+s8+$0x0], $0xffff  }
0x147: {  	v3 =	vld [tilespmem:$0x9B60];
	_ =	sdelay $0x4  }
0x148: {  	v1 =	vmul.f32 v2, v1;
	_ =	sdelay $0x1  }
0x149: {  	[tilespmem:$0xE050] =	vst v1;
	v1 =	vld [tilespmem:$0x78E0]  }
0x14a: {  	v2 =	vld.idx.msk [tilespmem:v3+s8+$0x0], $0xffff  }
0x14b: {  	v3 =	vld [tilespmem:$0x9B70];
	_ =	sdelay $0x4  }
0x14c: {  	v1 =	vmul.f32 v2, v1;
	_ =	sdelay $0x1  }
0x14d: {  	[tilespmem:$0xE060] =	vst v1;
	v1 =	vld [tilespmem:$0x78F0]  }
0x14e: {  	v2 =	vld.idx.msk [tilespmem:v3+s8+$0x0], $0xffff  }
0x14f: {  	v3 =	vld [tilespmem:$0x9B80];
	_ =	sdelay $0x4  }
0x150: {  	v1 =	vmul.f32 v2, v1;
	_ =	sdelay $0x1  }
0x151: {  	[tilespmem:$0xE070] =	vst v1;
	v1 =	vld [tilespmem:$0x7900]  }
0x152: {  	v2 =	vld.idx.msk [tilespmem:v3+s8+$0x0], $0xffff  }
0x153: {  	v3 =	vld [tilespmem:$0x9B90];
	_ =	sdelay $0x4  }
0x154: {  	v1 =	vmul.f32 v2, v1;
	_ =	sdelay $0x1  }
0x155: {  	[tilespmem:$0xE080] =	vst v1;
	v1 =	vld [tilespmem:$0x7910]  }
0x156: {  	v2 =	vld.idx.msk [tilespmem:v3+s8+$0x0], $0xffff  }
0x157: {  	v3 =	vld [tilespmem:$0x9BA0];
	_ =	sdelay $0x4  }
0x158: {  	v1 =	vmul.f32 v2, v1;
	_ =	sdelay $0x1  }
0x159: {  	[tilespmem:$0xE090] =	vst v1;
	v1 =	vld [tilespmem:$0x7920]  }
0x15a: {  	v2 =	vld.idx.msk [tilespmem:v3+s8+$0x0], $0xffff  }
0x15b: {  	v3 =	vld [tilespmem:$0x9BB0];
	_ =	sdelay $0x4  }
0x15c: {  	v1 =	vmul.f32 v2, v1;
	_ =	sdelay $0x1  }
0x15d: {  	[tilespmem:$0xE0A0] =	vst v1;
	v1 =	vld [tilespmem:$0x7930]  }
0x15e: {  	v2 =	vld.idx.msk [tilespmem:v3+s8+$0x0], $0xffff  }
0x15f: {  	v3 =	vld [tilespmem:$0x9BC0];
	_ =	sdelay $0x4  }
0x160: {  	v1 =	vmul.f32 v2, v1;
	_ =	sdelay $0x1  }
0x161: {  	[tilespmem:$0xE0B0] =	vst v1;
	v1 =	vld [tilespmem:$0x7940]  }
0x162: {  	v2 =	vld.idx.msk [tilespmem:v3+s8+$0x0], $0xffff  }
0x163: {  	v3 =	vld [tilespmem:$0x9BD0];
	_ =	sdelay $0x4  }
0x164: {  	v1 =	vmul.f32 v2, v1;
	_ =	sdelay $0x1  }
0x165: {  	[tilespmem:$0xE0C0] =	vst v1;
	v1 =	vld [tilespmem:$0x7950]  }
0x166: {  	v2 =	vld.idx.msk [tilespmem:v3+s8+$0x0], $0xffff  }
0x167: {  	v3 =	vld [tilespmem:$0x9BE0];
	_ =	sdelay $0x4  }
0x168: {  	v1 =	vmul.f32 v2, v1;
	_ =	sdelay $0x1  }
0x169: {  	[tilespmem:$0xE0D0] =	vst v1;
	v1 =	vld [tilespmem:$0x7960]  }
0x16a: {  	v2 =	vld.idx.msk [tilespmem:v3+s8+$0x0], $0xffff  }
0x16b: {  	v3 =	vld [tilespmem:$0x9BF0];
	_ =	sdelay $0x4  }
0x16c: {  	v1 =	vmul.f32 v2, v1;
	_ =	sdelay $0x1  }
0x16d: {  	[tilespmem:$0xE0E0] =	vst v1;
	v1 =	vld [tilespmem:$0x7970]  }
0x16e: {  	v2 =	vld.idx.msk [tilespmem:v3+s8+$0x0], $0xffff  }
0x16f: {  	v3 =	vld [tilespmem:$0x9C00];
	_ =	sdelay $0x4  }
0x170: {  	v1 =	vmul.f32 v2, v1;
	_ =	sdelay $0x1  }
0x171: {  	[tilespmem:$0xE0F0] =	vst v1;
	v1 =	vld [tilespmem:$0x7980]  }
0x172: {  	v2 =	vld.idx.msk [tilespmem:v3+s8+$0x0], $0xffff  }
0x173: {  	v3 =	vld [tilespmem:$0x9C10];
	_ =	sdelay $0x4  }
0x174: {  	v1 =	vmul.f32 v2, v1;
	_ =	sdelay $0x1  }
0x175: {  	[tilespmem:$0xE100] =	vst v1;
	v1 =	vld [tilespmem:$0x7990]  }
0x176: {  	v2 =	vld.idx.msk [tilespmem:v3+s8+$0x0], $0xffff  }
0x177: {  	v3 =	vld [tilespmem:$0x9C20];
	_ =	sdelay $0x4  }
0x178: {  	v1 =	vmul.f32 v2, v1;
	_ =	sdelay $0x1  }
0x179: {  	[tilespmem:$0xE110] =	vst v1;
	v1 =	vld [tilespmem:$0x79A0]  }
0x17a: {  	v2 =	vld.idx.msk [tilespmem:v3+s8+$0x0], $0xffff  }
0x17b: {  	v3 =	vld [tilespmem:$0x9C30];
	_ =	sdelay $0x4  }
0x17c: {  	v1 =	vmul.f32 v2, v1;
	_ =	sdelay $0x1  }
0x17d: {  	[tilespmem:$0xE120] =	vst v1;
	v1 =	vld [tilespmem:$0x79B0]  }
0x17e: {  	v2 =	vld.idx.msk [tilespmem:v3+s8+$0x0], $0xffff  }
0x17f: {  	v3 =	vld [tilespmem:$0x9C40];
	_ =	sdelay $0x4  }
0x180: {  	v1 =	vmul.f32 v2, v1;
	_ =	sdelay $0x1  }
0x181: {  	[tilespmem:$0xE130] =	vst v1;
	v1 =	vld [tilespmem:$0x79C0]  }
0x182: {  	v2 =	vld.idx.msk [tilespmem:v3+s8+$0x0], $0xffff  }
0x183: {  	v3 =	vld [tilespmem:$0x9C50];
	_ =	sdelay $0x4  }
0x184: {  	v1 =	vmul.f32 v2, v1;
	_ =	sdelay $0x1  }
0x185: {  	[tilespmem:$0xE140] =	vst v1;
	v1 =	vld [tilespmem:$0x79D0]  }
0x186: {  	v2 =	vld.idx.msk [tilespmem:v3+s8+$0x0], $0xffff  }
0x187: {  	v3 =	vld [tilespmem:$0x9C60];
	_ =	sdelay $0x4  }
0x188: {  	v1 =	vmul.f32 v2, v1;
	_ =	sdelay $0x1  }
0x189: {  	[tilespmem:$0xE150] =	vst v1;
	v1 =	vld [tilespmem:$0x79E0]  }
0x18a: {  	v2 =	vld.idx.msk [tilespmem:v3+s8+$0x0], $0xffff  }
0x18b: {  	v3 =	vld [tilespmem:$0x9C70];
	_ =	sdelay $0x4  }
0x18c: {  	v1 =	vmul.f32 v2, v1;
	_ =	sdelay $0x1  }
0x18d: {  	[tilespmem:$0xE160] =	vst v1;
	v1 =	vld [tilespmem:$0x79F0]  }
0x18e: {  	v2 =	vld.idx.msk [tilespmem:v3+s8+$0x0], $0xffff  }
0x18f: {  	v3 =	vld [tilespmem:$0x9C80];
	_ =	sdelay $0x4  }
0x190: {  	v1 =	vmul.f32 v2, v1;
	_ =	sdelay $0x1  }
0x191: {  	[tilespmem:$0xE170] =	vst v1;
	v1 =	vld [tilespmem:$0x7A00]  }
0x192: {  	v2 =	vld.idx.msk [tilespmem:v3+s8+$0x0], $0xffff  }
0x193: {  	v3 =	vld [tilespmem:$0x9C90];
	_ =	sdelay $0x4  }
0x194: {  	v1 =	vmul.f32 v2, v1;
	_ =	sdelay $0x1  }
0x195: {  	[tilespmem:$0xE180] =	vst v1;
	v1 =	vld [tilespmem:$0x7A10]  }
0x196: {  	v2 =	vld.idx.msk [tilespmem:v3+s8+$0x0], $0xffff  }
0x197: {  	v3 =	vld [tilespmem:$0x9CA0];
	_ =	sdelay $0x4  }
0x198: {  	v1 =	vmul.f32 v2, v1;
	_ =	sdelay $0x1  }
0x199: {  	[tilespmem:$0xE190] =	vst v1;
	v1 =	vld [tilespmem:$0x7A20]  }
0x19a: {  	v2 =	vld.idx.msk [tilespmem:v3+s8+$0x0], $0xffff  }
0x19b: {  	v3 =	vld [tilespmem:$0x9CB0];
	_ =	sdelay $0x4  }
0x19c: {  	v1 =	vmul.f32 v2, v1;
	_ =	sdelay $0x1  }
0x19d: {  	[tilespmem:$0xE1A0] =	vst v1;
	v1 =	vld [tilespmem:$0x7A30]  }
0x19e: {  	v2 =	vld.idx.msk [tilespmem:v3+s8+$0x0], $0xffff  }
0x19f: {  	v3 =	vld [tilespmem:$0x9CC0];
	_ =	sdelay $0x4  }
0x1a0: {  	v1 =	vmul.f32 v2, v1;
	_ =	sdelay $0x1  }
0x1a1: {  	[tilespmem:$0xE1B0] =	vst v1;
	v1 =	vld [tilespmem:$0x7A40]  }
0x1a2: {  	v2 =	vld.idx.msk [tilespmem:v3+s8+$0x0], $0xffff  }
0x1a3: {  	v3 =	vld [tilespmem:$0x9CD0];
	_ =	sdelay $0x4  }
0x1a4: {  	v1 =	vmul.f32 v2, v1;
	_ =	sdelay $0x1  }
0x1a5: {  	[tilespmem:$0xE1C0] =	vst v1;
	v1 =	vld [tilespmem:$0x7A50]  }
0x1a6: {  	v2 =	vld.idx.msk [tilespmem:v3+s8+$0x0], $0xffff  }
0x1a7: {  	v3 =	vld [tilespmem:$0x9CE0];
	_ =	sdelay $0x4  }
0x1a8: {  	v1 =	vmul.f32 v2, v1;
	_ =	sdelay $0x1  }
0x1a9: {  	[tilespmem:$0xE1D0] =	vst v1;
	v1 =	vld [tilespmem:$0x7A60]  }
0x1aa: {  	v2 =	vld.idx.msk [tilespmem:v3+s8+$0x0], $0xffff  }
0x1ab: {  	v3 =	vld [tilespmem:$0x9CF0];
	_ =	sdelay $0x4  }
0x1ac: {  	v1 =	vmul.f32 v2, v1;
	_ =	sdelay $0x1  }
0x1ad: {  	[tilespmem:$0xE1E0] =	vst v1;
	v1 =	vld [tilespmem:$0x7A70]  }
0x1ae: {  	v2 =	vld.idx.msk [tilespmem:v3+s8+$0x0], $0xffff  }
0x1af: {  	v3 =	vld [tilespmem:$0x9D00];
	_ =	sdelay $0x4  }
0x1b0: {  	v1 =	vmul.f32 v2, v1;
	_ =	sdelay $0x1  }
0x1b1: {  	[tilespmem:$0xE1F0] =	vst v1;
	v1 =	vld [tilespmem:$0x7A80]  }
0x1b2: {  	v2 =	vld.idx.msk [tilespmem:v3+s8+$0x0], $0xffff;
	_ =	sdelay $0x4  }
0x1b3: {  	v1 =	vmul.f32 v2, v1;
	_ =	sdelay $0x1  }
0x1b4: {  	s29 =	simm.s32 $0xBD80;
	s13 =	simm.s32 $0xE000;
	[tilespmem:$0xE200] =	vst v1  }
0x1b5: {  	[spmem:s6] =	stream.indirect.scatter.add.f32 [tilespmem:s13], [sflag:$0x2], $0x1, s29, s19, $0xb8;
	[tilespmem:$0x19A40] =	vst v63  }
0x1b6: {  	s23 =	simm.s32 $0xBE00;
	s14 =	simm.s32 $0xE080  }
0x1b7: {  	[spmem:s6] =	stream.indirect.scatter.add.f32 [tilespmem:s14], [sflag:$0x2], $0x1, s23, s19, $0xb8;
	[tilespmem:$0x19A40] =	vst v63  }
0x1b8: {  	s24 =	simm.s32 $0xBE80;
	s25 =	simm.s32 $0xE100  }
0x1b9: {  	[spmem:s6] =	stream.indirect.scatter.add.f32 [tilespmem:s25], [sflag:$0x2], $0x1, s24, s19, $0xb8;
	[tilespmem:$0x19A40] =	vst v63  }
0x1ba: {  	s26 =	simm.s32 $0xBF00;
	s28 =	simm.s32 $0xE180  }
0x1bb: {  	[spmem:s6] =	stream.indirect.scatter.add.f32 [tilespmem:s28], [sflag:$0x2], $0x1, s26, s19, $0xb8;
	[tilespmem:$0x19A40] =	vst v63  }
0x1bc: {  	s14 =	simm.s32 $0x10;
	s23 =	simm.s32 $0xE200;
	s24 =	simm.s32 $0xBF80  }
0x1bd: {  	[spmem:s6] =	stream.indirect.scatter.add.f32 [tilespmem:s23], [sflag:$0x2], $0x1, s24, s14, $0xb8;
	[tilespmem:$0x19A40] =	vst v63  }
0x1be: {  	_ =	swait.ge [sflag:s20], $0x80  }
0x1bf: {  	[sflag:s20] =	ssyncset.done $0x0  }
0x1c0: {  	[sflag:s20] =	ssyncadd.s32 $0xFFFFFF80  }
0x1c1: {  	_ =	swait.ge [sflag:s20], $0x80  }
0x1c2: {  	[sflag:s20] =	ssyncset.done $0x0  }
0x1c3: {  	[sflag:s20] =	ssyncadd.s32 $0xFFFFFF80  }
0x1c4: {  	_ =	swait.ge [sflag:s20], $0x80  }
0x1c5: {  	[sflag:s20] =	ssyncset.done $0x0  }
0x1c6: {  	[sflag:s20] =	ssyncadd.s32 $0xFFFFFF80  }
0x1c7: {  	_ =	swait.ge [sflag:s20], $0x80  }
0x1c8: {  	[sflag:s20] =	ssyncset.done $0x0  }
0x1c9: {  	[sflag:s20] =	ssyncadd.s32 $0xFFFFFF80  }
0x1ca: {  	_ =	swait.ge [sflag:s20], $0x10  }
0x1cb: {  	[sflag:s20] =	ssyncset.done $0x0  }
0x1cc: {  	s13 =	simm.s32 @!p2 $0x3;
	[sflag:s20] =	ssyncadd.s32 $0xFFFFFFF0  }
0x1cd: {  	_ =	swait.ge @!p2 [sflag:s13], $0x40  }
0x1ce: {  	[sflag:s13] =	ssyncset.done @!p2 $0x0  }
0x1cf: {  	[sflag:s13] =	ssyncadd.s32 @!p2 $0xFFFFFFC0  }
0x1d0: {  	_ =	swait.ge @!p2 [sflag:s13], $0x40  }
0x1d1: {  	[sflag:s13] =	ssyncset.done @!p2 $0x0  }
0x1d2: {  	[sflag:s13] =	ssyncadd.s32 @!p2 $0xFFFFFFC0  }
0x1d3: {  	_ =	swait.ge @!p2 [sflag:s13], $0x40  }
0x1d4: {  	[sflag:s13] =	ssyncset.done @!p2 $0x0  }
0x1d5: {  	[sflag:s13] =	ssyncadd.s32 @!p2 $0xFFFFFFC0  }
0x1d6: {  	v1 =	vld @!p2 [tilespmem:$0x9D10];
	_ =	sdelay $0x5  }
0x1d7: {  	v2 =	vld @!p2 [tilespmem:$0x7A90]  }
0x1d8: {  	s13 =	simm.s32 @!p2 $0x0;
	v3 =	vld @!p2 [tilespmem:$0x9D20]  }
0x1d9: {  	v1 =	vld.idx.msk @!p2 [tilespmem:v1+s13+$0x0], $0xffff;
	_ =	sdelay $0x4  }
0x1da: {  	v1 =	vmul.f32 @!p2 v1, v2;
	_ =	sdelay $0x1  }
0x1db: {  	[tilespmem:$0xE210] =	vst @!p2 v1;
	v1 =	vld @!p2 [tilespmem:$0x7AA0]  }
0x1dc: {  	v2 =	vld.idx.msk @!p2 [tilespmem:v3+s13+$0x0], $0xffff  }
0x1dd: {  	v3 =	vld @!p2 [tilespmem:$0x9D30];
	_ =	sdelay $0x4  }
0x1de: {  	v1 =	vmul.f32 @!p2 v2, v1;
	_ =	sdelay $0x1  }
0x1df: {  	[tilespmem:$0xE220] =	vst @!p2 v1;
	v1 =	vld @!p2 [tilespmem:$0x7AB0]  }
0x1e0: {  	v2 =	vld.idx.msk @!p2 [tilespmem:v3+s13+$0x0], $0xffff  }
0x1e1: {  	v3 =	vld @!p2 [tilespmem:$0x9D40];
	_ =	sdelay $0x4  }
0x1e2: {  	v1 =	vmul.f32 @!p2 v2, v1;
	_ =	sdelay $0x1  }
0x1e3: {  	[tilespmem:$0xE230] =	vst @!p2 v1;
	v1 =	vld @!p2 [tilespmem:$0x7AC0]  }
0x1e4: {  	v2 =	vld.idx.msk @!p2 [tilespmem:v3+s13+$0x0], $0xffff;
	_ =	sdelay $0x4  }
0x1e5: {  	v1 =	vmul.f32 @!p2 v2, v1;
	_ =	sdelay $0x1  }
0x1e6: {  	s14 =	simm.s32 @!p2 $0xBF90;
	s23 =	simm.s32 @!p2 $0xE210;
	s13 =	simm.s32 @!p2 $0x40;
	[tilespmem:$0xE240] =	vst @!p2 v1  }
0x1e7: {  	[spmem:s6] =	stream.indirect.scatter.add.f32 @!p2 [tilespmem:s23], [sflag:$0x2], $0x1, s14, s13, $0xb8;
	[tilespmem:$0x19A40] =	vst v63  }
0x1e8: {  	s13 =	simm.s32 @!p2 $0x2  }
0x1e9: {  	_ =	swait.ge @!p2 [sflag:s13], $0x40  }
0x1ea: {  	[sflag:s13] =	ssyncset.done @!p2 $0x0  }
0x1eb: {  	[sflag:s13] =	ssyncadd.s32 @!p2 $0xFFFFFFC0  }
0x1ec: {  	[bflag:$0x0] =	sbarrier.arrive $0xFFFF  }
0x1ed: {  	[tilespmem:s15], [sflag:$0x6] =	stream.linear.gather [spmem:s31], $0x1880, $0x38;
	[tilespmem:$0x19A40] =	vst v63  }
0x1ee: {  	_ =	swait.ge [sflag:s16], $0x1880  }
0x1ef: {  	[sflag:s16] =	ssyncset.done $0x0  }
0x1f0: {  	s25 =	rddreg [dreg:$0xd];
	[sflag:s16] =	ssyncadd.s32 $0xFFFFE780  }
0x1f1: {  	[hbm4b:s25+s8] =	stream.linear.scatter [tilespmem:s15], [sflag:$0x6], $0x1880, $0x38;
	[tilespmem:$0x19A40] =	vst v63  }
0x1f2: {  	_ =	swait.ge [sflag:s16], $0x1880  }
0x1f3: {  	[sflag:s16] =	ssyncset.done $0x0  }
0x1f4: {  	[sflag:s16] =	ssyncadd.s32 $0xFFFFE780  }
0x1f5: {  	s13 =	simm.s32 @!p1 $0x100000;
	[bflag:$0x0] =	sbarrier.arrive $0xFFFF  }
0x1f6: {  	[smem:s13], [sflag:$0x0] =	smem.add.s32 @!p1 $0x0;
	s13 =	simm.s32 @!p1 $0x0  }
0x1f7: {  	_ =	swait.done @!p1 [sflag:s13]  }
0x1f8: {  	s14 =	ssyncread @!p1 [sflag:$0x0];
	_ =	sdelay $0x2  }
0x1f9: {  	s14 =	sadd.s32 @!p1 s5, s14  }
0x1fa: {  	s14 =	sshll.u32 @!p1 s14, $0x11  }
0x1fb: {  	[sflag:s13] =	ssyncset.s32 @!p1 $0x0;
	s14 =	sor.u32 @!p1 s14, s0  }
0x1fc: {  	[sflag:s13] =	ssyncset.done @!p1 $0x0;
	s13 =	sor.u32 @!p1 $0x1C05, s14  }
0x1fd: {  	[sflag:s13] =	ssyncadd.remote.s32 @!p1 $0x1;
	s13 =	simm.s32 @!p1 $0x5  }
0x1fe: {  	_ =	swait.ge @!p1 [sflag:s13], $0x1  }
0x1ff: {  	[sflag:s13] =	ssyncset.done @!p1 $0x0  }
0x200: {  	[sflag:s13] =	ssyncadd.s32 @!p1 $0xFFFFFFFF  }
0x201: {  	[bflag:$0x0] =	sbarrier.arrive $0xFFFF  }
0x202: {  	s28 =	simm.s32 $0x4000;
	s26 =	rddreg [dreg:$0xe]  }
0x203: {  	[tilespmem:s28], [sflag:$0x6] =	stream.linear.gather [hbm4b:s26+s8], $0x1880, $0x38;
	[tilespmem:$0x19A40] =	vst v63  }
0x204: {  	_ =	swait.ge [sflag:s16], $0x1880  }
0x205: {  	[sflag:s16] =	ssyncset.done $0x0  }
0x206: {  	s13 =	simm.s32 $0x27C0;
	[sflag:s16] =	ssyncadd.s32 $0xFFFFE780  }
0x207: {  	s23 =	simm.s32 $0x4040;
	v1 =	vld [tilespmem:s13+$0xFFFFFFC0]  }
0x208: {  	v2 =	vld [tilespmem:s23+$0xFFFFFFC0];
	_ =	sdelay $0x4  }
0x209: {  	v1 =	vadd.f32 v2, v1;
	_ =	sdelay $0x1  }
0x20a: {  	vm0 =	vgt.f32 v1, $1.000000000e+00  }
0x20b: {  	v1 =	vsel vm0, $0x3F800000, v0  }
0x20c: {  	[tilespmem:s13+$0xFFFFFFC0] =	vst v1;
	v1 =	vld [tilespmem:s13+$0xFFFFFFD0]  }
0x20d: {  	v2 =	vld [tilespmem:s23+$0xFFFFFFD0];
	_ =	sdelay $0x4  }
0x20e: {  	v1 =	vadd.f32 v2, v1;
	_ =	sdelay $0x1  }
0x20f: {  	vm9 =	vgt.f32 v1, $1.000000000e+00  }
0x210: {  	v1 =	vsel vm9, $0x3F800000, v0  }
0x211: {  	[tilespmem:s13+$0xFFFFFFD0] =	vst v1;
	v1 =	vld [tilespmem:s13+$0xFFFFFFE0]  }
0x212: {  	v2 =	vld [tilespmem:s23+$0xFFFFFFE0];
	_ =	sdelay $0x4  }
0x213: {  	v1 =	vadd.f32 v2, v1;
	_ =	sdelay $0x1  }
0x214: {  	vm10 =	vgt.f32 v1, $1.000000000e+00  }
0x215: {  	v1 =	vsel vm10, $0x3F800000, v0  }
0x216: {  	[tilespmem:s13+$0xFFFFFFE0] =	vst v1;
	v1 =	vld [tilespmem:s13+$0xFFFFFFF0]  }
0x217: {  	v2 =	vld [tilespmem:s23+$0xFFFFFFF0];
	_ =	sdelay $0x4  }
0x218: {  	v1 =	vadd.f32 v2, v1;
	_ =	sdelay $0x1  }
0x219: {  	vm11 =	vgt.f32 v1, $1.000000000e+00  }
0x21a: {  	v1 =	vsel vm11, $0x3F800000, v0  }
0x21b: {  	[tilespmem:s13+$0xFFFFFFF0] =	vst v1;
	v1 =	vld [tilespmem:s13+$0x0]  }
0x21c: {  	v2 =	vld [tilespmem:s23+$0x0];
	_ =	sdelay $0x4  }
0x21d: {  	v1 =	vadd.f32 v2, v1;
	_ =	sdelay $0x1  }
0x21e: {  	vm12 =	vgt.f32 v1, $1.000000000e+00  }
0x21f: {  	v1 =	vsel vm12, $0x3F800000, v0  }
0x220: {  	[tilespmem:s13+$0x0] =	vst v1;
	v1 =	vld [tilespmem:s13+$0x10]  }
0x221: {  	v2 =	vld [tilespmem:s23+$0x10];
	_ =	sdelay $0x4  }
0x222: {  	v1 =	vadd.f32 v2, v1;
	_ =	sdelay $0x1  }
0x223: {  	vm13 =	vgt.f32 v1, $1.000000000e+00  }
0x224: {  	v1 =	vsel vm13, $0x3F800000, v0  }
0x225: {  	[tilespmem:s13+$0x10] =	vst v1;
	v1 =	vld [tilespmem:s13+$0x20]  }
0x226: {  	v2 =	vld [tilespmem:s23+$0x20];
	_ =	sdelay $0x4  }
0x227: {  	v1 =	vadd.f32 v2, v1;
	_ =	sdelay $0x1  }
0x228: {  	vm14 =	vgt.f32 v1, $1.000000000e+00  }
0x229: {  	v1 =	vsel vm14, $0x3F800000, v0  }
0x22a: {  	[tilespmem:s13+$0x20] =	vst v1;
	v1 =	vld [tilespmem:s13+$0x30]  }
0x22b: {  	v2 =	vld [tilespmem:s23+$0x30];
	_ =	sdelay $0x4  }
0x22c: {  	v1 =	vadd.f32 v2, v1;
	_ =	sdelay $0x1  }
0x22d: {  	vm15 =	vgt.f32 v1, $1.000000000e+00  }
0x22e: {  	s30 =	simm.s32 $0x10180;
	s24 =	simm.s32 $0x0;
	s25 =	simm.s32 $0x2840;
	v1 =	vsel vm15, $0x3F800000, v0  }
.LBB2_12:
0x22f: {  	v2 =	vld [tilespmem:s25+$0xFFFFFFC0];
	[tilespmem:s13+$0x30] =	vst v1;
	s23 =	sadd.s32 $0x80, s23;
	s13 =	smov.u32 s25  }
0x230: {  	s24 =	sadd.s32 $0x8, s24;
	v1 =	vld [tilespmem:s23+$0xFFFFFFC0]  }
0x231: {  	p4 =	slt.u32 s24, $0x180;
	_ =	sdelay $0x3  }
0x232: {  	v1 =	vadd.f32 v1, v2;
	_ =	sdelay $0x1  }
0x233: {  	vm0 =	vgt.f32 v1, $1.000000000e+00  }
0x234: {  	v1 =	vsel vm0, $0x3F800000, v0  }
0x235: {  	[tilespmem:s25+$0xFFFFFFC0] =	vst v1;
	v1 =	vld [tilespmem:s25+$0xFFFFFFD0]  }
0x236: {  	v2 =	vld [tilespmem:s23+$0xFFFFFFD0];
	_ =	sdelay $0x4  }
0x237: {  	v1 =	vadd.f32 v2, v1;
	_ =	sdelay $0x1  }
0x238: {  	vm0 =	vgt.f32 v1, $1.000000000e+00  }
0x239: {  	v1 =	vsel vm0, $0x3F800000, v0  }
0x23a: {  	[tilespmem:s25+$0xFFFFFFD0] =	vst v1;
	v1 =	vld [tilespmem:s25+$0xFFFFFFE0]  }
0x23b: {  	v2 =	vld [tilespmem:s23+$0xFFFFFFE0];
	_ =	sdelay $0x4  }
0x23c: {  	v1 =	vadd.f32 v2, v1;
	_ =	sdelay $0x1  }
0x23d: {  	vm0 =	vgt.f32 v1, $1.000000000e+00  }
0x23e: {  	v1 =	vsel vm0, $0x3F800000, v0  }
0x23f: {  	[tilespmem:s25+$0xFFFFFFE0] =	vst v1;
	v1 =	vld [tilespmem:s25+$0xFFFFFFF0]  }
0x240: {  	v2 =	vld [tilespmem:s23+$0xFFFFFFF0];
	_ =	sdelay $0x4  }
0x241: {  	v1 =	vadd.f32 v2, v1;
	_ =	sdelay $0x1  }
0x242: {  	vm0 =	vgt.f32 v1, $1.000000000e+00  }
0x243: {  	v1 =	vsel vm0, $0x3F800000, v0  }
0x244: {  	[tilespmem:s25+$0xFFFFFFF0] =	vst v1;
	v1 =	vld [tilespmem:s25+$0x0]  }
0x245: {  	v2 =	vld [tilespmem:s23+$0x0];
	_ =	sdelay $0x4  }
0x246: {  	v1 =	vadd.f32 v2, v1;
	_ =	sdelay $0x1  }
0x247: {  	vm0 =	vgt.f32 v1, $1.000000000e+00  }
0x248: {  	v1 =	vsel vm0, $0x3F800000, v0  }
0x249: {  	[tilespmem:s25+$0x0] =	vst v1;
	v1 =	vld [tilespmem:s25+$0x10]  }
0x24a: {  	v2 =	vld [tilespmem:s23+$0x10];
	_ =	sdelay $0x4  }
0x24b: {  	v1 =	vadd.f32 v2, v1;
	_ =	sdelay $0x1  }
0x24c: {  	vm0 =	vgt.f32 v1, $1.000000000e+00  }
0x24d: {  	v1 =	vsel vm0, $0x3F800000, v0  }
0x24e: {  	[tilespmem:s25+$0x10] =	vst v1;
	v1 =	vld [tilespmem:s25+$0x20]  }
0x24f: {  	v2 =	vld [tilespmem:s23+$0x20];
	_ =	sdelay $0x4  }
0x250: {  	v1 =	vadd.f32 v2, v1;
	_ =	sdelay $0x1  }
0x251: {  	vm0 =	vgt.f32 v1, $1.000000000e+00  }
0x252: {  	v1 =	vsel vm0, $0x3F800000, v0  }
0x253: {  	[tilespmem:s25+$0x20] =	vst v1;
	v1 =	vld [tilespmem:s25+$0x30]  }
0x254: {  	v2 =	vld [tilespmem:s23+$0x30];
	_ =	sdelay $0x3  }
.Ltmp7:
0x255: {  	(pc) =	sbr.rel @p4 .LBB2_12-.Ltmp7, $3  }
0x256: {  	v1 =	vadd.f32 v2, v1;
	_ =	sdelay $0x1  }
0x257: {  	vm0 =	vgt.f32 v1, $1.000000000e+00  }
0x258: {  	s25 =	sadd.s32 $0x80, s25;
	v1 =	vsel vm0, $0x3F800000, v0  }
0x259: {  	[tilespmem:s13+$0x30] =	vst v1  }
0x25a: {  	[spmem:s31] =	stream.linear.scatter [tilespmem:s15], [sflag:$0x6], $0x1880, $0x38;
	[tilespmem:$0x19A40] =	vst v63  }
0x25b: {  	_ =	swait.ge [sflag:s16], $0x1880  }
0x25c: {  	[sflag:s16] =	ssyncset.done $0x0  }
0x25d: {  	[sflag:s16] =	ssyncadd.s32 $0xFFFFE780  }
0x25e: {  	[bflag:$0x0] =	sbarrier.arrive $0xFFFF  }
0x25f: {  	_ =	swait.ge [sflag:s21], $0x1800  }
0x260: {  	[sflag:s21] =	ssyncset.done $0x0  }
0x261: {  	[sflag:s21] =	ssyncadd.s32 $0xFFFFE800  }
0x262: {  	_ =	swait.ge [sflag:s21], $0x1800  }
0x263: {  	[sflag:s21] =	ssyncset.done $0x0  }
0x264: {  	[sflag:s21] =	ssyncadd.s32 $0xFFFFE800  }
0x265: {  	_ =	swait.ge [sflag:s21], $0x1800  }
0x266: {  	[sflag:s21] =	ssyncset.done $0x0  }
0x267: {  	s13 =	simm.s32 @!p1 $0x4;
	[sflag:s21] =	ssyncadd.s32 $0xFFFFE800  }
0x268: {  	_ =	swait.ge @!p1 [sflag:s13], $0x6A0  }
0x269: {  	[sflag:s13] =	ssyncset.done @!p1 $0x0  }
0x26a: {  	[sflag:s13] =	ssyncadd.s32 @!p1 $0xFFFFF960  }
0x26b: {  	_ =	swait.ge @!p1 [sflag:s13], $0x6A0  }
0x26c: {  	[sflag:s13] =	ssyncset.done @!p1 $0x0  }
0x26d: {  	[sflag:s13] =	ssyncadd.s32 @!p1 $0xFFFFF960  }
0x26e: {  	_ =	swait.ge @!p1 [sflag:s13], $0x6A0  }
0x26f: {  	[sflag:s13] =	ssyncset.done @!p1 $0x0  }
0x270: {  	s14 =	simm.s32 $0x13F80;
	[sflag:s13] =	ssyncadd.s32 @!p1 $0xFFFFF960  }
0x271: {  	[tilespmem:s14], [sflag:$0x3] =	stream.indirect.gather [spmem:s6], $0x1, s30, s19, $0xb8;
	[tilespmem:$0x19A40] =	vst v63  }
0x272: {  	s23 =	simm.s32 $0x10200;
	s14 =	simm.s32 $0x14000  }
0x273: {  	[tilespmem:s14], [sflag:$0x3] =	stream.indirect.gather [spmem:s6], $0x1, s23, s19, $0xb8;
	[tilespmem:$0x19A40] =	vst v63  }
0x274: {  	s24 =	simm.s32 $0x10280;
	s25 =	simm.s32 $0x14080  }
0x275: {  	[tilespmem:s25], [sflag:$0x3] =	stream.indirect.gather [spmem:s6], $0x1, s24, s19, $0xb8;
	[tilespmem:$0x19A40] =	vst v63  }
0x276: {  	s26 =	simm.s32 $0x10300;
	s28 =	simm.s32 $0x14100  }
0x277: {  	[tilespmem:s28], [sflag:$0x3] =	stream.indirect.gather [spmem:s6], $0x1, s26, s19, $0xb8;
	[tilespmem:$0x19A40] =	vst v63  }
0x278: {  	s14 =	simm.s32 $0x10380;
	s23 =	simm.s32 $0x14180  }
0x279: {  	[tilespmem:s23], [sflag:$0x3] =	stream.indirect.gather [spmem:s6], $0x1, s14, s19, $0xb8;
	[tilespmem:$0x19A40] =	vst v63  }
0x27a: {  	s24 =	simm.s32 $0x10400;
	s25 =	simm.s32 $0x14200  }
0x27b: {  	[tilespmem:s25], [sflag:$0x3] =	stream.indirect.gather [spmem:s6], $0x1, s24, s19, $0xb8;
	[tilespmem:$0x19A40] =	vst v63  }
0x27c: {  	s26 =	simm.s32 $0x10480;
	s28 =	simm.s32 $0x14280  }
0x27d: {  	[tilespmem:s28], [sflag:$0x3] =	stream.indirect.gather [spmem:s6], $0x1, s26, s19, $0xb8;
	[tilespmem:$0x19A40] =	vst v63  }
0x27e: {  	s14 =	simm.s32 $0x10500;
	s23 =	simm.s32 $0x14300  }
0x27f: {  	[tilespmem:s23], [sflag:$0x3] =	stream.indirect.gather [spmem:s6], $0x1, s14, s19, $0xb8;
	[tilespmem:$0x19A40] =	vst v63  }
0x280: {  	s24 =	simm.s32 $0x10580;
	s25 =	simm.s32 $0x14380  }
0x281: {  	[tilespmem:s25], [sflag:$0x3] =	stream.indirect.gather [spmem:s6], $0x1, s24, s19, $0xb8;
	[tilespmem:$0x19A40] =	vst v63  }
0x282: {  	s26 =	simm.s32 $0x10600;
	s28 =	simm.s32 $0x14400  }
0x283: {  	[tilespmem:s28], [sflag:$0x3] =	stream.indirect.gather [spmem:s6], $0x1, s26, s19, $0xb8;
	[tilespmem:$0x19A40] =	vst v63  }
0x284: {  	s14 =	simm.s32 $0x10680;
	s23 =	simm.s32 $0x14480  }
0x285: {  	[tilespmem:s23], [sflag:$0x3] =	stream.indirect.gather [spmem:s6], $0x1, s14, s19, $0xb8;
	[tilespmem:$0x19A40] =	vst v63  }
0x286: {  	s24 =	simm.s32 $0x10700;
	s25 =	simm.s32 $0x14500  }
0x287: {  	[tilespmem:s25], [sflag:$0x3] =	stream.indirect.gather [spmem:s6], $0x1, s24, s19, $0xb8;
	[tilespmem:$0x19A40] =	vst v63  }
0x288: {  	s26 =	simm.s32 $0x10780;
	s28 =	simm.s32 $0x14580  }
0x289: {  	[tilespmem:s28], [sflag:$0x3] =	stream.indirect.gather [spmem:s6], $0x1, s26, s19, $0xb8;
	[tilespmem:$0x19A40] =	vst v63  }
0x28a: {  	s14 =	simm.s32 $0x10800;
	s23 =	simm.s32 $0x14600  }
0x28b: {  	[tilespmem:s23], [sflag:$0x3] =	stream.indirect.gather [spmem:s6], $0x1, s14, s19, $0xb8;
	[tilespmem:$0x19A40] =	vst v63  }
0x28c: {  	s13 =	simm.s32 $0x0;
	s24 =	simm.s32 $0x10880;
	s25 =	simm.s32 $0x14680  }
0x28d: {  	[tilespmem:s25], [sflag:$0x3] =	stream.indirect.gather [spmem:s6], $0x1, s24, s19, $0xb8;
	[tilespmem:$0x19A40] =	vst v63  }
0x28e: {  	s26 =	simm.s32 $0x10900;
	s28 =	simm.s32 $0x14700;
	s23 =	simm.s32 $0x0  }
0x28f: {  	[tilespmem:s28], [sflag:$0x3] =	stream.indirect.gather [spmem:s6], $0x1, s26, s19, $0xb8;
	[tilespmem:$0x19A40] =	vst v63  }
.LBB2_14:
0x290: {  	_ =	swait.ge [sflag:s17], $0x80  }
0x291: {  	[sflag:s17] =	ssyncset.done $0x0  }
0x292: {  	[sflag:s17] =	ssyncadd.s32 $0xFFFFFF80  }
0x293: {  	_ =	swait.ge [sflag:s17], $0x80  }
0x294: {  	[sflag:s17] =	ssyncset.done $0x0  }
0x295: {  	[sflag:s17] =	ssyncadd.s32 $0xFFFFFF80  }
0x296: {  	_ =	swait.ge [sflag:s17], $0x80  }
0x297: {  	[sflag:s17] =	ssyncset.done $0x0  }
0x298: {  	[sflag:s17] =	ssyncadd.s32 $0xFFFFFF80  }
0x299: {  	_ =	swait.ge [sflag:s17], $0x80  }
0x29a: {  	[sflag:s17] =	ssyncset.done $0x0  }
0x29b: {  	[sflag:s17] =	ssyncadd.s32 $0xFFFFFF80  }
0x29c: {  	_ =	swait.ge [sflag:s17], $0x80  }
0x29d: {  	[sflag:s17] =	ssyncset.done $0x0  }
0x29e: {  	[sflag:s17] =	ssyncadd.s32 $0xFFFFFF80  }
0x29f: {  	_ =	swait.ge [sflag:s17], $0x80  }
0x2a0: {  	[sflag:s17] =	ssyncset.done $0x0  }
0x2a1: {  	[sflag:s17] =	ssyncadd.s32 $0xFFFFFF80  }
0x2a2: {  	_ =	swait.ge [sflag:s17], $0x80  }
0x2a3: {  	[sflag:s17] =	ssyncset.done $0x0  }
0x2a4: {  	[sflag:s17] =	ssyncadd.s32 $0xFFFFFF80  }
0x2a5: {  	p4 =	sgt.u32 s13, $0x3;
	_ =	swait.ge [sflag:s17], $0x80  }
0x2a6: {  	s14 =	sshll.u32 @!p4 s13, $0xA;
	s26 =	simm.s32 @!p4 $0x80;
	[sflag:s17] =	ssyncset.done $0x0  }
0x2a7: {  	s24 =	sadd.s32 @!p4 $0x14780, s14;
	s25 =	sadd.s32 @!p4 $0x10980, s14;
	[sflag:s17] =	ssyncadd.s32 $0xFFFFFF80  }
0x2a8: {  	[tilespmem:s24], [sflag:$0x3] =	stream.indirect.gather @!p4 [spmem:s6], $0x1, s25, s26, $0xb8;
	[tilespmem:$0x19A40] =	vst v63  }
0x2a9: {  	s24 =	sadd.s32 @!p4 $0x14800, s14;
	s25 =	sadd.s32 @!p4 $0x10A00, s14  }
0x2aa: {  	[tilespmem:s24], [sflag:$0x3] =	stream.indirect.gather @!p4 [spmem:s6], $0x1, s25, s26, $0xb8;
	[tilespmem:$0x19A40] =	vst v63  }
0x2ab: {  	s24 =	sadd.s32 @!p4 $0x14880, s14;
	s25 =	sadd.s32 @!p4 $0x10A80, s14  }
0x2ac: {  	[tilespmem:s24], [sflag:$0x3] =	stream.indirect.gather @!p4 [spmem:s6], $0x1, s25, s26, $0xb8;
	[tilespmem:$0x19A40] =	vst v63  }
0x2ad: {  	s24 =	sadd.s32 @!p4 $0x14900, s14;
	s25 =	sadd.s32 @!p4 $0x10B00, s14  }
0x2ae: {  	[tilespmem:s24], [sflag:$0x3] =	stream.indirect.gather @!p4 [spmem:s6], $0x1, s25, s26, $0xb8;
	[tilespmem:$0x19A40] =	vst v63  }
0x2af: {  	s24 =	sadd.s32 @!p4 $0x14980, s14;
	s25 =	sadd.s32 @!p4 $0x10B80, s14  }
0x2b0: {  	[tilespmem:s24], [sflag:$0x3] =	stream.indirect.gather @!p4 [spmem:s6], $0x1, s25, s26, $0xb8;
	[tilespmem:$0x19A40] =	vst v63  }
0x2b1: {  	s24 =	sadd.s32 @!p4 $0x14A00, s14;
	s25 =	sadd.s32 @!p4 $0x10C00, s14  }
0x2b2: {  	[tilespmem:s24], [sflag:$0x3] =	stream.indirect.gather @!p4 [spmem:s6], $0x1, s25, s26, $0xb8;
	[tilespmem:$0x19A40] =	vst v63  }
0x2b3: {  	s24 =	sadd.s32 @!p4 $0x14A80, s14;
	s25 =	sadd.s32 @!p4 $0x10C80, s14  }
0x2b4: {  	[tilespmem:s24], [sflag:$0x3] =	stream.indirect.gather @!p4 [spmem:s6], $0x1, s25, s26, $0xb8;
	[tilespmem:$0x19A40] =	vst v63  }
0x2b5: {  	s24 =	sadd.s32 @!p4 $0x14B00, s14;
	s14 =	sadd.s32 @!p4 $0x10D00, s14  }
0x2b6: {  	[tilespmem:s24], [sflag:$0x3] =	stream.indirect.gather @!p4 [spmem:s6], $0x1, s14, s26, $0xb8;
	[tilespmem:$0x19A40] =	vst v63  }
0x2b7: {  	s24 =	sshll.u32 s13, $0xA  }
0x2b8: {  	s14 =	sor.u32 s23, s24  }
0x2b9: {  	v1 =	vld [tilespmem:s14+$0xE2F0]  }
0x2ba: {  	v2 =	vld [tilespmem:s14+$0x13FF0]  }
0x2bb: {  	v3 =	vld [tilespmem:s14+$0xE280]  }
0x2bc: {  	v4 =	vld [tilespmem:s14+$0x13F80]  }
0x2bd: {  	v5 =	vld [tilespmem:s14+$0xE290]  }
0x2be: {  	v6 =	vld [tilespmem:s14+$0x13F90]  }
0x2bf: {  	v7 =	vld [tilespmem:s14+$0xE2A0]  }
0x2c0: {  	v1 =	vmul.f32 v2, v1;
	v2 =	vld [tilespmem:s14+$0x13FA0]  }
0x2c1: {  	v8 =	vld [tilespmem:s14+$0xE2B0]  }
0x2c2: {  	v9 =	vld [tilespmem:s14+$0x13FB0];
	v3 =	vmul.f32 v4, v3  }
0x2c3: {  	v4 =	vmul.f32 v6, v5;
	[tilespmem:s14+$0x15EF0] =	vst v1;
	v1 =	vld [tilespmem:s14+$0xE2C0]  }
0x2c4: {  	[tilespmem:s14+$0x15E80] =	vst v3;
	v3 =	vld [tilespmem:s14+$0x13FC0]  }
0x2c5: {  	[tilespmem:s14+$0x15E90] =	vst v4;
	v4 =	vld [tilespmem:s14+$0x13FD0];
	v5 =	vmul.f32 v2, v7  }
0x2c6: {  	v2 =	vld [tilespmem:s14+$0xE2D0]  }
0x2c7: {  	s25 =	simm.s32 $0x0;
	s26 =	simm.s32 $0x80;
	v6 =	vmul.f32 v9, v8;
	[tilespmem:s14+$0x15EA0] =	vst v5;
	v5 =	vld [tilespmem:s14+$0xE2E0]  }
.LBB2_15:
0x2c8: {  	s28 =	sor.u32 s26, s24;
	v7 =	vld [tilespmem:s14+$0x13FE0]  }
0x2c9: {  	s25 =	sadd.s32 $0x8, s25;
	v8 =	vld [tilespmem:s28+$0xE2F0];
	[tilespmem:s14+$0x15EB0] =	vst v6;
	v1 =	vmul.f32 v3, v1  }
0x2ca: {  	p4 =	slt.u32 s25, $0x38;
	v3 =	vld [tilespmem:s28+$0x13FF0]  }
0x2cb: {  	v6 =	vld [tilespmem:s28+$0xE280];
	[tilespmem:s14+$0x15EC0] =	vst v1;
	v1 =	vmul.f32 v4, v2  }
0x2cc: {  	v2 =	vld [tilespmem:s28+$0x13F80]  }
0x2cd: {  	v4 =	vld [tilespmem:s28+$0xE290];
	[tilespmem:s14+$0x15ED0] =	vst v1;
	v1 =	vmul.f32 v7, v5  }
0x2ce: {  	v5 =	vld [tilespmem:s28+$0x13F90]  }
0x2cf: {  	v7 =	vld [tilespmem:s28+$0xE2A0];
	v3 =	vmul.f32 v3, v8;
	[tilespmem:s14+$0x15EE0] =	vst v1;
	s14 =	smov.u32 s28  }
0x2d0: {  	v8 =	vld [tilespmem:s14+$0x13FA0]  }
0x2d1: {  	v1 =	vmul.f32 v2, v6;
	v6 =	vld [tilespmem:s14+$0xE2B0];
	[tilespmem:s14+$0x15EF0] =	vst v3  }
0x2d2: {  	v9 =	vld [tilespmem:s14+$0x13FB0]  }
.Ltmp8:
0x2d3: {  	[tilespmem:s14+$0x15E80] =	vst v1;
	v2 =	vmul.f32 v5, v4;
	v1 =	vld [tilespmem:s14+$0xE2C0];
	(pc) =	sbr.rel @p4 .LBB2_15-.Ltmp8, $4  }
0x2d4: {  	v3 =	vld [tilespmem:s14+$0x13FC0]  }
0x2d5: {  	[tilespmem:s14+$0x15E90] =	vst v2;
	v5 =	vmul.f32 v8, v7;
	v2 =	vld [tilespmem:s14+$0xE2D0]  }
0x2d6: {  	v4 =	vld [tilespmem:s14+$0x13FD0]  }
0x2d7: {  	s26 =	sadd.s32 $0x80, s26;
	[tilespmem:s14+$0x15EA0] =	vst v5;
	v6 =	vmul.f32 v9, v6;
	v5 =	vld [tilespmem:s14+$0xE2E0]  }
0x2d8: {  	v7 =	vld [tilespmem:s14+$0x13FE0];
	_ =	sdelay $0x2  }
0x2d9: {  	v1 =	vmul.f32 v3, v1  }
0x2da: {  	[tilespmem:s14+$0x15EB0] =	vst v6;
	v2 =	vmul.f32 v4, v2  }
0x2db: {  	[tilespmem:s14+$0x15EC0] =	vst v1;
	v1 =	vmul.f32 v7, v5  }
0x2dc: {  	p4 =	slt.u32 s13, $0x2;
	[tilespmem:s14+$0x15ED0] =	vst v2  }
0x2dd: {  	[tilespmem:s14+$0x15EE0] =	vst v1;
	s14 =	simm.s32 @!p4 $0x2  }
0x2de: {  	_ =	swait.ge @!p4 [sflag:s14], $0x80  }
0x2df: {  	[sflag:s14] =	ssyncset.done @!p4 $0x0  }
0x2e0: {  	[sflag:s14] =	ssyncadd.s32 @!p4 $0xFFFFFF80  }
0x2e1: {  	_ =	swait.ge @!p4 [sflag:s14], $0x80  }
0x2e2: {  	[sflag:s14] =	ssyncset.done @!p4 $0x0  }
0x2e3: {  	[sflag:s14] =	ssyncadd.s32 @!p4 $0xFFFFFF80  }
0x2e4: {  	_ =	swait.ge @!p4 [sflag:s14], $0x80  }
0x2e5: {  	[sflag:s14] =	ssyncset.done @!p4 $0x0  }
0x2e6: {  	[sflag:s14] =	ssyncadd.s32 @!p4 $0xFFFFFF80  }
0x2e7: {  	_ =	swait.ge @!p4 [sflag:s14], $0x80  }
0x2e8: {  	[sflag:s14] =	ssyncset.done @!p4 $0x0  }
0x2e9: {  	[sflag:s14] =	ssyncadd.s32 @!p4 $0xFFFFFF80  }
0x2ea: {  	_ =	swait.ge @!p4 [sflag:s14], $0x80  }
0x2eb: {  	[sflag:s14] =	ssyncset.done @!p4 $0x0  }
0x2ec: {  	[sflag:s14] =	ssyncadd.s32 @!p4 $0xFFFFFF80  }
0x2ed: {  	_ =	swait.ge @!p4 [sflag:s14], $0x80  }
0x2ee: {  	[sflag:s14] =	ssyncset.done @!p4 $0x0  }
0x2ef: {  	[sflag:s14] =	ssyncadd.s32 @!p4 $0xFFFFFF80  }
0x2f0: {  	_ =	swait.ge @!p4 [sflag:s14], $0x80  }
0x2f1: {  	[sflag:s14] =	ssyncset.done @!p4 $0x0  }
0x2f2: {  	[sflag:s14] =	ssyncadd.s32 @!p4 $0xFFFFFF80  }
0x2f3: {  	_ =	swait.ge @!p4 [sflag:s14], $0x80  }
0x2f4: {  	[sflag:s14] =	ssyncset.done @!p4 $0x0  }
0x2f5: {  	s28 =	sadd.s32 $0x15E80, s24;
	s25 =	sadd.s32 $0x12080, s24;
	[sflag:s14] =	ssyncadd.s32 @!p4 $0xFFFFFF80  }
0x2f6: {  	[spmem:s7] =	stream.indirect.scatter.add.f32 [tilespmem:s28], [sflag:$0x2], $0x1, s25, s19, $0xb8;
	[tilespmem:$0x19A40] =	vst v63  }
0x2f7: {  	s26 =	sadd.s32 $0x15F00, s24;
	s28 =	sadd.s32 $0x12100, s24  }
0x2f8: {  	[spmem:s7] =	stream.indirect.scatter.add.f32 [tilespmem:s26], [sflag:$0x2], $0x1, s28, s19, $0xb8;
	[tilespmem:$0x19A40] =	vst v63  }
0x2f9: {  	s26 =	sadd.s32 $0x15F80, s24;
	s28 =	sadd.s32 $0x12180, s24  }
0x2fa: {  	[spmem:s7] =	stream.indirect.scatter.add.f32 [tilespmem:s26], [sflag:$0x2], $0x1, s28, s19, $0xb8;
	[tilespmem:$0x19A40] =	vst v63  }
0x2fb: {  	s26 =	sadd.s32 $0x16000, s24;
	s28 =	sadd.s32 $0x12200, s24  }
0x2fc: {  	[spmem:s7] =	stream.indirect.scatter.add.f32 [tilespmem:s26], [sflag:$0x2], $0x1, s28, s19, $0xb8;
	[tilespmem:$0x19A40] =	vst v63  }
0x2fd: {  	s13 =	sadd.s32 $0x1, s13;
	s26 =	sadd.s32 $0x16080, s24;
	s28 =	sadd.s32 $0x12280, s24  }
0x2fe: {  	[spmem:s7] =	stream.indirect.scatter.add.f32 [tilespmem:s26], [sflag:$0x2], $0x1, s28, s19, $0xb8;
	[tilespmem:$0x19A40] =	vst v63  }
0x2ff: {  	p4 =	seq.s32 s13, $0x6;
	s26 =	sadd.s32 $0x16100, s24;
	s28 =	sadd.s32 $0x12300, s24  }
0x300: {  	[spmem:s7] =	stream.indirect.scatter.add.f32 [tilespmem:s26], [sflag:$0x2], $0x1, s28, s19, $0xb8;
	[tilespmem:$0x19A40] =	vst v63  }
.Ltmp9:
0x301: {  	_ = 	snop;
	(pc) =	sbr.rel @!p4 .LBB2_14-.Ltmp9, $4  }
0x302: {  	s26 =	sadd.s32 $0x16180, s24;
	s28 =	sadd.s32 $0x12380, s24  }
0x303: {  	[spmem:s7] =	stream.indirect.scatter.add.f32 [tilespmem:s26], [sflag:$0x2], $0x1, s28, s19, $0xb8;
	[tilespmem:$0x19A40] =	vst v63  }
0x304: {  	s26 =	sadd.s32 $0x16200, s24;
	s28 =	sadd.s32 $0x12400, s24  }
0x305: {  	[spmem:s7] =	stream.indirect.scatter.add.f32 [tilespmem:s26], [sflag:$0x2], $0x1, s28, s19, $0xb8;
	[tilespmem:$0x19A40] =	vst v63  }
0x306: {  	_ =	swait.ge [sflag:s20], $0x80  }
0x307: {  	[sflag:s20] =	ssyncset.done $0x0  }
0x308: {  	[sflag:s20] =	ssyncadd.s32 $0xFFFFFF80  }
0x309: {  	_ =	swait.ge [sflag:s20], $0x80  }
0x30a: {  	[sflag:s20] =	ssyncset.done $0x0  }
0x30b: {  	[sflag:s20] =	ssyncadd.s32 $0xFFFFFF80  }
0x30c: {  	_ =	swait.ge [sflag:s20], $0x80  }
0x30d: {  	[sflag:s20] =	ssyncset.done $0x0  }
0x30e: {  	[sflag:s20] =	ssyncadd.s32 $0xFFFFFF80  }
0x30f: {  	_ =	swait.ge [sflag:s20], $0x80  }
0x310: {  	[sflag:s20] =	ssyncset.done $0x0  }
0x311: {  	[sflag:s20] =	ssyncadd.s32 $0xFFFFFF80  }
0x312: {  	_ =	swait.ge [sflag:s20], $0x80  }
0x313: {  	[sflag:s20] =	ssyncset.done $0x0  }
0x314: {  	[sflag:s20] =	ssyncadd.s32 $0xFFFFFF80  }
0x315: {  	_ =	swait.ge [sflag:s20], $0x80  }
0x316: {  	[sflag:s20] =	ssyncset.done $0x0  }
0x317: {  	[sflag:s20] =	ssyncadd.s32 $0xFFFFFF80  }
0x318: {  	_ =	swait.ge [sflag:s20], $0x80  }
0x319: {  	[sflag:s20] =	ssyncset.done $0x0  }
0x31a: {  	[sflag:s20] =	ssyncadd.s32 $0xFFFFFF80  }
0x31b: {  	_ =	swait.ge [sflag:s20], $0x80  }
0x31c: {  	[sflag:s20] =	ssyncset.done $0x0  }
0x31d: {  	[sflag:s20] =	ssyncadd.s32 $0xFFFFFF80  }
0x31e: {  	_ =	swait.ge [sflag:s20], $0x80  }
0x31f: {  	[sflag:s20] =	ssyncset.done $0x0  }
0x320: {  	[sflag:s20] =	ssyncadd.s32 $0xFFFFFF80  }
0x321: {  	_ =	swait.ge [sflag:s20], $0x80  }
0x322: {  	[sflag:s20] =	ssyncset.done $0x0  }
0x323: {  	[sflag:s20] =	ssyncadd.s32 $0xFFFFFF80  }
0x324: {  	_ =	swait.ge [sflag:s20], $0x80  }
0x325: {  	[sflag:s20] =	ssyncset.done $0x0  }
0x326: {  	[sflag:s20] =	ssyncadd.s32 $0xFFFFFF80  }
0x327: {  	_ =	swait.ge [sflag:s20], $0x80  }
0x328: {  	[sflag:s20] =	ssyncset.done $0x0  }
0x329: {  	[sflag:s20] =	ssyncadd.s32 $0xFFFFFF80  }
0x32a: {  	_ =	swait.ge [sflag:s20], $0x80  }
0x32b: {  	[sflag:s20] =	ssyncset.done $0x0  }
0x32c: {  	[sflag:s20] =	ssyncadd.s32 $0xFFFFFF80  }
0x32d: {  	_ =	swait.ge [sflag:s20], $0x80  }
0x32e: {  	[sflag:s20] =	ssyncset.done $0x0  }
0x32f: {  	[sflag:s20] =	ssyncadd.s32 $0xFFFFFF80  }
0x330: {  	_ =	swait.ge [sflag:s20], $0x80  }
.Ltmp10:
0x331: {  	[sflag:s20] =	ssyncset.done $0x0;
	(pc) =	sbr.rel @!p3 .LBB2_21-.Ltmp10, $4  }
0x332: {  	[sflag:s20] =	ssyncadd.s32 $0xFFFFFF80  }
0x333: {  	_ =	swait.ge [sflag:s20], $0x80  }
0x334: {  	[sflag:s20] =	ssyncset.done $0x0  }
0x335: {  	[sflag:s20] =	ssyncadd.s32 $0xFFFFFF80  }
0x336: {  	s13 =	simm.s32 $0x11980;
	s14 =	simm.s32 $0x15780  }
0x337: {  	[tilespmem:s14], [sflag:$0x3] =	stream.indirect.gather [spmem:s6], $0x1, s13, s19, $0xb8;
	[tilespmem:$0x19A40] =	vst v63  }
0x338: {  	s26 =	simm.s32 $0x11A00;
	s28 =	simm.s32 $0x15800  }
0x339: {  	[tilespmem:s28], [sflag:$0x3] =	stream.indirect.gather [spmem:s6], $0x1, s26, s19, $0xb8;
	[tilespmem:$0x19A40] =	vst v63  }
0x33a: {  	s23 =	simm.s32 $0x15880;
	s14 =	simm.s32 $0x11A80  }
0x33b: {  	[tilespmem:s23], [sflag:$0x3] =	stream.indirect.gather [spmem:s6], $0x1, s14, s19, $0xb8;
	[tilespmem:$0x19A40] =	vst v63  }
0x33c: {  	s24 =	simm.s32 $0x11B00;
	s25 =	simm.s32 $0x15900  }
0x33d: {  	[tilespmem:s25], [sflag:$0x3] =	stream.indirect.gather [spmem:s6], $0x1, s24, s19, $0xb8;
	[tilespmem:$0x19A40] =	vst v63  }
0x33e: {  	s26 =	simm.s32 $0x11B80;
	s28 =	simm.s32 $0x15980  }
0x33f: {  	[tilespmem:s28], [sflag:$0x3] =	stream.indirect.gather [spmem:s6], $0x1, s26, s19, $0xb8;
	[tilespmem:$0x19A40] =	vst v63  }
0x340: {  	s14 =	simm.s32 $0x11C00;
	s23 =	simm.s32 $0x15A00  }
0x341: {  	[tilespmem:s23], [sflag:$0x3] =	stream.indirect.gather [spmem:s6], $0x1, s14, s19, $0xb8;
	[tilespmem:$0x19A40] =	vst v63  }
0x342: {  	s24 =	simm.s32 $0x11C80;
	s25 =	simm.s32 $0x15A80  }
0x343: {  	[tilespmem:s25], [sflag:$0x3] =	stream.indirect.gather [spmem:s6], $0x1, s24, s19, $0xb8;
	[tilespmem:$0x19A40] =	vst v63  }
0x344: {  	s26 =	simm.s32 $0x11D00;
	s28 =	simm.s32 $0x15B00  }
0x345: {  	[tilespmem:s28], [sflag:$0x3] =	stream.indirect.gather [spmem:s6], $0x1, s26, s19, $0xb8;
	[tilespmem:$0x19A40] =	vst v63  }
0x346: {  	s14 =	simm.s32 $0x11D80;
	s23 =	simm.s32 $0x15B80  }
0x347: {  	[tilespmem:s23], [sflag:$0x3] =	stream.indirect.gather [spmem:s6], $0x1, s14, s19, $0xb8;
	[tilespmem:$0x19A40] =	vst v63  }
0x348: {  	s24 =	simm.s32 $0x11E00;
	s25 =	simm.s32 $0x15C00  }
0x349: {  	[tilespmem:s25], [sflag:$0x3] =	stream.indirect.gather [spmem:s6], $0x1, s24, s19, $0xb8;
	[tilespmem:$0x19A40] =	vst v63  }
0x34a: {  	s26 =	simm.s32 $0x11E80;
	s28 =	simm.s32 $0x15C80  }
0x34b: {  	[tilespmem:s28], [sflag:$0x3] =	stream.indirect.gather [spmem:s6], $0x1, s26, s19, $0xb8;
	[tilespmem:$0x19A40] =	vst v63  }
0x34c: {  	s14 =	simm.s32 $0x11F00;
	s23 =	simm.s32 $0x15D00  }
0x34d: {  	[tilespmem:s23], [sflag:$0x3] =	stream.indirect.gather [spmem:s6], $0x1, s14, s19, $0xb8;
	[tilespmem:$0x19A40] =	vst v63  }
0x34e: {  	s24 =	simm.s32 $0x11F80;
	s25 =	simm.s32 $0x15D80  }
0x34f: {  	[tilespmem:s25], [sflag:$0x3] =	stream.indirect.gather [spmem:s6], $0x1, s24, s19, $0xb8;
	[tilespmem:$0x19A40] =	vst v63  }
0x350: {  	s26 =	simm.s32 $0x20;
	s28 =	simm.s32 $0x12000;
	s23 =	simm.s32 $0x15E00  }
0x351: {  	[tilespmem:s23], [sflag:$0x3] =	stream.indirect.gather [spmem:s6], $0x1, s28, s26, $0xb8;
	[tilespmem:$0x19A40] =	vst v63  }
0x352: {  	_ =	swait.ge [sflag:s17], $0x80  }
0x353: {  	[sflag:s17] =	ssyncset.done $0x0  }
0x354: {  	[sflag:s17] =	ssyncadd.s32 $0xFFFFFF80  }
0x355: {  	_ =	swait.ge [sflag:s17], $0x80  }
0x356: {  	[sflag:s17] =	ssyncset.done $0x0  }
0x357: {  	[sflag:s17] =	ssyncadd.s32 $0xFFFFFF80  }
0x358: {  	_ =	swait.ge [sflag:s17], $0x80  }
0x359: {  	[sflag:s17] =	ssyncset.done $0x0  }
0x35a: {  	[sflag:s17] =	ssyncadd.s32 $0xFFFFFF80  }
0x35b: {  	_ =	swait.ge [sflag:s17], $0x80  }
0x35c: {  	[sflag:s17] =	ssyncset.done $0x0  }
0x35d: {  	[sflag:s17] =	ssyncadd.s32 $0xFFFFFF80  }
0x35e: {  	_ =	swait.ge [sflag:s17], $0x80  }
0x35f: {  	[sflag:s17] =	ssyncset.done $0x0  }
0x360: {  	[sflag:s17] =	ssyncadd.s32 $0xFFFFFF80  }
0x361: {  	_ =	swait.ge [sflag:s17], $0x80  }
0x362: {  	[sflag:s17] =	ssyncset.done $0x0  }
0x363: {  	[sflag:s17] =	ssyncadd.s32 $0xFFFFFF80  }
0x364: {  	_ =	swait.ge [sflag:s17], $0x80  }
0x365: {  	[sflag:s17] =	ssyncset.done $0x0  }
0x366: {  	[sflag:s17] =	ssyncadd.s32 $0xFFFFFF80  }
0x367: {  	_ =	swait.ge [sflag:s17], $0x80  }
0x368: {  	[sflag:s17] =	ssyncset.done $0x0  }
0x369: {  	[sflag:s17] =	ssyncadd.s32 $0xFFFFFF80  }
0x36a: {  	_ =	swait.ge [sflag:s17], $0x80  }
0x36b: {  	[sflag:s17] =	ssyncset.done $0x0  }
0x36c: {  	[sflag:s17] =	ssyncadd.s32 $0xFFFFFF80  }
0x36d: {  	_ =	swait.ge [sflag:s17], $0x80  }
0x36e: {  	[sflag:s17] =	ssyncset.done $0x0  }
0x36f: {  	[sflag:s17] =	ssyncadd.s32 $0xFFFFFF80  }
0x370: {  	_ =	swait.ge [sflag:s17], $0x80  }
0x371: {  	[sflag:s17] =	ssyncset.done $0x0  }
0x372: {  	[sflag:s17] =	ssyncadd.s32 $0xFFFFFF80  }
0x373: {  	_ =	swait.ge [sflag:s17], $0x80  }
0x374: {  	[sflag:s17] =	ssyncset.done $0x0  }
0x375: {  	[sflag:s17] =	ssyncadd.s32 $0xFFFFFF80  }
0x376: {  	_ =	swait.ge [sflag:s17], $0x80  }
0x377: {  	[sflag:s17] =	ssyncset.done $0x0  }
0x378: {  	[sflag:s17] =	ssyncadd.s32 $0xFFFFFF80  }
0x379: {  	_ =	swait.ge [sflag:s17], $0x20  }
0x37a: {  	[sflag:s17] =	ssyncset.done $0x0  }
0x37b: {  	s23 =	simm.s32 $0xFAF0;
	[sflag:s17] =	ssyncadd.s32 $0xFFFFFFE0  }
0x37c: {  	s13 =	simm.s32 $0x157F0;
	v1 =	vld [tilespmem:s23+$0xFFFFFF90]  }
0x37d: {  	v2 =	vld [tilespmem:s13+$0xFFFFFF90];
	_ =	sdelay $0x4  }
0x37e: {  	v1 =	vmul.f32 v2, v1  }
0x37f: {  	s24 =	simm.s32 $0x176F0  }
0x380: {  	[tilespmem:s24+$0xFFFFFF90] =	vst v1  }
0x381: {  	v1 =	vld [tilespmem:s13+$0xFFFFFFA0]  }
0x382: {  	v2 =	vld [tilespmem:s23+$0xFFFFFFA0];
	_ =	sdelay $0x4  }
0x383: {  	v1 =	vmul.f32 v1, v2;
	_ =	sdelay $0x1  }
0x384: {  	[tilespmem:s24+$0xFFFFFFA0] =	vst v1  }
0x385: {  	v1 =	vld [tilespmem:s23+$0xFFFFFFB0]  }
0x386: {  	v2 =	vld [tilespmem:s13+$0xFFFFFFB0];
	_ =	sdelay $0x4  }
0x387: {  	v1 =	vmul.f32 v2, v1;
	_ =	sdelay $0x1  }
0x388: {  	[tilespmem:s24+$0xFFFFFFB0] =	vst v1  }
0x389: {  	v1 =	vld [tilespmem:s23+$0xFFFFFFC0]  }
0x38a: {  	v2 =	vld [tilespmem:s13+$0xFFFFFFC0];
	_ =	sdelay $0x4  }
0x38b: {  	v1 =	vmul.f32 v2, v1;
	_ =	sdelay $0x1  }
0x38c: {  	[tilespmem:s24+$0xFFFFFFC0] =	vst v1  }
0x38d: {  	v1 =	vld [tilespmem:s23+$0xFFFFFFD0]  }
0x38e: {  	v2 =	vld [tilespmem:s13+$0xFFFFFFD0];
	_ =	sdelay $0x4  }
0x38f: {  	v1 =	vmul.f32 v2, v1;
	_ =	sdelay $0x1  }
0x390: {  	[tilespmem:s24+$0xFFFFFFD0] =	vst v1  }
0x391: {  	v1 =	vld [tilespmem:s23+$0xFFFFFFE0]  }
0x392: {  	v2 =	vld [tilespmem:s13+$0xFFFFFFE0];
	_ =	sdelay $0x4  }
0x393: {  	v1 =	vmul.f32 v2, v1;
	_ =	sdelay $0x1  }
0x394: {  	[tilespmem:s24+$0xFFFFFFE0] =	vst v1  }
0x395: {  	v1 =	vld [tilespmem:s23+$0xFFFFFFF0]  }
0x396: {  	v2 =	vld [tilespmem:s13+$0xFFFFFFF0];
	_ =	sdelay $0x4  }
0x397: {  	v1 =	vmul.f32 v2, v1;
	_ =	sdelay $0x1  }
0x398: {  	[tilespmem:s24+$0xFFFFFFF0] =	vst v1  }
0x399: {  	s14 =	simm.s32 $0x17770;
	s25 =	simm.s32 $0x180;
	v1 =	vld [tilespmem:s23+$0x0]  }
.LBB2_19:
0x39a: {  	s25 =	sadd.s32 $0x8, s25;
	v2 =	vld [tilespmem:s13+$0x0];
	s23 =	sadd.s32 $0x80, s23;
	s13 =	sadd.s32 $0x80, s13  }
0x39b: {  	p4 =	slt.u32 s25, $0x1E0;
	_ =	sdelay $0x3  }
0x39c: {  	v1 =	vmul.f32 v2, v1;
	_ =	sdelay $0x1  }
0x39d: {  	[tilespmem:s24+$0x0] =	vst v1;
	s24 =	smov.u32 s14  }
0x39e: {  	v1 =	vld [tilespmem:s23+$0xFFFFFF90]  }
0x39f: {  	v2 =	vld [tilespmem:s13+$0xFFFFFF90];
	_ =	sdelay $0x4  }
0x3a0: {  	v1 =	vmul.f32 v2, v1;
	_ =	sdelay $0x1  }
0x3a1: {  	[tilespmem:s14+$0xFFFFFF90] =	vst v1  }
0x3a2: {  	v1 =	vld [tilespmem:s13+$0xFFFFFFA0]  }
0x3a3: {  	v2 =	vld [tilespmem:s23+$0xFFFFFFA0];
	_ =	sdelay $0x4  }
0x3a4: {  	v1 =	vmul.f32 v1, v2;
	_ =	sdelay $0x1  }
0x3a5: {  	[tilespmem:s14+$0xFFFFFFA0] =	vst v1  }
0x3a6: {  	v1 =	vld [tilespmem:s23+$0xFFFFFFB0]  }
0x3a7: {  	v2 =	vld [tilespmem:s13+$0xFFFFFFB0];
	_ =	sdelay $0x4  }
0x3a8: {  	v1 =	vmul.f32 v2, v1;
	_ =	sdelay $0x1  }
0x3a9: {  	[tilespmem:s14+$0xFFFFFFB0] =	vst v1  }
0x3aa: {  	v1 =	vld [tilespmem:s23+$0xFFFFFFC0]  }
0x3ab: {  	v2 =	vld [tilespmem:s13+$0xFFFFFFC0];
	_ =	sdelay $0x4  }
0x3ac: {  	v1 =	vmul.f32 v2, v1;
	_ =	sdelay $0x1  }
0x3ad: {  	[tilespmem:s14+$0xFFFFFFC0] =	vst v1  }
0x3ae: {  	v1 =	vld [tilespmem:s23+$0xFFFFFFD0]  }
0x3af: {  	v2 =	vld [tilespmem:s13+$0xFFFFFFD0];
	_ =	sdelay $0x4  }
0x3b0: {  	v1 =	vmul.f32 v2, v1;
	_ =	sdelay $0x1  }
0x3b1: {  	[tilespmem:s14+$0xFFFFFFD0] =	vst v1  }
0x3b2: {  	v1 =	vld [tilespmem:s23+$0xFFFFFFE0]  }
0x3b3: {  	v2 =	vld [tilespmem:s13+$0xFFFFFFE0];
	_ =	sdelay $0x4  }
0x3b4: {  	v1 =	vmul.f32 v2, v1;
	_ =	sdelay $0x1  }
0x3b5: {  	[tilespmem:s14+$0xFFFFFFE0] =	vst v1  }
0x3b6: {  	v1 =	vld [tilespmem:s23+$0xFFFFFFF0]  }
0x3b7: {  	v2 =	vld [tilespmem:s13+$0xFFFFFFF0];
	_ =	sdelay $0x3  }
.Ltmp11:
0x3b8: {  	(pc) =	sbr.rel @p4 .LBB2_19-.Ltmp11, $3  }
0x3b9: {  	v1 =	vmul.f32 v2, v1;
	_ =	sdelay $0x1  }
0x3ba: {  	[tilespmem:s14+$0xFFFFFFF0] =	vst v1  }
0x3bb: {  	s14 =	sadd.s32 $0x80, s14;
	v1 =	vld [tilespmem:s23+$0x0]  }
0x3bc: {  	v2 =	vld [tilespmem:s13+$0x0];
	_ =	sdelay $0x4  }
0x3bd: {  	v1 =	vmul.f32 v2, v1;
	_ =	sdelay $0x1  }
0x3be: {  	[tilespmem:s24+$0x0] =	vst v1  }
0x3bf: {  	v1 =	vld [tilespmem:$0x10100]  }
0x3c0: {  	v2 =	vld [tilespmem:$0x15E00]  }
0x3c1: {  	v3 =	vld [tilespmem:$0x10110]  }
0x3c2: {  	v4 =	vld [tilespmem:$0x15E10];
	_ =	sdelay $0x3  }
0x3c3: {  	v1 =	vmul.f32 v2, v1  }
0x3c4: {  	v2 =	vmul.f32 v4, v3  }
0x3c5: {  	[tilespmem:$0x17D00] =	vst v1  }
0x3c6: {  	s25 =	simm.s32 $0x13880;
	s14 =	simm.s32 $0x17680;
	[tilespmem:$0x17D10] =	vst v2  }
0x3c7: {  	[spmem:s7] =	stream.indirect.scatter.add.f32 [tilespmem:s14], [sflag:$0x2], $0x1, s25, s19, $0xb8;
	[tilespmem:$0x19A40] =	vst v63  }
0x3c8: {  	s26 =	simm.s32 $0x13900;
	s28 =	simm.s32 $0x17700  }
0x3c9: {  	[spmem:s7] =	stream.indirect.scatter.add.f32 [tilespmem:s28], [sflag:$0x2], $0x1, s26, s19, $0xb8;
	[tilespmem:$0x19A40] =	vst v63  }
0x3ca: {  	s23 =	simm.s32 $0x17780;
	s14 =	simm.s32 $0x13980  }
0x3cb: {  	[spmem:s7] =	stream.indirect.scatter.add.f32 [tilespmem:s23], [sflag:$0x2], $0x1, s14, s19, $0xb8;
	[tilespmem:$0x19A40] =	vst v63  }
0x3cc: {  	s24 =	simm.s32 $0x13A00;
	s25 =	simm.s32 $0x17800  }
0x3cd: {  	[spmem:s7] =	stream.indirect.scatter.add.f32 [tilespmem:s25], [sflag:$0x2], $0x1, s24, s19, $0xb8;
	[tilespmem:$0x19A40] =	vst v63  }
0x3ce: {  	s26 =	simm.s32 $0x13A80;
	s28 =	simm.s32 $0x17880  }
0x3cf: {  	[spmem:s7] =	stream.indirect.scatter.add.f32 [tilespmem:s28], [sflag:$0x2], $0x1, s26, s19, $0xb8;
	[tilespmem:$0x19A40] =	vst v63  }
0x3d0: {  	s14 =	simm.s32 $0x13B00;
	s23 =	simm.s32 $0x17900  }
0x3d1: {  	[spmem:s7] =	stream.indirect.scatter.add.f32 [tilespmem:s23], [sflag:$0x2], $0x1, s14, s19, $0xb8;
	[tilespmem:$0x19A40] =	vst v63  }
0x3d2: {  	s24 =	simm.s32 $0x13B80;
	s25 =	simm.s32 $0x17980  }
0x3d3: {  	[spmem:s7] =	stream.indirect.scatter.add.f32 [tilespmem:s25], [sflag:$0x2], $0x1, s24, s19, $0xb8;
	[tilespmem:$0x19A40] =	vst v63  }
0x3d4: {  	s26 =	simm.s32 $0x13C00;
	s28 =	simm.s32 $0x17A00  }
0x3d5: {  	[spmem:s7] =	stream.indirect.scatter.add.f32 [tilespmem:s28], [sflag:$0x2], $0x1, s26, s19, $0xb8;
	[tilespmem:$0x19A40] =	vst v63  }
0x3d6: {  	s14 =	simm.s32 $0x13C80;
	s23 =	simm.s32 $0x17A80  }
0x3d7: {  	[spmem:s7] =	stream.indirect.scatter.add.f32 [tilespmem:s23], [sflag:$0x2], $0x1, s14, s19, $0xb8;
	[tilespmem:$0x19A40] =	vst v63  }
0x3d8: {  	s24 =	simm.s32 $0x13D00;
	s25 =	simm.s32 $0x17B00  }
0x3d9: {  	[spmem:s7] =	stream.indirect.scatter.add.f32 [tilespmem:s25], [sflag:$0x2], $0x1, s24, s19, $0xb8;
	[tilespmem:$0x19A40] =	vst v63  }
0x3da: {  	s26 =	simm.s32 $0x13D80;
	s28 =	simm.s32 $0x17B80  }
0x3db: {  	[spmem:s7] =	stream.indirect.scatter.add.f32 [tilespmem:s28], [sflag:$0x2], $0x1, s26, s19, $0xb8;
	[tilespmem:$0x19A40] =	vst v63  }
0x3dc: {  	s14 =	simm.s32 $0x13E00;
	s23 =	simm.s32 $0x17C00  }
0x3dd: {  	[spmem:s7] =	stream.indirect.scatter.add.f32 [tilespmem:s23], [sflag:$0x2], $0x1, s14, s19, $0xb8;
	[tilespmem:$0x19A40] =	vst v63  }
0x3de: {  	s24 =	simm.s32 $0x13E80;
	s25 =	simm.s32 $0x17C80  }
0x3df: {  	[spmem:s7] =	stream.indirect.scatter.add.f32 [tilespmem:s25], [sflag:$0x2], $0x1, s24, s19, $0xb8;
	[tilespmem:$0x19A40] =	vst v63  }
0x3e0: {  	s26 =	simm.s32 $0x20;
	s28 =	simm.s32 $0x13F00;
	s23 =	simm.s32 $0x17D00  }
0x3e1: {  	[spmem:s7] =	stream.indirect.scatter.add.f32 [tilespmem:s23], [sflag:$0x2], $0x1, s28, s26, $0xb8;
	[tilespmem:$0x19A40] =	vst v63  }
0x3e2: {  	_ =	swait.ge [sflag:s20], $0x80  }
0x3e3: {  	[sflag:s20] =	ssyncset.done $0x0  }
0x3e4: {  	[sflag:s20] =	ssyncadd.s32 $0xFFFFFF80  }
0x3e5: {  	_ =	swait.ge [sflag:s20], $0x80  }
0x3e6: {  	[sflag:s20] =	ssyncset.done $0x0  }
0x3e7: {  	[sflag:s20] =	ssyncadd.s32 $0xFFFFFF80  }
0x3e8: {  	_ =	swait.ge [sflag:s20], $0x80  }
0x3e9: {  	[sflag:s20] =	ssyncset.done $0x0  }
0x3ea: {  	[sflag:s20] =	ssyncadd.s32 $0xFFFFFF80  }
0x3eb: {  	_ =	swait.ge [sflag:s20], $0x80  }
0x3ec: {  	[sflag:s20] =	ssyncset.done $0x0  }
0x3ed: {  	[sflag:s20] =	ssyncadd.s32 $0xFFFFFF80  }
0x3ee: {  	_ =	swait.ge [sflag:s20], $0x80  }
0x3ef: {  	[sflag:s20] =	ssyncset.done $0x0  }
0x3f0: {  	[sflag:s20] =	ssyncadd.s32 $0xFFFFFF80  }
0x3f1: {  	_ =	swait.ge [sflag:s20], $0x80  }
0x3f2: {  	[sflag:s20] =	ssyncset.done $0x0  }
0x3f3: {  	[sflag:s20] =	ssyncadd.s32 $0xFFFFFF80  }
0x3f4: {  	_ =	swait.ge [sflag:s20], $0x80  }
0x3f5: {  	[sflag:s20] =	ssyncset.done $0x0  }
0x3f6: {  	[sflag:s20] =	ssyncadd.s32 $0xFFFFFF80  }
0x3f7: {  	_ =	swait.ge [sflag:s20], $0x80  }
0x3f8: {  	[sflag:s20] =	ssyncset.done $0x0  }
0x3f9: {  	[sflag:s20] =	ssyncadd.s32 $0xFFFFFF80  }
0x3fa: {  	_ =	swait.ge [sflag:s20], $0x80  }
0x3fb: {  	[sflag:s20] =	ssyncset.done $0x0  }
0x3fc: {  	[sflag:s20] =	ssyncadd.s32 $0xFFFFFF80  }
0x3fd: {  	_ =	swait.ge [sflag:s20], $0x80  }
0x3fe: {  	[sflag:s20] =	ssyncset.done $0x0  }
0x3ff: {  	[sflag:s20] =	ssyncadd.s32 $0xFFFFFF80  }
0x400: {  	_ =	swait.ge [sflag:s20], $0x80  }
0x401: {  	[sflag:s20] =	ssyncset.done $0x0  }
0x402: {  	[sflag:s20] =	ssyncadd.s32 $0xFFFFFF80  }
0x403: {  	_ =	swait.ge [sflag:s20], $0x80  }
0x404: {  	[sflag:s20] =	ssyncset.done $0x0  }
0x405: {  	[sflag:s20] =	ssyncadd.s32 $0xFFFFFF80  }
0x406: {  	_ =	swait.ge [sflag:s20], $0x80  }
0x407: {  	[sflag:s20] =	ssyncset.done $0x0  }
0x408: {  	[sflag:s20] =	ssyncadd.s32 $0xFFFFFF80  }
0x409: {  	_ =	swait.ge [sflag:s20], $0x20  }
0x40a: {  	[sflag:s20] =	ssyncset.done $0x0  }
0x40b: {  	[sflag:s20] =	ssyncadd.s32 $0xFFFFFFE0  }
.LBB2_21:
.Ltmp12:
0x40c: {  	(pc) =	sbr.rel @p0 .LBB2_25-.Ltmp12, $2  }
0x40d: {  	_ =	sdelay $0x1  }
0x40e: {  	[bflag:$0x0] =	sbarrier.arrive $0xFFFF;
	_ =	sdelay $0x1  }
0x40f: {  	s13 =	simm.s32 $0x17D80  }
0x410: {  	[tilespmem:s13], [sflag:$0x6] =	stream.linear.gather [spmem:s7], $0x400, $0x38;
	[tilespmem:$0x19A40] =	vst v63  }
0x411: {  	_ =	swait.ge [sflag:s16], $0x400  }
0x412: {  	[sflag:s16] =	ssyncset.done $0x0  }
0x413: {  	s13 =	simm.s32 $0x17DC0;
	[sflag:s16] =	ssyncadd.s32 $0xFFFFFC00  }
0x414: {  	v2 =	vld [tilespmem:s13+$0xFFFFFFC0]  }
0x415: {  	v3 =	vld [tilespmem:s13+$0xFFFFFFD0]  }
0x416: {  	v5 =	vld [tilespmem:s13+$0xFFFFFFE0]  }
0x417: {  	v4 =	vld [tilespmem:s13+$0x0]  }
0x418: {  	v1 =	vld [tilespmem:s13+$0x10]  }
0x419: {  	vm0 =	vgt.f32 v2, $1.000000000e+00;
	v2 =	vld [tilespmem:s13+$0x20]  }
0x41a: {  	v6 =	vsel vm0, $0x3F800000, v0;
	vm0 =	vgt.f32 v3, $1.000000000e+00;
	v3 =	vld [tilespmem:s13+$0x30]  }
0x41b: {  	s14 =	simm.s32 $0x0;
	s23 =	simm.s32 $0x17E40;
	[tilespmem:s13+$0xFFFFFFC0] =	vst v6;
	v6 =	vsel vm0, $0x3F800000, v0;
	vm0 =	vgt.f32 v5, $1.000000000e+00;
	v5 =	vld [tilespmem:s13+$0xFFFFFFF0]  }
.LBB2_23:
0x41c: {  	v7 =	vld [tilespmem:s23+$0xFFFFFFC0];
	[tilespmem:s13+$0xFFFFFFD0] =	vst v6;
	v6 =	vsel vm0, $0x3F800000, v0;
	vm0 =	vgt.f32 v4, $1.000000000e+00  }
0x41d: {  	s14 =	sadd.s32 $0x8, s14;
	v8 =	vld [tilespmem:s23+$0xFFFFFFD0];
	[tilespmem:s13+$0xFFFFFFE0] =	vst v6;
	v4 =	vsel vm0, $0x3F800000, v0;
	vm0 =	vgt.f32 v1, $1.000000000e+00  }
0x41e: {  	p4 =	slt.u32 s14, $0x38;
	v9 =	vld [tilespmem:s23+$0xFFFFFFE0];
	[tilespmem:s13+$0x0] =	vst v4;
	v1 =	vsel vm0, $0x3F800000, v0;
	vm0 =	vgt.f32 v2, $1.000000000e+00  }
.Ltmp13:
0x41f: {  	v4 =	vld [tilespmem:s23+$0x0];
	[tilespmem:s13+$0x10] =	vst v1;
	v2 =	vsel vm0, $0x3F800000, v0;
	vm0 =	vgt.f32 v3, $1.000000000e+00;
	(pc) =	sbr.rel @p4 .LBB2_23-.Ltmp13, $4  }
0x420: {  	v1 =	vld [tilespmem:s23+$0x10];
	vm1 =	vgt.f32 v5, $1.000000000e+00;
	[tilespmem:s13+$0x20] =	vst v2;
	v3 =	vsel vm0, $0x3F800000, v0  }
0x421: {  	vm0 =	vgt.f32 v7, $1.000000000e+00;
	v2 =	vld [tilespmem:s23+$0x20];
	v5 =	vsel vm1, $0x3F800000, v0;
	[tilespmem:s13+$0x30] =	vst v3  }
0x422: {  	v6 =	vsel vm0, $0x3F800000, v0;
	vm0 =	vgt.f32 v8, $1.000000000e+00;
	v3 =	vld [tilespmem:s23+$0x30];
	[tilespmem:s13+$0xFFFFFFF0] =	vst v5;
	s13 =	smov.u32 s23  }
0x423: {  	s23 =	sadd.s32 $0x80, s23;
	[tilespmem:s13+$0xFFFFFFC0] =	vst v6;
	v6 =	vsel vm0, $0x3F800000, v0;
	vm0 =	vgt.f32 v9, $1.000000000e+00;
	v5 =	vld [tilespmem:s13+$0xFFFFFFF0]  }
0x424: {  	[tilespmem:s13+$0xFFFFFFD0] =	vst v6;
	v63 =	vsel vm0, $0x3F800000, v0;
	vm12 =	vgt.f32 v4, $1.000000000e+00  }
0x425: {  	[tilespmem:s13+$0xFFFFFFE0] =	vst v63;
	v4 =	vsel vm12, $0x3F800000, v0;
	vm13 =	vgt.f32 v1, $1.000000000e+00  }
0x426: {  	[tilespmem:s13+$0x0] =	vst v4;
	v1 =	vsel vm13, $0x3F800000, v0;
	vm14 =	vgt.f32 v2, $1.000000000e+00  }
0x427: {  	[tilespmem:s13+$0x10] =	vst v1;
	v1 =	vsel vm14, $0x3F800000, v0;
	vm15 =	vgt.f32 v3, $1.000000000e+00  }
0x428: {  	vm1 =	vgt.f32 v5, $1.000000000e+00;
	[tilespmem:s13+$0x20] =	vst v1;
	v1 =	vsel vm15, $0x3F800000, v0  }
0x429: {  	v2 =	vsel vm1, $0x3F800000, v0;
	[tilespmem:s13+$0x30] =	vst v1  }
.Ltmp14:
0x42a: {  	s28 =	rddreg [dreg:$0x7];
	s14 =	simm.s32 $0x17D80;
	[tilespmem:s13+$0xFFFFFFF0] =	vst v2;
	(pc) =	sbr.rel .LBB2_25-.Ltmp14, $4  }
0x42b: {  	[hbm4b:s28+s8] =	stream.linear.scatter [tilespmem:s14], [sflag:$0x6], $0x3E8, $0x38;
	[tilespmem:$0x19A40] =	vst v63  }
0x42c: {  	_ =	swait.ge [sflag:s16], $0x3E8  }
0x42d: {  	[sflag:s16] =	ssyncset.done $0x0  }
0x42e: {  	[sflag:s16] =	ssyncadd.s32 $0xFFFFFC18  }
.LBB2_26:
0x42f: {  	_ =	sfence.sel $0x180000  }
0x430: {  	[bflag:$0x0] =	sbarrier.arrive $0xFFFF  }
0x431: {  	_ =	strace $0x90000047  }
0x432: {  	[bflag:$0x2] =	sbarrier.arrive $0xFFFF  }
0x433: {  	s0 =	rddreg [dreg:$0xb]  }
0x434: {  	s0 =	sadd.s32 @!p1 $0x100000, s0  }
0x435: {  	[sflag:s0] =	ssyncadd.tile.s32 @!p1 $0x1;
	_ =	shalt  }
.Lfunc_end2:
_tile_overlayer_lowered:
.L_overlay_start_2:
0x436: {  	(tag) =	ssettag $0x2  }
0x437: {  	s0 =	rddreg [dreg:$0x0];
	s2 =	stileid.u32  }
0x438: {  	s1 =	rddreg [dreg:$0x1];
	p0 =	sne.s32 s2, $0x0  }
0x439: {  	s3 =	rddreg [dreg:$0x2];
	[bflag:$0x3] =	sbarrier.arrive $0xFFFF;
	s2 =	simm.s32 @!p0 $0x1C06  }
0x43a: {  	[timem:s3], [sflag:s2] =	dma.local @!p0 [hbm:s0], s1  }
0x43b: {  	s0 =	simm.s32 @!p0 $0x6  }
0x43c: {  	_ =	swait.ge @!p0 [sflag:s0], s1  }
0x43d: {  	s1 =	ssub.s32 @!p0 $0x0, s1;
	[sflag:s0] =	ssyncset.done @!p0 $0x0  }
0x43e: {  	[sflag:s0] =	ssyncadd.s32 @!p0 s1  }
0x43f: {  	[bflag:$0x3] =	sbarrier.arrive $0xFFFF  }
0x440: {  	_ =	shalt  }

</sc_bundles>
